<compile_context>
chip_gen: v7x
topology: tpu7x:2x2x1
jax: 0.10.2.dev20260603
libtpu: 0.0.44.dev20260713+nightly
codegen_flags: <defaults>
</compile_context>

<pallas_src>
import functools

import jax
import jax.numpy as jnp
import numpy as np
from jax import lax
from jax.experimental import pallas as pl
from jax.experimental.pallas import tpu as pltpu
from jax.experimental.pallas import tpu_sc as plsc

N = 10000
E = 160000
H = 16
NSTEPS = 5

_CHUNK = 128
_ROWS = E // _CHUNK
_NW = 32
_RPW = _ROWS // _NW
_XTRA = _ROWS - _RPW * _NW
_EW = _RPW * _CHUNK
_NPS = N // 16

_NP = N // 8
_EP = E // 8
_BE = 1000

_SK = np.zeros((128, H * 128), np.float32)
for _a in range(8):
    for _k in range(H):
        _SK[_a * H + _k, _k * 128 + _a * H:_k * 128 + (_a + 1) * H] = 1.0
_FOLD = np.tile(np.eye(H, dtype=np.float32), (8, 1))
_EYE8 = np.eye(8, dtype=np.float32)


def _dot(a, b):
    return jax.lax.dot_general(a, b, (((1,), (0,)), ((), ())),
                               preferred_element_type=jnp.float32)


def _tile8(b, g):
    return jnp.broadcast_to(b.reshape(g, 1, H), (g, 8, H)).reshape(1, g * 128)


def _affine_relu_body(x_ref, w_ref, b_ref, o_ref):
    o_ref[...] = jax.nn.relu(_dot(x_ref[...], w_ref[...]) + b_ref[...])


def _affine_relu_packed(x, w, b, bm):
    m, k = x.shape
    n = w.shape[1]
    return pl.pallas_call(
        _affine_relu_body,
        grid=(m // bm,),
        in_specs=[pl.BlockSpec((bm, k), lambda i: (i, 0)),
                  pl.BlockSpec((k, n), lambda i: (0, 0)),
                  pl.BlockSpec((1, n), lambda i: (0, 0))],
        out_specs=pl.BlockSpec((bm, n), lambda i: (i, 0)),
        out_shape=jax.ShapeDtypeStruct((m, n), jnp.float32),
    )(x, w, b)


def _msg_body(u_ref, hs_ref, sk_ref, gk_ref, bdbe2_ref, o_ref):
    u = u_ref[...]
    x = hs_ref[...]
    us = _dot(u, sk_ref[...])
    xg = _dot(x, gk_ref[...])
    acc = _dot(x, bdbe2_ref[...])
    for k in range(H):
        acc = acc + us[:, k * 128:(k + 1) * 128] * xg[:, k * 128:(k + 1) * 128]
    o_ref[...] = acc


def _msg(u_p, hs_p, sk, gk, bdbe2):
    return pl.pallas_call(
        _msg_body,
        grid=(_EP // _BE,),
        in_specs=[pl.BlockSpec((_BE, 128), lambda i: (i, 0)),
                  pl.BlockSpec((_BE, 128), lambda i: (i, 0)),
                  pl.BlockSpec((128, H * 128), lambda i: (0, 0)),
                  pl.BlockSpec((128, H * 128), lambda i: (0, 0)),
                  pl.BlockSpec((128, 128), lambda i: (0, 0))],
        out_specs=pl.BlockSpec((_BE, 128), lambda i: (i, 0)),
        out_shape=jax.ShapeDtypeStruct((_EP, 128), jnp.float32),
    )(u_p, hs_p, sk, gk, bdbe2)


def _gru_body(parts_ref, hid_ref, wi_ref, wh_ref, bi_ref, bh_ref,
              bnn_ref, o_ref):
    m = jax.nn.relu(parts_ref[0] + parts_ref[1] + bnn_ref[...])
    hid = hid_ref[...]
    gi = _dot(m, wi_ref[...]) + bi_ref[...]
    gh = _dot(hid, wh_ref[...]) + bh_ref[...]
    r = jax.nn.sigmoid(gi[:, 0:128] + gh[:, 0:128])
    z = jax.nn.sigmoid(gi[:, 128:256] + gh[:, 128:256])
    ng = jnp.tanh(gi[:, 256:384] + r * gh[:, 256:384])
    o_ref[...] = (1.0 - z) * ng + z * hid


def _gru(parts_p3, hid_p, bdi, bdh, bi3, bh3, bnn128):
    return pl.pallas_call(
        _gru_body,
        grid=(1,),
        in_specs=[pl.BlockSpec((2, _NP, 128), lambda i: (0, 0, 0)),
                  pl.BlockSpec((_NP, 128), lambda i: (0, 0)),
                  pl.BlockSpec((128, 384), lambda i: (0, 0)),
                  pl.BlockSpec((128, 384), lambda i: (0, 0)),
                  pl.BlockSpec((1, 384), lambda i: (0, 0)),
                  pl.BlockSpec((1, 384), lambda i: (0, 0)),
                  pl.BlockSpec((1, 128), lambda i: (0, 0))],
        out_specs=pl.BlockSpec((_NP, 128), lambda i: (0, 0)),
        out_shape=jax.ShapeDtypeStruct((_NP, 128), jnp.float32),
    )(parts_p3, hid_p, bdi, bdh, bi3, bh3, bnn128)


def _readout_body(h_ref, fold_ref, w0_ref, b0_ref, w1_ref, b1_ref, w2_ref,
                  b2_ref, y_ref):
    s = jnp.sum(h_ref[...], axis=0, keepdims=True)
    hg = _dot(s, fold_ref[...]) * (1.0 / N)
    y = jax.nn.relu(_dot(hg, w0_ref[...]) + b0_ref[...])
    y = jax.nn.relu(_dot(y, w1_ref[...]) + b1_ref[...])
    y_ref[...] = _dot(y, w2_ref[...]) + b2_ref[...]


def _readout(h_p, fold, w0, b0, w1, b1, w2, b2):
    return pl.pallas_call(
        _readout_body,
        grid=(1,),
        in_specs=[pl.BlockSpec((_NP, 128), lambda i: (0, 0)),
                  pl.BlockSpec((128, H), lambda i: (0, 0)),
                  pl.BlockSpec(w0.shape, lambda i: (0, 0)),
                  pl.BlockSpec((1, w0.shape[1]), lambda i: (0, 0)),
                  pl.BlockSpec(w1.shape, lambda i: (0, 0)),
                  pl.BlockSpec((1, w1.shape[1]), lambda i: (0, 0)),
                  pl.BlockSpec(w2.shape, lambda i: (0, 0)),
                  pl.BlockSpec((1, w2.shape[1]), lambda i: (0, 0))],
        out_specs=pl.BlockSpec((1, 2), lambda i: (0, 0)),
        out_shape=jax.ShapeDtypeStruct((1, 2), jnp.float32),
    )(h_p, fold, w0, b0.reshape(1, -1), w1, b1.reshape(1, -1), w2,
      b2.reshape(1, -1))


_MESH = plsc.VectorSubcoreMesh(core_axis_name="c", subcore_axis_name="s")
_SC_PARAMS = pltpu.CompilerParams(use_tc_tiling_on_sc=False)


@functools.partial(
    pl.kernel,
    out_type=jax.ShapeDtypeStruct((E, H), jnp.float32),
    mesh=_MESH,
    compiler_params=_SC_PARAMS,
    scratch_types=[pltpu.VMEM((_RPW, _CHUNK), jnp.int32),
                   pltpu.VMEM((_EW, H), jnp.float32),
                   pltpu.VMEM((1, _CHUNK), jnp.int32),
                   pltpu.VMEM((_CHUNK, H), jnp.float32),
                   pltpu.SemaphoreType.DMA,
                   pltpu.SemaphoreType.DMA],
)
def _sc_gather(h_hbm, src_hbm, out_hbm, idx_v, rows_v, idx_x, rows_x,
               sem, sem_x):
    wid = lax.axis_index("s") * 2 + lax.axis_index("c")
    base = wid * _RPW

    pltpu.sync_copy(src_hbm.at[pl.ds(base, _RPW)], idx_v)

    def fire(j, carry):
        pltpu.async_copy(h_hbm.at[idx_v.at[j]],
                         rows_v.at[pl.ds(j * _CHUNK, _CHUNK)], sem)
        return carry

    lax.fori_loop(0, _RPW, fire, 0)

    @pl.when(wid < _XTRA)
    def _():
        r = _RPW * _NW + wid
        pltpu.sync_copy(src_hbm.at[pl.ds(r, 1)], idx_x)
        pltpu.async_copy(h_hbm.at[idx_x.at[0]], rows_x, sem_x)

    pltpu.make_async_copy(out_hbm.at[pl.ds(0, _EW)], rows_v, sem).wait()
    pltpu.sync_copy(rows_v, out_hbm.at[pl.ds(base * _CHUNK, _EW)])

    @pl.when(wid < _XTRA)
    def _():
        r = _RPW * _NW + wid
        pltpu.make_async_copy(out_hbm.at[pl.ds(0, _CHUNK)], rows_x,
                              sem_x).wait()
        pltpu.sync_copy(rows_x, out_hbm.at[pl.ds(r * _CHUNK, _CHUNK)])


@functools.partial(
    pl.kernel,
    out_type=jax.ShapeDtypeStruct((2 * N, H), jnp.float32),
    mesh=_MESH,
    compiler_params=_SC_PARAMS,
    scratch_types=[pltpu.VMEM((_RPW, _CHUNK), jnp.int32),
                   pltpu.VMEM((_EW, H), jnp.float32),
                   pltpu.VMEM((1, _CHUNK), jnp.int32),
                   pltpu.VMEM((_CHUNK, H), jnp.float32),
                   pltpu.VMEM_SHARED((N, H), jnp.float32),
                   pltpu.SemaphoreType.DMA,
                   pltpu.SemaphoreType.DMA],
)
def _sc_scatter(msg_hbm, dst_hbm, zeros_hbm, out_hbm, idx_v, msg_v, idx_x,
                msg_x, acc_sh, sem, sem_x):
    c = lax.axis_index("c")
    s = lax.axis_index("s")
    wid = s * 2 + c
    base = wid * _RPW

    pltpu.async_copy(zeros_hbm.at[pl.ds(s * _NPS, _NPS)],
                     acc_sh.at[pl.ds(s * _NPS, _NPS)], sem_x)
    pltpu.sync_copy(dst_hbm.at[pl.ds(base, _RPW)], idx_v)
    pltpu.sync_copy(msg_hbm.at[pl.ds(base * _CHUNK, _EW)], msg_v)
    pltpu.make_async_copy(zeros_hbm.at[pl.ds(0, _NPS)],
                          acc_sh.at[pl.ds(0, _NPS)], sem_x).wait()
    plsc.subcore_barrier()

    def fire(j, carry):
        pltpu.async_copy(msg_v.at[pl.ds(j * _CHUNK, _CHUNK)],
                         acc_sh.at[idx_v.at[j]], sem, add=True)
        return carry

    lax.fori_loop(0, _RPW, fire, 0)

    @pl.when(wid < _XTRA)
    def _():
        r = _RPW * _NW + wid
        pltpu.sync_copy(dst_hbm.at[pl.ds(r, 1)], idx_x)
        pltpu.sync_copy(msg_hbm.at[pl.ds(r * _CHUNK, _CHUNK)], msg_x)
        pltpu.async_copy(msg_x, acc_sh.at[idx_x.at[0]], sem, add=True)

    pltpu.make_async_copy(msg_hbm.at[pl.ds(0, _EW)], msg_v, sem).wait()

    @pl.when(wid < _XTRA)
    def _():
        pltpu.make_async_copy(msg_hbm.at[pl.ds(0, _CHUNK)], msg_x,
                              sem).wait()

    plsc.subcore_barrier()
    pltpu.sync_copy(acc_sh.at[pl.ds(s * _NPS, _NPS)],
                    out_hbm.at[pl.ds(c * N + s * _NPS, _NPS)])


def kernel(node_feats, edge_feats, edge_index, W_proj, b_proj, We1, be1,
           We2, be2, b_nn, W_ih, W_hh, b_ih, b_hh, W0, b0, W1, b1, W2, b2):
    f32 = jnp.float32
    src2d = edge_index[0].reshape(_ROWS, _CHUNK)
    dst2d = edge_index[1].reshape(_ROWS, _CHUNK)
    zeros = jnp.zeros((N, H), f32)
    eye8 = jnp.asarray(_EYE8)
    sk = jnp.asarray(_SK)
    fold = jnp.asarray(_FOLD)

    we2r = We2.reshape(H, H, H)
    gk = jnp.einsum('ab,kio->aikbo', eye8, we2r).reshape(128, H * 128)
    bdbe2 = jnp.einsum('ab,io->aibo', eye8,
                       be2.reshape(H, H)).reshape(128, 128)

    wi3 = W_ih.reshape(3, H, H)
    wh3 = W_hh.reshape(3, H, H)
    bdi = jnp.einsum('ab,goi->aigbo', eye8, wi3).reshape(128, 384)
    bdh = jnp.einsum('ab,goi->aigbo', eye8, wh3).reshape(128, 384)
    bi3 = _tile8(b_ih, 3)
    bh3 = _tile8(b_hh, 3)
    bnn128 = _tile8(b_nn, 1)

    bdn = jnp.einsum('ab,ko->akbo', eye8, W_proj).reshape(1024, 128)
    bde = jnp.einsum('ab,ko->akbo', eye8, We1).reshape(128, 128)
    bproj128 = _tile8(b_proj, 1)
    be1_128 = _tile8(be1, 1)

    nf8 = node_feats.reshape(_NP, 8 * 128)
    ef8 = edge_feats.reshape(_EP, 128)

    h_p = _affine_relu_packed(nf8, bdn, bproj128, _NP)
    u_p = _affine_relu_packed(ef8, bde, be1_128, 4000)
    hid_p = h_p
    for _ in range(NSTEPS):
        h_rows = h_p.reshape(N, H)
        h_src = _sc_gather(h_rows, src2d)
        msg_p = _msg(u_p, h_src.reshape(_EP, 128), sk, gk, bdbe2)
        parts = _sc_scatter(msg_p.reshape(E, H), dst2d, zeros)
        hid_p = _gru(parts.reshape(2, _NP, 128), hid_p, bdi, bdh, bi3,
                     bh3, bnn128)
        h_p = hid_p
    return _readout(h_p, fold, W0, b0, W1, b1, W2, b2)

# --- scband reference (transcript-rebuilt; emitter-appended) ---
"""Pipeline reference for scband-mpnnnet-45097156608288 (READ-ONLY COPY).

The authoritative reference and input builder live on the scoring server;
editing this copy changes nothing except your own understanding.
"""

import jax, jax.numpy as jnp
import numpy as np

N = 10000
E = 160000
D_NODE = 128
D_EDGE = 16
H = 16
NSTEPS = 5

def setup_inputs(seed: int = 0):
    key = jax.random.key(seed)
    ks = jax.random.split(key, 16)
    s = 0.1
    inp = {}
    inp['node_feats'] = jax.random.normal(ks[0], (N, D_NODE), dtype=jnp.float32)
    inp['edge_feats'] = jax.random.normal(ks[1], (E, D_EDGE), dtype=jnp.float32)
    inp['edge_index'] = jax.random.randint(ks[2], (2, E), 0, N, dtype=jnp.int32)
    inp['W_proj'] = jax.random.normal(ks[3], (D_NODE, H), dtype=jnp.float32) * s
    inp['b_proj'] = jnp.zeros((H,), dtype=jnp.float32)
    inp['We1'] = jax.random.normal(ks[4], (D_EDGE, H), dtype=jnp.float32) * s
    inp['be1'] = jnp.zeros((H,), dtype=jnp.float32)
    inp['We2'] = jax.random.normal(ks[5], (H, H * H), dtype=jnp.float32) * s
    inp['be2'] = jnp.zeros((H * H,), dtype=jnp.float32)
    inp['b_nn'] = jnp.zeros((H,), dtype=jnp.float32)
    inp['W_ih'] = jax.random.normal(ks[6], (3 * H, H), dtype=jnp.float32) * s
    inp['W_hh'] = jax.random.normal(ks[7], (3 * H, H), dtype=jnp.float32) * s
    inp['b_ih'] = jnp.zeros((3 * H,), dtype=jnp.float32)
    inp['b_hh'] = jnp.zeros((3 * H,), dtype=jnp.float32)
    inp['W0'] = jax.random.normal(ks[8], (H, H // 2), dtype=jnp.float32) * s
    inp['b0'] = jnp.zeros((H // 2,), dtype=jnp.float32)
    inp['W1'] = jax.random.normal(ks[9], (H // 2, H // 4), dtype=jnp.float32) * s
    inp['b1'] = jnp.zeros((H // 4,), dtype=jnp.float32)
    inp['W2'] = jax.random.normal(ks[10], (H // 4, 2), dtype=jnp.float32) * s
    inp['b2'] = jnp.zeros((2,), dtype=jnp.float32)
    return inp

def reference(node_feats, edge_feats, edge_index, W_proj, b_proj, We1, be1, We2, be2, b_nn, W_ih, W_hh, b_ih, b_hh, W0, b0, W1, b1, W2, b2):
    src = edge_index[0]
    dst = edge_index[1]
    n = node_feats.shape[0]
    # MPNNGNN: project node feats
    h = jax.nn.relu(node_feats @ W_proj + b_proj)
    hid = h
    # edge network (same output every step, compute once)
    ew = (jax.nn.relu(edge_feats @ We1 + be1) @ We2 + be2).reshape(-1, H, H)
    for _ in range(NSTEPS):
        # NNConv with sum aggregation: per-edge matvec then scatter-add to dst
        msg = jnp.einsum('ei,eio->eo', h[src], ew)
        agg = jnp.zeros((n, H), dtype=msg.dtype).at[dst].add(msg) + b_nn
        m = jax.nn.relu(agg)
        # single-layer GRU cell (torch gate order r,z,n)
        gi = m @ W_ih.T + b_ih
        gh = hid @ W_hh.T + b_hh
        i_r, i_z, i_n = jnp.split(gi, 3, axis=1)
        h_r, h_z, h_n = jnp.split(gh, 3, axis=1)
        r = jax.nn.sigmoid(i_r + h_r)
        z = jax.nn.sigmoid(i_z + h_z)
        ng = jnp.tanh(i_n + r * h_n)
        hid = (1.0 - z) * ng + z * hid
        h = hid
    # readout='mean' over the single batched graph
    hg = jnp.mean(h, axis=0, keepdims=True)
    # MLPReadout(out_dim=16, 2, L=2): 16->8->4->2
    y = jax.nn.relu(hg @ W0 + b0)
    y = jax.nn.relu(y @ W1 + b1)
    y = y @ W2 + b2
    return y

if __name__ == "__main__":
    import jax
    _d = setup_inputs()
    print(jax.jit(kernel)(*tuple(_d.values())))

</pallas_src>

<mosaic_0001>
#map = affine_map<(d0, d1) -> (0, 0)>
module attributes {stable_mosaic.version = 14 : i64} {
  func.func @_sc_gather(%arg0: i32, %arg1: i32, %arg2: memref<10000x16xf32, #tpu.memory_space<hbm>>, %arg3: memref<1250x128xi32, #tpu.memory_space<hbm>>, %arg4: memref<160000x16xf32, #tpu.memory_space<hbm>>, %arg5: memref<39x128xi32, #tpu.memory_space<vmem>>, %arg6: memref<4992x16xf32, #tpu.memory_space<vmem>>, %arg7: memref<1x128xi32, #tpu.memory_space<vmem>>, %arg8: memref<128x16xf32, #tpu.memory_space<vmem>>, %arg9: memref<!tpu.dma_semaphore, #tpu.memory_space<semaphore_mem>>, %arg10: memref<!tpu.dma_semaphore, #tpu.memory_space<semaphore_mem>>) attributes {dimension_semantics = [#tpu.dimension_semantics<core_parallel>, #tpu.dimension_semantics<subcore_parallel>], iteration_bounds = array<i64: 2, 16>, scalar_prefetch = 0 : i64, scratch_operands = 6 : i64, tpu.core_type = #tpu.core_type<sc_vector_subcore>, window_params = [{transform_indices = #map}, {transform_indices = #map}, {transform_indices = #map}]} {
    %mul3A = arith.constant 2 : i32
    %mul3A_0 = arith.muli %arg1, %mul3A : i32
    %add3A = arith.addi %mul3A_0, %arg0 : i32
    %mul3A_1 = arith.constant 39 : i32
    %mul3A_2 = arith.muli %add3A, %mul3A_1 : i32
    "tpu.region"() ({
      %run_scoped3A = tpu.sem_alloc : memref<!tpu.dma_semaphore, #tpu.memory_space<semaphore_mem>>
      %dma_start3A = arith.constant 0 : i32
      %dma_start3A_22 = tpu.memref_slice %arg3[%mul3A_2, %dma_start3A] : memref<1250x128xi32, #tpu.memory_space<hbm>> -> memref<39x128xi32, #tpu.memory_space<hbm>>
      %dma_start3A_23 = arith.constant 0 : i32
      %dma_start3A_24 = tpu.memref_slice %arg3[%mul3A_2, %dma_start3A_23] : memref<1250x128xi32, #tpu.memory_space<hbm>> -> memref<39x128xi32, #tpu.memory_space<hbm>>
      tpu.enqueue_dma source(%dma_start3A_24 : memref<39x128xi32, #tpu.memory_space<hbm>>) target(%arg5 : memref<39x128xi32, #tpu.memory_space<vmem>>) target_semaphore(%run_scoped3A : memref<!tpu.dma_semaphore, #tpu.memory_space<semaphore_mem>>)
      %dma_wait3A_25 = arith.constant 0 : i32
      %dma_wait3A_26 = tpu.memref_slice %arg3[%mul3A_2, %dma_wait3A_25] : memref<1250x128xi32, #tpu.memory_space<hbm>> -> memref<39x128xi32, #tpu.memory_space<hbm>>
      %dma_wait3A_27 = arith.constant 0 : i32
      %dma_wait3A_28 = tpu.memref_slice %arg3[%mul3A_2, %dma_wait3A_27] : memref<1250x128xi32, #tpu.memory_space<hbm>> -> memref<39x128xi32, #tpu.memory_space<hbm>>
      tpu.wait_dma2 semaphore(%run_scoped3A : memref<!tpu.dma_semaphore, #tpu.memory_space<semaphore_mem>>) src(%dma_wait3A_28 : memref<39x128xi32, #tpu.memory_space<hbm>>) dst(%arg5 : memref<39x128xi32, #tpu.memory_space<vmem>>)
      tpu.yield
    }) : () -> ()
    %scan3A = arith.constant 0 : i32
    %scan3A_3 = arith.constant 0 : i32
    %scan3A_4 = arith.constant 39 : i32
    %scan3A_5 = arith.addi %scan3A_3, %scan3A_4 : i32
    %scan3A_6 = arith.constant 1 : i32
    scf.for %scan3A_22 = %scan3A_3 to %scan3A_5 step %scan3A_6  : i32 {
      %mul3A_23 = arith.constant 128 : i32
      %mul3A_24 = arith.muli %scan3A_22, %mul3A_23 : i32
      %dma_start3A = arith.constant 0 : i32
      %dma_start3A_25 = tpu.memref_slice %arg6[%mul3A_24, %dma_start3A] : memref<4992x16xf32, #tpu.memory_space<vmem>> -> memref<128x16xf32, #tpu.memory_space<vmem>>
      %dma_start3A_26 = arith.constant 0 : i32
      %dma_start3A_27 = tpu.memref_slice %arg5[%scan3A_22, %dma_start3A_26] : memref<39x128xi32, #tpu.memory_space<vmem>> -> memref<1x128xi32, #tpu.memory_space<vmem>>
      %dma_start3A_28 = tpu.memref_squeeze %dma_start3A_27 : memref<1x128xi32, #tpu.memory_space<vmem>> -> memref<128xi32, #tpu.memory_space<vmem>>
      %dma_start3A_29 = arith.constant 0 : i32
      %dma_start3A_30 = arith.constant 0 : i32
      %dma_start3A_31 = tpu.memref_slice %arg2[%dma_start3A_29, %dma_start3A_30] : memref<10000x16xf32, #tpu.memory_space<hbm>> -> memref<10000x16xf32, #tpu.memory_space<hbm>>
      tpu.enqueue_indirect_dma source(%dma_start3A_31 : memref<10000x16xf32, #tpu.memory_space<hbm>>) target(%dma_start3A_25 : memref<128x16xf32, #tpu.memory_space<vmem>>) offsets(%dma_start3A_28 : memref<128xi32, #tpu.memory_space<vmem>>) semaphore(%arg9 : memref<!tpu.dma_semaphore, #tpu.memory_space<semaphore_mem>>)
    }
    %scan3A_7 = arith.constant 39 : i32
    %lt3A = arith.constant 2 : i32
    %lt3A_8 = arith.cmpi slt, %add3A, %lt3A : i32
    %convert_element_type3A = arith.extui %lt3A_8 : i1 to i32
    %cond3A = arith.constant 0 : i32
    %cond3A_9 = arith.cmpi ne, %convert_element_type3A, %cond3A : i32
    scf.if %cond3A_9 {
      %add3A_22 = arith.constant 1248 : i32
      %add3A_23 = arith.addi %add3A_22, %add3A : i32
      "tpu.region"() ({
        %run_scoped3A = tpu.sem_alloc : memref<!tpu.dma_semaphore, #tpu.memory_space<semaphore_mem>>
        %dma_start3A_30 = arith.constant 0 : i32
        %dma_start3A_31 = tpu.memref_slice %arg3[%add3A_23, %dma_start3A_30] : memref<1250x128xi32, #tpu.memory_space<hbm>> -> memref<1x128xi32, #tpu.memory_space<hbm>>
        %dma_start3A_32 = arith.constant 0 : i32
        %dma_start3A_33 = tpu.memref_slice %arg3[%add3A_23, %dma_start3A_32] : memref<1250x128xi32, #tpu.memory_space<hbm>> -> memref<1x128xi32, #tpu.memory_space<hbm>>
        tpu.enqueue_dma source(%dma_start3A_33 : memref<1x128xi32, #tpu.memory_space<hbm>>) target(%arg7 : memref<1x128xi32, #tpu.memory_space<vmem>>) target_semaphore(%run_scoped3A : memref<!tpu.dma_semaphore, #tpu.memory_space<semaphore_mem>>)
        %dma_wait3A_34 = arith.constant 0 : i32
        %dma_wait3A_35 = tpu.memref_slice %arg3[%add3A_23, %dma_wait3A_34] : memref<1250x128xi32, #tpu.memory_space<hbm>> -> memref<1x128xi32, #tpu.memory_space<hbm>>
        %dma_wait3A_36 = arith.constant 0 : i32
        %dma_wait3A_37 = tpu.memref_slice %arg3[%add3A_23, %dma_wait3A_36] : memref<1250x128xi32, #tpu.memory_space<hbm>> -> memref<1x128xi32, #tpu.memory_space<hbm>>
        tpu.wait_dma2 semaphore(%run_scoped3A : memref<!tpu.dma_semaphore, #tpu.memory_space<semaphore_mem>>) src(%dma_wait3A_37 : memref<1x128xi32, #tpu.memory_space<hbm>>) dst(%arg7 : memref<1x128xi32, #tpu.memory_space<vmem>>)
        tpu.yield
      }) : () -> ()
      %dma_start3A = arith.constant 0 : i32
      %dma_start3A_24 = arith.constant 0 : i32
      %dma_start3A_25 = tpu.memref_slice %arg7[%dma_start3A, %dma_start3A_24] : memref<1x128xi32, #tpu.memory_space<vmem>> -> memref<1x128xi32, #tpu.memory_space<vmem>>
      %dma_start3A_26 = tpu.memref_squeeze %dma_start3A_25 : memref<1x128xi32, #tpu.memory_space<vmem>> -> memref<128xi32, #tpu.memory_space<vmem>>
      %dma_start3A_27 = arith.constant 0 : i32
      %dma_start3A_28 = arith.constant 0 : i32
      %dma_start3A_29 = tpu.memref_slice %arg2[%dma_start3A_27, %dma_start3A_28] : memref<10000x16xf32, #tpu.memory_space<hbm>> -> memref<10000x16xf32, #tpu.memory_space<hbm>>
      tpu.enqueue_indirect_dma source(%dma_start3A_29 : memref<10000x16xf32, #tpu.memory_space<hbm>>) target(%arg8 : memref<128x16xf32, #tpu.memory_space<vmem>>) offsets(%dma_start3A_26 : memref<128xi32, #tpu.memory_space<vmem>>) semaphore(%arg10 : memref<!tpu.dma_semaphore, #tpu.memory_space<semaphore_mem>>)
    } else {
    }
    %dma_wait3A = arith.constant 0 : i32
    %dma_wait3A_10 = arith.constant 0 : i32
    %dma_wait3A_11 = tpu.memref_slice %arg4[%dma_wait3A, %dma_wait3A_10] : memref<160000x16xf32, #tpu.memory_space<hbm>> -> memref<4992x16xf32, #tpu.memory_space<hbm>>
    %dma_wait3A_12 = arith.constant 0 : i32
    %dma_wait3A_13 = arith.constant 0 : i32
    %dma_wait3A_14 = tpu.memref_slice %arg4[%dma_wait3A_12, %dma_wait3A_13] : memref<160000x16xf32, #tpu.memory_space<hbm>> -> memref<4992x16xf32, #tpu.memory_space<hbm>>
    tpu.wait_dma2 semaphore(%arg9 : memref<!tpu.dma_semaphore, #tpu.memory_space<semaphore_mem>>) src(%dma_wait3A_14 : memref<4992x16xf32, #tpu.memory_space<hbm>>) dst(%arg6 : memref<4992x16xf32, #tpu.memory_space<vmem>>)
    %mul3A_15 = arith.constant 128 : i32
    %mul3A_16 = arith.muli %mul3A_2, %mul3A_15 : i32
    "tpu.region"() ({
      %run_scoped3A = tpu.sem_alloc : memref<!tpu.dma_semaphore, #tpu.memory_space<semaphore_mem>>
      %dma_start3A = arith.constant 0 : i32
      %dma_start3A_22 = tpu.memref_slice %arg4[%mul3A_16, %dma_start3A] : memref<160000x16xf32, #tpu.memory_space<hbm>> -> memref<4992x16xf32, #tpu.memory_space<hbm>>
      %dma_start3A_23 = arith.constant 0 : i32
      %dma_start3A_24 = tpu.memref_slice %arg4[%mul3A_16, %dma_start3A_23] : memref<160000x16xf32, #tpu.memory_space<hbm>> -> memref<4992x16xf32, #tpu.memory_space<hbm>>
      tpu.enqueue_dma source(%arg6 : memref<4992x16xf32, #tpu.memory_space<vmem>>) target(%dma_start3A_24 : memref<4992x16xf32, #tpu.memory_space<hbm>>) target_semaphore(%run_scoped3A : memref<!tpu.dma_semaphore, #tpu.memory_space<semaphore_mem>>)
      %dma_wait3A_25 = arith.constant 0 : i32
      %dma_wait3A_26 = tpu.memref_slice %arg4[%mul3A_16, %dma_wait3A_25] : memref<160000x16xf32, #tpu.memory_space<hbm>> -> memref<4992x16xf32, #tpu.memory_space<hbm>>
      %dma_wait3A_27 = arith.constant 0 : i32
      %dma_wait3A_28 = tpu.memref_slice %arg4[%mul3A_16, %dma_wait3A_27] : memref<160000x16xf32, #tpu.memory_space<hbm>> -> memref<4992x16xf32, #tpu.memory_space<hbm>>
      tpu.wait_dma2 semaphore(%run_scoped3A : memref<!tpu.dma_semaphore, #tpu.memory_space<semaphore_mem>>) src(%arg6 : memref<4992x16xf32, #tpu.memory_space<vmem>>) dst(%dma_wait3A_28 : memref<4992x16xf32, #tpu.memory_space<hbm>>)
      tpu.yield
    }) : () -> ()
    %lt3A_17 = arith.constant 2 : i32
    %lt3A_18 = arith.cmpi slt, %add3A, %lt3A_17 : i32
    %convert_element_type3A_19 = arith.extui %lt3A_18 : i1 to i32
    %cond3A_20 = arith.constant 0 : i32
    %cond3A_21 = arith.cmpi ne, %convert_element_type3A_19, %cond3A_20 : i32
    scf.if %cond3A_21 {
      %add3A_22 = arith.constant 1248 : i32
      %add3A_23 = arith.addi %add3A_22, %add3A : i32
      %dma_wait3A_24 = arith.constant 0 : i32
      %dma_wait3A_25 = arith.constant 0 : i32
      %dma_wait3A_26 = tpu.memref_slice %arg4[%dma_wait3A_24, %dma_wait3A_25] : memref<160000x16xf32, #tpu.memory_space<hbm>> -> memref<128x16xf32, #tpu.memory_space<hbm>>
      %dma_wait3A_27 = arith.constant 0 : i32
      %dma_wait3A_28 = arith.constant 0 : i32
      %dma_wait3A_29 = tpu.memref_slice %arg4[%dma_wait3A_27, %dma_wait3A_28] : memref<160000x16xf32, #tpu.memory_space<hbm>> -> memref<128x16xf32, #tpu.memory_space<hbm>>
      tpu.wait_dma2 semaphore(%arg10 : memref<!tpu.dma_semaphore, #tpu.memory_space<semaphore_mem>>) src(%dma_wait3A_29 : memref<128x16xf32, #tpu.memory_space<hbm>>) dst(%arg8 : memref<128x16xf32, #tpu.memory_space<vmem>>)
      %mul3A_30 = arith.constant 128 : i32
      %mul3A_31 = arith.muli %add3A_23, %mul3A_30 : i32
      "tpu.region"() ({
        %run_scoped3A = tpu.sem_alloc : memref<!tpu.dma_semaphore, #tpu.memory_space<semaphore_mem>>
        %dma_start3A = arith.constant 0 : i32
        %dma_start3A_32 = tpu.memref_slice %arg4[%mul3A_31, %dma_start3A] : memref<160000x16xf32, #tpu.memory_space<hbm>> -> memref<128x16xf32, #tpu.memory_space<hbm>>
        %dma_start3A_33 = arith.constant 0 : i32
        %dma_start3A_34 = tpu.memref_slice %arg4[%mul3A_31, %dma_start3A_33] : memref<160000x16xf32, #tpu.memory_space<hbm>> -> memref<128x16xf32, #tpu.memory_space<hbm>>
        tpu.enqueue_dma source(%arg8 : memref<128x16xf32, #tpu.memory_space<vmem>>) target(%dma_start3A_34 : memref<128x16xf32, #tpu.memory_space<hbm>>) target_semaphore(%run_scoped3A : memref<!tpu.dma_semaphore, #tpu.memory_space<semaphore_mem>>)
        %dma_wait3A_35 = arith.constant 0 : i32
        %dma_wait3A_36 = tpu.memref_slice %arg4[%mul3A_31, %dma_wait3A_35] : memref<160000x16xf32, #tpu.memory_space<hbm>> -> memref<128x16xf32, #tpu.memory_space<hbm>>
        %dma_wait3A_37 = arith.constant 0 : i32
        %dma_wait3A_38 = tpu.memref_slice %arg4[%mul3A_31, %dma_wait3A_37] : memref<160000x16xf32, #tpu.memory_space<hbm>> -> memref<128x16xf32, #tpu.memory_space<hbm>>
        tpu.wait_dma2 semaphore(%run_scoped3A : memref<!tpu.dma_semaphore, #tpu.memory_space<semaphore_mem>>) src(%arg8 : memref<128x16xf32, #tpu.memory_space<vmem>>) dst(%dma_wait3A_38 : memref<128x16xf32, #tpu.memory_space<hbm>>)
        tpu.yield
      }) : () -> ()
    } else {
    }
    return
  }
}

#map = affine_map<(d0, d1) -> (0, 0)>
module attributes {stable_mosaic.version = 14 : i64} {
  func.func @_sc_scatter(%arg0: i32, %arg1: i32, %arg2: memref<160000x16xf32, #tpu.memory_space<hbm>>, %arg3: memref<1250x128xi32, #tpu.memory_space<hbm>>, %arg4: memref<10000x16xf32, #tpu.memory_space<hbm>>, %arg5: memref<20000x16xf32, #tpu.memory_space<hbm>>, %arg6: memref<39x128xi32, #tpu.memory_space<vmem>>, %arg7: memref<4992x16xf32, #tpu.memory_space<vmem>>, %arg8: memref<1x128xi32, #tpu.memory_space<vmem>>, %arg9: memref<128x16xf32, #tpu.memory_space<vmem>>, %arg10: memref<10000x16xf32, #tpu.memory_space<vmem_shared>>, %arg11: memref<!tpu.dma_semaphore, #tpu.memory_space<semaphore_mem>>, %arg12: memref<!tpu.dma_semaphore, #tpu.memory_space<semaphore_mem>>) attributes {dimension_semantics = [#tpu.dimension_semantics<core_parallel>, #tpu.dimension_semantics<subcore_parallel>], iteration_bounds = array<i64: 2, 16>, scalar_prefetch = 0 : i64, scratch_operands = 7 : i64, tpu.core_type = #tpu.core_type<sc_vector_subcore>, window_params = [{transform_indices = #map}, {transform_indices = #map}, {transform_indices = #map}, {transform_indices = #map}]} {
    %mul3A = arith.constant 2 : i32
    %mul3A_0 = arith.muli %arg1, %mul3A : i32
    %add3A = arith.addi %mul3A_0, %arg0 : i32
    %mul3A_1 = arith.constant 39 : i32
    %mul3A_2 = arith.muli %add3A, %mul3A_1 : i32
    %mul3A_3 = arith.constant 625 : i32
    %mul3A_4 = arith.muli %arg1, %mul3A_3 : i32
    %mul3A_5 = arith.constant 625 : i32
    %mul3A_6 = arith.muli %arg1, %mul3A_5 : i32
    %dma_start3A = arith.constant 0 : i32
    %dma_start3A_7 = tpu.memref_slice %arg10[%mul3A_6, %dma_start3A] : memref<10000x16xf32, #tpu.memory_space<vmem_shared>> -> memref<625x16xf32, #tpu.memory_space<vmem_shared>>
    %dma_start3A_8 = arith.constant 0 : i32
    %dma_start3A_9 = tpu.memref_slice %arg4[%mul3A_4, %dma_start3A_8] : memref<10000x16xf32, #tpu.memory_space<hbm>> -> memref<625x16xf32, #tpu.memory_space<hbm>>
    tpu.enqueue_dma source(%dma_start3A_9 : memref<625x16xf32, #tpu.memory_space<hbm>>) target(%dma_start3A_7 : memref<625x16xf32, #tpu.memory_space<vmem_shared>>) target_semaphore(%arg12 : memref<!tpu.dma_semaphore, #tpu.memory_space<semaphore_mem>>)
    "tpu.region"() ({
      %run_scoped3A = tpu.sem_alloc : memref<!tpu.dma_semaphore, #tpu.memory_space<semaphore_mem>>
      %dma_start3A_43 = arith.constant 0 : i32
      %dma_start3A_44 = tpu.memref_slice %arg3[%mul3A_2, %dma_start3A_43] : memref<1250x128xi32, #tpu.memory_space<hbm>> -> memref<39x128xi32, #tpu.memory_space<hbm>>
      %dma_start3A_45 = arith.constant 0 : i32
      %dma_start3A_46 = tpu.memref_slice %arg3[%mul3A_2, %dma_start3A_45] : memref<1250x128xi32, #tpu.memory_space<hbm>> -> memref<39x128xi32, #tpu.memory_space<hbm>>
      tpu.enqueue_dma source(%dma_start3A_46 : memref<39x128xi32, #tpu.memory_space<hbm>>) target(%arg6 : memref<39x128xi32, #tpu.memory_space<vmem>>) target_semaphore(%run_scoped3A : memref<!tpu.dma_semaphore, #tpu.memory_space<semaphore_mem>>)
      %dma_wait3A_47 = arith.constant 0 : i32
      %dma_wait3A_48 = tpu.memref_slice %arg3[%mul3A_2, %dma_wait3A_47] : memref<1250x128xi32, #tpu.memory_space<hbm>> -> memref<39x128xi32, #tpu.memory_space<hbm>>
      %dma_wait3A_49 = arith.constant 0 : i32
      %dma_wait3A_50 = tpu.memref_slice %arg3[%mul3A_2, %dma_wait3A_49] : memref<1250x128xi32, #tpu.memory_space<hbm>> -> memref<39x128xi32, #tpu.memory_space<hbm>>
      tpu.wait_dma2 semaphore(%run_scoped3A : memref<!tpu.dma_semaphore, #tpu.memory_space<semaphore_mem>>) src(%dma_wait3A_50 : memref<39x128xi32, #tpu.memory_space<hbm>>) dst(%arg6 : memref<39x128xi32, #tpu.memory_space<vmem>>)
      tpu.yield
    }) : () -> ()
    %mul3A_10 = arith.constant 128 : i32
    %mul3A_11 = arith.muli %mul3A_2, %mul3A_10 : i32
    "tpu.region"() ({
      %run_scoped3A = tpu.sem_alloc : memref<!tpu.dma_semaphore, #tpu.memory_space<semaphore_mem>>
      %dma_start3A_43 = arith.constant 0 : i32
      %dma_start3A_44 = tpu.memref_slice %arg2[%mul3A_11, %dma_start3A_43] : memref<160000x16xf32, #tpu.memory_space<hbm>> -> memref<4992x16xf32, #tpu.memory_space<hbm>>
      %dma_start3A_45 = arith.constant 0 : i32
      %dma_start3A_46 = tpu.memref_slice %arg2[%mul3A_11, %dma_start3A_45] : memref<160000x16xf32, #tpu.memory_space<hbm>> -> memref<4992x16xf32, #tpu.memory_space<hbm>>
      tpu.enqueue_dma source(%dma_start3A_46 : memref<4992x16xf32, #tpu.memory_space<hbm>>) target(%arg7 : memref<4992x16xf32, #tpu.memory_space<vmem>>) target_semaphore(%run_scoped3A : memref<!tpu.dma_semaphore, #tpu.memory_space<semaphore_mem>>)
      %dma_wait3A_47 = arith.constant 0 : i32
      %dma_wait3A_48 = tpu.memref_slice %arg2[%mul3A_11, %dma_wait3A_47] : memref<160000x16xf32, #tpu.memory_space<hbm>> -> memref<4992x16xf32, #tpu.memory_space<hbm>>
      %dma_wait3A_49 = arith.constant 0 : i32
      %dma_wait3A_50 = tpu.memref_slice %arg2[%mul3A_11, %dma_wait3A_49] : memref<160000x16xf32, #tpu.memory_space<hbm>> -> memref<4992x16xf32, #tpu.memory_space<hbm>>
      tpu.wait_dma2 semaphore(%run_scoped3A : memref<!tpu.dma_semaphore, #tpu.memory_space<semaphore_mem>>) src(%dma_wait3A_50 : memref<4992x16xf32, #tpu.memory_space<hbm>>) dst(%arg7 : memref<4992x16xf32, #tpu.memory_space<vmem>>)
      tpu.yield
    }) : () -> ()
    %dma_wait3A = arith.constant 0 : i32
    %dma_wait3A_12 = arith.constant 0 : i32
    %dma_wait3A_13 = tpu.memref_slice %arg10[%dma_wait3A, %dma_wait3A_12] : memref<10000x16xf32, #tpu.memory_space<vmem_shared>> -> memref<625x16xf32, #tpu.memory_space<vmem_shared>>
    %dma_wait3A_14 = arith.constant 0 : i32
    %dma_wait3A_15 = arith.constant 0 : i32
    %dma_wait3A_16 = tpu.memref_slice %arg4[%dma_wait3A_14, %dma_wait3A_15] : memref<10000x16xf32, #tpu.memory_space<hbm>> -> memref<625x16xf32, #tpu.memory_space<hbm>>
    tpu.wait_dma2 semaphore(%arg12 : memref<!tpu.dma_semaphore, #tpu.memory_space<semaphore_mem>>) src(%dma_wait3A_16 : memref<625x16xf32, #tpu.memory_space<hbm>>) dst(%dma_wait3A_13 : memref<625x16xf32, #tpu.memory_space<vmem_shared>>)
    %barrier3A = arith.constant 0 : index
    tpu.barrier barrier_id(%barrier3A)
    %scan3A = arith.constant 0 : i32
    %scan3A_17 = arith.constant 0 : i32
    %scan3A_18 = arith.constant 39 : i32
    %scan3A_19 = arith.addi %scan3A_17, %scan3A_18 : i32
    %scan3A_20 = arith.constant 1 : i32
    scf.for %scan3A_43 = %scan3A_17 to %scan3A_19 step %scan3A_20  : i32 {
      %mul3A_44 = arith.constant 128 : i32
      %mul3A_45 = arith.muli %scan3A_43, %mul3A_44 : i32
      %dma_start3A_46 = arith.constant 0 : i32
      %dma_start3A_47 = tpu.memref_slice %arg7[%mul3A_45, %dma_start3A_46] : memref<4992x16xf32, #tpu.memory_space<vmem>> -> memref<128x16xf32, #tpu.memory_space<vmem>>
      %dma_start3A_48 = arith.constant 0 : i32
      %dma_start3A_49 = tpu.memref_slice %arg6[%scan3A_43, %dma_start3A_48] : memref<39x128xi32, #tpu.memory_space<vmem>> -> memref<1x128xi32, #tpu.memory_space<vmem>>
      %dma_start3A_50 = tpu.memref_squeeze %dma_start3A_49 : memref<1x128xi32, #tpu.memory_space<vmem>> -> memref<128xi32, #tpu.memory_space<vmem>>
      %dma_start3A_51 = arith.constant 0 : i32
      %dma_start3A_52 = arith.constant 0 : i32
      %dma_start3A_53 = tpu.memref_slice %arg10[%dma_start3A_51, %dma_start3A_52] : memref<10000x16xf32, #tpu.memory_space<vmem_shared>> -> memref<10000x16xf32, #tpu.memory_space<vmem_shared>>
      tpu.enqueue_indirect_dma source(%dma_start3A_47 : memref<128x16xf32, #tpu.memory_space<vmem>>) target(%dma_start3A_53 : memref<10000x16xf32, #tpu.memory_space<vmem_shared>>) offsets(%dma_start3A_50 : memref<128xi32, #tpu.memory_space<vmem>>) semaphore(%arg11 : memref<!tpu.dma_semaphore, #tpu.memory_space<semaphore_mem>>) {add = true}
    }
    %scan3A_21 = arith.constant 39 : i32
    %lt3A = arith.constant 2 : i32
    %lt3A_22 = arith.cmpi slt, %add3A, %lt3A : i32
    %convert_element_type3A = arith.extui %lt3A_22 : i1 to i32
    %cond3A = arith.constant 0 : i32
    %cond3A_23 = arith.cmpi ne, %convert_element_type3A, %cond3A : i32
    scf.if %cond3A_23 {
      %add3A_43 = arith.constant 1248 : i32
      %add3A_44 = arith.addi %add3A_43, %add3A : i32
      "tpu.region"() ({
        %run_scoped3A = tpu.sem_alloc : memref<!tpu.dma_semaphore, #tpu.memory_space<semaphore_mem>>
        %dma_start3A_54 = arith.constant 0 : i32
        %dma_start3A_55 = tpu.memref_slice %arg3[%add3A_44, %dma_start3A_54] : memref<1250x128xi32, #tpu.memory_space<hbm>> -> memref<1x128xi32, #tpu.memory_space<hbm>>
        %dma_start3A_56 = arith.constant 0 : i32
        %dma_start3A_57 = tpu.memref_slice %arg3[%add3A_44, %dma_start3A_56] : memref<1250x128xi32, #tpu.memory_space<hbm>> -> memref<1x128xi32, #tpu.memory_space<hbm>>
        tpu.enqueue_dma source(%dma_start3A_57 : memref<1x128xi32, #tpu.memory_space<hbm>>) target(%arg8 : memref<1x128xi32, #tpu.memory_space<vmem>>) target_semaphore(%run_scoped3A : memref<!tpu.dma_semaphore, #tpu.memory_space<semaphore_mem>>)
        %dma_wait3A_58 = arith.constant 0 : i32
        %dma_wait3A_59 = tpu.memref_slice %arg3[%add3A_44, %dma_wait3A_58] : memref<1250x128xi32, #tpu.memory_space<hbm>> -> memref<1x128xi32, #tpu.memory_space<hbm>>
        %dma_wait3A_60 = arith.constant 0 : i32
        %dma_wait3A_61 = tpu.memref_slice %arg3[%add3A_44, %dma_wait3A_60] : memref<1250x128xi32, #tpu.memory_space<hbm>> -> memref<1x128xi32, #tpu.memory_space<hbm>>
        tpu.wait_dma2 semaphore(%run_scoped3A : memref<!tpu.dma_semaphore, #tpu.memory_space<semaphore_mem>>) src(%dma_wait3A_61 : memref<1x128xi32, #tpu.memory_space<hbm>>) dst(%arg8 : memref<1x128xi32, #tpu.memory_space<vmem>>)
        tpu.yield
      }) : () -> ()
      %mul3A_45 = arith.constant 128 : i32
      %mul3A_46 = arith.muli %add3A_44, %mul3A_45 : i32
      "tpu.region"() ({
        %run_scoped3A = tpu.sem_alloc : memref<!tpu.dma_semaphore, #tpu.memory_space<semaphore_mem>>
        %dma_start3A_54 = arith.constant 0 : i32
        %dma_start3A_55 = tpu.memref_slice %arg2[%mul3A_46, %dma_start3A_54] : memref<160000x16xf32, #tpu.memory_space<hbm>> -> memref<128x16xf32, #tpu.memory_space<hbm>>
        %dma_start3A_56 = arith.constant 0 : i32
        %dma_start3A_57 = tpu.memref_slice %arg2[%mul3A_46, %dma_start3A_56] : memref<160000x16xf32, #tpu.memory_space<hbm>> -> memref<128x16xf32, #tpu.memory_space<hbm>>
        tpu.enqueue_dma source(%dma_start3A_57 : memref<128x16xf32, #tpu.memory_space<hbm>>) target(%arg9 : memref<128x16xf32, #tpu.memory_space<vmem>>) target_semaphore(%run_scoped3A : memref<!tpu.dma_semaphore, #tpu.memory_space<semaphore_mem>>)
        %dma_wait3A_58 = arith.constant 0 : i32
        %dma_wait3A_59 = tpu.memref_slice %arg2[%mul3A_46, %dma_wait3A_58] : memref<160000x16xf32, #tpu.memory_space<hbm>> -> memref<128x16xf32, #tpu.memory_space<hbm>>
        %dma_wait3A_60 = arith.constant 0 : i32
        %dma_wait3A_61 = tpu.memref_slice %arg2[%mul3A_46, %dma_wait3A_60] : memref<160000x16xf32, #tpu.memory_space<hbm>> -> memref<128x16xf32, #tpu.memory_space<hbm>>
        tpu.wait_dma2 semaphore(%run_scoped3A : memref<!tpu.dma_semaphore, #tpu.memory_space<semaphore_mem>>) src(%dma_wait3A_61 : memref<128x16xf32, #tpu.memory_space<hbm>>) dst(%arg9 : memref<128x16xf32, #tpu.memory_space<vmem>>)
        tpu.yield
      }) : () -> ()
      %dma_start3A_47 = arith.constant 0 : i32
      %dma_start3A_48 = arith.constant 0 : i32
      %dma_start3A_49 = tpu.memref_slice %arg8[%dma_start3A_47, %dma_start3A_48] : memref<1x128xi32, #tpu.memory_space<vmem>> -> memref<1x128xi32, #tpu.memory_space<vmem>>
      %dma_start3A_50 = tpu.memref_squeeze %dma_start3A_49 : memref<1x128xi32, #tpu.memory_space<vmem>> -> memref<128xi32, #tpu.memory_space<vmem>>
      %dma_start3A_51 = arith.constant 0 : i32
      %dma_start3A_52 = arith.constant 0 : i32
      %dma_start3A_53 = tpu.memref_slice %arg10[%dma_start3A_51, %dma_start3A_52] : memref<10000x16xf32, #tpu.memory_space<vmem_shared>> -> memref<10000x16xf32, #tpu.memory_space<vmem_shared>>
      tpu.enqueue_indirect_dma source(%arg9 : memref<128x16xf32, #tpu.memory_space<vmem>>) target(%dma_start3A_53 : memref<10000x16xf32, #tpu.memory_space<vmem_shared>>) offsets(%dma_start3A_50 : memref<128xi32, #tpu.memory_space<vmem>>) semaphore(%arg11 : memref<!tpu.dma_semaphore, #tpu.memory_space<semaphore_mem>>) {add = true}
    } else {
    }
    %dma_wait3A_24 = arith.constant 0 : i32
    %dma_wait3A_25 = arith.constant 0 : i32
    %dma_wait3A_26 = tpu.memref_slice %arg2[%dma_wait3A_24, %dma_wait3A_25] : memref<160000x16xf32, #tpu.memory_space<hbm>> -> memref<4992x16xf32, #tpu.memory_space<hbm>>
    %dma_wait3A_27 = arith.constant 0 : i32
    %dma_wait3A_28 = arith.constant 0 : i32
    %dma_wait3A_29 = tpu.memref_slice %arg2[%dma_wait3A_27, %dma_wait3A_28] : memref<160000x16xf32, #tpu.memory_space<hbm>> -> memref<4992x16xf32, #tpu.memory_space<hbm>>
    tpu.wait_dma2 semaphore(%arg11 : memref<!tpu.dma_semaphore, #tpu.memory_space<semaphore_mem>>) src(%dma_wait3A_29 : memref<4992x16xf32, #tpu.memory_space<hbm>>) dst(%arg7 : memref<4992x16xf32, #tpu.memory_space<vmem>>)
    %lt3A_30 = arith.constant 2 : i32
    %lt3A_31 = arith.cmpi slt, %add3A, %lt3A_30 : i32
    %convert_element_type3A_32 = arith.extui %lt3A_31 : i1 to i32
    %cond3A_33 = arith.constant 0 : i32
    %cond3A_34 = arith.cmpi ne, %convert_element_type3A_32, %cond3A_33 : i32
    scf.if %cond3A_34 {
      %dma_wait3A_43 = arith.constant 0 : i32
      %dma_wait3A_44 = arith.constant 0 : i32
      %dma_wait3A_45 = tpu.memref_slice %arg2[%dma_wait3A_43, %dma_wait3A_44] : memref<160000x16xf32, #tpu.memory_space<hbm>> -> memref<128x16xf32, #tpu.memory_space<hbm>>
      %dma_wait3A_46 = arith.constant 0 : i32
      %dma_wait3A_47 = arith.constant 0 : i32
      %dma_wait3A_48 = tpu.memref_slice %arg2[%dma_wait3A_46, %dma_wait3A_47] : memref<160000x16xf32, #tpu.memory_space<hbm>> -> memref<128x16xf32, #tpu.memory_space<hbm>>
      tpu.wait_dma2 semaphore(%arg11 : memref<!tpu.dma_semaphore, #tpu.memory_space<semaphore_mem>>) src(%dma_wait3A_48 : memref<128x16xf32, #tpu.memory_space<hbm>>) dst(%arg9 : memref<128x16xf32, #tpu.memory_space<vmem>>)
    } else {
    }
    %barrier3A_35 = arith.constant 0 : index
    tpu.barrier barrier_id(%barrier3A_35)
    %mul3A_36 = arith.constant 625 : i32
    %mul3A_37 = arith.muli %arg1, %mul3A_36 : i32
    %mul3A_38 = arith.constant 10000 : i32
    %mul3A_39 = arith.muli %arg0, %mul3A_38 : i32
    %mul3A_40 = arith.constant 625 : i32
    %mul3A_41 = arith.muli %arg1, %mul3A_40 : i32
    %add3A_42 = arith.addi %mul3A_39, %mul3A_41 : i32
    "tpu.region"() ({
      %run_scoped3A = tpu.sem_alloc : memref<!tpu.dma_semaphore, #tpu.memory_space<semaphore_mem>>
      %dma_start3A_43 = arith.constant 0 : i32
      %dma_start3A_44 = tpu.memref_slice %arg5[%add3A_42, %dma_start3A_43] : memref<20000x16xf32, #tpu.memory_space<hbm>> -> memref<625x16xf32, #tpu.memory_space<hbm>>
      %dma_start3A_45 = arith.constant 0 : i32
      %dma_start3A_46 = tpu.memref_slice %arg10[%mul3A_37, %dma_start3A_45] : memref<10000x16xf32, #tpu.memory_space<vmem_shared>> -> memref<625x16xf32, #tpu.memory_space<vmem_shared>>
      tpu.enqueue_dma source(%dma_start3A_46 : memref<625x16xf32, #tpu.memory_space<vmem_shared>>) target(%dma_start3A_44 : memref<625x16xf32, #tpu.memory_space<hbm>>) target_semaphore(%run_scoped3A : memref<!tpu.dma_semaphore, #tpu.memory_space<semaphore_mem>>)
      %dma_wait3A_47 = arith.constant 0 : i32
      %dma_wait3A_48 = tpu.memref_slice %arg5[%add3A_42, %dma_wait3A_47] : memref<20000x16xf32, #tpu.memory_space<hbm>> -> memref<625x16xf32, #tpu.memory_space<hbm>>
      %dma_wait3A_49 = arith.constant 0 : i32
      %dma_wait3A_50 = tpu.memref_slice %arg10[%mul3A_37, %dma_wait3A_49] : memref<10000x16xf32, #tpu.memory_space<vmem_shared>> -> memref<625x16xf32, #tpu.memory_space<vmem_shared>>
      tpu.wait_dma2 semaphore(%run_scoped3A : memref<!tpu.dma_semaphore, #tpu.memory_space<semaphore_mem>>) src(%dma_wait3A_50 : memref<625x16xf32, #tpu.memory_space<vmem_shared>>) dst(%dma_wait3A_48 : memref<625x16xf32, #tpu.memory_space<hbm>>)
      tpu.yield
    }) : () -> ()
    return
  }
}

#map = affine_map<(d0, d1) -> (0, 0)>
module attributes {stable_mosaic.version = 14 : i64} {
  func.func @_sc_scatter(%arg0: i32, %arg1: i32, %arg2: memref<160000x16xf32, #tpu.memory_space<hbm>>, %arg3: memref<1250x128xi32, #tpu.memory_space<hbm>>, %arg4: memref<10000x16xf32, #tpu.memory_space<hbm>>, %arg5: memref<20000x16xf32, #tpu.memory_space<hbm>>, %arg6: memref<39x128xi32, #tpu.memory_space<vmem>>, %arg7: memref<4992x16xf32, #tpu.memory_space<vmem>>, %arg8: memref<1x128xi32, #tpu.memory_space<vmem>>, %arg9: memref<128x16xf32, #tpu.memory_space<vmem>>, %arg10: memref<10000x16xf32, #tpu.memory_space<vmem_shared>>, %arg11: memref<!tpu.dma_semaphore, #tpu.memory_space<semaphore_mem>>, %arg12: memref<!tpu.dma_semaphore, #tpu.memory_space<semaphore_mem>>) attributes {dimension_semantics = [#tpu.dimension_semantics<core_parallel>, #tpu.dimension_semantics<subcore_parallel>], iteration_bounds = array<i64: 2, 16>, scalar_prefetch = 0 : i64, scratch_operands = 7 : i64, tpu.core_type = #tpu.core_type<sc_vector_subcore>, window_params = [{transform_indices = #map}, {transform_indices = #map}, {transform_indices = #map}, {transform_indices = #map}]} {
    %mul3A = arith.constant 2 : i32
    %mul3A_0 = arith.muli %arg1, %mul3A : i32
    %add3A = arith.addi %mul3A_0, %arg0 : i32
    %mul3A_1 = arith.constant 39 : i32
    %mul3A_2 = arith.muli %add3A, %mul3A_1 : i32
    %mul3A_3 = arith.constant 625 : i32
    %mul3A_4 = arith.muli %arg1, %mul3A_3 : i32
    %mul3A_5 = arith.constant 625 : i32
    %mul3A_6 = arith.muli %arg1, %mul3A_5 : i32
    %dma_start3A = arith.constant 0 : i32
    %dma_start3A_7 = tpu.memref_slice %arg10[%mul3A_6, %dma_start3A] : memref<10000x16xf32, #tpu.memory_space<vmem_shared>> -> memref<625x16xf32, #tpu.memory_space<vmem_shared>>
    %dma_start3A_8 = arith.constant 0 : i32
    %dma_start3A_9 = tpu.memref_slice %arg4[%mul3A_4, %dma_start3A_8] : memref<10000x16xf32, #tpu.memory_space<hbm>> -> memref<625x16xf32, #tpu.memory_space<hbm>>
    tpu.enqueue_dma source(%dma_start3A_9 : memref<625x16xf32, #tpu.memory_space<hbm>>) target(%dma_start3A_7 : memref<625x16xf32, #tpu.memory_space<vmem_shared>>) target_semaphore(%arg12 : memref<!tpu.dma_semaphore, #tpu.memory_space<semaphore_mem>>)
    "tpu.region"() ({
      %run_scoped3A = tpu.sem_alloc : memref<!tpu.dma_semaphore, #tpu.memory_space<semaphore_mem>>
      %dma_start3A_43 = arith.constant 0 : i32
      %dma_start3A_44 = tpu.memref_slice %arg3[%mul3A_2, %dma_start3A_43] : memref<1250x128xi32, #tpu.memory_space<hbm>> -> memref<39x128xi32, #tpu.memory_space<hbm>>
      %dma_start3A_45 = arith.constant 0 : i32
      %dma_start3A_46 = tpu.memref_slice %arg3[%mul3A_2, %dma_start3A_45] : memref<1250x128xi32, #tpu.memory_space<hbm>> -> memref<39x128xi32, #tpu.memory_space<hbm>>
      tpu.enqueue_dma source(%dma_start3A_46 : memref<39x128xi32, #tpu.memory_space<hbm>>) target(%arg6 : memref<39x128xi32, #tpu.memory_space<vmem>>) target_semaphore(%run_scoped3A : memref<!tpu.dma_semaphore, #tpu.memory_space<semaphore_mem>>)
      %dma_wait3A_47 = arith.constant 0 : i32
      %dma_wait3A_48 = tpu.memref_slice %arg3[%mul3A_2, %dma_wait3A_47] : memref<1250x128xi32, #tpu.memory_space<hbm>> -> memref<39x128xi32, #tpu.memory_space<hbm>>
      %dma_wait3A_49 = arith.constant 0 : i32
      %dma_wait3A_50 = tpu.memref_slice %arg3[%mul3A_2, %dma_wait3A_49] : memref<1250x128xi32, #tpu.memory_space<hbm>> -> memref<39x128xi32, #tpu.memory_space<hbm>>
      tpu.wait_dma2 semaphore(%run_scoped3A : memref<!tpu.dma_semaphore, #tpu.memory_space<semaphore_mem>>) src(%dma_wait3A_50 : memref<39x128xi32, #tpu.memory_space<hbm>>) dst(%arg6 : memref<39x128xi32, #tpu.memory_space<vmem>>)
      tpu.yield
    }) : () -> ()
    %mul3A_10 = arith.constant 128 : i32
    %mul3A_11 = arith.muli %mul3A_2, %mul3A_10 : i32
    "tpu.region"() ({
      %run_scoped3A = tpu.sem_alloc : memref<!tpu.dma_semaphore, #tpu.memory_space<semaphore_mem>>
      %dma_start3A_43 = arith.constant 0 : i32
      %dma_start3A_44 = tpu.memref_slice %arg2[%mul3A_11, %dma_start3A_43] : memref<160000x16xf32, #tpu.memory_space<hbm>> -> memref<4992x16xf32, #tpu.memory_space<hbm>>
      %dma_start3A_45 = arith.constant 0 : i32
      %dma_start3A_46 = tpu.memref_slice %arg2[%mul3A_11, %dma_start3A_45] : memref<160000x16xf32, #tpu.memory_space<hbm>> -> memref<4992x16xf32, #tpu.memory_space<hbm>>
      tpu.enqueue_dma source(%dma_start3A_46 : memref<4992x16xf32, #tpu.memory_space<hbm>>) target(%arg7 : memref<4992x16xf32, #tpu.memory_space<vmem>>) target_semaphore(%run_scoped3A : memref<!tpu.dma_semaphore, #tpu.memory_space<semaphore_mem>>)
      %dma_wait3A_47 = arith.constant 0 : i32
      %dma_wait3A_48 = tpu.memref_slice %arg2[%mul3A_11, %dma_wait3A_47] : memref<160000x16xf32, #tpu.memory_space<hbm>> -> memref<4992x16xf32, #tpu.memory_space<hbm>>
      %dma_wait3A_49 = arith.constant 0 : i32
      %dma_wait3A_50 = tpu.memref_slice %arg2[%mul3A_11, %dma_wait3A_49] : memref<160000x16xf32, #tpu.memory_space<hbm>> -> memref<4992x16xf32, #tpu.memory_space<hbm>>
      tpu.wait_dma2 semaphore(%run_scoped3A : memref<!tpu.dma_semaphore, #tpu.memory_space<semaphore_mem>>) src(%dma_wait3A_50 : memref<4992x16xf32, #tpu.memory_space<hbm>>) dst(%arg7 : memref<4992x16xf32, #tpu.memory_space<vmem>>)
      tpu.yield
    }) : () -> ()
    %dma_wait3A = arith.constant 0 : i32
    %dma_wait3A_12 = arith.constant 0 : i32
    %dma_wait3A_13 = tpu.memref_slice %arg10[%dma_wait3A, %dma_wait3A_12] : memref<10000x16xf32, #tpu.memory_space<vmem_shared>> -> memref<625x16xf32, #tpu.memory_space<vmem_shared>>
    %dma_wait3A_14 = arith.constant 0 : i32
    %dma_wait3A_15 = arith.constant 0 : i32
    %dma_wait3A_16 = tpu.memref_slice %arg4[%dma_wait3A_14, %dma_wait3A_15] : memref<10000x16xf32, #tpu.memory_space<hbm>> -> memref<625x16xf32, #tpu.memory_space<hbm>>
    tpu.wait_dma2 semaphore(%arg12 : memref<!tpu.dma_semaphore, #tpu.memory_space<semaphore_mem>>) src(%dma_wait3A_16 : memref<625x16xf32, #tpu.memory_space<hbm>>) dst(%dma_wait3A_13 : memref<625x16xf32, #tpu.memory_space<vmem_shared>>)
    %barrier3A = arith.constant 0 : index
    tpu.barrier barrier_id(%barrier3A)
    %scan3A = arith.constant 0 : i32
    %scan3A_17 = arith.constant 0 : i32
    %scan3A_18 = arith.constant 39 : i32
    %scan3A_19 = arith.addi %scan3A_17, %scan3A_18 : i32
    %scan3A_20 = arith.constant 1 : i32
    scf.for %scan3A_43 = %scan3A_17 to %scan3A_19 step %scan3A_20  : i32 {
      %mul3A_44 = arith.constant 128 : i32
      %mul3A_45 = arith.muli %scan3A_43, %mul3A_44 : i32
      %dma_start3A_46 = arith.constant 0 : i32
      %dma_start3A_47 = tpu.memref_slice %arg7[%mul3A_45, %dma_start3A_46] : memref<4992x16xf32, #tpu.memory_space<vmem>> -> memref<128x16xf32, #tpu.memory_space<vmem>>
      %dma_start3A_48 = arith.constant 0 : i32
      %dma_start3A_49 = tpu.memref_slice %arg6[%scan3A_43, %dma_start3A_48] : memref<39x128xi32, #tpu.memory_space<vmem>> -> memref<1x128xi32, #tpu.memory_space<vmem>>
      %dma_start3A_50 = tpu.memref_squeeze %dma_start3A_49 : memref<1x128xi32, #tpu.memory_space<vmem>> -> memref<128xi32, #tpu.memory_space<vmem>>
      %dma_start3A_51 = arith.constant 0 : i32
      %dma_start3A_52 = arith.constant 0 : i32
      %dma_start3A_53 = tpu.memref_slice %arg10[%dma_start3A_51, %dma_start3A_52] : memref<10000x16xf32, #tpu.memory_space<vmem_shared>> -> memref<10000x16xf32, #tpu.memory_space<vmem_shared>>
      tpu.enqueue_indirect_dma source(%dma_start3A_47 : memref<128x16xf32, #tpu.memory_space<vmem>>) target(%dma_start3A_53 : memref<10000x16xf32, #tpu.memory_space<vmem_shared>>) offsets(%dma_start3A_50 : memref<128xi32, #tpu.memory_space<vmem>>) semaphore(%arg11 : memref<!tpu.dma_semaphore, #tpu.memory_space<semaphore_mem>>) {add = true}
    }
    %scan3A_21 = arith.constant 39 : i32
    %lt3A = arith.constant 2 : i32
    %lt3A_22 = arith.cmpi slt, %add3A, %lt3A : i32
    %convert_element_type3A = arith.extui %lt3A_22 : i1 to i32
    %cond3A = arith.constant 0 : i32
    %cond3A_23 = arith.cmpi ne, %convert_element_type3A, %cond3A : i32
    scf.if %cond3A_23 {
      %add3A_43 = arith.constant 1248 : i32
      %add3A_44 = arith.addi %add3A_43, %add3A : i32
      "tpu.region"() ({
        %run_scoped3A = tpu.sem_alloc : memref<!tpu.dma_semaphore, #tpu.memory_space<semaphore_mem>>
        %dma_start3A_54 = arith.constant 0 : i32
        %dma_start3A_55 = tpu.memref_slice %arg3[%add3A_44, %dma_start3A_54] : memref<1250x128xi32, #tpu.memory_space<hbm>> -> memref<1x128xi32, #tpu.memory_space<hbm>>
        %dma_start3A_56 = arith.constant 0 : i32
        %dma_start3A_57 = tpu.memref_slice %arg3[%add3A_44, %dma_start3A_56] : memref<1250x128xi32, #tpu.memory_space<hbm>> -> memref<1x128xi32, #tpu.memory_space<hbm>>
        tpu.enqueue_dma source(%dma_start3A_57 : memref<1x128xi32, #tpu.memory_space<hbm>>) target(%arg8 : memref<1x128xi32, #tpu.memory_space<vmem>>) target_semaphore(%run_scoped3A : memref<!tpu.dma_semaphore, #tpu.memory_space<semaphore_mem>>)
        %dma_wait3A_58 = arith.constant 0 : i32
        %dma_wait3A_59 = tpu.memref_slice %arg3[%add3A_44, %dma_wait3A_58] : memref<1250x128xi32, #tpu.memory_space<hbm>> -> memref<1x128xi32, #tpu.memory_space<hbm>>
        %dma_wait3A_60 = arith.constant 0 : i32
        %dma_wait3A_61 = tpu.memref_slice %arg3[%add3A_44, %dma_wait3A_60] : memref<1250x128xi32, #tpu.memory_space<hbm>> -> memref<1x128xi32, #tpu.memory_space<hbm>>
        tpu.wait_dma2 semaphore(%run_scoped3A : memref<!tpu.dma_semaphore, #tpu.memory_space<semaphore_mem>>) src(%dma_wait3A_61 : memref<1x128xi32, #tpu.memory_space<hbm>>) dst(%arg8 : memref<1x128xi32, #tpu.memory_space<vmem>>)
        tpu.yield
      }) : () -> ()
      %mul3A_45 = arith.constant 128 : i32
      %mul3A_46 = arith.muli %add3A_44, %mul3A_45 : i32
      "tpu.region"() ({
        %run_scoped3A = tpu.sem_alloc : memref<!tpu.dma_semaphore, #tpu.memory_space<semaphore_mem>>
        %dma_start3A_54 = arith.constant 0 : i32
        %dma_start3A_55 = tpu.memref_slice %arg2[%mul3A_46, %dma_start3A_54] : memref<160000x16xf32, #tpu.memory_space<hbm>> -> memref<128x16xf32, #tpu.memory_space<hbm>>
        %dma_start3A_56 = arith.constant 0 : i32
        %dma_start3A_57 = tpu.memref_slice %arg2[%mul3A_46, %dma_start3A_56] : memref<160000x16xf32, #tpu.memory_space<hbm>> -> memref<128x16xf32, #tpu.memory_space<hbm>>
        tpu.enqueue_dma source(%dma_start3A_57 : memref<128x16xf32, #tpu.memory_space<hbm>>) target(%arg9 : memref<128x16xf32, #tpu.memory_space<vmem>>) target_semaphore(%run_scoped3A : memref<!tpu.dma_semaphore, #tpu.memory_space<semaphore_mem>>)
        %dma_wait3A_58 = arith.constant 0 : i32
        %dma_wait3A_59 = tpu.memref_slice %arg2[%mul3A_46, %dma_wait3A_58] : memref<160000x16xf32, #tpu.memory_space<hbm>> -> memref<128x16xf32, #tpu.memory_space<hbm>>
        %dma_wait3A_60 = arith.constant 0 : i32
        %dma_wait3A_61 = tpu.memref_slice %arg2[%mul3A_46, %dma_wait3A_60] : memref<160000x16xf32, #tpu.memory_space<hbm>> -> memref<128x16xf32, #tpu.memory_space<hbm>>
        tpu.wait_dma2 semaphore(%run_scoped3A : memref<!tpu.dma_semaphore, #tpu.memory_space<semaphore_mem>>) src(%dma_wait3A_61 : memref<128x16xf32, #tpu.memory_space<hbm>>) dst(%arg9 : memref<128x16xf32, #tpu.memory_space<vmem>>)
        tpu.yield
      }) : () -> ()
      %dma_start3A_47 = arith.constant 0 : i32
      %dma_start3A_48 = arith.constant 0 : i32
      %dma_start3A_49 = tpu.memref_slice %arg8[%dma_start3A_47, %dma_start3A_48] : memref<1x128xi32, #tpu.memory_space<vmem>> -> memref<1x128xi32, #tpu.memory_space<vmem>>
      %dma_start3A_50 = tpu.memref_squeeze %dma_start3A_49 : memref<1x128xi32, #tpu.memory_space<vmem>> -> memref<128xi32, #tpu.memory_space<vmem>>
      %dma_start3A_51 = arith.constant 0 : i32
      %dma_start3A_52 = arith.constant 0 : i32
      %dma_start3A_53 = tpu.memref_slice %arg10[%dma_start3A_51, %dma_start3A_52] : memref<10000x16xf32, #tpu.memory_space<vmem_shared>> -> memref<10000x16xf32, #tpu.memory_space<vmem_shared>>
      tpu.enqueue_indirect_dma source(%arg9 : memref<128x16xf32, #tpu.memory_space<vmem>>) target(%dma_start3A_53 : memref<10000x16xf32, #tpu.memory_space<vmem_shared>>) offsets(%dma_start3A_50 : memref<128xi32, #tpu.memory_space<vmem>>) semaphore(%arg11 : memref<!tpu.dma_semaphore, #tpu.memory_space<semaphore_mem>>) {add = true}
    } else {
    }
    %dma_wait3A_24 = arith.constant 0 : i32
    %dma_wait3A_25 = arith.constant 0 : i32
    %dma_wait3A_26 = tpu.memref_slice %arg2[%dma_wait3A_24, %dma_wait3A_25] : memref<160000x16xf32, #tpu.memory_space<hbm>> -> memref<4992x16xf32, #tpu.memory_space<hbm>>
    %dma_wait3A_27 = arith.constant 0 : i32
    %dma_wait3A_28 = arith.constant 0 : i32
    %dma_wait3A_29 = tpu.memref_slice %arg2[%dma_wait3A_27, %dma_wait3A_28] : memref<160000x16xf32, #tpu.memory_space<hbm>> -> memref<4992x16xf32, #tpu.memory_space<hbm>>
    tpu.wait_dma2 semaphore(%arg11 : memref<!tpu.dma_semaphore, #tpu.memory_space<semaphore_mem>>) src(%dma_wait3A_29 : memref<4992x16xf32, #tpu.memory_space<hbm>>) dst(%arg7 : memref<4992x16xf32, #tpu.memory_space<vmem>>)
    %lt3A_30 = arith.constant 2 : i32
    %lt3A_31 = arith.cmpi slt, %add3A, %lt3A_30 : i32
    %convert_element_type3A_32 = arith.extui %lt3A_31 : i1 to i32
    %cond3A_33 = arith.constant 0 : i32
    %cond3A_34 = arith.cmpi ne, %convert_element_type3A_32, %cond3A_33 : i32
    scf.if %cond3A_34 {
      %dma_wait3A_43 = arith.constant 0 : i32
      %dma_wait3A_44 = arith.constant 0 : i32
      %dma_wait3A_45 = tpu.memref_slice %arg2[%dma_wait3A_43, %dma_wait3A_44] : memref<160000x16xf32, #tpu.memory_space<hbm>> -> memref<128x16xf32, #tpu.memory_space<hbm>>
      %dma_wait3A_46 = arith.constant 0 : i32
      %dma_wait3A_47 = arith.constant 0 : i32
      %dma_wait3A_48 = tpu.memref_slice %arg2[%dma_wait3A_46, %dma_wait3A_47] : memref<160000x16xf32, #tpu.memory_space<hbm>> -> memref<128x16xf32, #tpu.memory_space<hbm>>
      tpu.wait_dma2 semaphore(%arg11 : memref<!tpu.dma_semaphore, #tpu.memory_space<semaphore_mem>>) src(%dma_wait3A_48 : memref<128x16xf32, #tpu.memory_space<hbm>>) dst(%arg9 : memref<128x16xf32, #tpu.memory_space<vmem>>)
    } else {
    }
    %barrier3A_35 = arith.constant 0 : index
    tpu.barrier barrier_id(%barrier3A_35)
    %mul3A_36 = arith.constant 625 : i32
    %mul3A_37 = arith.muli %arg1, %mul3A_36 : i32
    %mul3A_38 = arith.constant 10000 : i32
    %mul3A_39 = arith.muli %arg0, %mul3A_38 : i32
    %mul3A_40 = arith.constant 625 : i32
    %mul3A_41 = arith.muli %arg1, %mul3A_40 : i32
    %add3A_42 = arith.addi %mul3A_39, %mul3A_41 : i32
    "tpu.region"() ({
      %run_scoped3A = tpu.sem_alloc : memref<!tpu.dma_semaphore, #tpu.memory_space<semaphore_mem>>
      %dma_start3A_43 = arith.constant 0 : i32
      %dma_start3A_44 = tpu.memref_slice %arg5[%add3A_42, %dma_start3A_43] : memref<20000x16xf32, #tpu.memory_space<hbm>> -> memref<625x16xf32, #tpu.memory_space<hbm>>
      %dma_start3A_45 = arith.constant 0 : i32
      %dma_start3A_46 = tpu.memref_slice %arg10[%mul3A_37, %dma_start3A_45] : memref<10000x16xf32, #tpu.memory_space<vmem_shared>> -> memref<625x16xf32, #tpu.memory_space<vmem_shared>>
      tpu.enqueue_dma source(%dma_start3A_46 : memref<625x16xf32, #tpu.memory_space<vmem_shared>>) target(%dma_start3A_44 : memref<625x16xf32, #tpu.memory_space<hbm>>) target_semaphore(%run_scoped3A : memref<!tpu.dma_semaphore, #tpu.memory_space<semaphore_mem>>)
      %dma_wait3A_47 = arith.constant 0 : i32
      %dma_wait3A_48 = tpu.memref_slice %arg5[%add3A_42, %dma_wait3A_47] : memref<20000x16xf32, #tpu.memory_space<hbm>> -> memref<625x16xf32, #tpu.memory_space<hbm>>
      %dma_wait3A_49 = arith.constant 0 : i32
      %dma_wait3A_50 = tpu.memref_slice %arg10[%mul3A_37, %dma_wait3A_49] : memref<10000x16xf32, #tpu.memory_space<vmem_shared>> -> memref<625x16xf32, #tpu.memory_space<vmem_shared>>
      tpu.wait_dma2 semaphore(%run_scoped3A : memref<!tpu.dma_semaphore, #tpu.memory_space<semaphore_mem>>) src(%dma_wait3A_50 : memref<625x16xf32, #tpu.memory_space<vmem_shared>>) dst(%dma_wait3A_48 : memref<625x16xf32, #tpu.memory_space<hbm>>)
      tpu.yield
    }) : () -> ()
    return
  }
}

#map = affine_map<(d0, d1) -> (0, 0)>
module attributes {stable_mosaic.version = 14 : i64} {
  func.func @_sc_gather(%arg0: i32, %arg1: i32, %arg2: memref<10000x16xf32, #tpu.memory_space<hbm>>, %arg3: memref<1250x128xi32, #tpu.memory_space<hbm>>, %arg4: memref<160000x16xf32, #tpu.memory_space<hbm>>, %arg5: memref<39x128xi32, #tpu.memory_space<vmem>>, %arg6: memref<4992x16xf32, #tpu.memory_space<vmem>>, %arg7: memref<1x128xi32, #tpu.memory_space<vmem>>, %arg8: memref<128x16xf32, #tpu.memory_space<vmem>>, %arg9: memref<!tpu.dma_semaphore, #tpu.memory_space<semaphore_mem>>, %arg10: memref<!tpu.dma_semaphore, #tpu.memory_space<semaphore_mem>>) attributes {dimension_semantics = [#tpu.dimension_semantics<core_parallel>, #tpu.dimension_semantics<subcore_parallel>], iteration_bounds = array<i64: 2, 16>, scalar_prefetch = 0 : i64, scratch_operands = 6 : i64, tpu.core_type = #tpu.core_type<sc_vector_subcore>, window_params = [{transform_indices = #map}, {transform_indices = #map}, {transform_indices = #map}]} {
    %mul3A = arith.constant 2 : i32
    %mul3A_0 = arith.muli %arg1, %mul3A : i32
    %add3A = arith.addi %mul3A_0, %arg0 : i32
    %mul3A_1 = arith.constant 39 : i32
    %mul3A_2 = arith.muli %add3A, %mul3A_1 : i32
    "tpu.region"() ({
      %run_scoped3A = tpu.sem_alloc : memref<!tpu.dma_semaphore, #tpu.memory_space<semaphore_mem>>
      %dma_start3A = arith.constant 0 : i32
      %dma_start3A_22 = tpu.memref_slice %arg3[%mul3A_2, %dma_start3A] : memref<1250x128xi32, #tpu.memory_space<hbm>> -> memref<39x128xi32, #tpu.memory_space<hbm>>
      %dma_start3A_23 = arith.constant 0 : i32
      %dma_start3A_24 = tpu.memref_slice %arg3[%mul3A_2, %dma_start3A_23] : memref<1250x128xi32, #tpu.memory_space<hbm>> -> memref<39x128xi32, #tpu.memory_space<hbm>>
      tpu.enqueue_dma source(%dma_start3A_24 : memref<39x128xi32, #tpu.memory_space<hbm>>) target(%arg5 : memref<39x128xi32, #tpu.memory_space<vmem>>) target_semaphore(%run_scoped3A : memref<!tpu.dma_semaphore, #tpu.memory_space<semaphore_mem>>)
      %dma_wait3A_25 = arith.constant 0 : i32
      %dma_wait3A_26 = tpu.memref_slice %arg3[%mul3A_2, %dma_wait3A_25] : memref<1250x128xi32, #tpu.memory_space<hbm>> -> memref<39x128xi32, #tpu.memory_space<hbm>>
      %dma_wait3A_27 = arith.constant 0 : i32
      %dma_wait3A_28 = tpu.memref_slice %arg3[%mul3A_2, %dma_wait3A_27] : memref<1250x128xi32, #tpu.memory_space<hbm>> -> memref<39x128xi32, #tpu.memory_space<hbm>>
      tpu.wait_dma2 semaphore(%run_scoped3A : memref<!tpu.dma_semaphore, #tpu.memory_space<semaphore_mem>>) src(%dma_wait3A_28 : memref<39x128xi32, #tpu.memory_space<hbm>>) dst(%arg5 : memref<39x128xi32, #tpu.memory_space<vmem>>)
      tpu.yield
    }) : () -> ()
    %scan3A = arith.constant 0 : i32
    %scan3A_3 = arith.constant 0 : i32
    %scan3A_4 = arith.constant 39 : i32
    %scan3A_5 = arith.addi %scan3A_3, %scan3A_4 : i32
    %scan3A_6 = arith.constant 1 : i32
    scf.for %scan3A_22 = %scan3A_3 to %scan3A_5 step %scan3A_6  : i32 {
      %mul3A_23 = arith.constant 128 : i32
      %mul3A_24 = arith.muli %scan3A_22, %mul3A_23 : i32
      %dma_start3A = arith.constant 0 : i32
      %dma_start3A_25 = tpu.memref_slice %arg6[%mul3A_24, %dma_start3A] : memref<4992x16xf32, #tpu.memory_space<vmem>> -> memref<128x16xf32, #tpu.memory_space<vmem>>
      %dma_start3A_26 = arith.constant 0 : i32
      %dma_start3A_27 = tpu.memref_slice %arg5[%scan3A_22, %dma_start3A_26] : memref<39x128xi32, #tpu.memory_space<vmem>> -> memref<1x128xi32, #tpu.memory_space<vmem>>
      %dma_start3A_28 = tpu.memref_squeeze %dma_start3A_27 : memref<1x128xi32, #tpu.memory_space<vmem>> -> memref<128xi32, #tpu.memory_space<vmem>>
      %dma_start3A_29 = arith.constant 0 : i32
      %dma_start3A_30 = arith.constant 0 : i32
      %dma_start3A_31 = tpu.memref_slice %arg2[%dma_start3A_29, %dma_start3A_30] : memref<10000x16xf32, #tpu.memory_space<hbm>> -> memref<10000x16xf32, #tpu.memory_space<hbm>>
      tpu.enqueue_indirect_dma source(%dma_start3A_31 : memref<10000x16xf32, #tpu.memory_space<hbm>>) target(%dma_start3A_25 : memref<128x16xf32, #tpu.memory_space<vmem>>) offsets(%dma_start3A_28 : memref<128xi32, #tpu.memory_space<vmem>>) semaphore(%arg9 : memref<!tpu.dma_semaphore, #tpu.memory_space<semaphore_mem>>)
    }
    %scan3A_7 = arith.constant 39 : i32
    %lt3A = arith.constant 2 : i32
    %lt3A_8 = arith.cmpi slt, %add3A, %lt3A : i32
    %convert_element_type3A = arith.extui %lt3A_8 : i1 to i32
    %cond3A = arith.constant 0 : i32
    %cond3A_9 = arith.cmpi ne, %convert_element_type3A, %cond3A : i32
    scf.if %cond3A_9 {
      %add3A_22 = arith.constant 1248 : i32
      %add3A_23 = arith.addi %add3A_22, %add3A : i32
      "tpu.region"() ({
        %run_scoped3A = tpu.sem_alloc : memref<!tpu.dma_semaphore, #tpu.memory_space<semaphore_mem>>
        %dma_start3A_30 = arith.constant 0 : i32
        %dma_start3A_31 = tpu.memref_slice %arg3[%add3A_23, %dma_start3A_30] : memref<1250x128xi32, #tpu.memory_space<hbm>> -> memref<1x128xi32, #tpu.memory_space<hbm>>
        %dma_start3A_32 = arith.constant 0 : i32
        %dma_start3A_33 = tpu.memref_slice %arg3[%add3A_23, %dma_start3A_32] : memref<1250x128xi32, #tpu.memory_space<hbm>> -> memref<1x128xi32, #tpu.memory_space<hbm>>
        tpu.enqueue_dma source(%dma_start3A_33 : memref<1x128xi32, #tpu.memory_space<hbm>>) target(%arg7 : memref<1x128xi32, #tpu.memory_space<vmem>>) target_semaphore(%run_scoped3A : memref<!tpu.dma_semaphore, #tpu.memory_space<semaphore_mem>>)
        %dma_wait3A_34 = arith.constant 0 : i32
        %dma_wait3A_35 = tpu.memref_slice %arg3[%add3A_23, %dma_wait3A_34] : memref<1250x128xi32, #tpu.memory_space<hbm>> -> memref<1x128xi32, #tpu.memory_space<hbm>>
        %dma_wait3A_36 = arith.constant 0 : i32
        %dma_wait3A_37 = tpu.memref_slice %arg3[%add3A_23, %dma_wait3A_36] : memref<1250x128xi32, #tpu.memory_space<hbm>> -> memref<1x128xi32, #tpu.memory_space<hbm>>
        tpu.wait_dma2 semaphore(%run_scoped3A : memref<!tpu.dma_semaphore, #tpu.memory_space<semaphore_mem>>) src(%dma_wait3A_37 : memref<1x128xi32, #tpu.memory_space<hbm>>) dst(%arg7 : memref<1x128xi32, #tpu.memory_space<vmem>>)
        tpu.yield
      }) : () -> ()
      %dma_start3A = arith.constant 0 : i32
      %dma_start3A_24 = arith.constant 0 : i32
      %dma_start3A_25 = tpu.memref_slice %arg7[%dma_start3A, %dma_start3A_24] : memref<1x128xi32, #tpu.memory_space<vmem>> -> memref<1x128xi32, #tpu.memory_space<vmem>>
      %dma_start3A_26 = tpu.memref_squeeze %dma_start3A_25 : memref<1x128xi32, #tpu.memory_space<vmem>> -> memref<128xi32, #tpu.memory_space<vmem>>
      %dma_start3A_27 = arith.constant 0 : i32
      %dma_start3A_28 = arith.constant 0 : i32
      %dma_start3A_29 = tpu.memref_slice %arg2[%dma_start3A_27, %dma_start3A_28] : memref<10000x16xf32, #tpu.memory_space<hbm>> -> memref<10000x16xf32, #tpu.memory_space<hbm>>
      tpu.enqueue_indirect_dma source(%dma_start3A_29 : memref<10000x16xf32, #tpu.memory_space<hbm>>) target(%arg8 : memref<128x16xf32, #tpu.memory_space<vmem>>) offsets(%dma_start3A_26 : memref<128xi32, #tpu.memory_space<vmem>>) semaphore(%arg10 : memref<!tpu.dma_semaphore, #tpu.memory_space<semaphore_mem>>)
    } else {
    }
    %dma_wait3A = arith.constant 0 : i32
    %dma_wait3A_10 = arith.constant 0 : i32
    %dma_wait3A_11 = tpu.memref_slice %arg4[%dma_wait3A, %dma_wait3A_10] : memref<160000x16xf32, #tpu.memory_space<hbm>> -> memref<4992x16xf32, #tpu.memory_space<hbm>>
    %dma_wait3A_12 = arith.constant 0 : i32
    %dma_wait3A_13 = arith.constant 0 : i32
    %dma_wait3A_14 = tpu.memref_slice %arg4[%dma_wait3A_12, %dma_wait3A_13] : memref<160000x16xf32, #tpu.memory_space<hbm>> -> memref<4992x16xf32, #tpu.memory_space<hbm>>
    tpu.wait_dma2 semaphore(%arg9 : memref<!tpu.dma_semaphore, #tpu.memory_space<semaphore_mem>>) src(%dma_wait3A_14 : memref<4992x16xf32, #tpu.memory_space<hbm>>) dst(%arg6 : memref<4992x16xf32, #tpu.memory_space<vmem>>)
    %mul3A_15 = arith.constant 128 : i32
    %mul3A_16 = arith.muli %mul3A_2, %mul3A_15 : i32
    "tpu.region"() ({
      %run_scoped3A = tpu.sem_alloc : memref<!tpu.dma_semaphore, #tpu.memory_space<semaphore_mem>>
      %dma_start3A = arith.constant 0 : i32
      %dma_start3A_22 = tpu.memref_slice %arg4[%mul3A_16, %dma_start3A] : memref<160000x16xf32, #tpu.memory_space<hbm>> -> memref<4992x16xf32, #tpu.memory_space<hbm>>
      %dma_start3A_23 = arith.constant 0 : i32
      %dma_start3A_24 = tpu.memref_slice %arg4[%mul3A_16, %dma_start3A_23] : memref<160000x16xf32, #tpu.memory_space<hbm>> -> memref<4992x16xf32, #tpu.memory_space<hbm>>
      tpu.enqueue_dma source(%arg6 : memref<4992x16xf32, #tpu.memory_space<vmem>>) target(%dma_start3A_24 : memref<4992x16xf32, #tpu.memory_space<hbm>>) target_semaphore(%run_scoped3A : memref<!tpu.dma_semaphore, #tpu.memory_space<semaphore_mem>>)
      %dma_wait3A_25 = arith.constant 0 : i32
      %dma_wait3A_26 = tpu.memref_slice %arg4[%mul3A_16, %dma_wait3A_25] : memref<160000x16xf32, #tpu.memory_space<hbm>> -> memref<4992x16xf32, #tpu.memory_space<hbm>>
      %dma_wait3A_27 = arith.constant 0 : i32
      %dma_wait3A_28 = tpu.memref_slice %arg4[%mul3A_16, %dma_wait3A_27] : memref<160000x16xf32, #tpu.memory_space<hbm>> -> memref<4992x16xf32, #tpu.memory_space<hbm>>
      tpu.wait_dma2 semaphore(%run_scoped3A : memref<!tpu.dma_semaphore, #tpu.memory_space<semaphore_mem>>) src(%arg6 : memref<4992x16xf32, #tpu.memory_space<vmem>>) dst(%dma_wait3A_28 : memref<4992x16xf32, #tpu.memory_space<hbm>>)
      tpu.yield
    }) : () -> ()
    %lt3A_17 = arith.constant 2 : i32
    %lt3A_18 = arith.cmpi slt, %add3A, %lt3A_17 : i32
    %convert_element_type3A_19 = arith.extui %lt3A_18 : i1 to i32
    %cond3A_20 = arith.constant 0 : i32
    %cond3A_21 = arith.cmpi ne, %convert_element_type3A_19, %cond3A_20 : i32
    scf.if %cond3A_21 {
      %add3A_22 = arith.constant 1248 : i32
      %add3A_23 = arith.addi %add3A_22, %add3A : i32
      %dma_wait3A_24 = arith.constant 0 : i32
      %dma_wait3A_25 = arith.constant 0 : i32
      %dma_wait3A_26 = tpu.memref_slice %arg4[%dma_wait3A_24, %dma_wait3A_25] : memref<160000x16xf32, #tpu.memory_space<hbm>> -> memref<128x16xf32, #tpu.memory_space<hbm>>
      %dma_wait3A_27 = arith.constant 0 : i32
      %dma_wait3A_28 = arith.constant 0 : i32
      %dma_wait3A_29 = tpu.memref_slice %arg4[%dma_wait3A_27, %dma_wait3A_28] : memref<160000x16xf32, #tpu.memory_space<hbm>> -> memref<128x16xf32, #tpu.memory_space<hbm>>
      tpu.wait_dma2 semaphore(%arg10 : memref<!tpu.dma_semaphore, #tpu.memory_space<semaphore_mem>>) src(%dma_wait3A_29 : memref<128x16xf32, #tpu.memory_space<hbm>>) dst(%arg8 : memref<128x16xf32, #tpu.memory_space<vmem>>)
      %mul3A_30 = arith.constant 128 : i32
      %mul3A_31 = arith.muli %add3A_23, %mul3A_30 : i32
      "tpu.region"() ({
        %run_scoped3A = tpu.sem_alloc : memref<!tpu.dma_semaphore, #tpu.memory_space<semaphore_mem>>
        %dma_start3A = arith.constant 0 : i32
        %dma_start3A_32 = tpu.memref_slice %arg4[%mul3A_31, %dma_start3A] : memref<160000x16xf32, #tpu.memory_space<hbm>> -> memref<128x16xf32, #tpu.memory_space<hbm>>
        %dma_start3A_33 = arith.constant 0 : i32
        %dma_start3A_34 = tpu.memref_slice %arg4[%mul3A_31, %dma_start3A_33] : memref<160000x16xf32, #tpu.memory_space<hbm>> -> memref<128x16xf32, #tpu.memory_space<hbm>>
        tpu.enqueue_dma source(%arg8 : memref<128x16xf32, #tpu.memory_space<vmem>>) target(%dma_start3A_34 : memref<128x16xf32, #tpu.memory_space<hbm>>) target_semaphore(%run_scoped3A : memref<!tpu.dma_semaphore, #tpu.memory_space<semaphore_mem>>)
        %dma_wait3A_35 = arith.constant 0 : i32
        %dma_wait3A_36 = tpu.memref_slice %arg4[%mul3A_31, %dma_wait3A_35] : memref<160000x16xf32, #tpu.memory_space<hbm>> -> memref<128x16xf32, #tpu.memory_space<hbm>>
        %dma_wait3A_37 = arith.constant 0 : i32
        %dma_wait3A_38 = tpu.memref_slice %arg4[%mul3A_31, %dma_wait3A_37] : memref<160000x16xf32, #tpu.memory_space<hbm>> -> memref<128x16xf32, #tpu.memory_space<hbm>>
        tpu.wait_dma2 semaphore(%run_scoped3A : memref<!tpu.dma_semaphore, #tpu.memory_space<semaphore_mem>>) src(%arg8 : memref<128x16xf32, #tpu.memory_space<vmem>>) dst(%dma_wait3A_38 : memref<128x16xf32, #tpu.memory_space<hbm>>)
        tpu.yield
      }) : () -> ()
    } else {
    }
    return
  }
}

#map = affine_map<(d0, d1) -> (0, 0)>
module attributes {stable_mosaic.version = 14 : i64} {
  func.func @_sc_gather(%arg0: i32, %arg1: i32, %arg2: memref<10000x16xf32, #tpu.memory_space<hbm>>, %arg3: memref<1250x128xi32, #tpu.memory_space<hbm>>, %arg4: memref<160000x16xf32, #tpu.memory_space<hbm>>, %arg5: memref<39x128xi32, #tpu.memory_space<vmem>>, %arg6: memref<4992x16xf32, #tpu.memory_space<vmem>>, %arg7: memref<1x128xi32, #tpu.memory_space<vmem>>, %arg8: memref<128x16xf32, #tpu.memory_space<vmem>>, %arg9: memref<!tpu.dma_semaphore, #tpu.memory_space<semaphore_mem>>, %arg10: memref<!tpu.dma_semaphore, #tpu.memory_space<semaphore_mem>>) attributes {dimension_semantics = [#tpu.dimension_semantics<core_parallel>, #tpu.dimension_semantics<subcore_parallel>], iteration_bounds = array<i64: 2, 16>, scalar_prefetch = 0 : i64, scratch_operands = 6 : i64, tpu.core_type = #tpu.core_type<sc_vector_subcore>, window_params = [{transform_indices = #map}, {transform_indices = #map}, {transform_indices = #map}]} {
    %mul3A = arith.constant 2 : i32
    %mul3A_0 = arith.muli %arg1, %mul3A : i32
    %add3A = arith.addi %mul3A_0, %arg0 : i32
    %mul3A_1 = arith.constant 39 : i32
    %mul3A_2 = arith.muli %add3A, %mul3A_1 : i32
    "tpu.region"() ({
      %run_scoped3A = tpu.sem_alloc : memref<!tpu.dma_semaphore, #tpu.memory_space<semaphore_mem>>
      %dma_start3A = arith.constant 0 : i32
      %dma_start3A_22 = tpu.memref_slice %arg3[%mul3A_2, %dma_start3A] : memref<1250x128xi32, #tpu.memory_space<hbm>> -> memref<39x128xi32, #tpu.memory_space<hbm>>
      %dma_start3A_23 = arith.constant 0 : i32
      %dma_start3A_24 = tpu.memref_slice %arg3[%mul3A_2, %dma_start3A_23] : memref<1250x128xi32, #tpu.memory_space<hbm>> -> memref<39x128xi32, #tpu.memory_space<hbm>>
      tpu.enqueue_dma source(%dma_start3A_24 : memref<39x128xi32, #tpu.memory_space<hbm>>) target(%arg5 : memref<39x128xi32, #tpu.memory_space<vmem>>) target_semaphore(%run_scoped3A : memref<!tpu.dma_semaphore, #tpu.memory_space<semaphore_mem>>)
      %dma_wait3A_25 = arith.constant 0 : i32
      %dma_wait3A_26 = tpu.memref_slice %arg3[%mul3A_2, %dma_wait3A_25] : memref<1250x128xi32, #tpu.memory_space<hbm>> -> memref<39x128xi32, #tpu.memory_space<hbm>>
      %dma_wait3A_27 = arith.constant 0 : i32
      %dma_wait3A_28 = tpu.memref_slice %arg3[%mul3A_2, %dma_wait3A_27] : memref<1250x128xi32, #tpu.memory_space<hbm>> -> memref<39x128xi32, #tpu.memory_space<hbm>>
      tpu.wait_dma2 semaphore(%run_scoped3A : memref<!tpu.dma_semaphore, #tpu.memory_space<semaphore_mem>>) src(%dma_wait3A_28 : memref<39x128xi32, #tpu.memory_space<hbm>>) dst(%arg5 : memref<39x128xi32, #tpu.memory_space<vmem>>)
      tpu.yield
    }) : () -> ()
    %scan3A = arith.constant 0 : i32
    %scan3A_3 = arith.constant 0 : i32
    %scan3A_4 = arith.constant 39 : i32
    %scan3A_5 = arith.addi %scan3A_3, %scan3A_4 : i32
    %scan3A_6 = arith.constant 1 : i32
    scf.for %scan3A_22 = %scan3A_3 to %scan3A_5 step %scan3A_6  : i32 {
      %mul3A_23 = arith.constant 128 : i32
      %mul3A_24 = arith.muli %scan3A_22, %mul3A_23 : i32
      %dma_start3A = arith.constant 0 : i32
      %dma_start3A_25 = tpu.memref_slice %arg6[%mul3A_24, %dma_start3A] : memref<4992x16xf32, #tpu.memory_space<vmem>> -> memref<128x16xf32, #tpu.memory_space<vmem>>
      %dma_start3A_26 = arith.constant 0 : i32
      %dma_start3A_27 = tpu.memref_slice %arg5[%scan3A_22, %dma_start3A_26] : memref<39x128xi32, #tpu.memory_space<vmem>> -> memref<1x128xi32, #tpu.memory_space<vmem>>
      %dma_start3A_28 = tpu.memref_squeeze %dma_start3A_27 : memref<1x128xi32, #tpu.memory_space<vmem>> -> memref<128xi32, #tpu.memory_space<vmem>>
      %dma_start3A_29 = arith.constant 0 : i32
      %dma_start3A_30 = arith.constant 0 : i32
      %dma_start3A_31 = tpu.memref_slice %arg2[%dma_start3A_29, %dma_start3A_30] : memref<10000x16xf32, #tpu.memory_space<hbm>> -> memref<10000x16xf32, #tpu.memory_space<hbm>>
      tpu.enqueue_indirect_dma source(%dma_start3A_31 : memref<10000x16xf32, #tpu.memory_space<hbm>>) target(%dma_start3A_25 : memref<128x16xf32, #tpu.memory_space<vmem>>) offsets(%dma_start3A_28 : memref<128xi32, #tpu.memory_space<vmem>>) semaphore(%arg9 : memref<!tpu.dma_semaphore, #tpu.memory_space<semaphore_mem>>)
    }
    %scan3A_7 = arith.constant 39 : i32
    %lt3A = arith.constant 2 : i32
    %lt3A_8 = arith.cmpi slt, %add3A, %lt3A : i32
    %convert_element_type3A = arith.extui %lt3A_8 : i1 to i32
    %cond3A = arith.constant 0 : i32
    %cond3A_9 = arith.cmpi ne, %convert_element_type3A, %cond3A : i32
    scf.if %cond3A_9 {
      %add3A_22 = arith.constant 1248 : i32
      %add3A_23 = arith.addi %add3A_22, %add3A : i32
      "tpu.region"() ({
        %run_scoped3A = tpu.sem_alloc : memref<!tpu.dma_semaphore, #tpu.memory_space<semaphore_mem>>
        %dma_start3A_30 = arith.constant 0 : i32
        %dma_start3A_31 = tpu.memref_slice %arg3[%add3A_23, %dma_start3A_30] : memref<1250x128xi32, #tpu.memory_space<hbm>> -> memref<1x128xi32, #tpu.memory_space<hbm>>
        %dma_start3A_32 = arith.constant 0 : i32
        %dma_start3A_33 = tpu.memref_slice %arg3[%add3A_23, %dma_start3A_32] : memref<1250x128xi32, #tpu.memory_space<hbm>> -> memref<1x128xi32, #tpu.memory_space<hbm>>
        tpu.enqueue_dma source(%dma_start3A_33 : memref<1x128xi32, #tpu.memory_space<hbm>>) target(%arg7 : memref<1x128xi32, #tpu.memory_space<vmem>>) target_semaphore(%run_scoped3A : memref<!tpu.dma_semaphore, #tpu.memory_space<semaphore_mem>>)
        %dma_wait3A_34 = arith.constant 0 : i32
        %dma_wait3A_35 = tpu.memref_slice %arg3[%add3A_23, %dma_wait3A_34] : memref<1250x128xi32, #tpu.memory_space<hbm>> -> memref<1x128xi32, #tpu.memory_space<hbm>>
        %dma_wait3A_36 = arith.constant 0 : i32
        %dma_wait3A_37 = tpu.memref_slice %arg3[%add3A_23, %dma_wait3A_36] : memref<1250x128xi32, #tpu.memory_space<hbm>> -> memref<1x128xi32, #tpu.memory_space<hbm>>
        tpu.wait_dma2 semaphore(%run_scoped3A : memref<!tpu.dma_semaphore, #tpu.memory_space<semaphore_mem>>) src(%dma_wait3A_37 : memref<1x128xi32, #tpu.memory_space<hbm>>) dst(%arg7 : memref<1x128xi32, #tpu.memory_space<vmem>>)
        tpu.yield
      }) : () -> ()
      %dma_start3A = arith.constant 0 : i32
      %dma_start3A_24 = arith.constant 0 : i32
      %dma_start3A_25 = tpu.memref_slice %arg7[%dma_start3A, %dma_start3A_24] : memref<1x128xi32, #tpu.memory_space<vmem>> -> memref<1x128xi32, #tpu.memory_space<vmem>>
      %dma_start3A_26 = tpu.memref_squeeze %dma_start3A_25 : memref<1x128xi32, #tpu.memory_space<vmem>> -> memref<128xi32, #tpu.memory_space<vmem>>
      %dma_start3A_27 = arith.constant 0 : i32
      %dma_start3A_28 = arith.constant 0 : i32
      %dma_start3A_29 = tpu.memref_slice %arg2[%dma_start3A_27, %dma_start3A_28] : memref<10000x16xf32, #tpu.memory_space<hbm>> -> memref<10000x16xf32, #tpu.memory_space<hbm>>
      tpu.enqueue_indirect_dma source(%dma_start3A_29 : memref<10000x16xf32, #tpu.memory_space<hbm>>) target(%arg8 : memref<128x16xf32, #tpu.memory_space<vmem>>) offsets(%dma_start3A_26 : memref<128xi32, #tpu.memory_space<vmem>>) semaphore(%arg10 : memref<!tpu.dma_semaphore, #tpu.memory_space<semaphore_mem>>)
    } else {
    }
    %dma_wait3A = arith.constant 0 : i32
    %dma_wait3A_10 = arith.constant 0 : i32
    %dma_wait3A_11 = tpu.memref_slice %arg4[%dma_wait3A, %dma_wait3A_10] : memref<160000x16xf32, #tpu.memory_space<hbm>> -> memref<4992x16xf32, #tpu.memory_space<hbm>>
    %dma_wait3A_12 = arith.constant 0 : i32
    %dma_wait3A_13 = arith.constant 0 : i32
    %dma_wait3A_14 = tpu.memref_slice %arg4[%dma_wait3A_12, %dma_wait3A_13] : memref<160000x16xf32, #tpu.memory_space<hbm>> -> memref<4992x16xf32, #tpu.memory_space<hbm>>
    tpu.wait_dma2 semaphore(%arg9 : memref<!tpu.dma_semaphore, #tpu.memory_space<semaphore_mem>>) src(%dma_wait3A_14 : memref<4992x16xf32, #tpu.memory_space<hbm>>) dst(%arg6 : memref<4992x16xf32, #tpu.memory_space<vmem>>)
    %mul3A_15 = arith.constant 128 : i32
    %mul3A_16 = arith.muli %mul3A_2, %mul3A_15 : i32
    "tpu.region"() ({
      %run_scoped3A = tpu.sem_alloc : memref<!tpu.dma_semaphore, #tpu.memory_space<semaphore_mem>>
      %dma_start3A = arith.constant 0 : i32
      %dma_start3A_22 = tpu.memref_slice %arg4[%mul3A_16, %dma_start3A] : memref<160000x16xf32, #tpu.memory_space<hbm>> -> memref<4992x16xf32, #tpu.memory_space<hbm>>
      %dma_start3A_23 = arith.constant 0 : i32
      %dma_start3A_24 = tpu.memref_slice %arg4[%mul3A_16, %dma_start3A_23] : memref<160000x16xf32, #tpu.memory_space<hbm>> -> memref<4992x16xf32, #tpu.memory_space<hbm>>
      tpu.enqueue_dma source(%arg6 : memref<4992x16xf32, #tpu.memory_space<vmem>>) target(%dma_start3A_24 : memref<4992x16xf32, #tpu.memory_space<hbm>>) target_semaphore(%run_scoped3A : memref<!tpu.dma_semaphore, #tpu.memory_space<semaphore_mem>>)
      %dma_wait3A_25 = arith.constant 0 : i32
      %dma_wait3A_26 = tpu.memref_slice %arg4[%mul3A_16, %dma_wait3A_25] : memref<160000x16xf32, #tpu.memory_space<hbm>> -> memref<4992x16xf32, #tpu.memory_space<hbm>>
      %dma_wait3A_27 = arith.constant 0 : i32
      %dma_wait3A_28 = tpu.memref_slice %arg4[%mul3A_16, %dma_wait3A_27] : memref<160000x16xf32, #tpu.memory_space<hbm>> -> memref<4992x16xf32, #tpu.memory_space<hbm>>
      tpu.wait_dma2 semaphore(%run_scoped3A : memref<!tpu.dma_semaphore, #tpu.memory_space<semaphore_mem>>) src(%arg6 : memref<4992x16xf32, #tpu.memory_space<vmem>>) dst(%dma_wait3A_28 : memref<4992x16xf32, #tpu.memory_space<hbm>>)
      tpu.yield
    }) : () -> ()
    %lt3A_17 = arith.constant 2 : i32
    %lt3A_18 = arith.cmpi slt, %add3A, %lt3A_17 : i32
    %convert_element_type3A_19 = arith.extui %lt3A_18 : i1 to i32
    %cond3A_20 = arith.constant 0 : i32
    %cond3A_21 = arith.cmpi ne, %convert_element_type3A_19, %cond3A_20 : i32
    scf.if %cond3A_21 {
      %add3A_22 = arith.constant 1248 : i32
      %add3A_23 = arith.addi %add3A_22, %add3A : i32
      %dma_wait3A_24 = arith.constant 0 : i32
      %dma_wait3A_25 = arith.constant 0 : i32
      %dma_wait3A_26 = tpu.memref_slice %arg4[%dma_wait3A_24, %dma_wait3A_25] : memref<160000x16xf32, #tpu.memory_space<hbm>> -> memref<128x16xf32, #tpu.memory_space<hbm>>
      %dma_wait3A_27 = arith.constant 0 : i32
      %dma_wait3A_28 = arith.constant 0 : i32
      %dma_wait3A_29 = tpu.memref_slice %arg4[%dma_wait3A_27, %dma_wait3A_28] : memref<160000x16xf32, #tpu.memory_space<hbm>> -> memref<128x16xf32, #tpu.memory_space<hbm>>
      tpu.wait_dma2 semaphore(%arg10 : memref<!tpu.dma_semaphore, #tpu.memory_space<semaphore_mem>>) src(%dma_wait3A_29 : memref<128x16xf32, #tpu.memory_space<hbm>>) dst(%arg8 : memref<128x16xf32, #tpu.memory_space<vmem>>)
      %mul3A_30 = arith.constant 128 : i32
      %mul3A_31 = arith.muli %add3A_23, %mul3A_30 : i32
      "tpu.region"() ({
        %run_scoped3A = tpu.sem_alloc : memref<!tpu.dma_semaphore, #tpu.memory_space<semaphore_mem>>
        %dma_start3A = arith.constant 0 : i32
        %dma_start3A_32 = tpu.memref_slice %arg4[%mul3A_31, %dma_start3A] : memref<160000x16xf32, #tpu.memory_space<hbm>> -> memref<128x16xf32, #tpu.memory_space<hbm>>
        %dma_start3A_33 = arith.constant 0 : i32
        %dma_start3A_34 = tpu.memref_slice %arg4[%mul3A_31, %dma_start3A_33] : memref<160000x16xf32, #tpu.memory_space<hbm>> -> memref<128x16xf32, #tpu.memory_space<hbm>>
        tpu.enqueue_dma source(%arg8 : memref<128x16xf32, #tpu.memory_space<vmem>>) target(%dma_start3A_34 : memref<128x16xf32, #tpu.memory_space<hbm>>) target_semaphore(%run_scoped3A : memref<!tpu.dma_semaphore, #tpu.memory_space<semaphore_mem>>)
        %dma_wait3A_35 = arith.constant 0 : i32
        %dma_wait3A_36 = tpu.memref_slice %arg4[%mul3A_31, %dma_wait3A_35] : memref<160000x16xf32, #tpu.memory_space<hbm>> -> memref<128x16xf32, #tpu.memory_space<hbm>>
        %dma_wait3A_37 = arith.constant 0 : i32
        %dma_wait3A_38 = tpu.memref_slice %arg4[%mul3A_31, %dma_wait3A_37] : memref<160000x16xf32, #tpu.memory_space<hbm>> -> memref<128x16xf32, #tpu.memory_space<hbm>>
        tpu.wait_dma2 semaphore(%run_scoped3A : memref<!tpu.dma_semaphore, #tpu.memory_space<semaphore_mem>>) src(%arg8 : memref<128x16xf32, #tpu.memory_space<vmem>>) dst(%dma_wait3A_38 : memref<128x16xf32, #tpu.memory_space<hbm>>)
        tpu.yield
      }) : () -> ()
    } else {
    }
    return
  }
}

#map = affine_map<(d0, d1) -> (0, 0)>
module attributes {stable_mosaic.version = 14 : i64} {
  func.func @_sc_scatter(%arg0: i32, %arg1: i32, %arg2: memref<160000x16xf32, #tpu.memory_space<hbm>>, %arg3: memref<1250x128xi32, #tpu.memory_space<hbm>>, %arg4: memref<10000x16xf32, #tpu.memory_space<hbm>>, %arg5: memref<20000x16xf32, #tpu.memory_space<hbm>>, %arg6: memref<39x128xi32, #tpu.memory_space<vmem>>, %arg7: memref<4992x16xf32, #tpu.memory_space<vmem>>, %arg8: memref<1x128xi32, #tpu.memory_space<vmem>>, %arg9: memref<128x16xf32, #tpu.memory_space<vmem>>, %arg10: memref<10000x16xf32, #tpu.memory_space<vmem_shared>>, %arg11: memref<!tpu.dma_semaphore, #tpu.memory_space<semaphore_mem>>, %arg12: memref<!tpu.dma_semaphore, #tpu.memory_space<semaphore_mem>>) attributes {dimension_semantics = [#tpu.dimension_semantics<core_parallel>, #tpu.dimension_semantics<subcore_parallel>], iteration_bounds = array<i64: 2, 16>, scalar_prefetch = 0 : i64, scratch_operands = 7 : i64, tpu.core_type = #tpu.core_type<sc_vector_subcore>, window_params = [{transform_indices = #map}, {transform_indices = #map}, {transform_indices = #map}, {transform_indices = #map}]} {
    %mul3A = arith.constant 2 : i32
    %mul3A_0 = arith.muli %arg1, %mul3A : i32
    %add3A = arith.addi %mul3A_0, %arg0 : i32
    %mul3A_1 = arith.constant 39 : i32
    %mul3A_2 = arith.muli %add3A, %mul3A_1 : i32
    %mul3A_3 = arith.constant 625 : i32
    %mul3A_4 = arith.muli %arg1, %mul3A_3 : i32
    %mul3A_5 = arith.constant 625 : i32
    %mul3A_6 = arith.muli %arg1, %mul3A_5 : i32
    %dma_start3A = arith.constant 0 : i32
    %dma_start3A_7 = tpu.memref_slice %arg10[%mul3A_6, %dma_start3A] : memref<10000x16xf32, #tpu.memory_space<vmem_shared>> -> memref<625x16xf32, #tpu.memory_space<vmem_shared>>
    %dma_start3A_8 = arith.constant 0 : i32
    %dma_start3A_9 = tpu.memref_slice %arg4[%mul3A_4, %dma_start3A_8] : memref<10000x16xf32, #tpu.memory_space<hbm>> -> memref<625x16xf32, #tpu.memory_space<hbm>>
    tpu.enqueue_dma source(%dma_start3A_9 : memref<625x16xf32, #tpu.memory_space<hbm>>) target(%dma_start3A_7 : memref<625x16xf32, #tpu.memory_space<vmem_shared>>) target_semaphore(%arg12 : memref<!tpu.dma_semaphore, #tpu.memory_space<semaphore_mem>>)
    "tpu.region"() ({
      %run_scoped3A = tpu.sem_alloc : memref<!tpu.dma_semaphore, #tpu.memory_space<semaphore_mem>>
      %dma_start3A_43 = arith.constant 0 : i32
      %dma_start3A_44 = tpu.memref_slice %arg3[%mul3A_2, %dma_start3A_43] : memref<1250x128xi32, #tpu.memory_space<hbm>> -> memref<39x128xi32, #tpu.memory_space<hbm>>
      %dma_start3A_45 = arith.constant 0 : i32
      %dma_start3A_46 = tpu.memref_slice %arg3[%mul3A_2, %dma_start3A_45] : memref<1250x128xi32, #tpu.memory_space<hbm>> -> memref<39x128xi32, #tpu.memory_space<hbm>>
      tpu.enqueue_dma source(%dma_start3A_46 : memref<39x128xi32, #tpu.memory_space<hbm>>) target(%arg6 : memref<39x128xi32, #tpu.memory_space<vmem>>) target_semaphore(%run_scoped3A : memref<!tpu.dma_semaphore, #tpu.memory_space<semaphore_mem>>)
      %dma_wait3A_47 = arith.constant 0 : i32
      %dma_wait3A_48 = tpu.memref_slice %arg3[%mul3A_2, %dma_wait3A_47] : memref<1250x128xi32, #tpu.memory_space<hbm>> -> memref<39x128xi32, #tpu.memory_space<hbm>>
      %dma_wait3A_49 = arith.constant 0 : i32
      %dma_wait3A_50 = tpu.memref_slice %arg3[%mul3A_2, %dma_wait3A_49] : memref<1250x128xi32, #tpu.memory_space<hbm>> -> memref<39x128xi32, #tpu.memory_space<hbm>>
      tpu.wait_dma2 semaphore(%run_scoped3A : memref<!tpu.dma_semaphore, #tpu.memory_space<semaphore_mem>>) src(%dma_wait3A_50 : memref<39x128xi32, #tpu.memory_space<hbm>>) dst(%arg6 : memref<39x128xi32, #tpu.memory_space<vmem>>)
      tpu.yield
    }) : () -> ()
    %mul3A_10 = arith.constant 128 : i32
    %mul3A_11 = arith.muli %mul3A_2, %mul3A_10 : i32
    "tpu.region"() ({
      %run_scoped3A = tpu.sem_alloc : memref<!tpu.dma_semaphore, #tpu.memory_space<semaphore_mem>>
      %dma_start3A_43 = arith.constant 0 : i32
      %dma_start3A_44 = tpu.memref_slice %arg2[%mul3A_11, %dma_start3A_43] : memref<160000x16xf32, #tpu.memory_space<hbm>> -> memref<4992x16xf32, #tpu.memory_space<hbm>>
      %dma_start3A_45 = arith.constant 0 : i32
      %dma_start3A_46 = tpu.memref_slice %arg2[%mul3A_11, %dma_start3A_45] : memref<160000x16xf32, #tpu.memory_space<hbm>> -> memref<4992x16xf32, #tpu.memory_space<hbm>>
      tpu.enqueue_dma source(%dma_start3A_46 : memref<4992x16xf32, #tpu.memory_space<hbm>>) target(%arg7 : memref<4992x16xf32, #tpu.memory_space<vmem>>) target_semaphore(%run_scoped3A : memref<!tpu.dma_semaphore, #tpu.memory_space<semaphore_mem>>)
      %dma_wait3A_47 = arith.constant 0 : i32
      %dma_wait3A_48 = tpu.memref_slice %arg2[%mul3A_11, %dma_wait3A_47] : memref<160000x16xf32, #tpu.memory_space<hbm>> -> memref<4992x16xf32, #tpu.memory_space<hbm>>
      %dma_wait3A_49 = arith.constant 0 : i32
      %dma_wait3A_50 = tpu.memref_slice %arg2[%mul3A_11, %dma_wait3A_49] : memref<160000x16xf32, #tpu.memory_space<hbm>> -> memref<4992x16xf32, #tpu.memory_space<hbm>>
      tpu.wait_dma2 semaphore(%run_scoped3A : memref<!tpu.dma_semaphore, #tpu.memory_space<semaphore_mem>>) src(%dma_wait3A_50 : memref<4992x16xf32, #tpu.memory_space<hbm>>) dst(%arg7 : memref<4992x16xf32, #tpu.memory_space<vmem>>)
      tpu.yield
    }) : () -> ()
    %dma_wait3A = arith.constant 0 : i32
    %dma_wait3A_12 = arith.constant 0 : i32
    %dma_wait3A_13 = tpu.memref_slice %arg10[%dma_wait3A, %dma_wait3A_12] : memref<10000x16xf32, #tpu.memory_space<vmem_shared>> -> memref<625x16xf32, #tpu.memory_space<vmem_shared>>
    %dma_wait3A_14 = arith.constant 0 : i32
    %dma_wait3A_15 = arith.constant 0 : i32
    %dma_wait3A_16 = tpu.memref_slice %arg4[%dma_wait3A_14, %dma_wait3A_15] : memref<10000x16xf32, #tpu.memory_space<hbm>> -> memref<625x16xf32, #tpu.memory_space<hbm>>
    tpu.wait_dma2 semaphore(%arg12 : memref<!tpu.dma_semaphore, #tpu.memory_space<semaphore_mem>>) src(%dma_wait3A_16 : memref<625x16xf32, #tpu.memory_space<hbm>>) dst(%dma_wait3A_13 : memref<625x16xf32, #tpu.memory_space<vmem_shared>>)
    %barrier3A = arith.constant 0 : index
    tpu.barrier barrier_id(%barrier3A)
    %scan3A = arith.constant 0 : i32
    %scan3A_17 = arith.constant 0 : i32
    %scan3A_18 = arith.constant 39 : i32
    %scan3A_19 = arith.addi %scan3A_17, %scan3A_18 : i32
    %scan3A_20 = arith.constant 1 : i32
    scf.for %scan3A_43 = %scan3A_17 to %scan3A_19 step %scan3A_20  : i32 {
      %mul3A_44 = arith.constant 128 : i32
      %mul3A_45 = arith.muli %scan3A_43, %mul3A_44 : i32
      %dma_start3A_46 = arith.constant 0 : i32
      %dma_start3A_47 = tpu.memref_slice %arg7[%mul3A_45, %dma_start3A_46] : memref<4992x16xf32, #tpu.memory_space<vmem>> -> memref<128x16xf32, #tpu.memory_space<vmem>>
      %dma_start3A_48 = arith.constant 0 : i32
      %dma_start3A_49 = tpu.memref_slice %arg6[%scan3A_43, %dma_start3A_48] : memref<39x128xi32, #tpu.memory_space<vmem>> -> memref<1x128xi32, #tpu.memory_space<vmem>>
      %dma_start3A_50 = tpu.memref_squeeze %dma_start3A_49 : memref<1x128xi32, #tpu.memory_space<vmem>> -> memref<128xi32, #tpu.memory_space<vmem>>
      %dma_start3A_51 = arith.constant 0 : i32
      %dma_start3A_52 = arith.constant 0 : i32
      %dma_start3A_53 = tpu.memref_slice %arg10[%dma_start3A_51, %dma_start3A_52] : memref<10000x16xf32, #tpu.memory_space<vmem_shared>> -> memref<10000x16xf32, #tpu.memory_space<vmem_shared>>
      tpu.enqueue_indirect_dma source(%dma_start3A_47 : memref<128x16xf32, #tpu.memory_space<vmem>>) target(%dma_start3A_53 : memref<10000x16xf32, #tpu.memory_space<vmem_shared>>) offsets(%dma_start3A_50 : memref<128xi32, #tpu.memory_space<vmem>>) semaphore(%arg11 : memref<!tpu.dma_semaphore, #tpu.memory_space<semaphore_mem>>) {add = true}
    }
    %scan3A_21 = arith.constant 39 : i32
    %lt3A = arith.constant 2 : i32
    %lt3A_22 = arith.cmpi slt, %add3A, %lt3A : i32
    %convert_element_type3A = arith.extui %lt3A_22 : i1 to i32
    %cond3A = arith.constant 0 : i32
    %cond3A_23 = arith.cmpi ne, %convert_element_type3A, %cond3A : i32
    scf.if %cond3A_23 {
      %add3A_43 = arith.constant 1248 : i32
      %add3A_44 = arith.addi %add3A_43, %add3A : i32
      "tpu.region"() ({
        %run_scoped3A = tpu.sem_alloc : memref<!tpu.dma_semaphore, #tpu.memory_space<semaphore_mem>>
        %dma_start3A_54 = arith.constant 0 : i32
        %dma_start3A_55 = tpu.memref_slice %arg3[%add3A_44, %dma_start3A_54] : memref<1250x128xi32, #tpu.memory_space<hbm>> -> memref<1x128xi32, #tpu.memory_space<hbm>>
        %dma_start3A_56 = arith.constant 0 : i32
        %dma_start3A_57 = tpu.memref_slice %arg3[%add3A_44, %dma_start3A_56] : memref<1250x128xi32, #tpu.memory_space<hbm>> -> memref<1x128xi32, #tpu.memory_space<hbm>>
        tpu.enqueue_dma source(%dma_start3A_57 : memref<1x128xi32, #tpu.memory_space<hbm>>) target(%arg8 : memref<1x128xi32, #tpu.memory_space<vmem>>) target_semaphore(%run_scoped3A : memref<!tpu.dma_semaphore, #tpu.memory_space<semaphore_mem>>)
        %dma_wait3A_58 = arith.constant 0 : i32
        %dma_wait3A_59 = tpu.memref_slice %arg3[%add3A_44, %dma_wait3A_58] : memref<1250x128xi32, #tpu.memory_space<hbm>> -> memref<1x128xi32, #tpu.memory_space<hbm>>
        %dma_wait3A_60 = arith.constant 0 : i32
        %dma_wait3A_61 = tpu.memref_slice %arg3[%add3A_44, %dma_wait3A_60] : memref<1250x128xi32, #tpu.memory_space<hbm>> -> memref<1x128xi32, #tpu.memory_space<hbm>>
        tpu.wait_dma2 semaphore(%run_scoped3A : memref<!tpu.dma_semaphore, #tpu.memory_space<semaphore_mem>>) src(%dma_wait3A_61 : memref<1x128xi32, #tpu.memory_space<hbm>>) dst(%arg8 : memref<1x128xi32, #tpu.memory_space<vmem>>)
        tpu.yield
      }) : () -> ()
      %mul3A_45 = arith.constant 128 : i32
      %mul3A_46 = arith.muli %add3A_44, %mul3A_45 : i32
      "tpu.region"() ({
        %run_scoped3A = tpu.sem_alloc : memref<!tpu.dma_semaphore, #tpu.memory_space<semaphore_mem>>
        %dma_start3A_54 = arith.constant 0 : i32
        %dma_start3A_55 = tpu.memref_slice %arg2[%mul3A_46, %dma_start3A_54] : memref<160000x16xf32, #tpu.memory_space<hbm>> -> memref<128x16xf32, #tpu.memory_space<hbm>>
        %dma_start3A_56 = arith.constant 0 : i32
        %dma_start3A_57 = tpu.memref_slice %arg2[%mul3A_46, %dma_start3A_56] : memref<160000x16xf32, #tpu.memory_space<hbm>> -> memref<128x16xf32, #tpu.memory_space<hbm>>
        tpu.enqueue_dma source(%dma_start3A_57 : memref<128x16xf32, #tpu.memory_space<hbm>>) target(%arg9 : memref<128x16xf32, #tpu.memory_space<vmem>>) target_semaphore(%run_scoped3A : memref<!tpu.dma_semaphore, #tpu.memory_space<semaphore_mem>>)
        %dma_wait3A_58 = arith.constant 0 : i32
        %dma_wait3A_59 = tpu.memref_slice %arg2[%mul3A_46, %dma_wait3A_58] : memref<160000x16xf32, #tpu.memory_space<hbm>> -> memref<128x16xf32, #tpu.memory_space<hbm>>
        %dma_wait3A_60 = arith.constant 0 : i32
        %dma_wait3A_61 = tpu.memref_slice %arg2[%mul3A_46, %dma_wait3A_60] : memref<160000x16xf32, #tpu.memory_space<hbm>> -> memref<128x16xf32, #tpu.memory_space<hbm>>
        tpu.wait_dma2 semaphore(%run_scoped3A : memref<!tpu.dma_semaphore, #tpu.memory_space<semaphore_mem>>) src(%dma_wait3A_61 : memref<128x16xf32, #tpu.memory_space<hbm>>) dst(%arg9 : memref<128x16xf32, #tpu.memory_space<vmem>>)
        tpu.yield
      }) : () -> ()
      %dma_start3A_47 = arith.constant 0 : i32
      %dma_start3A_48 = arith.constant 0 : i32
      %dma_start3A_49 = tpu.memref_slice %arg8[%dma_start3A_47, %dma_start3A_48] : memref<1x128xi32, #tpu.memory_space<vmem>> -> memref<1x128xi32, #tpu.memory_space<vmem>>
      %dma_start3A_50 = tpu.memref_squeeze %dma_start3A_49 : memref<1x128xi32, #tpu.memory_space<vmem>> -> memref<128xi32, #tpu.memory_space<vmem>>
      %dma_start3A_51 = arith.constant 0 : i32
      %dma_start3A_52 = arith.constant 0 : i32
      %dma_start3A_53 = tpu.memref_slice %arg10[%dma_start3A_51, %dma_start3A_52] : memref<10000x16xf32, #tpu.memory_space<vmem_shared>> -> memref<10000x16xf32, #tpu.memory_space<vmem_shared>>
      tpu.enqueue_indirect_dma source(%arg9 : memref<128x16xf32, #tpu.memory_space<vmem>>) target(%dma_start3A_53 : memref<10000x16xf32, #tpu.memory_space<vmem_shared>>) offsets(%dma_start3A_50 : memref<128xi32, #tpu.memory_space<vmem>>) semaphore(%arg11 : memref<!tpu.dma_semaphore, #tpu.memory_space<semaphore_mem>>) {add = true}
    } else {
    }
    %dma_wait3A_24 = arith.constant 0 : i32
    %dma_wait3A_25 = arith.constant 0 : i32
    %dma_wait3A_26 = tpu.memref_slice %arg2[%dma_wait3A_24, %dma_wait3A_25] : memref<160000x16xf32, #tpu.memory_space<hbm>> -> memref<4992x16xf32, #tpu.memory_space<hbm>>
    %dma_wait3A_27 = arith.constant 0 : i32
    %dma_wait3A_28 = arith.constant 0 : i32
    %dma_wait3A_29 = tpu.memref_slice %arg2[%dma_wait3A_27, %dma_wait3A_28] : memref<160000x16xf32, #tpu.memory_space<hbm>> -> memref<4992x16xf32, #tpu.memory_space<hbm>>
    tpu.wait_dma2 semaphore(%arg11 : memref<!tpu.dma_semaphore, #tpu.memory_space<semaphore_mem>>) src(%dma_wait3A_29 : memref<4992x16xf32, #tpu.memory_space<hbm>>) dst(%arg7 : memref<4992x16xf32, #tpu.memory_space<vmem>>)
    %lt3A_30 = arith.constant 2 : i32
    %lt3A_31 = arith.cmpi slt, %add3A, %lt3A_30 : i32
    %convert_element_type3A_32 = arith.extui %lt3A_31 : i1 to i32
    %cond3A_33 = arith.constant 0 : i32
    %cond3A_34 = arith.cmpi ne, %convert_element_type3A_32, %cond3A_33 : i32
    scf.if %cond3A_34 {
      %dma_wait3A_43 = arith.constant 0 : i32
      %dma_wait3A_44 = arith.constant 0 : i32
      %dma_wait3A_45 = tpu.memref_slice %arg2[%dma_wait3A_43, %dma_wait3A_44] : memref<160000x16xf32, #tpu.memory_space<hbm>> -> memref<128x16xf32, #tpu.memory_space<hbm>>
      %dma_wait3A_46 = arith.constant 0 : i32
      %dma_wait3A_47 = arith.constant 0 : i32
      %dma_wait3A_48 = tpu.memref_slice %arg2[%dma_wait3A_46, %dma_wait3A_47] : memref<160000x16xf32, #tpu.memory_space<hbm>> -> memref<128x16xf32, #tpu.memory_space<hbm>>
      tpu.wait_dma2 semaphore(%arg11 : memref<!tpu.dma_semaphore, #tpu.memory_space<semaphore_mem>>) src(%dma_wait3A_48 : memref<128x16xf32, #tpu.memory_space<hbm>>) dst(%arg9 : memref<128x16xf32, #tpu.memory_space<vmem>>)
    } else {
    }
    %barrier3A_35 = arith.constant 0 : index
    tpu.barrier barrier_id(%barrier3A_35)
    %mul3A_36 = arith.constant 625 : i32
    %mul3A_37 = arith.muli %arg1, %mul3A_36 : i32
    %mul3A_38 = arith.constant 10000 : i32
    %mul3A_39 = arith.muli %arg0, %mul3A_38 : i32
    %mul3A_40 = arith.constant 625 : i32
    %mul3A_41 = arith.muli %arg1, %mul3A_40 : i32
    %add3A_42 = arith.addi %mul3A_39, %mul3A_41 : i32
    "tpu.region"() ({
      %run_scoped3A = tpu.sem_alloc : memref<!tpu.dma_semaphore, #tpu.memory_space<semaphore_mem>>
      %dma_start3A_43 = arith.constant 0 : i32
      %dma_start3A_44 = tpu.memref_slice %arg5[%add3A_42, %dma_start3A_43] : memref<20000x16xf32, #tpu.memory_space<hbm>> -> memref<625x16xf32, #tpu.memory_space<hbm>>
      %dma_start3A_45 = arith.constant 0 : i32
      %dma_start3A_46 = tpu.memref_slice %arg10[%mul3A_37, %dma_start3A_45] : memref<10000x16xf32, #tpu.memory_space<vmem_shared>> -> memref<625x16xf32, #tpu.memory_space<vmem_shared>>
      tpu.enqueue_dma source(%dma_start3A_46 : memref<625x16xf32, #tpu.memory_space<vmem_shared>>) target(%dma_start3A_44 : memref<625x16xf32, #tpu.memory_space<hbm>>) target_semaphore(%run_scoped3A : memref<!tpu.dma_semaphore, #tpu.memory_space<semaphore_mem>>)
      %dma_wait3A_47 = arith.constant 0 : i32
      %dma_wait3A_48 = tpu.memref_slice %arg5[%add3A_42, %dma_wait3A_47] : memref<20000x16xf32, #tpu.memory_space<hbm>> -> memref<625x16xf32, #tpu.memory_space<hbm>>
      %dma_wait3A_49 = arith.constant 0 : i32
      %dma_wait3A_50 = tpu.memref_slice %arg10[%mul3A_37, %dma_wait3A_49] : memref<10000x16xf32, #tpu.memory_space<vmem_shared>> -> memref<625x16xf32, #tpu.memory_space<vmem_shared>>
      tpu.wait_dma2 semaphore(%run_scoped3A : memref<!tpu.dma_semaphore, #tpu.memory_space<semaphore_mem>>) src(%dma_wait3A_50 : memref<625x16xf32, #tpu.memory_space<vmem_shared>>) dst(%dma_wait3A_48 : memref<625x16xf32, #tpu.memory_space<hbm>>)
      tpu.yield
    }) : () -> ()
    return
  }
}

#map = affine_map<(d0, d1) -> (0, 0)>
module attributes {stable_mosaic.version = 14 : i64} {
  func.func @_sc_gather(%arg0: i32, %arg1: i32, %arg2: memref<10000x16xf32, #tpu.memory_space<hbm>>, %arg3: memref<1250x128xi32, #tpu.memory_space<hbm>>, %arg4: memref<160000x16xf32, #tpu.memory_space<hbm>>, %arg5: memref<39x128xi32, #tpu.memory_space<vmem>>, %arg6: memref<4992x16xf32, #tpu.memory_space<vmem>>, %arg7: memref<1x128xi32, #tpu.memory_space<vmem>>, %arg8: memref<128x16xf32, #tpu.memory_space<vmem>>, %arg9: memref<!tpu.dma_semaphore, #tpu.memory_space<semaphore_mem>>, %arg10: memref<!tpu.dma_semaphore, #tpu.memory_space<semaphore_mem>>) attributes {dimension_semantics = [#tpu.dimension_semantics<core_parallel>, #tpu.dimension_semantics<subcore_parallel>], iteration_bounds = array<i64: 2, 16>, scalar_prefetch = 0 : i64, scratch_operands = 6 : i64, tpu.core_type = #tpu.core_type<sc_vector_subcore>, window_params = [{transform_indices = #map}, {transform_indices = #map}, {transform_indices = #map}]} {
    %mul3A = arith.constant 2 : i32
    %mul3A_0 = arith.muli %arg1, %mul3A : i32
    %add3A = arith.addi %mul3A_0, %arg0 : i32
    %mul3A_1 = arith.constant 39 : i32
    %mul3A_2 = arith.muli %add3A, %mul3A_1 : i32
    "tpu.region"() ({
      %run_scoped3A = tpu.sem_alloc : memref<!tpu.dma_semaphore, #tpu.memory_space<semaphore_mem>>
      %dma_start3A = arith.constant 0 : i32
      %dma_start3A_22 = tpu.memref_slice %arg3[%mul3A_2, %dma_start3A] : memref<1250x128xi32, #tpu.memory_space<hbm>> -> memref<39x128xi32, #tpu.memory_space<hbm>>
      %dma_start3A_23 = arith.constant 0 : i32
      %dma_start3A_24 = tpu.memref_slice %arg3[%mul3A_2, %dma_start3A_23] : memref<1250x128xi32, #tpu.memory_space<hbm>> -> memref<39x128xi32, #tpu.memory_space<hbm>>
      tpu.enqueue_dma source(%dma_start3A_24 : memref<39x128xi32, #tpu.memory_space<hbm>>) target(%arg5 : memref<39x128xi32, #tpu.memory_space<vmem>>) target_semaphore(%run_scoped3A : memref<!tpu.dma_semaphore, #tpu.memory_space<semaphore_mem>>)
      %dma_wait3A_25 = arith.constant 0 : i32
      %dma_wait3A_26 = tpu.memref_slice %arg3[%mul3A_2, %dma_wait3A_25] : memref<1250x128xi32, #tpu.memory_space<hbm>> -> memref<39x128xi32, #tpu.memory_space<hbm>>
      %dma_wait3A_27 = arith.constant 0 : i32
      %dma_wait3A_28 = tpu.memref_slice %arg3[%mul3A_2, %dma_wait3A_27] : memref<1250x128xi32, #tpu.memory_space<hbm>> -> memref<39x128xi32, #tpu.memory_space<hbm>>
      tpu.wait_dma2 semaphore(%run_scoped3A : memref<!tpu.dma_semaphore, #tpu.memory_space<semaphore_mem>>) src(%dma_wait3A_28 : memref<39x128xi32, #tpu.memory_space<hbm>>) dst(%arg5 : memref<39x128xi32, #tpu.memory_space<vmem>>)
      tpu.yield
    }) : () -> ()
    %scan3A = arith.constant 0 : i32
    %scan3A_3 = arith.constant 0 : i32
    %scan3A_4 = arith.constant 39 : i32
    %scan3A_5 = arith.addi %scan3A_3, %scan3A_4 : i32
    %scan3A_6 = arith.constant 1 : i32
    scf.for %scan3A_22 = %scan3A_3 to %scan3A_5 step %scan3A_6  : i32 {
      %mul3A_23 = arith.constant 128 : i32
      %mul3A_24 = arith.muli %scan3A_22, %mul3A_23 : i32
      %dma_start3A = arith.constant 0 : i32
      %dma_start3A_25 = tpu.memref_slice %arg6[%mul3A_24, %dma_start3A] : memref<4992x16xf32, #tpu.memory_space<vmem>> -> memref<128x16xf32, #tpu.memory_space<vmem>>
      %dma_start3A_26 = arith.constant 0 : i32
      %dma_start3A_27 = tpu.memref_slice %arg5[%scan3A_22, %dma_start3A_26] : memref<39x128xi32, #tpu.memory_space<vmem>> -> memref<1x128xi32, #tpu.memory_space<vmem>>
      %dma_start3A_28 = tpu.memref_squeeze %dma_start3A_27 : memref<1x128xi32, #tpu.memory_space<vmem>> -> memref<128xi32, #tpu.memory_space<vmem>>
      %dma_start3A_29 = arith.constant 0 : i32
      %dma_start3A_30 = arith.constant 0 : i32
      %dma_start3A_31 = tpu.memref_slice %arg2[%dma_start3A_29, %dma_start3A_30] : memref<10000x16xf32, #tpu.memory_space<hbm>> -> memref<10000x16xf32, #tpu.memory_space<hbm>>
      tpu.enqueue_indirect_dma source(%dma_start3A_31 : memref<10000x16xf32, #tpu.memory_space<hbm>>) target(%dma_start3A_25 : memref<128x16xf32, #tpu.memory_space<vmem>>) offsets(%dma_start3A_28 : memref<128xi32, #tpu.memory_space<vmem>>) semaphore(%arg9 : memref<!tpu.dma_semaphore, #tpu.memory_space<semaphore_mem>>)
    }
    %scan3A_7 = arith.constant 39 : i32
    %lt3A = arith.constant 2 : i32
    %lt3A_8 = arith.cmpi slt, %add3A, %lt3A : i32
    %convert_element_type3A = arith.extui %lt3A_8 : i1 to i32
    %cond3A = arith.constant 0 : i32
    %cond3A_9 = arith.cmpi ne, %convert_element_type3A, %cond3A : i32
    scf.if %cond3A_9 {
      %add3A_22 = arith.constant 1248 : i32
      %add3A_23 = arith.addi %add3A_22, %add3A : i32
      "tpu.region"() ({
        %run_scoped3A = tpu.sem_alloc : memref<!tpu.dma_semaphore, #tpu.memory_space<semaphore_mem>>
        %dma_start3A_30 = arith.constant 0 : i32
        %dma_start3A_31 = tpu.memref_slice %arg3[%add3A_23, %dma_start3A_30] : memref<1250x128xi32, #tpu.memory_space<hbm>> -> memref<1x128xi32, #tpu.memory_space<hbm>>
        %dma_start3A_32 = arith.constant 0 : i32
        %dma_start3A_33 = tpu.memref_slice %arg3[%add3A_23, %dma_start3A_32] : memref<1250x128xi32, #tpu.memory_space<hbm>> -> memref<1x128xi32, #tpu.memory_space<hbm>>
        tpu.enqueue_dma source(%dma_start3A_33 : memref<1x128xi32, #tpu.memory_space<hbm>>) target(%arg7 : memref<1x128xi32, #tpu.memory_space<vmem>>) target_semaphore(%run_scoped3A : memref<!tpu.dma_semaphore, #tpu.memory_space<semaphore_mem>>)
        %dma_wait3A_34 = arith.constant 0 : i32
        %dma_wait3A_35 = tpu.memref_slice %arg3[%add3A_23, %dma_wait3A_34] : memref<1250x128xi32, #tpu.memory_space<hbm>> -> memref<1x128xi32, #tpu.memory_space<hbm>>
        %dma_wait3A_36 = arith.constant 0 : i32
        %dma_wait3A_37 = tpu.memref_slice %arg3[%add3A_23, %dma_wait3A_36] : memref<1250x128xi32, #tpu.memory_space<hbm>> -> memref<1x128xi32, #tpu.memory_space<hbm>>
        tpu.wait_dma2 semaphore(%run_scoped3A : memref<!tpu.dma_semaphore, #tpu.memory_space<semaphore_mem>>) src(%dma_wait3A_37 : memref<1x128xi32, #tpu.memory_space<hbm>>) dst(%arg7 : memref<1x128xi32, #tpu.memory_space<vmem>>)
        tpu.yield
      }) : () -> ()
      %dma_start3A = arith.constant 0 : i32
      %dma_start3A_24 = arith.constant 0 : i32
      %dma_start3A_25 = tpu.memref_slice %arg7[%dma_start3A, %dma_start3A_24] : memref<1x128xi32, #tpu.memory_space<vmem>> -> memref<1x128xi32, #tpu.memory_space<vmem>>
      %dma_start3A_26 = tpu.memref_squeeze %dma_start3A_25 : memref<1x128xi32, #tpu.memory_space<vmem>> -> memref<128xi32, #tpu.memory_space<vmem>>
      %dma_start3A_27 = arith.constant 0 : i32
      %dma_start3A_28 = arith.constant 0 : i32
      %dma_start3A_29 = tpu.memref_slice %arg2[%dma_start3A_27, %dma_start3A_28] : memref<10000x16xf32, #tpu.memory_space<hbm>> -> memref<10000x16xf32, #tpu.memory_space<hbm>>
      tpu.enqueue_indirect_dma source(%dma_start3A_29 : memref<10000x16xf32, #tpu.memory_space<hbm>>) target(%arg8 : memref<128x16xf32, #tpu.memory_space<vmem>>) offsets(%dma_start3A_26 : memref<128xi32, #tpu.memory_space<vmem>>) semaphore(%arg10 : memref<!tpu.dma_semaphore, #tpu.memory_space<semaphore_mem>>)
    } else {
    }
    %dma_wait3A = arith.constant 0 : i32
    %dma_wait3A_10 = arith.constant 0 : i32
    %dma_wait3A_11 = tpu.memref_slice %arg4[%dma_wait3A, %dma_wait3A_10] : memref<160000x16xf32, #tpu.memory_space<hbm>> -> memref<4992x16xf32, #tpu.memory_space<hbm>>
    %dma_wait3A_12 = arith.constant 0 : i32
    %dma_wait3A_13 = arith.constant 0 : i32
    %dma_wait3A_14 = tpu.memref_slice %arg4[%dma_wait3A_12, %dma_wait3A_13] : memref<160000x16xf32, #tpu.memory_space<hbm>> -> memref<4992x16xf32, #tpu.memory_space<hbm>>
    tpu.wait_dma2 semaphore(%arg9 : memref<!tpu.dma_semaphore, #tpu.memory_space<semaphore_mem>>) src(%dma_wait3A_14 : memref<4992x16xf32, #tpu.memory_space<hbm>>) dst(%arg6 : memref<4992x16xf32, #tpu.memory_space<vmem>>)
    %mul3A_15 = arith.constant 128 : i32
    %mul3A_16 = arith.muli %mul3A_2, %mul3A_15 : i32
    "tpu.region"() ({
      %run_scoped3A = tpu.sem_alloc : memref<!tpu.dma_semaphore, #tpu.memory_space<semaphore_mem>>
      %dma_start3A = arith.constant 0 : i32
      %dma_start3A_22 = tpu.memref_slice %arg4[%mul3A_16, %dma_start3A] : memref<160000x16xf32, #tpu.memory_space<hbm>> -> memref<4992x16xf32, #tpu.memory_space<hbm>>
      %dma_start3A_23 = arith.constant 0 : i32
      %dma_start3A_24 = tpu.memref_slice %arg4[%mul3A_16, %dma_start3A_23] : memref<160000x16xf32, #tpu.memory_space<hbm>> -> memref<4992x16xf32, #tpu.memory_space<hbm>>
      tpu.enqueue_dma source(%arg6 : memref<4992x16xf32, #tpu.memory_space<vmem>>) target(%dma_start3A_24 : memref<4992x16xf32, #tpu.memory_space<hbm>>) target_semaphore(%run_scoped3A : memref<!tpu.dma_semaphore, #tpu.memory_space<semaphore_mem>>)
      %dma_wait3A_25 = arith.constant 0 : i32
      %dma_wait3A_26 = tpu.memref_slice %arg4[%mul3A_16, %dma_wait3A_25] : memref<160000x16xf32, #tpu.memory_space<hbm>> -> memref<4992x16xf32, #tpu.memory_space<hbm>>
      %dma_wait3A_27 = arith.constant 0 : i32
      %dma_wait3A_28 = tpu.memref_slice %arg4[%mul3A_16, %dma_wait3A_27] : memref<160000x16xf32, #tpu.memory_space<hbm>> -> memref<4992x16xf32, #tpu.memory_space<hbm>>
      tpu.wait_dma2 semaphore(%run_scoped3A : memref<!tpu.dma_semaphore, #tpu.memory_space<semaphore_mem>>) src(%arg6 : memref<4992x16xf32, #tpu.memory_space<vmem>>) dst(%dma_wait3A_28 : memref<4992x16xf32, #tpu.memory_space<hbm>>)
      tpu.yield
    }) : () -> ()
    %lt3A_17 = arith.constant 2 : i32
    %lt3A_18 = arith.cmpi slt, %add3A, %lt3A_17 : i32
    %convert_element_type3A_19 = arith.extui %lt3A_18 : i1 to i32
    %cond3A_20 = arith.constant 0 : i32
    %cond3A_21 = arith.cmpi ne, %convert_element_type3A_19, %cond3A_20 : i32
    scf.if %cond3A_21 {
      %add3A_22 = arith.constant 1248 : i32
      %add3A_23 = arith.addi %add3A_22, %add3A : i32
      %dma_wait3A_24 = arith.constant 0 : i32
      %dma_wait3A_25 = arith.constant 0 : i32
      %dma_wait3A_26 = tpu.memref_slice %arg4[%dma_wait3A_24, %dma_wait3A_25] : memref<160000x16xf32, #tpu.memory_space<hbm>> -> memref<128x16xf32, #tpu.memory_space<hbm>>
      %dma_wait3A_27 = arith.constant 0 : i32
      %dma_wait3A_28 = arith.constant 0 : i32
      %dma_wait3A_29 = tpu.memref_slice %arg4[%dma_wait3A_27, %dma_wait3A_28] : memref<160000x16xf32, #tpu.memory_space<hbm>> -> memref<128x16xf32, #tpu.memory_space<hbm>>
      tpu.wait_dma2 semaphore(%arg10 : memref<!tpu.dma_semaphore, #tpu.memory_space<semaphore_mem>>) src(%dma_wait3A_29 : memref<128x16xf32, #tpu.memory_space<hbm>>) dst(%arg8 : memref<128x16xf32, #tpu.memory_space<vmem>>)
      %mul3A_30 = arith.constant 128 : i32
      %mul3A_31 = arith.muli %add3A_23, %mul3A_30 : i32
      "tpu.region"() ({
        %run_scoped3A = tpu.sem_alloc : memref<!tpu.dma_semaphore, #tpu.memory_space<semaphore_mem>>
        %dma_start3A = arith.constant 0 : i32
        %dma_start3A_32 = tpu.memref_slice %arg4[%mul3A_31, %dma_start3A] : memref<160000x16xf32, #tpu.memory_space<hbm>> -> memref<128x16xf32, #tpu.memory_space<hbm>>
        %dma_start3A_33 = arith.constant 0 : i32
        %dma_start3A_34 = tpu.memref_slice %arg4[%mul3A_31, %dma_start3A_33] : memref<160000x16xf32, #tpu.memory_space<hbm>> -> memref<128x16xf32, #tpu.memory_space<hbm>>
        tpu.enqueue_dma source(%arg8 : memref<128x16xf32, #tpu.memory_space<vmem>>) target(%dma_start3A_34 : memref<128x16xf32, #tpu.memory_space<hbm>>) target_semaphore(%run_scoped3A : memref<!tpu.dma_semaphore, #tpu.memory_space<semaphore_mem>>)
        %dma_wait3A_35 = arith.constant 0 : i32
        %dma_wait3A_36 = tpu.memref_slice %arg4[%mul3A_31, %dma_wait3A_35] : memref<160000x16xf32, #tpu.memory_space<hbm>> -> memref<128x16xf32, #tpu.memory_space<hbm>>
        %dma_wait3A_37 = arith.constant 0 : i32
        %dma_wait3A_38 = tpu.memref_slice %arg4[%mul3A_31, %dma_wait3A_37] : memref<160000x16xf32, #tpu.memory_space<hbm>> -> memref<128x16xf32, #tpu.memory_space<hbm>>
        tpu.wait_dma2 semaphore(%run_scoped3A : memref<!tpu.dma_semaphore, #tpu.memory_space<semaphore_mem>>) src(%arg8 : memref<128x16xf32, #tpu.memory_space<vmem>>) dst(%dma_wait3A_38 : memref<128x16xf32, #tpu.memory_space<hbm>>)
        tpu.yield
      }) : () -> ()
    } else {
    }
    return
  }
}

#map = affine_map<(d0, d1) -> (0, 0)>
module attributes {stable_mosaic.version = 14 : i64} {
  func.func @_sc_scatter(%arg0: i32, %arg1: i32, %arg2: memref<160000x16xf32, #tpu.memory_space<hbm>>, %arg3: memref<1250x128xi32, #tpu.memory_space<hbm>>, %arg4: memref<10000x16xf32, #tpu.memory_space<hbm>>, %arg5: memref<20000x16xf32, #tpu.memory_space<hbm>>, %arg6: memref<39x128xi32, #tpu.memory_space<vmem>>, %arg7: memref<4992x16xf32, #tpu.memory_space<vmem>>, %arg8: memref<1x128xi32, #tpu.memory_space<vmem>>, %arg9: memref<128x16xf32, #tpu.memory_space<vmem>>, %arg10: memref<10000x16xf32, #tpu.memory_space<vmem_shared>>, %arg11: memref<!tpu.dma_semaphore, #tpu.memory_space<semaphore_mem>>, %arg12: memref<!tpu.dma_semaphore, #tpu.memory_space<semaphore_mem>>) attributes {dimension_semantics = [#tpu.dimension_semantics<core_parallel>, #tpu.dimension_semantics<subcore_parallel>], iteration_bounds = array<i64: 2, 16>, scalar_prefetch = 0 : i64, scratch_operands = 7 : i64, tpu.core_type = #tpu.core_type<sc_vector_subcore>, window_params = [{transform_indices = #map}, {transform_indices = #map}, {transform_indices = #map}, {transform_indices = #map}]} {
    %mul3A = arith.constant 2 : i32
    %mul3A_0 = arith.muli %arg1, %mul3A : i32
    %add3A = arith.addi %mul3A_0, %arg0 : i32
    %mul3A_1 = arith.constant 39 : i32
    %mul3A_2 = arith.muli %add3A, %mul3A_1 : i32
    %mul3A_3 = arith.constant 625 : i32
    %mul3A_4 = arith.muli %arg1, %mul3A_3 : i32
    %mul3A_5 = arith.constant 625 : i32
    %mul3A_6 = arith.muli %arg1, %mul3A_5 : i32
    %dma_start3A = arith.constant 0 : i32
    %dma_start3A_7 = tpu.memref_slice %arg10[%mul3A_6, %dma_start3A] : memref<10000x16xf32, #tpu.memory_space<vmem_shared>> -> memref<625x16xf32, #tpu.memory_space<vmem_shared>>
    %dma_start3A_8 = arith.constant 0 : i32
    %dma_start3A_9 = tpu.memref_slice %arg4[%mul3A_4, %dma_start3A_8] : memref<10000x16xf32, #tpu.memory_space<hbm>> -> memref<625x16xf32, #tpu.memory_space<hbm>>
    tpu.enqueue_dma source(%dma_start3A_9 : memref<625x16xf32, #tpu.memory_space<hbm>>) target(%dma_start3A_7 : memref<625x16xf32, #tpu.memory_space<vmem_shared>>) target_semaphore(%arg12 : memref<!tpu.dma_semaphore, #tpu.memory_space<semaphore_mem>>)
    "tpu.region"() ({
      %run_scoped3A = tpu.sem_alloc : memref<!tpu.dma_semaphore, #tpu.memory_space<semaphore_mem>>
      %dma_start3A_43 = arith.constant 0 : i32
      %dma_start3A_44 = tpu.memref_slice %arg3[%mul3A_2, %dma_start3A_43] : memref<1250x128xi32, #tpu.memory_space<hbm>> -> memref<39x128xi32, #tpu.memory_space<hbm>>
      %dma_start3A_45 = arith.constant 0 : i32
      %dma_start3A_46 = tpu.memref_slice %arg3[%mul3A_2, %dma_start3A_45] : memref<1250x128xi32, #tpu.memory_space<hbm>> -> memref<39x128xi32, #tpu.memory_space<hbm>>
      tpu.enqueue_dma source(%dma_start3A_46 : memref<39x128xi32, #tpu.memory_space<hbm>>) target(%arg6 : memref<39x128xi32, #tpu.memory_space<vmem>>) target_semaphore(%run_scoped3A : memref<!tpu.dma_semaphore, #tpu.memory_space<semaphore_mem>>)
      %dma_wait3A_47 = arith.constant 0 : i32
      %dma_wait3A_48 = tpu.memref_slice %arg3[%mul3A_2, %dma_wait3A_47] : memref<1250x128xi32, #tpu.memory_space<hbm>> -> memref<39x128xi32, #tpu.memory_space<hbm>>
      %dma_wait3A_49 = arith.constant 0 : i32
      %dma_wait3A_50 = tpu.memref_slice %arg3[%mul3A_2, %dma_wait3A_49] : memref<1250x128xi32, #tpu.memory_space<hbm>> -> memref<39x128xi32, #tpu.memory_space<hbm>>
      tpu.wait_dma2 semaphore(%run_scoped3A : memref<!tpu.dma_semaphore, #tpu.memory_space<semaphore_mem>>) src(%dma_wait3A_50 : memref<39x128xi32, #tpu.memory_space<hbm>>) dst(%arg6 : memref<39x128xi32, #tpu.memory_space<vmem>>)
      tpu.yield
    }) : () -> ()
    %mul3A_10 = arith.constant 128 : i32
    %mul3A_11 = arith.muli %mul3A_2, %mul3A_10 : i32
    "tpu.region"() ({
      %run_scoped3A = tpu.sem_alloc : memref<!tpu.dma_semaphore, #tpu.memory_space<semaphore_mem>>
      %dma_start3A_43 = arith.constant 0 : i32
      %dma_start3A_44 = tpu.memref_slice %arg2[%mul3A_11, %dma_start3A_43] : memref<160000x16xf32, #tpu.memory_space<hbm>> -> memref<4992x16xf32, #tpu.memory_space<hbm>>
      %dma_start3A_45 = arith.constant 0 : i32
      %dma_start3A_46 = tpu.memref_slice %arg2[%mul3A_11, %dma_start3A_45] : memref<160000x16xf32, #tpu.memory_space<hbm>> -> memref<4992x16xf32, #tpu.memory_space<hbm>>
      tpu.enqueue_dma source(%dma_start3A_46 : memref<4992x16xf32, #tpu.memory_space<hbm>>) target(%arg7 : memref<4992x16xf32, #tpu.memory_space<vmem>>) target_semaphore(%run_scoped3A : memref<!tpu.dma_semaphore, #tpu.memory_space<semaphore_mem>>)
      %dma_wait3A_47 = arith.constant 0 : i32
      %dma_wait3A_48 = tpu.memref_slice %arg2[%mul3A_11, %dma_wait3A_47] : memref<160000x16xf32, #tpu.memory_space<hbm>> -> memref<4992x16xf32, #tpu.memory_space<hbm>>
      %dma_wait3A_49 = arith.constant 0 : i32
      %dma_wait3A_50 = tpu.memref_slice %arg2[%mul3A_11, %dma_wait3A_49] : memref<160000x16xf32, #tpu.memory_space<hbm>> -> memref<4992x16xf32, #tpu.memory_space<hbm>>
      tpu.wait_dma2 semaphore(%run_scoped3A : memref<!tpu.dma_semaphore, #tpu.memory_space<semaphore_mem>>) src(%dma_wait3A_50 : memref<4992x16xf32, #tpu.memory_space<hbm>>) dst(%arg7 : memref<4992x16xf32, #tpu.memory_space<vmem>>)
      tpu.yield
    }) : () -> ()
    %dma_wait3A = arith.constant 0 : i32
    %dma_wait3A_12 = arith.constant 0 : i32
    %dma_wait3A_13 = tpu.memref_slice %arg10[%dma_wait3A, %dma_wait3A_12] : memref<10000x16xf32, #tpu.memory_space<vmem_shared>> -> memref<625x16xf32, #tpu.memory_space<vmem_shared>>
    %dma_wait3A_14 = arith.constant 0 : i32
    %dma_wait3A_15 = arith.constant 0 : i32
    %dma_wait3A_16 = tpu.memref_slice %arg4[%dma_wait3A_14, %dma_wait3A_15] : memref<10000x16xf32, #tpu.memory_space<hbm>> -> memref<625x16xf32, #tpu.memory_space<hbm>>
    tpu.wait_dma2 semaphore(%arg12 : memref<!tpu.dma_semaphore, #tpu.memory_space<semaphore_mem>>) src(%dma_wait3A_16 : memref<625x16xf32, #tpu.memory_space<hbm>>) dst(%dma_wait3A_13 : memref<625x16xf32, #tpu.memory_space<vmem_shared>>)
    %barrier3A = arith.constant 0 : index
    tpu.barrier barrier_id(%barrier3A)
    %scan3A = arith.constant 0 : i32
    %scan3A_17 = arith.constant 0 : i32
    %scan3A_18 = arith.constant 39 : i32
    %scan3A_19 = arith.addi %scan3A_17, %scan3A_18 : i32
    %scan3A_20 = arith.constant 1 : i32
    scf.for %scan3A_43 = %scan3A_17 to %scan3A_19 step %scan3A_20  : i32 {
      %mul3A_44 = arith.constant 128 : i32
      %mul3A_45 = arith.muli %scan3A_43, %mul3A_44 : i32
      %dma_start3A_46 = arith.constant 0 : i32
      %dma_start3A_47 = tpu.memref_slice %arg7[%mul3A_45, %dma_start3A_46] : memref<4992x16xf32, #tpu.memory_space<vmem>> -> memref<128x16xf32, #tpu.memory_space<vmem>>
      %dma_start3A_48 = arith.constant 0 : i32
      %dma_start3A_49 = tpu.memref_slice %arg6[%scan3A_43, %dma_start3A_48] : memref<39x128xi32, #tpu.memory_space<vmem>> -> memref<1x128xi32, #tpu.memory_space<vmem>>
      %dma_start3A_50 = tpu.memref_squeeze %dma_start3A_49 : memref<1x128xi32, #tpu.memory_space<vmem>> -> memref<128xi32, #tpu.memory_space<vmem>>
      %dma_start3A_51 = arith.constant 0 : i32
      %dma_start3A_52 = arith.constant 0 : i32
      %dma_start3A_53 = tpu.memref_slice %arg10[%dma_start3A_51, %dma_start3A_52] : memref<10000x16xf32, #tpu.memory_space<vmem_shared>> -> memref<10000x16xf32, #tpu.memory_space<vmem_shared>>
      tpu.enqueue_indirect_dma source(%dma_start3A_47 : memref<128x16xf32, #tpu.memory_space<vmem>>) target(%dma_start3A_53 : memref<10000x16xf32, #tpu.memory_space<vmem_shared>>) offsets(%dma_start3A_50 : memref<128xi32, #tpu.memory_space<vmem>>) semaphore(%arg11 : memref<!tpu.dma_semaphore, #tpu.memory_space<semaphore_mem>>) {add = true}
    }
    %scan3A_21 = arith.constant 39 : i32
    %lt3A = arith.constant 2 : i32
    %lt3A_22 = arith.cmpi slt, %add3A, %lt3A : i32
    %convert_element_type3A = arith.extui %lt3A_22 : i1 to i32
    %cond3A = arith.constant 0 : i32
    %cond3A_23 = arith.cmpi ne, %convert_element_type3A, %cond3A : i32
    scf.if %cond3A_23 {
      %add3A_43 = arith.constant 1248 : i32
      %add3A_44 = arith.addi %add3A_43, %add3A : i32
      "tpu.region"() ({
        %run_scoped3A = tpu.sem_alloc : memref<!tpu.dma_semaphore, #tpu.memory_space<semaphore_mem>>
        %dma_start3A_54 = arith.constant 0 : i32
        %dma_start3A_55 = tpu.memref_slice %arg3[%add3A_44, %dma_start3A_54] : memref<1250x128xi32, #tpu.memory_space<hbm>> -> memref<1x128xi32, #tpu.memory_space<hbm>>
        %dma_start3A_56 = arith.constant 0 : i32
        %dma_start3A_57 = tpu.memref_slice %arg3[%add3A_44, %dma_start3A_56] : memref<1250x128xi32, #tpu.memory_space<hbm>> -> memref<1x128xi32, #tpu.memory_space<hbm>>
        tpu.enqueue_dma source(%dma_start3A_57 : memref<1x128xi32, #tpu.memory_space<hbm>>) target(%arg8 : memref<1x128xi32, #tpu.memory_space<vmem>>) target_semaphore(%run_scoped3A : memref<!tpu.dma_semaphore, #tpu.memory_space<semaphore_mem>>)
        %dma_wait3A_58 = arith.constant 0 : i32
        %dma_wait3A_59 = tpu.memref_slice %arg3[%add3A_44, %dma_wait3A_58] : memref<1250x128xi32, #tpu.memory_space<hbm>> -> memref<1x128xi32, #tpu.memory_space<hbm>>
        %dma_wait3A_60 = arith.constant 0 : i32
        %dma_wait3A_61 = tpu.memref_slice %arg3[%add3A_44, %dma_wait3A_60] : memref<1250x128xi32, #tpu.memory_space<hbm>> -> memref<1x128xi32, #tpu.memory_space<hbm>>
        tpu.wait_dma2 semaphore(%run_scoped3A : memref<!tpu.dma_semaphore, #tpu.memory_space<semaphore_mem>>) src(%dma_wait3A_61 : memref<1x128xi32, #tpu.memory_space<hbm>>) dst(%arg8 : memref<1x128xi32, #tpu.memory_space<vmem>>)
        tpu.yield
      }) : () -> ()
      %mul3A_45 = arith.constant 128 : i32
      %mul3A_46 = arith.muli %add3A_44, %mul3A_45 : i32
      "tpu.region"() ({
        %run_scoped3A = tpu.sem_alloc : memref<!tpu.dma_semaphore, #tpu.memory_space<semaphore_mem>>
        %dma_start3A_54 = arith.constant 0 : i32
        %dma_start3A_55 = tpu.memref_slice %arg2[%mul3A_46, %dma_start3A_54] : memref<160000x16xf32, #tpu.memory_space<hbm>> -> memref<128x16xf32, #tpu.memory_space<hbm>>
        %dma_start3A_56 = arith.constant 0 : i32
        %dma_start3A_57 = tpu.memref_slice %arg2[%mul3A_46, %dma_start3A_56] : memref<160000x16xf32, #tpu.memory_space<hbm>> -> memref<128x16xf32, #tpu.memory_space<hbm>>
        tpu.enqueue_dma source(%dma_start3A_57 : memref<128x16xf32, #tpu.memory_space<hbm>>) target(%arg9 : memref<128x16xf32, #tpu.memory_space<vmem>>) target_semaphore(%run_scoped3A : memref<!tpu.dma_semaphore, #tpu.memory_space<semaphore_mem>>)
        %dma_wait3A_58 = arith.constant 0 : i32
        %dma_wait3A_59 = tpu.memref_slice %arg2[%mul3A_46, %dma_wait3A_58] : memref<160000x16xf32, #tpu.memory_space<hbm>> -> memref<128x16xf32, #tpu.memory_space<hbm>>
        %dma_wait3A_60 = arith.constant 0 : i32
        %dma_wait3A_61 = tpu.memref_slice %arg2[%mul3A_46, %dma_wait3A_60] : memref<160000x16xf32, #tpu.memory_space<hbm>> -> memref<128x16xf32, #tpu.memory_space<hbm>>
        tpu.wait_dma2 semaphore(%run_scoped3A : memref<!tpu.dma_semaphore, #tpu.memory_space<semaphore_mem>>) src(%dma_wait3A_61 : memref<128x16xf32, #tpu.memory_space<hbm>>) dst(%arg9 : memref<128x16xf32, #tpu.memory_space<vmem>>)
        tpu.yield
      }) : () -> ()
      %dma_start3A_47 = arith.constant 0 : i32
      %dma_start3A_48 = arith.constant 0 : i32
      %dma_start3A_49 = tpu.memref_slice %arg8[%dma_start3A_47, %dma_start3A_48] : memref<1x128xi32, #tpu.memory_space<vmem>> -> memref<1x128xi32, #tpu.memory_space<vmem>>
      %dma_start3A_50 = tpu.memref_squeeze %dma_start3A_49 : memref<1x128xi32, #tpu.memory_space<vmem>> -> memref<128xi32, #tpu.memory_space<vmem>>
      %dma_start3A_51 = arith.constant 0 : i32
      %dma_start3A_52 = arith.constant 0 : i32
      %dma_start3A_53 = tpu.memref_slice %arg10[%dma_start3A_51, %dma_start3A_52] : memref<10000x16xf32, #tpu.memory_space<vmem_shared>> -> memref<10000x16xf32, #tpu.memory_space<vmem_shared>>
      tpu.enqueue_indirect_dma source(%arg9 : memref<128x16xf32, #tpu.memory_space<vmem>>) target(%dma_start3A_53 : memref<10000x16xf32, #tpu.memory_space<vmem_shared>>) offsets(%dma_start3A_50 : memref<128xi32, #tpu.memory_space<vmem>>) semaphore(%arg11 : memref<!tpu.dma_semaphore, #tpu.memory_space<semaphore_mem>>) {add = true}
    } else {
    }
    %dma_wait3A_24 = arith.constant 0 : i32
    %dma_wait3A_25 = arith.constant 0 : i32
    %dma_wait3A_26 = tpu.memref_slice %arg2[%dma_wait3A_24, %dma_wait3A_25] : memref<160000x16xf32, #tpu.memory_space<hbm>> -> memref<4992x16xf32, #tpu.memory_space<hbm>>
    %dma_wait3A_27 = arith.constant 0 : i32
    %dma_wait3A_28 = arith.constant 0 : i32
    %dma_wait3A_29 = tpu.memref_slice %arg2[%dma_wait3A_27, %dma_wait3A_28] : memref<160000x16xf32, #tpu.memory_space<hbm>> -> memref<4992x16xf32, #tpu.memory_space<hbm>>
    tpu.wait_dma2 semaphore(%arg11 : memref<!tpu.dma_semaphore, #tpu.memory_space<semaphore_mem>>) src(%dma_wait3A_29 : memref<4992x16xf32, #tpu.memory_space<hbm>>) dst(%arg7 : memref<4992x16xf32, #tpu.memory_space<vmem>>)
    %lt3A_30 = arith.constant 2 : i32
    %lt3A_31 = arith.cmpi slt, %add3A, %lt3A_30 : i32
    %convert_element_type3A_32 = arith.extui %lt3A_31 : i1 to i32
    %cond3A_33 = arith.constant 0 : i32
    %cond3A_34 = arith.cmpi ne, %convert_element_type3A_32, %cond3A_33 : i32
    scf.if %cond3A_34 {
      %dma_wait3A_43 = arith.constant 0 : i32
      %dma_wait3A_44 = arith.constant 0 : i32
      %dma_wait3A_45 = tpu.memref_slice %arg2[%dma_wait3A_43, %dma_wait3A_44] : memref<160000x16xf32, #tpu.memory_space<hbm>> -> memref<128x16xf32, #tpu.memory_space<hbm>>
      %dma_wait3A_46 = arith.constant 0 : i32
      %dma_wait3A_47 = arith.constant 0 : i32
      %dma_wait3A_48 = tpu.memref_slice %arg2[%dma_wait3A_46, %dma_wait3A_47] : memref<160000x16xf32, #tpu.memory_space<hbm>> -> memref<128x16xf32, #tpu.memory_space<hbm>>
      tpu.wait_dma2 semaphore(%arg11 : memref<!tpu.dma_semaphore, #tpu.memory_space<semaphore_mem>>) src(%dma_wait3A_48 : memref<128x16xf32, #tpu.memory_space<hbm>>) dst(%arg9 : memref<128x16xf32, #tpu.memory_space<vmem>>)
    } else {
    }
    %barrier3A_35 = arith.constant 0 : index
    tpu.barrier barrier_id(%barrier3A_35)
    %mul3A_36 = arith.constant 625 : i32
    %mul3A_37 = arith.muli %arg1, %mul3A_36 : i32
    %mul3A_38 = arith.constant 10000 : i32
    %mul3A_39 = arith.muli %arg0, %mul3A_38 : i32
    %mul3A_40 = arith.constant 625 : i32
    %mul3A_41 = arith.muli %arg1, %mul3A_40 : i32
    %add3A_42 = arith.addi %mul3A_39, %mul3A_41 : i32
    "tpu.region"() ({
      %run_scoped3A = tpu.sem_alloc : memref<!tpu.dma_semaphore, #tpu.memory_space<semaphore_mem>>
      %dma_start3A_43 = arith.constant 0 : i32
      %dma_start3A_44 = tpu.memref_slice %arg5[%add3A_42, %dma_start3A_43] : memref<20000x16xf32, #tpu.memory_space<hbm>> -> memref<625x16xf32, #tpu.memory_space<hbm>>
      %dma_start3A_45 = arith.constant 0 : i32
      %dma_start3A_46 = tpu.memref_slice %arg10[%mul3A_37, %dma_start3A_45] : memref<10000x16xf32, #tpu.memory_space<vmem_shared>> -> memref<625x16xf32, #tpu.memory_space<vmem_shared>>
      tpu.enqueue_dma source(%dma_start3A_46 : memref<625x16xf32, #tpu.memory_space<vmem_shared>>) target(%dma_start3A_44 : memref<625x16xf32, #tpu.memory_space<hbm>>) target_semaphore(%run_scoped3A : memref<!tpu.dma_semaphore, #tpu.memory_space<semaphore_mem>>)
      %dma_wait3A_47 = arith.constant 0 : i32
      %dma_wait3A_48 = tpu.memref_slice %arg5[%add3A_42, %dma_wait3A_47] : memref<20000x16xf32, #tpu.memory_space<hbm>> -> memref<625x16xf32, #tpu.memory_space<hbm>>
      %dma_wait3A_49 = arith.constant 0 : i32
      %dma_wait3A_50 = tpu.memref_slice %arg10[%mul3A_37, %dma_wait3A_49] : memref<10000x16xf32, #tpu.memory_space<vmem_shared>> -> memref<625x16xf32, #tpu.memory_space<vmem_shared>>
      tpu.wait_dma2 semaphore(%run_scoped3A : memref<!tpu.dma_semaphore, #tpu.memory_space<semaphore_mem>>) src(%dma_wait3A_50 : memref<625x16xf32, #tpu.memory_space<vmem_shared>>) dst(%dma_wait3A_48 : memref<625x16xf32, #tpu.memory_space<hbm>>)
      tpu.yield
    }) : () -> ()
    return
  }
}

#map = affine_map<(d0, d1) -> (0, 0)>
module attributes {stable_mosaic.version = 14 : i64} {
  func.func @_sc_gather(%arg0: i32, %arg1: i32, %arg2: memref<10000x16xf32, #tpu.memory_space<hbm>>, %arg3: memref<1250x128xi32, #tpu.memory_space<hbm>>, %arg4: memref<160000x16xf32, #tpu.memory_space<hbm>>, %arg5: memref<39x128xi32, #tpu.memory_space<vmem>>, %arg6: memref<4992x16xf32, #tpu.memory_space<vmem>>, %arg7: memref<1x128xi32, #tpu.memory_space<vmem>>, %arg8: memref<128x16xf32, #tpu.memory_space<vmem>>, %arg9: memref<!tpu.dma_semaphore, #tpu.memory_space<semaphore_mem>>, %arg10: memref<!tpu.dma_semaphore, #tpu.memory_space<semaphore_mem>>) attributes {dimension_semantics = [#tpu.dimension_semantics<core_parallel>, #tpu.dimension_semantics<subcore_parallel>], iteration_bounds = array<i64: 2, 16>, scalar_prefetch = 0 : i64, scratch_operands = 6 : i64, tpu.core_type = #tpu.core_type<sc_vector_subcore>, window_params = [{transform_indices = #map}, {transform_indices = #map}, {transform_indices = #map}]} {
    %mul3A = arith.constant 2 : i32
    %mul3A_0 = arith.muli %arg1, %mul3A : i32
    %add3A = arith.addi %mul3A_0, %arg0 : i32
    %mul3A_1 = arith.constant 39 : i32
    %mul3A_2 = arith.muli %add3A, %mul3A_1 : i32
    "tpu.region"() ({
      %run_scoped3A = tpu.sem_alloc : memref<!tpu.dma_semaphore, #tpu.memory_space<semaphore_mem>>
      %dma_start3A = arith.constant 0 : i32
      %dma_start3A_22 = tpu.memref_slice %arg3[%mul3A_2, %dma_start3A] : memref<1250x128xi32, #tpu.memory_space<hbm>> -> memref<39x128xi32, #tpu.memory_space<hbm>>
      %dma_start3A_23 = arith.constant 0 : i32
      %dma_start3A_24 = tpu.memref_slice %arg3[%mul3A_2, %dma_start3A_23] : memref<1250x128xi32, #tpu.memory_space<hbm>> -> memref<39x128xi32, #tpu.memory_space<hbm>>
      tpu.enqueue_dma source(%dma_start3A_24 : memref<39x128xi32, #tpu.memory_space<hbm>>) target(%arg5 : memref<39x128xi32, #tpu.memory_space<vmem>>) target_semaphore(%run_scoped3A : memref<!tpu.dma_semaphore, #tpu.memory_space<semaphore_mem>>)
      %dma_wait3A_25 = arith.constant 0 : i32
      %dma_wait3A_26 = tpu.memref_slice %arg3[%mul3A_2, %dma_wait3A_25] : memref<1250x128xi32, #tpu.memory_space<hbm>> -> memref<39x128xi32, #tpu.memory_space<hbm>>
      %dma_wait3A_27 = arith.constant 0 : i32
      %dma_wait3A_28 = tpu.memref_slice %arg3[%mul3A_2, %dma_wait3A_27] : memref<1250x128xi32, #tpu.memory_space<hbm>> -> memref<39x128xi32, #tpu.memory_space<hbm>>
      tpu.wait_dma2 semaphore(%run_scoped3A : memref<!tpu.dma_semaphore, #tpu.memory_space<semaphore_mem>>) src(%dma_wait3A_28 : memref<39x128xi32, #tpu.memory_space<hbm>>) dst(%arg5 : memref<39x128xi32, #tpu.memory_space<vmem>>)
      tpu.yield
    }) : () -> ()
    %scan3A = arith.constant 0 : i32
    %scan3A_3 = arith.constant 0 : i32
    %scan3A_4 = arith.constant 39 : i32
    %scan3A_5 = arith.addi %scan3A_3, %scan3A_4 : i32
    %scan3A_6 = arith.constant 1 : i32
    scf.for %scan3A_22 = %scan3A_3 to %scan3A_5 step %scan3A_6  : i32 {
      %mul3A_23 = arith.constant 128 : i32
      %mul3A_24 = arith.muli %scan3A_22, %mul3A_23 : i32
      %dma_start3A = arith.constant 0 : i32
      %dma_start3A_25 = tpu.memref_slice %arg6[%mul3A_24, %dma_start3A] : memref<4992x16xf32, #tpu.memory_space<vmem>> -> memref<128x16xf32, #tpu.memory_space<vmem>>
      %dma_start3A_26 = arith.constant 0 : i32
      %dma_start3A_27 = tpu.memref_slice %arg5[%scan3A_22, %dma_start3A_26] : memref<39x128xi32, #tpu.memory_space<vmem>> -> memref<1x128xi32, #tpu.memory_space<vmem>>
      %dma_start3A_28 = tpu.memref_squeeze %dma_start3A_27 : memref<1x128xi32, #tpu.memory_space<vmem>> -> memref<128xi32, #tpu.memory_space<vmem>>
      %dma_start3A_29 = arith.constant 0 : i32
      %dma_start3A_30 = arith.constant 0 : i32
      %dma_start3A_31 = tpu.memref_slice %arg2[%dma_start3A_29, %dma_start3A_30] : memref<10000x16xf32, #tpu.memory_space<hbm>> -> memref<10000x16xf32, #tpu.memory_space<hbm>>
      tpu.enqueue_indirect_dma source(%dma_start3A_31 : memref<10000x16xf32, #tpu.memory_space<hbm>>) target(%dma_start3A_25 : memref<128x16xf32, #tpu.memory_space<vmem>>) offsets(%dma_start3A_28 : memref<128xi32, #tpu.memory_space<vmem>>) semaphore(%arg9 : memref<!tpu.dma_semaphore, #tpu.memory_space<semaphore_mem>>)
    }
    %scan3A_7 = arith.constant 39 : i32
    %lt3A = arith.constant 2 : i32
    %lt3A_8 = arith.cmpi slt, %add3A, %lt3A : i32
    %convert_element_type3A = arith.extui %lt3A_8 : i1 to i32
    %cond3A = arith.constant 0 : i32
    %cond3A_9 = arith.cmpi ne, %convert_element_type3A, %cond3A : i32
    scf.if %cond3A_9 {
      %add3A_22 = arith.constant 1248 : i32
      %add3A_23 = arith.addi %add3A_22, %add3A : i32
      "tpu.region"() ({
        %run_scoped3A = tpu.sem_alloc : memref<!tpu.dma_semaphore, #tpu.memory_space<semaphore_mem>>
        %dma_start3A_30 = arith.constant 0 : i32
        %dma_start3A_31 = tpu.memref_slice %arg3[%add3A_23, %dma_start3A_30] : memref<1250x128xi32, #tpu.memory_space<hbm>> -> memref<1x128xi32, #tpu.memory_space<hbm>>
        %dma_start3A_32 = arith.constant 0 : i32
        %dma_start3A_33 = tpu.memref_slice %arg3[%add3A_23, %dma_start3A_32] : memref<1250x128xi32, #tpu.memory_space<hbm>> -> memref<1x128xi32, #tpu.memory_space<hbm>>
        tpu.enqueue_dma source(%dma_start3A_33 : memref<1x128xi32, #tpu.memory_space<hbm>>) target(%arg7 : memref<1x128xi32, #tpu.memory_space<vmem>>) target_semaphore(%run_scoped3A : memref<!tpu.dma_semaphore, #tpu.memory_space<semaphore_mem>>)
        %dma_wait3A_34 = arith.constant 0 : i32
        %dma_wait3A_35 = tpu.memref_slice %arg3[%add3A_23, %dma_wait3A_34] : memref<1250x128xi32, #tpu.memory_space<hbm>> -> memref<1x128xi32, #tpu.memory_space<hbm>>
        %dma_wait3A_36 = arith.constant 0 : i32
        %dma_wait3A_37 = tpu.memref_slice %arg3[%add3A_23, %dma_wait3A_36] : memref<1250x128xi32, #tpu.memory_space<hbm>> -> memref<1x128xi32, #tpu.memory_space<hbm>>
        tpu.wait_dma2 semaphore(%run_scoped3A : memref<!tpu.dma_semaphore, #tpu.memory_space<semaphore_mem>>) src(%dma_wait3A_37 : memref<1x128xi32, #tpu.memory_space<hbm>>) dst(%arg7 : memref<1x128xi32, #tpu.memory_space<vmem>>)
        tpu.yield
      }) : () -> ()
      %dma_start3A = arith.constant 0 : i32
      %dma_start3A_24 = arith.constant 0 : i32
      %dma_start3A_25 = tpu.memref_slice %arg7[%dma_start3A, %dma_start3A_24] : memref<1x128xi32, #tpu.memory_space<vmem>> -> memref<1x128xi32, #tpu.memory_space<vmem>>
      %dma_start3A_26 = tpu.memref_squeeze %dma_start3A_25 : memref<1x128xi32, #tpu.memory_space<vmem>> -> memref<128xi32, #tpu.memory_space<vmem>>
      %dma_start3A_27 = arith.constant 0 : i32
      %dma_start3A_28 = arith.constant 0 : i32
      %dma_start3A_29 = tpu.memref_slice %arg2[%dma_start3A_27, %dma_start3A_28] : memref<10000x16xf32, #tpu.memory_space<hbm>> -> memref<10000x16xf32, #tpu.memory_space<hbm>>
      tpu.enqueue_indirect_dma source(%dma_start3A_29 : memref<10000x16xf32, #tpu.memory_space<hbm>>) target(%arg8 : memref<128x16xf32, #tpu.memory_space<vmem>>) offsets(%dma_start3A_26 : memref<128xi32, #tpu.memory_space<vmem>>) semaphore(%arg10 : memref<!tpu.dma_semaphore, #tpu.memory_space<semaphore_mem>>)
    } else {
    }
    %dma_wait3A = arith.constant 0 : i32
    %dma_wait3A_10 = arith.constant 0 : i32
    %dma_wait3A_11 = tpu.memref_slice %arg4[%dma_wait3A, %dma_wait3A_10] : memref<160000x16xf32, #tpu.memory_space<hbm>> -> memref<4992x16xf32, #tpu.memory_space<hbm>>
    %dma_wait3A_12 = arith.constant 0 : i32
    %dma_wait3A_13 = arith.constant 0 : i32
    %dma_wait3A_14 = tpu.memref_slice %arg4[%dma_wait3A_12, %dma_wait3A_13] : memref<160000x16xf32, #tpu.memory_space<hbm>> -> memref<4992x16xf32, #tpu.memory_space<hbm>>
    tpu.wait_dma2 semaphore(%arg9 : memref<!tpu.dma_semaphore, #tpu.memory_space<semaphore_mem>>) src(%dma_wait3A_14 : memref<4992x16xf32, #tpu.memory_space<hbm>>) dst(%arg6 : memref<4992x16xf32, #tpu.memory_space<vmem>>)
    %mul3A_15 = arith.constant 128 : i32
    %mul3A_16 = arith.muli %mul3A_2, %mul3A_15 : i32
    "tpu.region"() ({
      %run_scoped3A = tpu.sem_alloc : memref<!tpu.dma_semaphore, #tpu.memory_space<semaphore_mem>>
      %dma_start3A = arith.constant 0 : i32
      %dma_start3A_22 = tpu.memref_slice %arg4[%mul3A_16, %dma_start3A] : memref<160000x16xf32, #tpu.memory_space<hbm>> -> memref<4992x16xf32, #tpu.memory_space<hbm>>
      %dma_start3A_23 = arith.constant 0 : i32
      %dma_start3A_24 = tpu.memref_slice %arg4[%mul3A_16, %dma_start3A_23] : memref<160000x16xf32, #tpu.memory_space<hbm>> -> memref<4992x16xf32, #tpu.memory_space<hbm>>
      tpu.enqueue_dma source(%arg6 : memref<4992x16xf32, #tpu.memory_space<vmem>>) target(%dma_start3A_24 : memref<4992x16xf32, #tpu.memory_space<hbm>>) target_semaphore(%run_scoped3A : memref<!tpu.dma_semaphore, #tpu.memory_space<semaphore_mem>>)
      %dma_wait3A_25 = arith.constant 0 : i32
      %dma_wait3A_26 = tpu.memref_slice %arg4[%mul3A_16, %dma_wait3A_25] : memref<160000x16xf32, #tpu.memory_space<hbm>> -> memref<4992x16xf32, #tpu.memory_space<hbm>>
      %dma_wait3A_27 = arith.constant 0 : i32
      %dma_wait3A_28 = tpu.memref_slice %arg4[%mul3A_16, %dma_wait3A_27] : memref<160000x16xf32, #tpu.memory_space<hbm>> -> memref<4992x16xf32, #tpu.memory_space<hbm>>
      tpu.wait_dma2 semaphore(%run_scoped3A : memref<!tpu.dma_semaphore, #tpu.memory_space<semaphore_mem>>) src(%arg6 : memref<4992x16xf32, #tpu.memory_space<vmem>>) dst(%dma_wait3A_28 : memref<4992x16xf32, #tpu.memory_space<hbm>>)
      tpu.yield
    }) : () -> ()
    %lt3A_17 = arith.constant 2 : i32
    %lt3A_18 = arith.cmpi slt, %add3A, %lt3A_17 : i32
    %convert_element_type3A_19 = arith.extui %lt3A_18 : i1 to i32
    %cond3A_20 = arith.constant 0 : i32
    %cond3A_21 = arith.cmpi ne, %convert_element_type3A_19, %cond3A_20 : i32
    scf.if %cond3A_21 {
      %add3A_22 = arith.constant 1248 : i32
      %add3A_23 = arith.addi %add3A_22, %add3A : i32
      %dma_wait3A_24 = arith.constant 0 : i32
      %dma_wait3A_25 = arith.constant 0 : i32
      %dma_wait3A_26 = tpu.memref_slice %arg4[%dma_wait3A_24, %dma_wait3A_25] : memref<160000x16xf32, #tpu.memory_space<hbm>> -> memref<128x16xf32, #tpu.memory_space<hbm>>
      %dma_wait3A_27 = arith.constant 0 : i32
      %dma_wait3A_28 = arith.constant 0 : i32
      %dma_wait3A_29 = tpu.memref_slice %arg4[%dma_wait3A_27, %dma_wait3A_28] : memref<160000x16xf32, #tpu.memory_space<hbm>> -> memref<128x16xf32, #tpu.memory_space<hbm>>
      tpu.wait_dma2 semaphore(%arg10 : memref<!tpu.dma_semaphore, #tpu.memory_space<semaphore_mem>>) src(%dma_wait3A_29 : memref<128x16xf32, #tpu.memory_space<hbm>>) dst(%arg8 : memref<128x16xf32, #tpu.memory_space<vmem>>)
      %mul3A_30 = arith.constant 128 : i32
      %mul3A_31 = arith.muli %add3A_23, %mul3A_30 : i32
      "tpu.region"() ({
        %run_scoped3A = tpu.sem_alloc : memref<!tpu.dma_semaphore, #tpu.memory_space<semaphore_mem>>
        %dma_start3A = arith.constant 0 : i32
        %dma_start3A_32 = tpu.memref_slice %arg4[%mul3A_31, %dma_start3A] : memref<160000x16xf32, #tpu.memory_space<hbm>> -> memref<128x16xf32, #tpu.memory_space<hbm>>
        %dma_start3A_33 = arith.constant 0 : i32
        %dma_start3A_34 = tpu.memref_slice %arg4[%mul3A_31, %dma_start3A_33] : memref<160000x16xf32, #tpu.memory_space<hbm>> -> memref<128x16xf32, #tpu.memory_space<hbm>>
        tpu.enqueue_dma source(%arg8 : memref<128x16xf32, #tpu.memory_space<vmem>>) target(%dma_start3A_34 : memref<128x16xf32, #tpu.memory_space<hbm>>) target_semaphore(%run_scoped3A : memref<!tpu.dma_semaphore, #tpu.memory_space<semaphore_mem>>)
        %dma_wait3A_35 = arith.constant 0 : i32
        %dma_wait3A_36 = tpu.memref_slice %arg4[%mul3A_31, %dma_wait3A_35] : memref<160000x16xf32, #tpu.memory_space<hbm>> -> memref<128x16xf32, #tpu.memory_space<hbm>>
        %dma_wait3A_37 = arith.constant 0 : i32
        %dma_wait3A_38 = tpu.memref_slice %arg4[%mul3A_31, %dma_wait3A_37] : memref<160000x16xf32, #tpu.memory_space<hbm>> -> memref<128x16xf32, #tpu.memory_space<hbm>>
        tpu.wait_dma2 semaphore(%run_scoped3A : memref<!tpu.dma_semaphore, #tpu.memory_space<semaphore_mem>>) src(%arg8 : memref<128x16xf32, #tpu.memory_space<vmem>>) dst(%dma_wait3A_38 : memref<128x16xf32, #tpu.memory_space<hbm>>)
        tpu.yield
      }) : () -> ()
    } else {
    }
    return
  }
}

#map = affine_map<(d0, d1) -> (0, 0)>
module attributes {stable_mosaic.version = 14 : i64} {
  func.func @_sc_scatter(%arg0: i32, %arg1: i32, %arg2: memref<160000x16xf32, #tpu.memory_space<hbm>>, %arg3: memref<1250x128xi32, #tpu.memory_space<hbm>>, %arg4: memref<10000x16xf32, #tpu.memory_space<hbm>>, %arg5: memref<20000x16xf32, #tpu.memory_space<hbm>>, %arg6: memref<39x128xi32, #tpu.memory_space<vmem>>, %arg7: memref<4992x16xf32, #tpu.memory_space<vmem>>, %arg8: memref<1x128xi32, #tpu.memory_space<vmem>>, %arg9: memref<128x16xf32, #tpu.memory_space<vmem>>, %arg10: memref<10000x16xf32, #tpu.memory_space<vmem_shared>>, %arg11: memref<!tpu.dma_semaphore, #tpu.memory_space<semaphore_mem>>, %arg12: memref<!tpu.dma_semaphore, #tpu.memory_space<semaphore_mem>>) attributes {dimension_semantics = [#tpu.dimension_semantics<core_parallel>, #tpu.dimension_semantics<subcore_parallel>], iteration_bounds = array<i64: 2, 16>, scalar_prefetch = 0 : i64, scratch_operands = 7 : i64, tpu.core_type = #tpu.core_type<sc_vector_subcore>, window_params = [{transform_indices = #map}, {transform_indices = #map}, {transform_indices = #map}, {transform_indices = #map}]} {
    %mul3A = arith.constant 2 : i32
    %mul3A_0 = arith.muli %arg1, %mul3A : i32
    %add3A = arith.addi %mul3A_0, %arg0 : i32
    %mul3A_1 = arith.constant 39 : i32
    %mul3A_2 = arith.muli %add3A, %mul3A_1 : i32
    %mul3A_3 = arith.constant 625 : i32
    %mul3A_4 = arith.muli %arg1, %mul3A_3 : i32
    %mul3A_5 = arith.constant 625 : i32
    %mul3A_6 = arith.muli %arg1, %mul3A_5 : i32
    %dma_start3A = arith.constant 0 : i32
    %dma_start3A_7 = tpu.memref_slice %arg10[%mul3A_6, %dma_start3A] : memref<10000x16xf32, #tpu.memory_space<vmem_shared>> -> memref<625x16xf32, #tpu.memory_space<vmem_shared>>
    %dma_start3A_8 = arith.constant 0 : i32
    %dma_start3A_9 = tpu.memref_slice %arg4[%mul3A_4, %dma_start3A_8] : memref<10000x16xf32, #tpu.memory_space<hbm>> -> memref<625x16xf32, #tpu.memory_space<hbm>>
    tpu.enqueue_dma source(%dma_start3A_9 : memref<625x16xf32, #tpu.memory_space<hbm>>) target(%dma_start3A_7 : memref<625x16xf32, #tpu.memory_space<vmem_shared>>) target_semaphore(%arg12 : memref<!tpu.dma_semaphore, #tpu.memory_space<semaphore_mem>>)
    "tpu.region"() ({
      %run_scoped3A = tpu.sem_alloc : memref<!tpu.dma_semaphore, #tpu.memory_space<semaphore_mem>>
      %dma_start3A_43 = arith.constant 0 : i32
      %dma_start3A_44 = tpu.memref_slice %arg3[%mul3A_2, %dma_start3A_43] : memref<1250x128xi32, #tpu.memory_space<hbm>> -> memref<39x128xi32, #tpu.memory_space<hbm>>
      %dma_start3A_45 = arith.constant 0 : i32
      %dma_start3A_46 = tpu.memref_slice %arg3[%mul3A_2, %dma_start3A_45] : memref<1250x128xi32, #tpu.memory_space<hbm>> -> memref<39x128xi32, #tpu.memory_space<hbm>>
      tpu.enqueue_dma source(%dma_start3A_46 : memref<39x128xi32, #tpu.memory_space<hbm>>) target(%arg6 : memref<39x128xi32, #tpu.memory_space<vmem>>) target_semaphore(%run_scoped3A : memref<!tpu.dma_semaphore, #tpu.memory_space<semaphore_mem>>)
      %dma_wait3A_47 = arith.constant 0 : i32
      %dma_wait3A_48 = tpu.memref_slice %arg3[%mul3A_2, %dma_wait3A_47] : memref<1250x128xi32, #tpu.memory_space<hbm>> -> memref<39x128xi32, #tpu.memory_space<hbm>>
      %dma_wait3A_49 = arith.constant 0 : i32
      %dma_wait3A_50 = tpu.memref_slice %arg3[%mul3A_2, %dma_wait3A_49] : memref<1250x128xi32, #tpu.memory_space<hbm>> -> memref<39x128xi32, #tpu.memory_space<hbm>>
      tpu.wait_dma2 semaphore(%run_scoped3A : memref<!tpu.dma_semaphore, #tpu.memory_space<semaphore_mem>>) src(%dma_wait3A_50 : memref<39x128xi32, #tpu.memory_space<hbm>>) dst(%arg6 : memref<39x128xi32, #tpu.memory_space<vmem>>)
      tpu.yield
    }) : () -> ()
    %mul3A_10 = arith.constant 128 : i32
    %mul3A_11 = arith.muli %mul3A_2, %mul3A_10 : i32
    "tpu.region"() ({
      %run_scoped3A = tpu.sem_alloc : memref<!tpu.dma_semaphore, #tpu.memory_space<semaphore_mem>>
      %dma_start3A_43 = arith.constant 0 : i32
      %dma_start3A_44 = tpu.memref_slice %arg2[%mul3A_11, %dma_start3A_43] : memref<160000x16xf32, #tpu.memory_space<hbm>> -> memref<4992x16xf32, #tpu.memory_space<hbm>>
      %dma_start3A_45 = arith.constant 0 : i32
      %dma_start3A_46 = tpu.memref_slice %arg2[%mul3A_11, %dma_start3A_45] : memref<160000x16xf32, #tpu.memory_space<hbm>> -> memref<4992x16xf32, #tpu.memory_space<hbm>>
      tpu.enqueue_dma source(%dma_start3A_46 : memref<4992x16xf32, #tpu.memory_space<hbm>>) target(%arg7 : memref<4992x16xf32, #tpu.memory_space<vmem>>) target_semaphore(%run_scoped3A : memref<!tpu.dma_semaphore, #tpu.memory_space<semaphore_mem>>)
      %dma_wait3A_47 = arith.constant 0 : i32
      %dma_wait3A_48 = tpu.memref_slice %arg2[%mul3A_11, %dma_wait3A_47] : memref<160000x16xf32, #tpu.memory_space<hbm>> -> memref<4992x16xf32, #tpu.memory_space<hbm>>
      %dma_wait3A_49 = arith.constant 0 : i32
      %dma_wait3A_50 = tpu.memref_slice %arg2[%mul3A_11, %dma_wait3A_49] : memref<160000x16xf32, #tpu.memory_space<hbm>> -> memref<4992x16xf32, #tpu.memory_space<hbm>>
      tpu.wait_dma2 semaphore(%run_scoped3A : memref<!tpu.dma_semaphore, #tpu.memory_space<semaphore_mem>>) src(%dma_wait3A_50 : memref<4992x16xf32, #tpu.memory_space<hbm>>) dst(%arg7 : memref<4992x16xf32, #tpu.memory_space<vmem>>)
      tpu.yield
    }) : () -> ()
    %dma_wait3A = arith.constant 0 : i32
    %dma_wait3A_12 = arith.constant 0 : i32
    %dma_wait3A_13 = tpu.memref_slice %arg10[%dma_wait3A, %dma_wait3A_12] : memref<10000x16xf32, #tpu.memory_space<vmem_shared>> -> memref<625x16xf32, #tpu.memory_space<vmem_shared>>
    %dma_wait3A_14 = arith.constant 0 : i32
    %dma_wait3A_15 = arith.constant 0 : i32
    %dma_wait3A_16 = tpu.memref_slice %arg4[%dma_wait3A_14, %dma_wait3A_15] : memref<10000x16xf32, #tpu.memory_space<hbm>> -> memref<625x16xf32, #tpu.memory_space<hbm>>
    tpu.wait_dma2 semaphore(%arg12 : memref<!tpu.dma_semaphore, #tpu.memory_space<semaphore_mem>>) src(%dma_wait3A_16 : memref<625x16xf32, #tpu.memory_space<hbm>>) dst(%dma_wait3A_13 : memref<625x16xf32, #tpu.memory_space<vmem_shared>>)
    %barrier3A = arith.constant 0 : index
    tpu.barrier barrier_id(%barrier3A)
    %scan3A = arith.constant 0 : i32
    %scan3A_17 = arith.constant 0 : i32
    %scan3A_18 = arith.constant 39 : i32
    %scan3A_19 = arith.addi %scan3A_17, %scan3A_18 : i32
    %scan3A_20 = arith.constant 1 : i32
    scf.for %scan3A_43 = %scan3A_17 to %scan3A_19 step %scan3A_20  : i32 {
      %mul3A_44 = arith.constant 128 : i32
      %mul3A_45 = arith.muli %scan3A_43, %mul3A_44 : i32
      %dma_start3A_46 = arith.constant 0 : i32
      %dma_start3A_47 = tpu.memref_slice %arg7[%mul3A_45, %dma_start3A_46] : memref<4992x16xf32, #tpu.memory_space<vmem>> -> memref<128x16xf32, #tpu.memory_space<vmem>>
      %dma_start3A_48 = arith.constant 0 : i32
      %dma_start3A_49 = tpu.memref_slice %arg6[%scan3A_43, %dma_start3A_48] : memref<39x128xi32, #tpu.memory_space<vmem>> -> memref<1x128xi32, #tpu.memory_space<vmem>>
      %dma_start3A_50 = tpu.memref_squeeze %dma_start3A_49 : memref<1x128xi32, #tpu.memory_space<vmem>> -> memref<128xi32, #tpu.memory_space<vmem>>
      %dma_start3A_51 = arith.constant 0 : i32
      %dma_start3A_52 = arith.constant 0 : i32
      %dma_start3A_53 = tpu.memref_slice %arg10[%dma_start3A_51, %dma_start3A_52] : memref<10000x16xf32, #tpu.memory_space<vmem_shared>> -> memref<10000x16xf32, #tpu.memory_space<vmem_shared>>
      tpu.enqueue_indirect_dma source(%dma_start3A_47 : memref<128x16xf32, #tpu.memory_space<vmem>>) target(%dma_start3A_53 : memref<10000x16xf32, #tpu.memory_space<vmem_shared>>) offsets(%dma_start3A_50 : memref<128xi32, #tpu.memory_space<vmem>>) semaphore(%arg11 : memref<!tpu.dma_semaphore, #tpu.memory_space<semaphore_mem>>) {add = true}
    }
    %scan3A_21 = arith.constant 39 : i32
    %lt3A = arith.constant 2 : i32
    %lt3A_22 = arith.cmpi slt, %add3A, %lt3A : i32
    %convert_element_type3A = arith.extui %lt3A_22 : i1 to i32
    %cond3A = arith.constant 0 : i32
    %cond3A_23 = arith.cmpi ne, %convert_element_type3A, %cond3A : i32
    scf.if %cond3A_23 {
      %add3A_43 = arith.constant 1248 : i32
      %add3A_44 = arith.addi %add3A_43, %add3A : i32
      "tpu.region"() ({
        %run_scoped3A = tpu.sem_alloc : memref<!tpu.dma_semaphore, #tpu.memory_space<semaphore_mem>>
        %dma_start3A_54 = arith.constant 0 : i32
        %dma_start3A_55 = tpu.memref_slice %arg3[%add3A_44, %dma_start3A_54] : memref<1250x128xi32, #tpu.memory_space<hbm>> -> memref<1x128xi32, #tpu.memory_space<hbm>>
        %dma_start3A_56 = arith.constant 0 : i32
        %dma_start3A_57 = tpu.memref_slice %arg3[%add3A_44, %dma_start3A_56] : memref<1250x128xi32, #tpu.memory_space<hbm>> -> memref<1x128xi32, #tpu.memory_space<hbm>>
        tpu.enqueue_dma source(%dma_start3A_57 : memref<1x128xi32, #tpu.memory_space<hbm>>) target(%arg8 : memref<1x128xi32, #tpu.memory_space<vmem>>) target_semaphore(%run_scoped3A : memref<!tpu.dma_semaphore, #tpu.memory_space<semaphore_mem>>)
        %dma_wait3A_58 = arith.constant 0 : i32
        %dma_wait3A_59 = tpu.memref_slice %arg3[%add3A_44, %dma_wait3A_58] : memref<1250x128xi32, #tpu.memory_space<hbm>> -> memref<1x128xi32, #tpu.memory_space<hbm>>
        %dma_wait3A_60 = arith.constant 0 : i32
        %dma_wait3A_61 = tpu.memref_slice %arg3[%add3A_44, %dma_wait3A_60] : memref<1250x128xi32, #tpu.memory_space<hbm>> -> memref<1x128xi32, #tpu.memory_space<hbm>>
        tpu.wait_dma2 semaphore(%run_scoped3A : memref<!tpu.dma_semaphore, #tpu.memory_space<semaphore_mem>>) src(%dma_wait3A_61 : memref<1x128xi32, #tpu.memory_space<hbm>>) dst(%arg8 : memref<1x128xi32, #tpu.memory_space<vmem>>)
        tpu.yield
      }) : () -> ()
      %mul3A_45 = arith.constant 128 : i32
      %mul3A_46 = arith.muli %add3A_44, %mul3A_45 : i32
      "tpu.region"() ({
        %run_scoped3A = tpu.sem_alloc : memref<!tpu.dma_semaphore, #tpu.memory_space<semaphore_mem>>
        %dma_start3A_54 = arith.constant 0 : i32
        %dma_start3A_55 = tpu.memref_slice %arg2[%mul3A_46, %dma_start3A_54] : memref<160000x16xf32, #tpu.memory_space<hbm>> -> memref<128x16xf32, #tpu.memory_space<hbm>>
        %dma_start3A_56 = arith.constant 0 : i32
        %dma_start3A_57 = tpu.memref_slice %arg2[%mul3A_46, %dma_start3A_56] : memref<160000x16xf32, #tpu.memory_space<hbm>> -> memref<128x16xf32, #tpu.memory_space<hbm>>
        tpu.enqueue_dma source(%dma_start3A_57 : memref<128x16xf32, #tpu.memory_space<hbm>>) target(%arg9 : memref<128x16xf32, #tpu.memory_space<vmem>>) target_semaphore(%run_scoped3A : memref<!tpu.dma_semaphore, #tpu.memory_space<semaphore_mem>>)
        %dma_wait3A_58 = arith.constant 0 : i32
        %dma_wait3A_59 = tpu.memref_slice %arg2[%mul3A_46, %dma_wait3A_58] : memref<160000x16xf32, #tpu.memory_space<hbm>> -> memref<128x16xf32, #tpu.memory_space<hbm>>
        %dma_wait3A_60 = arith.constant 0 : i32
        %dma_wait3A_61 = tpu.memref_slice %arg2[%mul3A_46, %dma_wait3A_60] : memref<160000x16xf32, #tpu.memory_space<hbm>> -> memref<128x16xf32, #tpu.memory_space<hbm>>
        tpu.wait_dma2 semaphore(%run_scoped3A : memref<!tpu.dma_semaphore, #tpu.memory_space<semaphore_mem>>) src(%dma_wait3A_61 : memref<128x16xf32, #tpu.memory_space<hbm>>) dst(%arg9 : memref<128x16xf32, #tpu.memory_space<vmem>>)
        tpu.yield
      }) : () -> ()
      %dma_start3A_47 = arith.constant 0 : i32
      %dma_start3A_48 = arith.constant 0 : i32
      %dma_start3A_49 = tpu.memref_slice %arg8[%dma_start3A_47, %dma_start3A_48] : memref<1x128xi32, #tpu.memory_space<vmem>> -> memref<1x128xi32, #tpu.memory_space<vmem>>
      %dma_start3A_50 = tpu.memref_squeeze %dma_start3A_49 : memref<1x128xi32, #tpu.memory_space<vmem>> -> memref<128xi32, #tpu.memory_space<vmem>>
      %dma_start3A_51 = arith.constant 0 : i32
      %dma_start3A_52 = arith.constant 0 : i32
      %dma_start3A_53 = tpu.memref_slice %arg10[%dma_start3A_51, %dma_start3A_52] : memref<10000x16xf32, #tpu.memory_space<vmem_shared>> -> memref<10000x16xf32, #tpu.memory_space<vmem_shared>>
      tpu.enqueue_indirect_dma source(%arg9 : memref<128x16xf32, #tpu.memory_space<vmem>>) target(%dma_start3A_53 : memref<10000x16xf32, #tpu.memory_space<vmem_shared>>) offsets(%dma_start3A_50 : memref<128xi32, #tpu.memory_space<vmem>>) semaphore(%arg11 : memref<!tpu.dma_semaphore, #tpu.memory_space<semaphore_mem>>) {add = true}
    } else {
    }
    %dma_wait3A_24 = arith.constant 0 : i32
    %dma_wait3A_25 = arith.constant 0 : i32
    %dma_wait3A_26 = tpu.memref_slice %arg2[%dma_wait3A_24, %dma_wait3A_25] : memref<160000x16xf32, #tpu.memory_space<hbm>> -> memref<4992x16xf32, #tpu.memory_space<hbm>>
    %dma_wait3A_27 = arith.constant 0 : i32
    %dma_wait3A_28 = arith.constant 0 : i32
    %dma_wait3A_29 = tpu.memref_slice %arg2[%dma_wait3A_27, %dma_wait3A_28] : memref<160000x16xf32, #tpu.memory_space<hbm>> -> memref<4992x16xf32, #tpu.memory_space<hbm>>
    tpu.wait_dma2 semaphore(%arg11 : memref<!tpu.dma_semaphore, #tpu.memory_space<semaphore_mem>>) src(%dma_wait3A_29 : memref<4992x16xf32, #tpu.memory_space<hbm>>) dst(%arg7 : memref<4992x16xf32, #tpu.memory_space<vmem>>)
    %lt3A_30 = arith.constant 2 : i32
    %lt3A_31 = arith.cmpi slt, %add3A, %lt3A_30 : i32
    %convert_element_type3A_32 = arith.extui %lt3A_31 : i1 to i32
    %cond3A_33 = arith.constant 0 : i32
    %cond3A_34 = arith.cmpi ne, %convert_element_type3A_32, %cond3A_33 : i32
    scf.if %cond3A_34 {
      %dma_wait3A_43 = arith.constant 0 : i32
      %dma_wait3A_44 = arith.constant 0 : i32
      %dma_wait3A_45 = tpu.memref_slice %arg2[%dma_wait3A_43, %dma_wait3A_44] : memref<160000x16xf32, #tpu.memory_space<hbm>> -> memref<128x16xf32, #tpu.memory_space<hbm>>
      %dma_wait3A_46 = arith.constant 0 : i32
      %dma_wait3A_47 = arith.constant 0 : i32
      %dma_wait3A_48 = tpu.memref_slice %arg2[%dma_wait3A_46, %dma_wait3A_47] : memref<160000x16xf32, #tpu.memory_space<hbm>> -> memref<128x16xf32, #tpu.memory_space<hbm>>
      tpu.wait_dma2 semaphore(%arg11 : memref<!tpu.dma_semaphore, #tpu.memory_space<semaphore_mem>>) src(%dma_wait3A_48 : memref<128x16xf32, #tpu.memory_space<hbm>>) dst(%arg9 : memref<128x16xf32, #tpu.memory_space<vmem>>)
    } else {
    }
    %barrier3A_35 = arith.constant 0 : index
    tpu.barrier barrier_id(%barrier3A_35)
    %mul3A_36 = arith.constant 625 : i32
    %mul3A_37 = arith.muli %arg1, %mul3A_36 : i32
    %mul3A_38 = arith.constant 10000 : i32
    %mul3A_39 = arith.muli %arg0, %mul3A_38 : i32
    %mul3A_40 = arith.constant 625 : i32
    %mul3A_41 = arith.muli %arg1, %mul3A_40 : i32
    %add3A_42 = arith.addi %mul3A_39, %mul3A_41 : i32
    "tpu.region"() ({
      %run_scoped3A = tpu.sem_alloc : memref<!tpu.dma_semaphore, #tpu.memory_space<semaphore_mem>>
      %dma_start3A_43 = arith.constant 0 : i32
      %dma_start3A_44 = tpu.memref_slice %arg5[%add3A_42, %dma_start3A_43] : memref<20000x16xf32, #tpu.memory_space<hbm>> -> memref<625x16xf32, #tpu.memory_space<hbm>>
      %dma_start3A_45 = arith.constant 0 : i32
      %dma_start3A_46 = tpu.memref_slice %arg10[%mul3A_37, %dma_start3A_45] : memref<10000x16xf32, #tpu.memory_space<vmem_shared>> -> memref<625x16xf32, #tpu.memory_space<vmem_shared>>
      tpu.enqueue_dma source(%dma_start3A_46 : memref<625x16xf32, #tpu.memory_space<vmem_shared>>) target(%dma_start3A_44 : memref<625x16xf32, #tpu.memory_space<hbm>>) target_semaphore(%run_scoped3A : memref<!tpu.dma_semaphore, #tpu.memory_space<semaphore_mem>>)
      %dma_wait3A_47 = arith.constant 0 : i32
      %dma_wait3A_48 = tpu.memref_slice %arg5[%add3A_42, %dma_wait3A_47] : memref<20000x16xf32, #tpu.memory_space<hbm>> -> memref<625x16xf32, #tpu.memory_space<hbm>>
      %dma_wait3A_49 = arith.constant 0 : i32
      %dma_wait3A_50 = tpu.memref_slice %arg10[%mul3A_37, %dma_wait3A_49] : memref<10000x16xf32, #tpu.memory_space<vmem_shared>> -> memref<625x16xf32, #tpu.memory_space<vmem_shared>>
      tpu.wait_dma2 semaphore(%run_scoped3A : memref<!tpu.dma_semaphore, #tpu.memory_space<semaphore_mem>>) src(%dma_wait3A_50 : memref<625x16xf32, #tpu.memory_space<vmem_shared>>) dst(%dma_wait3A_48 : memref<625x16xf32, #tpu.memory_space<hbm>>)
      tpu.yield
    }) : () -> ()
    return
  }
}

module attributes {stable_mosaic.version = 14 : i64} {
  func.func @_affine_relu_body(%arg0: i32, %arg1: memref<1250x1024xf32, #tpu.memory_space<vmem>>, %arg2: memref<1024x128xf32, #tpu.memory_space<vmem>>, %arg3: memref<1x128xf32, #tpu.memory_space<vmem>>, %arg4: memref<1250x128xf32, #tpu.memory_space<vmem>>) attributes {dimension_semantics = [#tpu.dimension_semantics<arbitrary>], iteration_bounds = array<i64: 1>, scalar_prefetch = 0 : i64, scratch_operands = 0 : i64, tpu.core_type = #tpu.core_type<tc>, window_params = [{transform_indices = @transform_0, window_bounds = array<i64: 1250, 1024>}, {pipeline_mode = #tpu.pipeline_mode<synchronous>, transform_indices = @transform_1, window_bounds = array<i64: 1024, 128>}, {pipeline_mode = #tpu.pipeline_mode<synchronous>, transform_indices = @transform_2, window_bounds = array<i64: 1, 128>}, {transform_indices = @transform_3, window_bounds = array<i64: 1250, 128>}]} {
    %get3A = arith.constant 0 : index
    %get3A_0 = arith.constant 0 : index
    %get3A_1 = vector.load %arg1[%get3A, %get3A_0] : memref<1250x1024xf32, #tpu.memory_space<vmem>>, vector<1250x1024xf32>
    %get3A_2 = arith.constant 0 : index
    %get3A_3 = arith.constant 0 : index
    %get3A_4 = vector.load %arg2[%get3A_2, %get3A_3] : memref<1024x128xf32, #tpu.memory_space<vmem>>, vector<1024x128xf32>
    %dot_general3A = arith.constant dense<0.000000e+00> : vector<1250x128xf32>
    %dot_general3A_5 = tpu.matmul %get3A_1, %get3A_4, %dot_general3A {dimension_numbers = #tpu.dot_dimension_numbers<[1], [0], [0], [1], [0, 0, 1, 1], [], []>, transpose_lhs_hint = false} : vector<1250x1024xf32>, vector<1024x128xf32>, vector<1250x128xf32> -> vector<1250x128xf32>
    %get3A_6 = arith.constant 0 : index
    %get3A_7 = arith.constant 0 : index
    %get3A_8 = vector.load %arg3[%get3A_6, %get3A_7] : memref<1x128xf32, #tpu.memory_space<vmem>>, vector<1x128xf32>
    %add3A = vector.broadcast %get3A_8 : vector<1x128xf32> to vector<1250x128xf32>
    %add3A_9 = arith.addf %dot_general3A_5, %add3A : vector<1250x128xf32>
    %max3A = arith.constant 0.000000e+00 : f32
    %max3A_10 = vector.broadcast %max3A : f32 to vector<1250x128xf32>
    %max3A_11 = arith.maximumf %add3A_9, %max3A_10 : vector<1250x128xf32>
    %swap3A = arith.constant 0 : index
    %swap3A_12 = arith.constant 0 : index
    %swap3A_13 = vector.load %arg4[%swap3A, %swap3A_12] : memref<1250x128xf32, #tpu.memory_space<vmem>>, vector<1250x128xf32>
    tpu.vector_store %arg4[%swap3A, %swap3A_12], %max3A_11 {strides = array<i32>} : memref<1250x128xf32, #tpu.memory_space<vmem>>, vector<1250x128xf32>,
    return
  }
  func.func @transform_0(%arg0: i32) -> (i32, i32) {
    %c0_i32 = arith.constant 0 : i32
    %c0_i32_0 = arith.constant 0 : i32
    return %arg0, %c0_i32 : i32, i32
  }
  func.func @transform_1(%arg0: i32) -> (i32, i32) {
    %c0_i32 = arith.constant 0 : i32
    %c0_i32_0 = arith.constant 0 : i32
    %c0_i32_1 = arith.constant 0 : i32
    return %c0_i32, %c0_i32_0 : i32, i32
  }
  func.func @transform_2(%arg0: i32) -> (i32, i32) {
    %c0_i32 = arith.constant 0 : i32
    %c0_i32_0 = arith.constant 0 : i32
    %c0_i32_1 = arith.constant 0 : i32
    return %c0_i32, %c0_i32_0 : i32, i32
  }
  func.func @transform_3(%arg0: i32) -> (i32, i32) {
    %c0_i32 = arith.constant 0 : i32
    %c0_i32_0 = arith.constant 0 : i32
    return %arg0, %c0_i32 : i32, i32
  }
}

module attributes {stable_mosaic.version = 14 : i64} {
  func.func @_affine_relu_body(%arg0: i32, %arg1: memref<4000x128xf32, #tpu.memory_space<vmem>>, %arg2: memref<128x128xf32, #tpu.memory_space<vmem>>, %arg3: memref<1x128xf32, #tpu.memory_space<vmem>>, %arg4: memref<4000x128xf32, #tpu.memory_space<vmem>>) attributes {dimension_semantics = [#tpu.dimension_semantics<arbitrary>], iteration_bounds = array<i64: 5>, scalar_prefetch = 0 : i64, scratch_operands = 0 : i64, tpu.core_type = #tpu.core_type<tc>, window_params = [{transform_indices = @transform_0, window_bounds = array<i64: 4000, 128>}, {pipeline_mode = #tpu.pipeline_mode<synchronous>, transform_indices = @transform_1, window_bounds = array<i64: 128, 128>}, {pipeline_mode = #tpu.pipeline_mode<synchronous>, transform_indices = @transform_2, window_bounds = array<i64: 1, 128>}, {transform_indices = @transform_3, window_bounds = array<i64: 4000, 128>}]} {
    %get3A = arith.constant 0 : index
    %get3A_0 = arith.constant 0 : index
    %get3A_1 = vector.load %arg1[%get3A, %get3A_0] : memref<4000x128xf32, #tpu.memory_space<vmem>>, vector<4000x128xf32>
    %get3A_2 = arith.constant 0 : index
    %get3A_3 = arith.constant 0 : index
    %get3A_4 = vector.load %arg2[%get3A_2, %get3A_3] : memref<128x128xf32, #tpu.memory_space<vmem>>, vector<128x128xf32>
    %dot_general3A = arith.constant dense<0.000000e+00> : vector<4000x128xf32>
    %dot_general3A_5 = tpu.matmul %get3A_1, %get3A_4, %dot_general3A {dimension_numbers = #tpu.dot_dimension_numbers<[1], [0], [0], [1], [0, 0, 1, 1], [], []>, transpose_lhs_hint = false} : vector<4000x128xf32>, vector<128x128xf32>, vector<4000x128xf32> -> vector<4000x128xf32>
    %get3A_6 = arith.constant 0 : index
    %get3A_7 = arith.constant 0 : index
    %get3A_8 = vector.load %arg3[%get3A_6, %get3A_7] : memref<1x128xf32, #tpu.memory_space<vmem>>, vector<1x128xf32>
    %add3A = vector.broadcast %get3A_8 : vector<1x128xf32> to vector<4000x128xf32>
    %add3A_9 = arith.addf %dot_general3A_5, %add3A : vector<4000x128xf32>
    %max3A = arith.constant 0.000000e+00 : f32
    %max3A_10 = vector.broadcast %max3A : f32 to vector<4000x128xf32>
    %max3A_11 = arith.maximumf %add3A_9, %max3A_10 : vector<4000x128xf32>
    %swap3A = arith.constant 0 : index
    %swap3A_12 = arith.constant 0 : index
    %swap3A_13 = vector.load %arg4[%swap3A, %swap3A_12] : memref<4000x128xf32, #tpu.memory_space<vmem>>, vector<4000x128xf32>
    tpu.vector_store %arg4[%swap3A, %swap3A_12], %max3A_11 {strides = array<i32>} : memref<4000x128xf32, #tpu.memory_space<vmem>>, vector<4000x128xf32>,
    return
  }
  func.func @transform_0(%arg0: i32) -> (i32, i32) {
    %c0_i32 = arith.constant 0 : i32
    %c0_i32_0 = arith.constant 0 : i32
    return %arg0, %c0_i32 : i32, i32
  }
  func.func @transform_1(%arg0: i32) -> (i32, i32) {
    %c0_i32 = arith.constant 0 : i32
    %c0_i32_0 = arith.constant 0 : i32
    %c0_i32_1 = arith.constant 0 : i32
    return %c0_i32, %c0_i32_0 : i32, i32
  }
  func.func @transform_2(%arg0: i32) -> (i32, i32) {
    %c0_i32 = arith.constant 0 : i32
    %c0_i32_0 = arith.constant 0 : i32
    %c0_i32_1 = arith.constant 0 : i32
    return %c0_i32, %c0_i32_0 : i32, i32
  }
  func.func @transform_3(%arg0: i32) -> (i32, i32) {
    %c0_i32 = arith.constant 0 : i32
    %c0_i32_0 = arith.constant 0 : i32
    return %arg0, %c0_i32 : i32, i32
  }
}

module attributes {stable_mosaic.version = 14 : i64} {
  func.func @_msg_body(%arg0: i32, %arg1: memref<1000x128xf32, #tpu.memory_space<vmem>>, %arg2: memref<1000x128xf32, #tpu.memory_space<vmem>>, %arg3: memref<128x2048xf32, #tpu.memory_space<vmem>>, %arg4: memref<128x2048xf32, #tpu.memory_space<vmem>>, %arg5: memref<128x128xf32, #tpu.memory_space<vmem>>, %arg6: memref<1000x128xf32, #tpu.memory_space<vmem>>) attributes {dimension_semantics = [#tpu.dimension_semantics<arbitrary>], iteration_bounds = array<i64: 20>, scalar_prefetch = 0 : i64, scratch_operands = 0 : i64, tpu.core_type = #tpu.core_type<tc>, window_params = [{transform_indices = @transform_0, window_bounds = array<i64: 1000, 128>}, {transform_indices = @transform_1, window_bounds = array<i64: 1000, 128>}, {pipeline_mode = #tpu.pipeline_mode<synchronous>, transform_indices = @transform_2, window_bounds = array<i64: 128, 2048>}, {pipeline_mode = #tpu.pipeline_mode<synchronous>, transform_indices = @transform_3, window_bounds = array<i64: 128, 2048>}, {pipeline_mode = #tpu.pipeline_mode<synchronous>, transform_indices = @transform_4, window_bounds = array<i64: 128, 128>}, {transform_indices = @transform_5, window_bounds = array<i64: 1000, 128>}]} {
    %get3A = arith.constant 0 : index
    %get3A_0 = arith.constant 0 : index
    %get3A_1 = vector.load %arg1[%get3A, %get3A_0] : memref<1000x128xf32, #tpu.memory_space<vmem>>, vector<1000x128xf32>
    %get3A_2 = arith.constant 0 : index
    %get3A_3 = arith.constant 0 : index
    %get3A_4 = vector.load %arg2[%get3A_2, %get3A_3] : memref<1000x128xf32, #tpu.memory_space<vmem>>, vector<1000x128xf32>
    %get3A_5 = arith.constant 0 : index
    %get3A_6 = arith.constant 0 : index
    %get3A_7 = vector.load %arg3[%get3A_5, %get3A_6] : memref<128x2048xf32, #tpu.memory_space<vmem>>, vector<128x2048xf32>
    %dot_general3A = arith.constant dense<0.000000e+00> : vector<1000x2048xf32>
    %dot_general3A_8 = tpu.matmul %get3A_1, %get3A_7, %dot_general3A {dimension_numbers = #tpu.dot_dimension_numbers<[1], [0], [0], [1], [0, 0, 1, 1], [], []>, transpose_lhs_hint = false} : vector<1000x128xf32>, vector<128x2048xf32>, vector<1000x2048xf32> -> vector<1000x2048xf32>
    %get3A_9 = arith.constant 0 : index
    %get3A_10 = arith.constant 0 : index
    %get3A_11 = vector.load %arg4[%get3A_9, %get3A_10] : memref<128x2048xf32, #tpu.memory_space<vmem>>, vector<128x2048xf32>
    %dot_general3A_12 = arith.constant dense<0.000000e+00> : vector<1000x2048xf32>
    %dot_general3A_13 = tpu.matmul %get3A_4, %get3A_11, %dot_general3A_12 {dimension_numbers = #tpu.dot_dimension_numbers<[1], [0], [0], [1], [0, 0, 1, 1], [], []>, transpose_lhs_hint = false} : vector<1000x128xf32>, vector<128x2048xf32>, vector<1000x2048xf32> -> vector<1000x2048xf32>
    %get3A_14 = arith.constant 0 : index
    %get3A_15 = arith.constant 0 : index
    %get3A_16 = vector.load %arg5[%get3A_14, %get3A_15] : memref<128x128xf32, #tpu.memory_space<vmem>>, vector<128x128xf32>
    %dot_general3A_17 = arith.constant dense<0.000000e+00> : vector<1000x128xf32>
    %dot_general3A_18 = tpu.matmul %get3A_4, %get3A_16, %dot_general3A_17 {dimension_numbers = #tpu.dot_dimension_numbers<[1], [0], [0], [1], [0, 0, 1, 1], [], []>, transpose_lhs_hint = false} : vector<1000x128xf32>, vector<128x128xf32>, vector<1000x128xf32> -> vector<1000x128xf32>
    %slice3A = vector.extract_strided_slice %dot_general3A_8 {offsets = [0, 0], sizes = [1000, 128], strides = [1, 1]} : vector<1000x2048xf32> to vector<1000x128xf32>
    %slice3A_19 = vector.extract_strided_slice %dot_general3A_13 {offsets = [0, 0], sizes = [1000, 128], strides = [1, 1]} : vector<1000x2048xf32> to vector<1000x128xf32>
    %mul3A = arith.mulf %slice3A, %slice3A_19 : vector<1000x128xf32>
    %add3A = arith.addf %dot_general3A_18, %mul3A : vector<1000x128xf32>
    %slice3A_20 = vector.extract_strided_slice %dot_general3A_8 {offsets = [0, 128], sizes = [1000, 128], strides = [1, 1]} : vector<1000x2048xf32> to vector<1000x128xf32>
    %slice3A_21 = vector.extract_strided_slice %dot_general3A_13 {offsets = [0, 128], sizes = [1000, 128], strides = [1, 1]} : vector<1000x2048xf32> to vector<1000x128xf32>
    %mul3A_22 = arith.mulf %slice3A_20, %slice3A_21 : vector<1000x128xf32>
    %add3A_23 = arith.addf %add3A, %mul3A_22 : vector<1000x128xf32>
    %slice3A_24 = vector.extract_strided_slice %dot_general3A_8 {offsets = [0, 256], sizes = [1000, 128], strides = [1, 1]} : vector<1000x2048xf32> to vector<1000x128xf32>
    %slice3A_25 = vector.extract_strided_slice %dot_general3A_13 {offsets = [0, 256], sizes = [1000, 128], strides = [1, 1]} : vector<1000x2048xf32> to vector<1000x128xf32>
    %mul3A_26 = arith.mulf %slice3A_24, %slice3A_25 : vector<1000x128xf32>
    %add3A_27 = arith.addf %add3A_23, %mul3A_26 : vector<1000x128xf32>
    %slice3A_28 = vector.extract_strided_slice %dot_general3A_8 {offsets = [0, 384], sizes = [1000, 128], strides = [1, 1]} : vector<1000x2048xf32> to vector<1000x128xf32>
    %slice3A_29 = vector.extract_strided_slice %dot_general3A_13 {offsets = [0, 384], sizes = [1000, 128], strides = [1, 1]} : vector<1000x2048xf32> to vector<1000x128xf32>
    %mul3A_30 = arith.mulf %slice3A_28, %slice3A_29 : vector<1000x128xf32>
    %add3A_31 = arith.addf %add3A_27, %mul3A_30 : vector<1000x128xf32>
    %slice3A_32 = vector.extract_strided_slice %dot_general3A_8 {offsets = [0, 512], sizes = [1000, 128], strides = [1, 1]} : vector<1000x2048xf32> to vector<1000x128xf32>
    %slice3A_33 = vector.extract_strided_slice %dot_general3A_13 {offsets = [0, 512], sizes = [1000, 128], strides = [1, 1]} : vector<1000x2048xf32> to vector<1000x128xf32>
    %mul3A_34 = arith.mulf %slice3A_32, %slice3A_33 : vector<1000x128xf32>
    %add3A_35 = arith.addf %add3A_31, %mul3A_34 : vector<1000x128xf32>
    %slice3A_36 = vector.extract_strided_slice %dot_general3A_8 {offsets = [0, 640], sizes = [1000, 128], strides = [1, 1]} : vector<1000x2048xf32> to vector<1000x128xf32>
    %slice3A_37 = vector.extract_strided_slice %dot_general3A_13 {offsets = [0, 640], sizes = [1000, 128], strides = [1, 1]} : vector<1000x2048xf32> to vector<1000x128xf32>
    %mul3A_38 = arith.mulf %slice3A_36, %slice3A_37 : vector<1000x128xf32>
    %add3A_39 = arith.addf %add3A_35, %mul3A_38 : vector<1000x128xf32>
    %slice3A_40 = vector.extract_strided_slice %dot_general3A_8 {offsets = [0, 768], sizes = [1000, 128], strides = [1, 1]} : vector<1000x2048xf32> to vector<1000x128xf32>
    %slice3A_41 = vector.extract_strided_slice %dot_general3A_13 {offsets = [0, 768], sizes = [1000, 128], strides = [1, 1]} : vector<1000x2048xf32> to vector<1000x128xf32>
    %mul3A_42 = arith.mulf %slice3A_40, %slice3A_41 : vector<1000x128xf32>
    %add3A_43 = arith.addf %add3A_39, %mul3A_42 : vector<1000x128xf32>
    %slice3A_44 = vector.extract_strided_slice %dot_general3A_8 {offsets = [0, 896], sizes = [1000, 128], strides = [1, 1]} : vector<1000x2048xf32> to vector<1000x128xf32>
    %slice3A_45 = vector.extract_strided_slice %dot_general3A_13 {offsets = [0, 896], sizes = [1000, 128], strides = [1, 1]} : vector<1000x2048xf32> to vector<1000x128xf32>
    %mul3A_46 = arith.mulf %slice3A_44, %slice3A_45 : vector<1000x128xf32>
    %add3A_47 = arith.addf %add3A_43, %mul3A_46 : vector<1000x128xf32>
    %slice3A_48 = vector.extract_strided_slice %dot_general3A_8 {offsets = [0, 1024], sizes = [1000, 128], strides = [1, 1]} : vector<1000x2048xf32> to vector<1000x128xf32>
    %slice3A_49 = vector.extract_strided_slice %dot_general3A_13 {offsets = [0, 1024], sizes = [1000, 128], strides = [1, 1]} : vector<1000x2048xf32> to vector<1000x128xf32>
    %mul3A_50 = arith.mulf %slice3A_48, %slice3A_49 : vector<1000x128xf32>
    %add3A_51 = arith.addf %add3A_47, %mul3A_50 : vector<1000x128xf32>
    %slice3A_52 = vector.extract_strided_slice %dot_general3A_8 {offsets = [0, 1152], sizes = [1000, 128], strides = [1, 1]} : vector<1000x2048xf32> to vector<1000x128xf32>
    %slice3A_53 = vector.extract_strided_slice %dot_general3A_13 {offsets = [0, 1152], sizes = [1000, 128], strides = [1, 1]} : vector<1000x2048xf32> to vector<1000x128xf32>
    %mul3A_54 = arith.mulf %slice3A_52, %slice3A_53 : vector<1000x128xf32>
    %add3A_55 = arith.addf %add3A_51, %mul3A_54 : vector<1000x128xf32>
    %slice3A_56 = vector.extract_strided_slice %dot_general3A_8 {offsets = [0, 1280], sizes = [1000, 128], strides = [1, 1]} : vector<1000x2048xf32> to vector<1000x128xf32>
    %slice3A_57 = vector.extract_strided_slice %dot_general3A_13 {offsets = [0, 1280], sizes = [1000, 128], strides = [1, 1]} : vector<1000x2048xf32> to vector<1000x128xf32>
    %mul3A_58 = arith.mulf %slice3A_56, %slice3A_57 : vector<1000x128xf32>
    %add3A_59 = arith.addf %add3A_55, %mul3A_58 : vector<1000x128xf32>
    %slice3A_60 = vector.extract_strided_slice %dot_general3A_8 {offsets = [0, 1408], sizes = [1000, 128], strides = [1, 1]} : vector<1000x2048xf32> to vector<1000x128xf32>
    %slice3A_61 = vector.extract_strided_slice %dot_general3A_13 {offsets = [0, 1408], sizes = [1000, 128], strides = [1, 1]} : vector<1000x2048xf32> to vector<1000x128xf32>
    %mul3A_62 = arith.mulf %slice3A_60, %slice3A_61 : vector<1000x128xf32>
    %add3A_63 = arith.addf %add3A_59, %mul3A_62 : vector<1000x128xf32>
    %slice3A_64 = vector.extract_strided_slice %dot_general3A_8 {offsets = [0, 1536], sizes = [1000, 128], strides = [1, 1]} : vector<1000x2048xf32> to vector<1000x128xf32>
    %slice3A_65 = vector.extract_strided_slice %dot_general3A_13 {offsets = [0, 1536], sizes = [1000, 128], strides = [1, 1]} : vector<1000x2048xf32> to vector<1000x128xf32>
    %mul3A_66 = arith.mulf %slice3A_64, %slice3A_65 : vector<1000x128xf32>
    %add3A_67 = arith.addf %add3A_63, %mul3A_66 : vector<1000x128xf32>
    %slice3A_68 = vector.extract_strided_slice %dot_general3A_8 {offsets = [0, 1664], sizes = [1000, 128], strides = [1, 1]} : vector<1000x2048xf32> to vector<1000x128xf32>
    %slice3A_69 = vector.extract_strided_slice %dot_general3A_13 {offsets = [0, 1664], sizes = [1000, 128], strides = [1, 1]} : vector<1000x2048xf32> to vector<1000x128xf32>
    %mul3A_70 = arith.mulf %slice3A_68, %slice3A_69 : vector<1000x128xf32>
    %add3A_71 = arith.addf %add3A_67, %mul3A_70 : vector<1000x128xf32>
    %slice3A_72 = vector.extract_strided_slice %dot_general3A_8 {offsets = [0, 1792], sizes = [1000, 128], strides = [1, 1]} : vector<1000x2048xf32> to vector<1000x128xf32>
    %slice3A_73 = vector.extract_strided_slice %dot_general3A_13 {offsets = [0, 1792], sizes = [1000, 128], strides = [1, 1]} : vector<1000x2048xf32> to vector<1000x128xf32>
    %mul3A_74 = arith.mulf %slice3A_72, %slice3A_73 : vector<1000x128xf32>
    %add3A_75 = arith.addf %add3A_71, %mul3A_74 : vector<1000x128xf32>
    %slice3A_76 = vector.extract_strided_slice %dot_general3A_8 {offsets = [0, 1920], sizes = [1000, 128], strides = [1, 1]} : vector<1000x2048xf32> to vector<1000x128xf32>
    %slice3A_77 = vector.extract_strided_slice %dot_general3A_13 {offsets = [0, 1920], sizes = [1000, 128], strides = [1, 1]} : vector<1000x2048xf32> to vector<1000x128xf32>
    %mul3A_78 = arith.mulf %slice3A_76, %slice3A_77 : vector<1000x128xf32>
    %add3A_79 = arith.addf %add3A_75, %mul3A_78 : vector<1000x128xf32>
    %swap3A = arith.constant 0 : index
    %swap3A_80 = arith.constant 0 : index
    %swap3A_81 = vector.load %arg6[%swap3A, %swap3A_80] : memref<1000x128xf32, #tpu.memory_space<vmem>>, vector<1000x128xf32>
    tpu.vector_store %arg6[%swap3A, %swap3A_80], %add3A_79 {strides = array<i32>} : memref<1000x128xf32, #tpu.memory_space<vmem>>, vector<1000x128xf32>,
    return
  }
  func.func @transform_0(%arg0: i32) -> (i32, i32) {
    %c0_i32 = arith.constant 0 : i32
    %c0_i32_0 = arith.constant 0 : i32
    return %arg0, %c0_i32 : i32, i32
  }
  func.func @transform_1(%arg0: i32) -> (i32, i32) {
    %c0_i32 = arith.constant 0 : i32
    %c0_i32_0 = arith.constant 0 : i32
    return %arg0, %c0_i32 : i32, i32
  }
  func.func @transform_2(%arg0: i32) -> (i32, i32) {
    %c0_i32 = arith.constant 0 : i32
    %c0_i32_0 = arith.constant 0 : i32
    %c0_i32_1 = arith.constant 0 : i32
    return %c0_i32, %c0_i32_0 : i32, i32
  }
  func.func @transform_3(%arg0: i32) -> (i32, i32) {
    %c0_i32 = arith.constant 0 : i32
    %c0_i32_0 = arith.constant 0 : i32
    %c0_i32_1 = arith.constant 0 : i32
    return %c0_i32, %c0_i32_0 : i32, i32
  }
  func.func @transform_4(%arg0: i32) -> (i32, i32) {
    %c0_i32 = arith.constant 0 : i32
    %c0_i32_0 = arith.constant 0 : i32
    %c0_i32_1 = arith.constant 0 : i32
    return %c0_i32, %c0_i32_0 : i32, i32
  }
  func.func @transform_5(%arg0: i32) -> (i32, i32) {
    %c0_i32 = arith.constant 0 : i32
    %c0_i32_0 = arith.constant 0 : i32
    return %arg0, %c0_i32 : i32, i32
  }
}

module attributes {stable_mosaic.version = 14 : i64} {
  func.func @_gru_body(%arg0: i32, %arg1: memref<2x1250x128xf32, #tpu.memory_space<vmem>>, %arg2: memref<1250x128xf32, #tpu.memory_space<vmem>>, %arg3: memref<128x384xf32, #tpu.memory_space<vmem>>, %arg4: memref<128x384xf32, #tpu.memory_space<vmem>>, %arg5: memref<1x384xf32, #tpu.memory_space<vmem>>, %arg6: memref<1x384xf32, #tpu.memory_space<vmem>>, %arg7: memref<1x128xf32, #tpu.memory_space<vmem>>, %arg8: memref<1250x128xf32, #tpu.memory_space<vmem>>) attributes {dimension_semantics = [#tpu.dimension_semantics<arbitrary>], iteration_bounds = array<i64: 1>, scalar_prefetch = 0 : i64, scratch_operands = 0 : i64, tpu.core_type = #tpu.core_type<tc>, window_params = [{pipeline_mode = #tpu.pipeline_mode<synchronous>, transform_indices = @transform_0, window_bounds = array<i64: 2, 1250, 128>}, {pipeline_mode = #tpu.pipeline_mode<synchronous>, transform_indices = @transform_1, window_bounds = array<i64: 1250, 128>}, {pipeline_mode = #tpu.pipeline_mode<synchronous>, transform_indices = @transform_2, window_bounds = array<i64: 128, 384>}, {pipeline_mode = #tpu.pipeline_mode<synchronous>, transform_indices = @transform_3, window_bounds = array<i64: 128, 384>}, {pipeline_mode = #tpu.pipeline_mode<synchronous>, transform_indices = @transform_4, window_bounds = array<i64: 1, 384>}, {pipeline_mode = #tpu.pipeline_mode<synchronous>, transform_indices = @transform_5, window_bounds = array<i64: 1, 384>}, {pipeline_mode = #tpu.pipeline_mode<synchronous>, transform_indices = @transform_6, window_bounds = array<i64: 1, 128>}, {pipeline_mode = #tpu.pipeline_mode<synchronous>, transform_indices = @transform_7, window_bounds = array<i64: 1250, 128>}]} {
    %get3A = arith.constant 0 : index
    %get3A_0 = arith.constant 0 : index
    %get3A_1 = arith.constant 0 : index
    %get3A_2 = vector.load %arg1[%get3A, %get3A_0, %get3A_1] : memref<2x1250x128xf32, #tpu.memory_space<vmem>>, vector<1x1250x128xf32>
    %get3A_3 = vector.shape_cast %get3A_2 : vector<1x1250x128xf32> to vector<1250x128xf32>
    %get3A_4 = arith.constant 1 : index
    %get3A_5 = arith.constant 0 : index
    %get3A_6 = arith.constant 0 : index
    %get3A_7 = vector.load %arg1[%get3A_4, %get3A_5, %get3A_6] : memref<2x1250x128xf32, #tpu.memory_space<vmem>>, vector<1x1250x128xf32>
    %get3A_8 = vector.shape_cast %get3A_7 : vector<1x1250x128xf32> to vector<1250x128xf32>
    %add3A = arith.addf %get3A_3, %get3A_8 : vector<1250x128xf32>
    %get3A_9 = arith.constant 0 : index
    %get3A_10 = arith.constant 0 : index
    %get3A_11 = vector.load %arg7[%get3A_9, %get3A_10] : memref<1x128xf32, #tpu.memory_space<vmem>>, vector<1x128xf32>
    %add3A_12 = vector.broadcast %get3A_11 : vector<1x128xf32> to vector<1250x128xf32>
    %add3A_13 = arith.addf %add3A, %add3A_12 : vector<1250x128xf32>
    %max3A = arith.constant 0.000000e+00 : f32
    %max3A_14 = vector.broadcast %max3A : f32 to vector<1250x128xf32>
    %max3A_15 = arith.maximumf %add3A_13, %max3A_14 : vector<1250x128xf32>
    %get3A_16 = arith.constant 0 : index
    %get3A_17 = arith.constant 0 : index
    %get3A_18 = vector.load %arg2[%get3A_16, %get3A_17] : memref<1250x128xf32, #tpu.memory_space<vmem>>, vector<1250x128xf32>
    %get3A_19 = arith.constant 0 : index
    %get3A_20 = arith.constant 0 : index
    %get3A_21 = vector.load %arg3[%get3A_19, %get3A_20] : memref<128x384xf32, #tpu.memory_space<vmem>>, vector<128x384xf32>
    %dot_general3A = arith.constant dense<0.000000e+00> : vector<1250x384xf32>
    %dot_general3A_22 = tpu.matmul %max3A_15, %get3A_21, %dot_general3A {dimension_numbers = #tpu.dot_dimension_numbers<[1], [0], [0], [1], [0, 0, 1, 1], [], []>, transpose_lhs_hint = false} : vector<1250x128xf32>, vector<128x384xf32>, vector<1250x384xf32> -> vector<1250x384xf32>
    %get3A_23 = arith.constant 0 : index
    %get3A_24 = arith.constant 0 : index
    %get3A_25 = vector.load %arg5[%get3A_23, %get3A_24] : memref<1x384xf32, #tpu.memory_space<vmem>>, vector<1x384xf32>
    %add3A_26 = vector.broadcast %get3A_25 : vector<1x384xf32> to vector<1250x384xf32>
    %add3A_27 = arith.addf %dot_general3A_22, %add3A_26 : vector<1250x384xf32>
    %get3A_28 = arith.constant 0 : index
    %get3A_29 = arith.constant 0 : index
    %get3A_30 = vector.load %arg4[%get3A_28, %get3A_29] : memref<128x384xf32, #tpu.memory_space<vmem>>, vector<128x384xf32>
    %dot_general3A_31 = arith.constant dense<0.000000e+00> : vector<1250x384xf32>
    %dot_general3A_32 = tpu.matmul %get3A_18, %get3A_30, %dot_general3A_31 {dimension_numbers = #tpu.dot_dimension_numbers<[1], [0], [0], [1], [0, 0, 1, 1], [], []>, transpose_lhs_hint = false} : vector<1250x128xf32>, vector<128x384xf32>, vector<1250x384xf32> -> vector<1250x384xf32>
    %get3A_33 = arith.constant 0 : index
    %get3A_34 = arith.constant 0 : index
    %get3A_35 = vector.load %arg6[%get3A_33, %get3A_34] : memref<1x384xf32, #tpu.memory_space<vmem>>, vector<1x384xf32>
    %add3A_36 = vector.broadcast %get3A_35 : vector<1x384xf32> to vector<1250x384xf32>
    %add3A_37 = arith.addf %dot_general3A_32, %add3A_36 : vector<1250x384xf32>
    %slice3A = vector.extract_strided_slice %add3A_27 {offsets = [0, 0], sizes = [1250, 128], strides = [1, 1]} : vector<1250x384xf32> to vector<1250x128xf32>
    %slice3A_38 = vector.extract_strided_slice %add3A_37 {offsets = [0, 0], sizes = [1250, 128], strides = [1, 1]} : vector<1250x384xf32> to vector<1250x128xf32>
    %add3A_39 = arith.addf %slice3A, %slice3A_38 : vector<1250x128xf32>
    %logistic3A = arith.negf %add3A_39 : vector<1250x128xf32>
    %logistic3A_40 = math.exp %logistic3A : vector<1250x128xf32>
    %logistic3A_41 = arith.constant 1.000000e+00 : f32
    %logistic3A_42 = vector.broadcast %logistic3A_41 : f32 to vector<1250x128xf32>
    %logistic3A_43 = arith.addf %logistic3A_42, %logistic3A_40 : vector<1250x128xf32>
    %logistic3A_44 = arith.divf %logistic3A_42, %logistic3A_43 : vector<1250x128xf32>
    %slice3A_45 = vector.extract_strided_slice %add3A_27 {offsets = [0, 128], sizes = [1250, 128], strides = [1, 1]} : vector<1250x384xf32> to vector<1250x128xf32>
    %slice3A_46 = vector.extract_strided_slice %add3A_37 {offsets = [0, 128], sizes = [1250, 128], strides = [1, 1]} : vector<1250x384xf32> to vector<1250x128xf32>
    %add3A_47 = arith.addf %slice3A_45, %slice3A_46 : vector<1250x128xf32>
    %logistic3A_48 = arith.negf %add3A_47 : vector<1250x128xf32>
    %logistic3A_49 = math.exp %logistic3A_48 : vector<1250x128xf32>
    %logistic3A_50 = arith.constant 1.000000e+00 : f32
    %logistic3A_51 = vector.broadcast %logistic3A_50 : f32 to vector<1250x128xf32>
    %logistic3A_52 = arith.addf %logistic3A_51, %logistic3A_49 : vector<1250x128xf32>
    %logistic3A_53 = arith.divf %logistic3A_51, %logistic3A_52 : vector<1250x128xf32>
    %slice3A_54 = vector.extract_strided_slice %add3A_27 {offsets = [0, 256], sizes = [1250, 128], strides = [1, 1]} : vector<1250x384xf32> to vector<1250x128xf32>
    %slice3A_55 = vector.extract_strided_slice %add3A_37 {offsets = [0, 256], sizes = [1250, 128], strides = [1, 1]} : vector<1250x384xf32> to vector<1250x128xf32>
    %mul3A = arith.mulf %logistic3A_44, %slice3A_55 : vector<1250x128xf32>
    %add3A_56 = arith.addf %slice3A_54, %mul3A : vector<1250x128xf32>
    %tanh3A = math.tanh %add3A_56 : vector<1250x128xf32>
    %sub3A = arith.constant 1.000000e+00 : f32
    %sub3A_57 = vector.broadcast %sub3A : f32 to vector<1250x128xf32>
    %sub3A_58 = arith.subf %sub3A_57, %logistic3A_53 : vector<1250x128xf32>
    %mul3A_59 = arith.mulf %sub3A_58, %tanh3A : vector<1250x128xf32>
    %mul3A_60 = arith.mulf %logistic3A_53, %get3A_18 : vector<1250x128xf32>
    %add3A_61 = arith.addf %mul3A_59, %mul3A_60 : vector<1250x128xf32>
    %swap3A = arith.constant 0 : index
    %swap3A_62 = arith.constant 0 : index
    %swap3A_63 = vector.load %arg8[%swap3A, %swap3A_62] : memref<1250x128xf32, #tpu.memory_space<vmem>>, vector<1250x128xf32>
    tpu.vector_store %arg8[%swap3A, %swap3A_62], %add3A_61 {strides = array<i32>} : memref<1250x128xf32, #tpu.memory_space<vmem>>, vector<1250x128xf32>,
    return
  }
  func.func @transform_0(%arg0: i32) -> (i32, i32, i32) {
    %c0_i32 = arith.constant 0 : i32
    %c0_i32_0 = arith.constant 0 : i32
    %c0_i32_1 = arith.constant 0 : i32
    %c0_i32_2 = arith.constant 0 : i32
    return %c0_i32, %c0_i32_0, %c0_i32_1 : i32, i32, i32
  }
  func.func @transform_1(%arg0: i32) -> (i32, i32) {
    %c0_i32 = arith.constant 0 : i32
    %c0_i32_0 = arith.constant 0 : i32
    %c0_i32_1 = arith.constant 0 : i32
    return %c0_i32, %c0_i32_0 : i32, i32
  }
  func.func @transform_2(%arg0: i32) -> (i32, i32) {
    %c0_i32 = arith.constant 0 : i32
    %c0_i32_0 = arith.constant 0 : i32
    %c0_i32_1 = arith.constant 0 : i32
    return %c0_i32, %c0_i32_0 : i32, i32
  }
  func.func @transform_3(%arg0: i32) -> (i32, i32) {
    %c0_i32 = arith.constant 0 : i32
    %c0_i32_0 = arith.constant 0 : i32
    %c0_i32_1 = arith.constant 0 : i32
    return %c0_i32, %c0_i32_0 : i32, i32
  }
  func.func @transform_4(%arg0: i32) -> (i32, i32) {
    %c0_i32 = arith.constant 0 : i32
    %c0_i32_0 = arith.constant 0 : i32
    %c0_i32_1 = arith.constant 0 : i32
    return %c0_i32, %c0_i32_0 : i32, i32
  }
  func.func @transform_5(%arg0: i32) -> (i32, i32) {
    %c0_i32 = arith.constant 0 : i32
    %c0_i32_0 = arith.constant 0 : i32
    %c0_i32_1 = arith.constant 0 : i32
    return %c0_i32, %c0_i32_0 : i32, i32
  }
  func.func @transform_6(%arg0: i32) -> (i32, i32) {
    %c0_i32 = arith.constant 0 : i32
    %c0_i32_0 = arith.constant 0 : i32
    %c0_i32_1 = arith.constant 0 : i32
    return %c0_i32, %c0_i32_0 : i32, i32
  }
  func.func @transform_7(%arg0: i32) -> (i32, i32) {
    %c0_i32 = arith.constant 0 : i32
    %c0_i32_0 = arith.constant 0 : i32
    %c0_i32_1 = arith.constant 0 : i32
    return %c0_i32, %c0_i32_0 : i32, i32
  }
}

module attributes {stable_mosaic.version = 14 : i64} {
  func.func @_readout_body(%arg0: i32, %arg1: memref<1250x128xf32, #tpu.memory_space<vmem>>, %arg2: memref<128x16xf32, #tpu.memory_space<vmem>>, %arg3: memref<16x8xf32, #tpu.memory_space<vmem>>, %arg4: memref<1x8xf32, #tpu.memory_space<vmem>>, %arg5: memref<8x4xf32, #tpu.memory_space<vmem>>, %arg6: memref<1x4xf32, #tpu.memory_space<vmem>>, %arg7: memref<4x2xf32, #tpu.memory_space<vmem>>, %arg8: memref<1x2xf32, #tpu.memory_space<vmem>>, %arg9: memref<1x2xf32, #tpu.memory_space<vmem>>) attributes {dimension_semantics = [#tpu.dimension_semantics<arbitrary>], iteration_bounds = array<i64: 1>, scalar_prefetch = 0 : i64, scratch_operands = 0 : i64, tpu.core_type = #tpu.core_type<tc>, window_params = [{pipeline_mode = #tpu.pipeline_mode<synchronous>, transform_indices = @transform_0, window_bounds = array<i64: 1250, 128>}, {pipeline_mode = #tpu.pipeline_mode<synchronous>, transform_indices = @transform_1, window_bounds = array<i64: 128, 16>}, {pipeline_mode = #tpu.pipeline_mode<synchronous>, transform_indices = @transform_2, window_bounds = array<i64: 16, 8>}, {pipeline_mode = #tpu.pipeline_mode<synchronous>, transform_indices = @transform_3, window_bounds = array<i64: 1, 8>}, {pipeline_mode = #tpu.pipeline_mode<synchronous>, transform_indices = @transform_4, window_bounds = array<i64: 8, 4>}, {pipeline_mode = #tpu.pipeline_mode<synchronous>, transform_indices = @transform_5, window_bounds = array<i64: 1, 4>}, {pipeline_mode = #tpu.pipeline_mode<synchronous>, transform_indices = @transform_6, window_bounds = array<i64: 4, 2>}, {pipeline_mode = #tpu.pipeline_mode<synchronous>, transform_indices = @transform_7, window_bounds = array<i64: 1, 2>}, {pipeline_mode = #tpu.pipeline_mode<synchronous>, transform_indices = @transform_8, window_bounds = array<i64: 1, 2>}]} {
    %get3A = arith.constant 0 : index
    %get3A_0 = arith.constant 0 : index
    %get3A_1 = vector.load %arg1[%get3A, %get3A_0] : memref<1250x128xf32, #tpu.memory_space<vmem>>, vector<1250x128xf32>
    %reduce_sum3A = arith.constant dense<0.000000e+00> : vector<128xf32>
    %reduce_sum3A_2 = vector.multi_reduction <add>, %get3A_1, %reduce_sum3A [0] : vector<1250x128xf32> to vector<128xf32>
    %broadcast_in_dim3A = vector.shape_cast %reduce_sum3A_2 : vector<128xf32> to vector<1x128xf32>
    %get3A_3 = arith.constant 0 : index
    %get3A_4 = arith.constant 0 : index
    %get3A_5 = vector.load %arg2[%get3A_3, %get3A_4] : memref<128x16xf32, #tpu.memory_space<vmem>>, vector<128x16xf32>
    %dot_general3A = arith.constant dense<0.000000e+00> : vector<1x16xf32>
    %dot_general3A_6 = tpu.matmul %broadcast_in_dim3A, %get3A_5, %dot_general3A {dimension_numbers = #tpu.dot_dimension_numbers<[1], [0], [0], [1], [0, 0, 1, 1], [], []>, transpose_lhs_hint = false} : vector<1x128xf32>, vector<128x16xf32>, vector<1x16xf32> -> vector<1x16xf32>
    %mul3A = arith.constant 9.99999974E-5 : f32
    %mul3A_7 = vector.broadcast %mul3A : f32 to vector<1x16xf32>
    %mul3A_8 = arith.mulf %dot_general3A_6, %mul3A_7 : vector<1x16xf32>
    %get3A_9 = arith.constant 0 : index
    %get3A_10 = arith.constant 0 : index
    %get3A_11 = vector.load %arg3[%get3A_9, %get3A_10] : memref<16x8xf32, #tpu.memory_space<vmem>>, vector<16x8xf32>
    %dot_general3A_12 = arith.constant dense<0.000000e+00> : vector<1x8xf32>
    %dot_general3A_13 = tpu.matmul %mul3A_8, %get3A_11, %dot_general3A_12 {dimension_numbers = #tpu.dot_dimension_numbers<[1], [0], [0], [1], [0, 0, 1, 1], [], []>, transpose_lhs_hint = false} : vector<1x16xf32>, vector<16x8xf32>, vector<1x8xf32> -> vector<1x8xf32>
    %get3A_14 = arith.constant 0 : index
    %get3A_15 = arith.constant 0 : index
    %get3A_16 = vector.load %arg4[%get3A_14, %get3A_15] : memref<1x8xf32, #tpu.memory_space<vmem>>, vector<1x8xf32>
    %add3A = arith.addf %dot_general3A_13, %get3A_16 : vector<1x8xf32>
    %max3A = arith.constant 0.000000e+00 : f32
    %max3A_17 = vector.broadcast %max3A : f32 to vector<1x8xf32>
    %max3A_18 = arith.maximumf %add3A, %max3A_17 : vector<1x8xf32>
    %get3A_19 = arith.constant 0 : index
    %get3A_20 = arith.constant 0 : index
    %get3A_21 = vector.load %arg5[%get3A_19, %get3A_20] : memref<8x4xf32, #tpu.memory_space<vmem>>, vector<8x4xf32>
    %dot_general3A_22 = arith.constant dense<0.000000e+00> : vector<1x4xf32>
    %dot_general3A_23 = tpu.matmul %max3A_18, %get3A_21, %dot_general3A_22 {dimension_numbers = #tpu.dot_dimension_numbers<[1], [0], [0], [1], [0, 0, 1, 1], [], []>, transpose_lhs_hint = false} : vector<1x8xf32>, vector<8x4xf32>, vector<1x4xf32> -> vector<1x4xf32>
    %get3A_24 = arith.constant 0 : index
    %get3A_25 = arith.constant 0 : index
    %get3A_26 = vector.load %arg6[%get3A_24, %get3A_25] : memref<1x4xf32, #tpu.memory_space<vmem>>, vector<1x4xf32>
    %add3A_27 = arith.addf %dot_general3A_23, %get3A_26 : vector<1x4xf32>
    %max3A_28 = arith.constant 0.000000e+00 : f32
    %max3A_29 = vector.broadcast %max3A_28 : f32 to vector<1x4xf32>
    %max3A_30 = arith.maximumf %add3A_27, %max3A_29 : vector<1x4xf32>
    %get3A_31 = arith.constant 0 : index
    %get3A_32 = arith.constant 0 : index
    %get3A_33 = vector.load %arg7[%get3A_31, %get3A_32] : memref<4x2xf32, #tpu.memory_space<vmem>>, vector<4x2xf32>
    %dot_general3A_34 = arith.constant dense<0.000000e+00> : vector<1x2xf32>
    %dot_general3A_35 = tpu.matmul %max3A_30, %get3A_33, %dot_general3A_34 {dimension_numbers = #tpu.dot_dimension_numbers<[1], [0], [0], [1], [0, 0, 1, 1], [], []>, transpose_lhs_hint = false} : vector<1x4xf32>, vector<4x2xf32>, vector<1x2xf32> -> vector<1x2xf32>
    %get3A_36 = arith.constant 0 : index
    %get3A_37 = arith.constant 0 : index
    %get3A_38 = vector.load %arg8[%get3A_36, %get3A_37] : memref<1x2xf32, #tpu.memory_space<vmem>>, vector<1x2xf32>
    %add3A_39 = arith.addf %dot_general3A_35, %get3A_38 : vector<1x2xf32>
    %swap3A = arith.constant 0 : index
    %swap3A_40 = arith.constant 0 : index
    %swap3A_41 = vector.load %arg9[%swap3A, %swap3A_40] : memref<1x2xf32, #tpu.memory_space<vmem>>, vector<1x2xf32>
    tpu.vector_store %arg9[%swap3A, %swap3A_40], %add3A_39 {strides = array<i32>} : memref<1x2xf32, #tpu.memory_space<vmem>>, vector<1x2xf32>,
    return
  }
  func.func @transform_0(%arg0: i32) -> (i32, i32) {
    %c0_i32 = arith.constant 0 : i32
    %c0_i32_0 = arith.constant 0 : i32
    %c0_i32_1 = arith.constant 0 : i32
    return %c0_i32, %c0_i32_0 : i32, i32
  }
  func.func @transform_1(%arg0: i32) -> (i32, i32) {
    %c0_i32 = arith.constant 0 : i32
    %c0_i32_0 = arith.constant 0 : i32
    %c0_i32_1 = arith.constant 0 : i32
    return %c0_i32, %c0_i32_0 : i32, i32
  }
  func.func @transform_2(%arg0: i32) -> (i32, i32) {
    %c0_i32 = arith.constant 0 : i32
    %c0_i32_0 = arith.constant 0 : i32
    %c0_i32_1 = arith.constant 0 : i32
    return %c0_i32, %c0_i32_0 : i32, i32
  }
  func.func @transform_3(%arg0: i32) -> (i32, i32) {
    %c0_i32 = arith.constant 0 : i32
    %c0_i32_0 = arith.constant 0 : i32
    %c0_i32_1 = arith.constant 0 : i32
    return %c0_i32, %c0_i32_0 : i32, i32
  }
  func.func @transform_4(%arg0: i32) -> (i32, i32) {
    %c0_i32 = arith.constant 0 : i32
    %c0_i32_0 = arith.constant 0 : i32
    %c0_i32_1 = arith.constant 0 : i32
    return %c0_i32, %c0_i32_0 : i32, i32
  }
  func.func @transform_5(%arg0: i32) -> (i32, i32) {
    %c0_i32 = arith.constant 0 : i32
    %c0_i32_0 = arith.constant 0 : i32
    %c0_i32_1 = arith.constant 0 : i32
    return %c0_i32, %c0_i32_0 : i32, i32
  }
  func.func @transform_6(%arg0: i32) -> (i32, i32) {
    %c0_i32 = arith.constant 0 : i32
    %c0_i32_0 = arith.constant 0 : i32
    %c0_i32_1 = arith.constant 0 : i32
    return %c0_i32, %c0_i32_0 : i32, i32
  }
  func.func @transform_7(%arg0: i32) -> (i32, i32) {
    %c0_i32 = arith.constant 0 : i32
    %c0_i32_0 = arith.constant 0 : i32
    %c0_i32_1 = arith.constant 0 : i32
    return %c0_i32, %c0_i32_0 : i32, i32
  }
  func.func @transform_8(%arg0: i32) -> (i32, i32) {
    %c0_i32 = arith.constant 0 : i32
    %c0_i32_0 = arith.constant 0 : i32
    %c0_i32_1 = arith.constant 0 : i32
    return %c0_i32, %c0_i32_0 : i32, i32
  }
}

</mosaic_0001>

<sc_bundles>
// kernel: kernel.25.cloned.1.call-start
scs
__scs_entry_jumppad:
0x0: {  	(pc) =	sbr.rel $0x88, $3  }
0x1: {  	(tag) =	ssettag $0x0;
	lr =	simm.s32 $0x1  }
0x2: {  	[smem:$0x3F8D] =	sst lr;
	_ =	strace $0xD0000000  }
0x3: {  	_ = 	snop  }
0x4: {  	_ = 	snop  }
0x5: {  	_ = 	snop  }
0x6: {  	_ = 	snop  }
0x7: {  	_ = 	snop  }
__scs_overlays_trampoline_lowered:
0x8: {  	[smem:$0x3F9C] =	sst s0  }
0x9: {  	[smem:$0x3F9D] =	sst s1  }
0xa: {  	[smem:$0x3F9E] =	sst s2  }
0xb: {  	[smem:$0x3F9F] =	sst s3  }
0xc: {  	[smem:$0x3FA0] =	sst s4  }
0xd: {  	[smem:$0x3FA1] =	sst s5  }
0xe: {  	[smem:$0x3FA2] =	sst s6  }
0xf: {  	[smem:$0x3FA3] =	sst s7  }
0x10: {  	[smem:$0x3FA4] =	sst s8  }
0x11: {  	[smem:$0x3FA5] =	sst s9;
	s0 =	simm.s32 @!p0 $0x0  }
0x12: {  	s1 =	sld [smem:$0x3F8B];
	s0 =	simm.s32 @p0 $0x1  }
0x13: {  	[smem:$0x3FA6] =	sst s0;
	s0 =	simm.s32 @!p1 $0x0  }
0x14: {  	s2 =	sld [smem:$0x3F8A];
	s0 =	simm.s32 @p1 $0x1  }
0x15: {  	[smem:$0x3FA7] =	sst s0;
	s0 =	simm.s32 @!p2 $0x0  }
0x16: {  	s3 =	sld [smem:$0x3FDB];
	s0 =	simm.s32 @p2 $0x1  }
0x17: {  	s4 =	simm.s32 $0x1BF5;
	[smem:$0x3FA9] =	sst s0  }
0x18: {  	s0 =	sld [smem:$0x3F8C];
	_ =	swait.ge [sflag:s4], $0x0  }
0x19: {  	s7 =	sld [smem:$0x3F8D]  }
0x1a: {  	s8 =	sadd.s32 $0xFFFFE003, lr  }
0x1b: {  	s9 =	sadd.s32 $0xFFFFFEF7, lr;
	s5 =	simm.s32 $0xFFFFFFFF;
	p2 =	slt.u32 s8, $0xFFFFF086  }
0x1c: {  	p1 =	slt.u32 s9, $0xF7A;
	s5 =	simm.s32 @!p2 $0x0  }
0x1d: {  	s5 =	simm.s32 @p1 $0x1;
	p0 =	seq.s32 s7, s2  }
0x1e: {  	s7 =	smul.u32 @!p0 $0xF7A, s2;
	p2 =	seq.s32 @!p0 s5, $0x0  }
0x1f: {  	s9 =	smul.u32 $0xF7A, s1;
	s8 =	simm.s32 @!p0 $0x1BF5;
	p2 =	por !p2, p0  }
0x20: {  	[sflag:s8] =	ssyncset.s32 @!p0 $0xFFFFF086;
	s6 =	sadd.s32 @!p0 s3, s7;
	s7 =	simm.s32 @!p0 $0x108  }
0x21: {  	s3 =	sadd.s32 s3, s9;
	s6 =	sadd.s32 @!p0 $0x88, s6;
	s7 =	simm.s32 @p2 $0x1082  }
0x22: {  	[simem:s7], [sflag:s8] =	dma.local @!p0 [hbm:s6], $0xF7A  }
0x23: {  	s9 =	sor.u32 $0xD0000000, s2;
	s6 =	simm.s32 $0x108;
	_ =	swait.ge @!p0 [sflag:s8], $0x0  }
0x24: {  	s3 =	sadd.s32 $0x88, s3;
	s6 =	simm.s32 @!p1 $0x1082;
	[sflag:s4] =	ssyncset.s32 $0xFFFFF086  }
0x25: {  	[simem:s6], [sflag:s4] =	dma.local [hbm:s3], $0xF7A  }
0x26: {  	[smem:$0x3F8D] =	sst s1;
	(tag) =	ssettag s2;
	_ =	strace s9  }
0x27: {  	s1 =	sld [smem:$0x3F9D]  }
0x28: {  	s2 =	sld [smem:$0x3F9E]  }
0x29: {  	s4 =	sld [smem:$0x3FA0]  }
0x2a: {  	p0 =	seq.s32 s5, $0x0;
	s5 =	sld [smem:$0x3FA1]  }
0x2b: {  	s6 =	sld [smem:$0x3FA2]  }
0x2c: {  	s7 =	sld [smem:$0x3FA3]  }
0x2d: {  	s3 =	simm.s32 $0x108;
	s8 =	sld [smem:$0x3FA4]  }
0x2e: {  	s3 =	simm.s32 @!p0 $0x1082;
	s9 =	sld [smem:$0x3FA5]  }
0x2f: {  	lr =	sadd.s32 s0, s3;
	s0 =	sld [smem:$0x3F9C]  }
0x30: {  	s3 =	sld [smem:$0x3F9F]  }
0x31: {  	[smem:$0x3FA8] =	sst s10  }
0x32: {  	s10 =	sld [smem:$0x3FA6];
	_ =	sdelay $0x3  }
0x33: {  	p0 =	seq.s32 s10, $0x1;
	s10 =	sld [smem:$0x3FA8];
	_ =	sdelay $0x3  }
0x34: {  	[smem:$0x3FA8] =	sst s10  }
0x35: {  	s10 =	sld [smem:$0x3FA7];
	_ =	sdelay $0x3  }
0x36: {  	p1 =	seq.s32 s10, $0x1;
	s10 =	sld [smem:$0x3FA8];
	_ =	sdelay $0x3  }
0x37: {  	[smem:$0x3FA8] =	sst s10  }
0x38: {  	s10 =	sld [smem:$0x3FA9]  }
0x39: {  	_ = 	snop;
	(pc) =	sbr.ind lr, $3  }
0x3a: {  	_ = 	snop  }
0x3b: {  	_ = 	snop  }
0x3c: {  	p2 =	seq.s32 s10, $0x1;
	s10 =	sld [smem:$0x3FA8]  }
0x3d: {  	_ =	shalt  }
0x3e: {  	_ =	shalt  }
0x3f: {  	_ =	shalt  }
0x40: {  	_ =	shalt  }
0x41: {  	_ =	shalt  }
0x42: {  	_ =	shalt  }
0x43: {  	_ =	shalt  }
0x44: {  	_ =	shalt  }
0x45: {  	_ =	shalt  }
0x46: {  	_ =	shalt  }
0x47: {  	_ =	shalt  }
0x48: {  	_ =	shalt  }
0x49: {  	_ =	shalt  }
0x4a: {  	_ =	shalt  }
0x4b: {  	_ =	shalt  }
0x4c: {  	_ =	shalt  }
0x4d: {  	_ =	shalt  }
0x4e: {  	_ =	shalt  }
0x4f: {  	_ =	shalt  }
0x50: {  	_ =	shalt  }
0x51: {  	_ =	shalt  }
0x52: {  	_ =	shalt  }
0x53: {  	_ =	shalt  }
0x54: {  	_ =	shalt  }
0x55: {  	_ =	shalt  }
0x56: {  	_ =	shalt  }
0x57: {  	_ =	shalt  }
0x58: {  	_ =	shalt  }
0x59: {  	_ =	shalt  }
0x5a: {  	_ =	shalt  }
0x5b: {  	_ =	shalt  }
0x5c: {  	_ =	shalt  }
0x5d: {  	_ =	shalt  }
0x5e: {  	_ =	shalt  }
0x5f: {  	_ =	shalt  }
0x60: {  	_ =	shalt  }
0x61: {  	_ =	shalt  }
0x62: {  	_ =	shalt  }
0x63: {  	_ =	shalt  }
0x64: {  	_ =	shalt  }
0x65: {  	_ =	shalt  }
0x66: {  	_ =	shalt  }
0x67: {  	_ =	shalt  }
0x68: {  	_ =	shalt  }
0x69: {  	_ =	shalt  }
0x6a: {  	_ =	shalt  }
0x6b: {  	_ =	shalt  }
0x6c: {  	_ =	shalt  }
0x6d: {  	_ =	shalt  }
0x6e: {  	_ =	shalt  }
0x6f: {  	_ =	shalt  }
0x70: {  	_ =	shalt  }
0x71: {  	_ =	shalt  }
0x72: {  	_ =	shalt  }
0x73: {  	_ =	shalt  }
0x74: {  	_ =	shalt  }
0x75: {  	_ =	shalt  }
0x76: {  	_ =	shalt  }
0x77: {  	_ =	shalt  }
0x78: {  	_ =	shalt  }
0x79: {  	_ =	shalt  }
0x7a: {  	_ =	shalt  }
0x7b: {  	_ =	shalt  }
0x7c: {  	_ =	shalt  }
0x7d: {  	_ =	shalt  }
0x7e: {  	_ =	shalt  }
0x7f: {  	_ =	shalt  }
0x80: {  	_ =	shalt  }
0x81: {  	_ =	shalt  }
0x82: {  	_ =	shalt  }
0x83: {  	_ =	shalt  }
0x84: {  	_ =	shalt  }
0x85: {  	_ =	shalt  }
0x86: {  	_ =	shalt  }
0x87: {  	_ =	shalt  }
.Lfunc_end0:
.L_simem_size_0:
called_computation_lowered:
.L_overlay_start_0:
0x88: {  	s2 =	sld [smem:$0x3FD9]  }
0x89: {  	s3 =	sld [smem:$0x3FFE];
	_ =	sdelay $0x1  }
0x8a: {  	s1 =	srdreg.scid  }
0x8b: {  	s0 =	sand.u32 $0x1, s1  }
0x8c: {  	s16 =	sshll.u32 s0, $0xA;
	s2 =	sadd.s32 s3, s2  }
0x8d: {  	s2 =	sadd.s32 s2, s16  }
0x8e: {  	[smem:$0x3FB4] =	sst s2  }
0x8f: {  	_ = 	snop  }
0x90: {  	(tm) =	ssettm $0x1  }
0x91: {  	s17 =	sld [smem:$0x3FFB];
	_ =	sdelay $0x3  }
0x92: {  	_ =	strace s17  }
0x93: {  	s2 =	sld [smem:$0x3FFC];
	_ =	sdelay $0x3  }
0x94: {  	_ =	strace s2  }
0x95: {  	s2 =	sld [smem:$0x3FFD];
	_ =	sdelay $0x3  }
0x96: {  	_ =	strace s2  }
0x97: {  	_ =	strace $0x8FFFFFFF  }
0x98: {  	s18 =	sld [smem:$0x3FDB];
	_ =	sdelay $0x1  }
0x99: {  	s19 =	simm.s32 $_scs_section_size  }
0x9a: {  	s4 =	simm.s32 $_size__tile_overlayer_lowered;
	s5 =	simm.s32 $_tile_overlayer_lowered  }
0x9b: {  	s22 =	simm.s32 $0x1BFF;
	s21 =	sshll.u32 s5, $0x1;
	s2 =	sadd.s32 s19, s18  }
0x9c: {  	s6 =	simm.s32 $0x0;
	s20 =	sshll.u32 s4, $0x1;
	s4 =	sadd.s32 s21, s2  }
0x9d: {  	[timem:s6], [sflag:s22] =	dma.local [hbm:s4], s20  }
0x9e: {  	_ =	swait.ge [sflag:s22], s20  }
0x9f: {  	s3 =	ssub.s32 $0x0, s20;
	[sflag:s22] =	ssyncset.done $0x0  }
0xa0: {  	[sflag:s22] =	ssyncadd.s32 s3;
	_ =	sdelay $0x1  }
0xa1: {  	s23 =	simm.s32 $0x1B8B  }
0xa2: {  	_ =	swait.ge [sflag:s23], $0x1  }
0xa3: {  	[sflag:s23] =	ssyncset.done $0x0  }
0xa4: {  	s25 =	simm.s32 $0x1B8E;
	s24 =	sld [smem:$0x3FFE];
	[sflag:s23] =	ssyncadd.s32 $0xFFFFFFFF  }
0xa5: {  	s26 =	simm.s32 $execute0_lowered;
	[smem:$0x3FD2] =	sst s25  }
0xa6: {  	s4 =	sshll.u32 s26, $0x1;
	_ =	strace $0x80000046;
	[dreg:$0x1] =	wrdreg $0xFFFFFFFF  }
0xa7: {  	s28 =	simm.s32 $_size_execute0_lowered;
	s2 =	sadd.s32 s2, s4;
	[dreg:$0x0] =	wrdreg $0x0  }
0xa8: {  	s4 =	sshll.u32 s28, $0x1;
	[dreg:$0x2] =	wrdreg s2  }
0xa9: {  	[dreg:$0x3] =	wrdreg s4  }
0xaa: {  	[dreg:$0x4] =	wrdreg $0xC0  }
0xab: {  	_ =	task [dreg:s6], $0x5FFFF  }
0xac: {  	[dreg:$0x1] =	wrdreg $0xFFFFFFFF  }
0xad: {  	[dreg:$0x0] =	wrdreg $0x60  }
0xae: {  	[dreg:$0x2] =	wrdreg s24  }
0xaf: {  	[dreg:$0x3] =	wrdreg $0x9  }
0xb0: {  	_ =	task.clear_ibuf [dreg:s6], $0x4FFFF;
	_ =	strace $0x90000046  }
0xb1: {  	s29 =	simm.s32 $0x9;
	_ =	strace $0x80000048  }
0xb2: {  	_ =	swait.ge [sflag:s29], $0x1  }
0xb3: {  	[sflag:s29] =	ssyncadd.s32 $0xFFFFFFFF  }
0xb4: {  	_ =	strace $0x90000048  }
0xb5: {  	_ =	sfence  }
0xb6: {  	s30 =	sld [smem:$0x0];
	_ =	sdelay $0x2  }
0xb7: {  	s31 =	sshll.u32 s1, $0xD;
	s1 =	sshrl.u32 s1, $0x2  }
0xb8: {  	s3 =	sand.u32 $0x4000, s31;
	s1 =	sadd.s32 s1, s30  }
0xb9: {  	s0 =	sor.u32 s3, s0;
	s1 =	sshll.u32 s1, $0x11  }
0xba: {  	s0 =	sor.u32 s1, s0  }
0xbb: {  	s0 =	sadd.s32 $0x8F2B, s0  }
0xbc: {  	[sflag:s0] =	ssyncadd.remote.s32 $0x1  }
0xbd: {  	_ =	sfence.sel $0xFFFF  }
0xbe: {  	[dreg:$0x0] =	wrdreg $0xFFFFFFFF;
	(pc) =	sbr.abs _section_cstart, $3  }
0xbf: {  	[dreg:$0x1] =	wrdreg $0xFFFFFFFF  }
0xc0: {  	_ =	task.clear_ibuf [dreg:s6], $0x2FFFF;
	_ =	strace $0x9FFFFFFF  }
0xc1: {  	(tm) =	ssettm $0x7FFFFFFF  }
tec
execute0_lowered:
.L_overlay_start_1:
0x0: {  	(tag) =	ssettag $0x1  }
0x1: {  	s3 =	rddreg [dreg:$0x0]  }
0x2: {  	s0 =	rddreg [dreg:$0x1];
	s1 =	simm.s32 $0x0;
	s4 =	srdreg.scid  }
0x3: {  	s10 =	stileid.u32;
	[smem:$0x7FF] =	sst s1;
	s2 =	sadd.s32 $0x11800, s3  }
0x4: {  	s4 =	sand.u32 $0x1, s4;
	s5 =	sshll.u32 s10, $0x1;
	s6 =	sadd.s32 $0x7800, s3  }
0x5: {  	s8 =	sadd.s32 $0x16800, s3;
	p0 =	sne.s32 s10, $0x0;
	s10 =	simm.s32 $0x0  }
0x6: {  	_ =	strace $0x80000047;
	s7 =	ssub.s32 $0x2, s4;
	s5 =	sor.u32 s4, s5  }
0x7: {  	s11 =	sshll.u32 s4, $0x4;
	s30 =	sshll.u32 s4, $0x8;
	s9 =	smul.u32 $0x270, s5  }
0x8: {  	s29 =	sshrl.u32 s7, $0x1;
	s5 =	smul.u32 $0x2700, s5;
	s31 =	sadd.s32 s30, s8  }
0x9: {  	s7 =	ssub.s32 s7, s29;
	s3 =	sadd.s32 s6, s9;
	s6 =	sadd.s32 s11, s6  }
0xa: {  	s5 =	sadd.s32 s8, s5;
	s7 =	smax.u32 s7, $0x1;
	s8 =	simm.s32 $0x3  }
0xb: {  	s9 =	simm.s32 $0x80;
	s4 =	sadd.s32 $0x4E00, s6;
	s6 =	sadd.s32 $0x4E000, s31  }
.LBB2_1:
0xc: {  	[tilespmem:s1], [sflag:$0x3] =	stream.linear.gather [hbm4b:s3+s1], $0x1380, $0x38;
	[tilespmem:$0x15400] =	vst v63  }
0xd: {  	_ =	swait.ge [sflag:s8], $0x1380  }
0xe: {  	s11 =	simm.s32 $0x1380;
	s12 =	simm.s32 $0x200;
	[sflag:s8] =	ssyncset.done $0x0  }
0xf: {  	s14 =	simm.s32 $0x0;
	s13 =	simm.s32 $0x1B80;
	[sflag:s8] =	ssyncadd.s32 $0xFFFFEC80  }
.LBB2_2:
0x10: {  	[tilespmem:s11], [sflag:$0x1] =	stream.indirect.gather [hbm4b:s2+s9], $0x10, s14, s9, $0xb8;
	[tilespmem:$0x15400] =	vst v63  }
0x11: {  	s14 =	smov.u32 s12;
	s11 =	smov.u32 s13;
	p1 =	sne.s32 s12, $0x4C00  }
.Ltmp0:
0x12: {  	s12 =	sadd.s32 $0x200, s12;
	(pc) =	sbr.rel @p1 .LBB2_2-.Ltmp0, $2  }
0x13: {  	_ =	sdelay $0x2  }
0x14: {  	s13 =	sadd.s32 $0x800, s13;
	s14 =	sshra.s32 s14, $0x2  }
0x15: {  	[tilespmem:s11], [sflag:$0x1] =	stream.indirect.gather [hbm4b:s2+s9], $0x10, s14, s9, $0xb8;
	[tilespmem:$0x15400] =	vst v63  }
0x16: {  	s11 =	simm.s32 @p0 $0x1  }
0x17: {  	_ =	swait.ge @p0 [sflag:s11], $0x13800  }
0x18: {  	[sflag:s11] =	ssyncset.done @p0 $0x0  }
0x19: {  	s12 =	simm.s32 @p0 $0x1380;
	[sflag:s11] =	ssyncadd.s32 @p0 $0xFFFEC800;
	s11 =	simm.s32 @p0 $0x0  }
0x1a: {  	[hbm4b:s5+s11] =	stream.linear.scatter @p0 [tilespmem:s12], [sflag:$0x3], $0x13800, $0x38;
	[tilespmem:$0x15400] =	vst v63  }
0x1b: {  	s11 =	simm.s32 @p0 $0x3  }
0x1c: {  	_ =	swait.ge @p0 [sflag:s11], $0x13800  }
0x1d: {  	s13 =	simm.s32 @!p0 $0x3;
	[sflag:s11] =	ssyncset.done @p0 $0x0  }
0x1e: {  	s12 =	simm.s32 @!p0 $0x14B80;
	[sflag:s11] =	ssyncadd.s32 @p0 $0xFFFEC800;
	s11 =	simm.s32 @!p0 $0x0  }
0x1f: {  	[tilespmem:s12], [sflag:$0x3] =	stream.linear.gather @!p0 [hbm4b:s4+s11], $0x80, $0x38;
	[tilespmem:$0x15400] =	vst v63  }
0x20: {  	_ =	swait.ge @!p0 [sflag:s13], $0x80  }
0x21: {  	[sflag:s13] =	ssyncset.done @!p0 $0x0  }
0x22: {  	s14 =	simm.s32 @!p0 $0x80;
	s15 =	simm.s32 @!p0 $0x14C00;
	[sflag:s13] =	ssyncadd.s32 @!p0 $0xFFFFFF80  }
0x23: {  	[tilespmem:s15], [sflag:$0x2] =	stream.indirect.gather @!p0 [hbm4b:s2+s14], $0x10, s12, s14, $0xb8;
	[tilespmem:$0x15400] =	vst v63  }
0x24: {  	s12 =	simm.s32 @!p0 $0x1  }
0x25: {  	_ =	swait.ge @!p0 [sflag:s12], $0x13800  }
0x26: {  	[sflag:s12] =	ssyncset.done @!p0 $0x0  }
0x27: {  	[sflag:s12] =	ssyncadd.s32 @!p0 $0xFFFEC800;
	s12 =	simm.s32 @!p0 $0x1380  }
0x28: {  	[hbm4b:s5+s11] =	stream.linear.scatter @!p0 [tilespmem:s12], [sflag:$0x3], $0x13800, $0x38;
	[tilespmem:$0x15400] =	vst v63  }
0x29: {  	_ =	swait.ge @!p0 [sflag:s13], $0x13800  }
0x2a: {  	[sflag:s13] =	ssyncset.done @!p0 $0x0  }
0x2b: {  	s12 =	simm.s32 @!p0 $0x2;
	[sflag:s13] =	ssyncadd.s32 @!p0 $0xFFFEC800  }
0x2c: {  	s10 =	sadd.s32 $0x1, s10;
	_ =	swait.ge @!p0 [sflag:s12], $0x800  }
0x2d: {  	p1 =	sne.s32 s10, s7;
	[sflag:s12] =	ssyncset.done @!p0 $0x0  }
.Ltmp1:
0x2e: {  	[sflag:s12] =	ssyncadd.s32 @!p0 $0xFFFFF800;
	(pc) =	sbr.rel @p1 .LBB2_1-.Ltmp1, $4  }
0x2f: {  	[hbm4b:s6+s11] =	stream.linear.scatter @!p0 [tilespmem:s15], [sflag:$0x3], $0x800, $0x38;
	[tilespmem:$0x15400] =	vst v63  }
0x30: {  	_ =	swait.ge @!p0 [sflag:s13], $0x800  }
0x31: {  	[sflag:s13] =	ssyncset.done @!p0 $0x0  }
0x32: {  	[sflag:s13] =	ssyncadd.s32 @!p0 $0xFFFFF800  }
0x33: {  	_ =	sfence.sel $0x180000  }
0x34: {  	[bflag:$0x0] =	sbarrier.arrive $0xFFFF  }
0x35: {  	_ =	strace $0x90000047  }
0x36: {  	s0 =	sadd.s32 @!p0 $0x100000, s0;
	[bflag:$0x2] =	sbarrier.arrive $0xFFFF  }
0x37: {  	[sflag:s0] =	ssyncadd.tile.s32 @!p0 $0x1;
	_ =	shalt  }
.Lfunc_end2:
_tile_overlayer_lowered:
.L_overlay_start_2:
0x38: {  	(tag) =	ssettag $0x2  }
0x39: {  	s0 =	rddreg [dreg:$0x0];
	s2 =	stileid.u32  }
0x3a: {  	s1 =	rddreg [dreg:$0x1];
	p0 =	sne.s32 s2, $0x0  }
0x3b: {  	s3 =	rddreg [dreg:$0x2];
	[bflag:$0x3] =	sbarrier.arrive $0xFFFF;
	s2 =	simm.s32 @!p0 $0x1C03  }
0x3c: {  	[timem:s3], [sflag:s2] =	dma.local @!p0 [hbm:s0], s1  }
0x3d: {  	s0 =	simm.s32 @!p0 $0x3  }
0x3e: {  	_ =	swait.ge @!p0 [sflag:s0], s1  }
0x3f: {  	s1 =	ssub.s32 @!p0 $0x0, s1;
	[sflag:s0] =	ssyncset.done @!p0 $0x0  }
0x40: {  	[sflag:s0] =	ssyncadd.s32 @!p0 s1  }
0x41: {  	[bflag:$0x3] =	sbarrier.arrive $0xFFFF  }
0x42: {  	_ =	shalt  }

// kernel: kernel.28.cloned.1.call-start
scs
__scs_entry_jumppad:
0x0: {  	(pc) =	sbr.rel $0x88, $3  }
0x1: {  	(tag) =	ssettag $0x0;
	lr =	simm.s32 $0x1  }
0x2: {  	[smem:$0x3F8D] =	sst lr;
	_ =	strace $0xD0000000  }
0x3: {  	_ = 	snop  }
0x4: {  	_ = 	snop  }
0x5: {  	_ = 	snop  }
0x6: {  	_ = 	snop  }
0x7: {  	_ = 	snop  }
__scs_overlays_trampoline_lowered:
0x8: {  	[smem:$0x3F9C] =	sst s0  }
0x9: {  	[smem:$0x3F9D] =	sst s1  }
0xa: {  	[smem:$0x3F9E] =	sst s2  }
0xb: {  	[smem:$0x3F9F] =	sst s3  }
0xc: {  	[smem:$0x3FA0] =	sst s4  }
0xd: {  	[smem:$0x3FA1] =	sst s5  }
0xe: {  	[smem:$0x3FA2] =	sst s6  }
0xf: {  	[smem:$0x3FA3] =	sst s7  }
0x10: {  	[smem:$0x3FA4] =	sst s8  }
0x11: {  	[smem:$0x3FA5] =	sst s9;
	s0 =	simm.s32 @!p0 $0x0  }
0x12: {  	s1 =	sld [smem:$0x3F8B];
	s0 =	simm.s32 @p0 $0x1  }
0x13: {  	[smem:$0x3FA6] =	sst s0;
	s0 =	simm.s32 @!p1 $0x0  }
0x14: {  	s2 =	sld [smem:$0x3F8A];
	s0 =	simm.s32 @p1 $0x1  }
0x15: {  	[smem:$0x3FA7] =	sst s0;
	s0 =	simm.s32 @!p2 $0x0  }
0x16: {  	s3 =	sld [smem:$0x3FDB];
	s0 =	simm.s32 @p2 $0x1  }
0x17: {  	s4 =	simm.s32 $0x1BF5;
	[smem:$0x3FA9] =	sst s0  }
0x18: {  	s0 =	sld [smem:$0x3F8C];
	_ =	swait.ge [sflag:s4], $0x0  }
0x19: {  	s7 =	sld [smem:$0x3F8D]  }
0x1a: {  	s8 =	sadd.s32 $0xFFFFE003, lr  }
0x1b: {  	s9 =	sadd.s32 $0xFFFFFEF7, lr;
	s5 =	simm.s32 $0xFFFFFFFF;
	p2 =	slt.u32 s8, $0xFFFFF086  }
0x1c: {  	p1 =	slt.u32 s9, $0xF7A;
	s5 =	simm.s32 @!p2 $0x0  }
0x1d: {  	s5 =	simm.s32 @p1 $0x1;
	p0 =	seq.s32 s7, s2  }
0x1e: {  	s7 =	smul.u32 @!p0 $0xF7A, s2;
	p2 =	seq.s32 @!p0 s5, $0x0  }
0x1f: {  	s9 =	smul.u32 $0xF7A, s1;
	s8 =	simm.s32 @!p0 $0x1BF5;
	p2 =	por !p2, p0  }
0x20: {  	[sflag:s8] =	ssyncset.s32 @!p0 $0xFFFFF086;
	s6 =	sadd.s32 @!p0 s3, s7;
	s7 =	simm.s32 @!p0 $0x108  }
0x21: {  	s3 =	sadd.s32 s3, s9;
	s6 =	sadd.s32 @!p0 $0x88, s6;
	s7 =	simm.s32 @p2 $0x1082  }
0x22: {  	[simem:s7], [sflag:s8] =	dma.local @!p0 [hbm:s6], $0xF7A  }
0x23: {  	s9 =	sor.u32 $0xD0000000, s2;
	s6 =	simm.s32 $0x108;
	_ =	swait.ge @!p0 [sflag:s8], $0x0  }
0x24: {  	s3 =	sadd.s32 $0x88, s3;
	s6 =	simm.s32 @!p1 $0x1082;
	[sflag:s4] =	ssyncset.s32 $0xFFFFF086  }
0x25: {  	[simem:s6], [sflag:s4] =	dma.local [hbm:s3], $0xF7A  }
0x26: {  	[smem:$0x3F8D] =	sst s1;
	(tag) =	ssettag s2;
	_ =	strace s9  }
0x27: {  	s1 =	sld [smem:$0x3F9D]  }
0x28: {  	s2 =	sld [smem:$0x3F9E]  }
0x29: {  	s4 =	sld [smem:$0x3FA0]  }
0x2a: {  	p0 =	seq.s32 s5, $0x0;
	s5 =	sld [smem:$0x3FA1]  }
0x2b: {  	s6 =	sld [smem:$0x3FA2]  }
0x2c: {  	s7 =	sld [smem:$0x3FA3]  }
0x2d: {  	s3 =	simm.s32 $0x108;
	s8 =	sld [smem:$0x3FA4]  }
0x2e: {  	s3 =	simm.s32 @!p0 $0x1082;
	s9 =	sld [smem:$0x3FA5]  }
0x2f: {  	lr =	sadd.s32 s0, s3;
	s0 =	sld [smem:$0x3F9C]  }
0x30: {  	s3 =	sld [smem:$0x3F9F]  }
0x31: {  	[smem:$0x3FA8] =	sst s10  }
0x32: {  	s10 =	sld [smem:$0x3FA6];
	_ =	sdelay $0x3  }
0x33: {  	p0 =	seq.s32 s10, $0x1;
	s10 =	sld [smem:$0x3FA8];
	_ =	sdelay $0x3  }
0x34: {  	[smem:$0x3FA8] =	sst s10  }
0x35: {  	s10 =	sld [smem:$0x3FA7];
	_ =	sdelay $0x3  }
0x36: {  	p1 =	seq.s32 s10, $0x1;
	s10 =	sld [smem:$0x3FA8];
	_ =	sdelay $0x3  }
0x37: {  	[smem:$0x3FA8] =	sst s10  }
0x38: {  	s10 =	sld [smem:$0x3FA9]  }
0x39: {  	_ = 	snop;
	(pc) =	sbr.ind lr, $3  }
0x3a: {  	_ = 	snop  }
0x3b: {  	_ = 	snop  }
0x3c: {  	p2 =	seq.s32 s10, $0x1;
	s10 =	sld [smem:$0x3FA8]  }
0x3d: {  	_ =	shalt  }
0x3e: {  	_ =	shalt  }
0x3f: {  	_ =	shalt  }
0x40: {  	_ =	shalt  }
0x41: {  	_ =	shalt  }
0x42: {  	_ =	shalt  }
0x43: {  	_ =	shalt  }
0x44: {  	_ =	shalt  }
0x45: {  	_ =	shalt  }
0x46: {  	_ =	shalt  }
0x47: {  	_ =	shalt  }
0x48: {  	_ =	shalt  }
0x49: {  	_ =	shalt  }
0x4a: {  	_ =	shalt  }
0x4b: {  	_ =	shalt  }
0x4c: {  	_ =	shalt  }
0x4d: {  	_ =	shalt  }
0x4e: {  	_ =	shalt  }
0x4f: {  	_ =	shalt  }
0x50: {  	_ =	shalt  }
0x51: {  	_ =	shalt  }
0x52: {  	_ =	shalt  }
0x53: {  	_ =	shalt  }
0x54: {  	_ =	shalt  }
0x55: {  	_ =	shalt  }
0x56: {  	_ =	shalt  }
0x57: {  	_ =	shalt  }
0x58: {  	_ =	shalt  }
0x59: {  	_ =	shalt  }
0x5a: {  	_ =	shalt  }
0x5b: {  	_ =	shalt  }
0x5c: {  	_ =	shalt  }
0x5d: {  	_ =	shalt  }
0x5e: {  	_ =	shalt  }
0x5f: {  	_ =	shalt  }
0x60: {  	_ =	shalt  }
0x61: {  	_ =	shalt  }
0x62: {  	_ =	shalt  }
0x63: {  	_ =	shalt  }
0x64: {  	_ =	shalt  }
0x65: {  	_ =	shalt  }
0x66: {  	_ =	shalt  }
0x67: {  	_ =	shalt  }
0x68: {  	_ =	shalt  }
0x69: {  	_ =	shalt  }
0x6a: {  	_ =	shalt  }
0x6b: {  	_ =	shalt  }
0x6c: {  	_ =	shalt  }
0x6d: {  	_ =	shalt  }
0x6e: {  	_ =	shalt  }
0x6f: {  	_ =	shalt  }
0x70: {  	_ =	shalt  }
0x71: {  	_ =	shalt  }
0x72: {  	_ =	shalt  }
0x73: {  	_ =	shalt  }
0x74: {  	_ =	shalt  }
0x75: {  	_ =	shalt  }
0x76: {  	_ =	shalt  }
0x77: {  	_ =	shalt  }
0x78: {  	_ =	shalt  }
0x79: {  	_ =	shalt  }
0x7a: {  	_ =	shalt  }
0x7b: {  	_ =	shalt  }
0x7c: {  	_ =	shalt  }
0x7d: {  	_ =	shalt  }
0x7e: {  	_ =	shalt  }
0x7f: {  	_ =	shalt  }
0x80: {  	_ =	shalt  }
0x81: {  	_ =	shalt  }
0x82: {  	_ =	shalt  }
0x83: {  	_ =	shalt  }
0x84: {  	_ =	shalt  }
0x85: {  	_ =	shalt  }
0x86: {  	_ =	shalt  }
0x87: {  	_ =	shalt  }
.Lfunc_end0:
.L_simem_size_0:
called_computation.1_lowered:
.L_overlay_start_0:
0x88: {  	s2 =	sld [smem:$0x3FD9]  }
0x89: {  	s3 =	sld [smem:$0x3FFE];
	_ =	sdelay $0x1  }
0x8a: {  	s1 =	srdreg.scid  }
0x8b: {  	s0 =	sand.u32 $0x1, s1  }
0x8c: {  	s16 =	sshll.u32 s0, $0xA;
	s2 =	sadd.s32 s3, s2  }
0x8d: {  	s2 =	sadd.s32 s2, s16  }
0x8e: {  	[smem:$0x3FB4] =	sst s2  }
0x8f: {  	_ = 	snop  }
0x90: {  	(tm) =	ssettm $0x1  }
0x91: {  	s17 =	sld [smem:$0x3FFB];
	_ =	sdelay $0x3  }
0x92: {  	_ =	strace s17  }
0x93: {  	s2 =	sld [smem:$0x3FFC];
	_ =	sdelay $0x3  }
0x94: {  	_ =	strace s2  }
0x95: {  	s2 =	sld [smem:$0x3FFD];
	_ =	sdelay $0x3  }
0x96: {  	_ =	strace s2  }
0x97: {  	_ =	strace $0x8FFFFFFF  }
0x98: {  	s18 =	sld [smem:$0x3FDB];
	_ =	sdelay $0x1  }
0x99: {  	s19 =	simm.s32 $_scs_section_size  }
0x9a: {  	s4 =	simm.s32 $_size__tile_overlayer_lowered;
	s5 =	simm.s32 $_tile_overlayer_lowered  }
0x9b: {  	s22 =	simm.s32 $0x1BFF;
	s21 =	sshll.u32 s5, $0x1;
	s2 =	sadd.s32 s19, s18  }
0x9c: {  	s6 =	simm.s32 $0x0;
	s20 =	sshll.u32 s4, $0x1;
	s4 =	sadd.s32 s21, s2  }
0x9d: {  	[timem:s6], [sflag:s22] =	dma.local [hbm:s4], s20  }
0x9e: {  	_ =	swait.ge [sflag:s22], s20  }
0x9f: {  	s3 =	ssub.s32 $0x0, s20;
	[sflag:s22] =	ssyncset.done $0x0  }
0xa0: {  	[sflag:s22] =	ssyncadd.s32 s3;
	_ =	sdelay $0x1  }
0xa1: {  	s23 =	simm.s32 $0x1B8B  }
0xa2: {  	_ =	swait.ge [sflag:s23], $0x1  }
0xa3: {  	[sflag:s23] =	ssyncset.done $0x0  }
0xa4: {  	s25 =	simm.s32 $0x1B8E;
	s24 =	sld [smem:$0x3FFE];
	[sflag:s23] =	ssyncadd.s32 $0xFFFFFFFF  }
0xa5: {  	s26 =	simm.s32 $execute0_lowered;
	[smem:$0x3FD2] =	sst s25  }
0xa6: {  	s4 =	sshll.u32 s26, $0x1;
	_ =	strace $0x80000049;
	[dreg:$0x1] =	wrdreg $0xFFFFFFFF  }
0xa7: {  	s28 =	simm.s32 $_size_execute0_lowered;
	s2 =	sadd.s32 s2, s4;
	[dreg:$0x0] =	wrdreg $0x0  }
0xa8: {  	s4 =	sshll.u32 s28, $0x1;
	[dreg:$0x2] =	wrdreg s2  }
0xa9: {  	[dreg:$0x3] =	wrdreg s4  }
0xaa: {  	[dreg:$0x4] =	wrdreg $0xC0  }
0xab: {  	_ =	task [dreg:s6], $0x5FFFF  }
0xac: {  	[dreg:$0x1] =	wrdreg $0xFFFFFFFF  }
0xad: {  	[dreg:$0x0] =	wrdreg $0x60  }
0xae: {  	[dreg:$0x2] =	wrdreg s24  }
0xaf: {  	[dreg:$0x3] =	wrdreg $0x154000  }
0xb0: {  	[dreg:$0x4] =	wrdreg $0x9  }
0xb1: {  	_ =	task.clear_ibuf [dreg:s6], $0x5FFFF;
	_ =	strace $0x90000049  }
0xb2: {  	s29 =	simm.s32 $0x9;
	_ =	strace $0x8000004B  }
0xb3: {  	_ =	swait.ge [sflag:s29], $0x1  }
0xb4: {  	[sflag:s29] =	ssyncadd.s32 $0xFFFFFFFF  }
0xb5: {  	_ =	strace $0x9000004B  }
0xb6: {  	_ =	sfence  }
0xb7: {  	s30 =	sld [smem:$0x0];
	_ =	sdelay $0x2  }
0xb8: {  	s31 =	sshll.u32 s1, $0xD;
	s1 =	sshrl.u32 s1, $0x2  }
0xb9: {  	s3 =	sand.u32 $0x4000, s31;
	s1 =	sadd.s32 s1, s30  }
0xba: {  	s0 =	sor.u32 s3, s0;
	s1 =	sshll.u32 s1, $0x11  }
0xbb: {  	s0 =	sor.u32 s1, s0  }
0xbc: {  	s0 =	sadd.s32 $0x8F2B, s0  }
0xbd: {  	[sflag:s0] =	ssyncadd.remote.s32 $0x1  }
0xbe: {  	_ =	sfence.sel $0xFFFF  }
0xbf: {  	[dreg:$0x0] =	wrdreg $0xFFFFFFFF;
	(pc) =	sbr.abs _section_cstart, $3  }
0xc0: {  	[dreg:$0x1] =	wrdreg $0xFFFFFFFF  }
0xc1: {  	_ =	task.clear_ibuf [dreg:s6], $0x2FFFF;
	_ =	strace $0x9FFFFFFF  }
0xc2: {  	(tm) =	ssettm $0x7FFFFFFF  }
0xc3: {  	_ =	shalt  }
tec
execute0_lowered:
.L_overlay_start_1:
0x0: {  	(tag) =	ssettag $0x1  }
0x1: {  	s3 =	rddreg [dreg:$0x0]  }
0x2: {  	s1 =	rddreg [dreg:$0x1]  }
0x3: {  	s0 =	rddreg [dreg:$0x2];
	s15 =	stileid.u32  }
0x4: {  	s2 =	simm.s32 $0x0;
	s5 =	srdreg.scid;
	s14 =	simm.s32 $0x80  }
0x5: {  	s4 =	smul.u32 $0x2710, s15;
	[smem:$0x7FF] =	sst s2;
	s5 =	sand.u32 $0x1, s5  }
0x6: {  	s6 =	smul.u32 $0x4E2, s15;
	s8 =	sadd.s32 $0x16800, s3;
	s9 =	sadd.s32 $0xC800, s3  }
0x7: {  	s26 =	sshll.u32 s15, $0x1;
	s16 =	sshll.u32 s15, $0x6;
	p0 =	sne.s32 s15, $0x0  }
0x8: {  	_ =	strace $0x8000004A;
	s7 =	smul.u32 $0x4E20, s5;
	s11 =	ssub.s32 $0x2, s5  }
0x9: {  	s28 =	sor.u32 s5, s26;
	s5 =	sshll.u32 s5, $0x7;
	s15 =	sor.u32 $0x1C03, s16  }
0xa: {  	s10 =	sshrl.u32 s4, $0x3;
	s25 =	sshrl.u32 s11, $0x1;
	s13 =	sadd.s32 s4, s1  }
0xb: {  	s29 =	smul.u32 $0x270, s28;
	s4 =	sor.u32 $0x1C02, s16;
	s30 =	sor.u32 $0x27000, s5  }
0xc: {  	s16 =	simm.s32 $0x0;
	s10 =	sadd.s32 s10, s3;
	s6 =	sadd.s32 s6, s7  }
0xd: {  	s11 =	ssub.s32 s11, s25;
	s31 =	sshrl.u32 s30, $0x3;
	s12 =	sadd.s32 s6, s3  }
0xe: {  	s3 =	sadd.s32 $0x64A00, s10;
	s6 =	smul.u32 $0x2700, s28;
	s5 =	sadd.s32 s9, s29  }
0xf: {  	s10 =	sshll.u32 s30, $0x1;
	s7 =	sadd.s32 s9, s31;
	s9 =	sadd.s32 $0x69A00, s12  }
0x10: {  	s12 =	simm.s32 $0x3;
	s6 =	sadd.s32 s8, s6;
	s8 =	sadd.s32 s8, s10  }
0x11: {  	s10 =	smax.u32 s11, $0x1;
	s11 =	sshrl.u32 s13, $0x3;
	s13 =	simm.s32 $0x2  }
.LBB2_1:
0x12: {  	[spmem:s11], [sflag:s4] =	dma.local [hbm:s3], $0x4E2  }
0x13: {  	[tilespmem:s2], [sflag:$0x3] =	stream.linear.gather [hbm4b:s5+s2], $0x1380, $0x38;
	[tilespmem:$0x17B10] =	vst v63  }
0x14: {  	_ =	swait.ge [sflag:s12], $0x1380  }
0x15: {  	[sflag:s12] =	ssyncset.done $0x0  }
0x16: {  	s17 =	simm.s32 $0x1380;
	[sflag:s12] =	ssyncadd.s32 $0xFFFFEC80  }
0x17: {  	[tilespmem:s17], [sflag:$0x3] =	stream.linear.gather [hbm4b:s6+s2], $0x13800, $0x38;
	[tilespmem:$0x17B10] =	vst v63  }
0x18: {  	_ =	swait.ge [sflag:s12], $0x13800  }
0x19: {  	[sflag:s12] =	ssyncset.done $0x0  }
0x1a: {  	[sflag:s12] =	ssyncadd.s32 $0xFFFEC800  }
0x1b: {  	_ =	swait.ge [sflag:s13], $0x4E2  }
0x1c: {  	[sflag:s13] =	ssyncset.done $0x0  }
0x1d: {  	s18 =	simm.s32 $0x200;
	[sflag:s13] =	ssyncadd.s32 $0xFFFFFB1E  }
0x1e: {  	s20 =	simm.s32 $0x0;
	s19 =	simm.s32 $0x1B80;
	[bflag:$0x0] =	sbarrier.arrive $0xFFFF  }
.LBB2_2:
0x1f: {  	[spmem:s1] =	stream.indirect.scatter.add.f32 [tilespmem:s17], [sflag:$0x1], $0x10, s20, s14, $0xb8;
	[tilespmem:$0x17B10] =	vst v63  }
0x20: {  	s20 =	smov.u32 s18;
	s17 =	smov.u32 s19;
	p1 =	sne.s32 s18, $0x4C00  }
.Ltmp0:
0x21: {  	s18 =	sadd.s32 $0x200, s18;
	(pc) =	sbr.rel @p1 .LBB2_2-.Ltmp0, $2  }
0x22: {  	_ =	sdelay $0x2  }
0x23: {  	s19 =	sadd.s32 $0x800, s19;
	s20 =	sshra.s32 s20, $0x2  }
0x24: {  	[spmem:s1] =	stream.indirect.scatter.add.f32 [tilespmem:s17], [sflag:$0x1], $0x10, s20, s14, $0xb8;
	[tilespmem:$0x17B10] =	vst v63  }
0x25: {  	s17 =	simm.s32 @p0 $0x1  }
0x26: {  	_ =	swait.ge @p0 [sflag:s17], $0x13800  }
0x27: {  	s18 =	simm.s32 @!p0 $0x14B80;
	[sflag:s17] =	ssyncset.done @p0 $0x0  }
0x28: {  	s19 =	simm.s32 @!p0 $0x3;
	[sflag:s17] =	ssyncadd.s32 @p0 $0xFFFEC800;
	s17 =	simm.s32 @!p0 $0x0  }
0x29: {  	[tilespmem:s18], [sflag:$0x3] =	stream.linear.gather @!p0 [hbm4b:s7+s17], $0x80, $0x38;
	[tilespmem:$0x17B10] =	vst v63  }
0x2a: {  	_ =	swait.ge @!p0 [sflag:s19], $0x80  }
0x2b: {  	[sflag:s19] =	ssyncset.done @!p0 $0x0  }
0x2c: {  	s20 =	simm.s32 @!p0 $0x14C00;
	[sflag:s19] =	ssyncadd.s32 @!p0 $0xFFFFFF80  }
0x2d: {  	[tilespmem:s20], [sflag:$0x3] =	stream.linear.gather @!p0 [hbm4b:s8+s17], $0x800, $0x38;
	[tilespmem:$0x17B10] =	vst v63  }
0x2e: {  	_ =	swait.ge @!p0 [sflag:s19], $0x800  }
0x2f: {  	[sflag:s19] =	ssyncset.done @!p0 $0x0  }
0x30: {  	s17 =	simm.s32 @!p0 $0x80;
	[sflag:s19] =	ssyncadd.s32 @!p0 $0xFFFFF800  }
0x31: {  	[spmem:s1] =	stream.indirect.scatter.add.f32 @!p0 [tilespmem:s20], [sflag:$0x1], $0x10, s18, s17, $0xb8;
	[tilespmem:$0x17B10] =	vst v63  }
0x32: {  	s17 =	simm.s32 @!p0 $0x1  }
0x33: {  	_ =	swait.ge @!p0 [sflag:s17], $0x13800  }
0x34: {  	[sflag:s17] =	ssyncset.done @!p0 $0x0  }
0x35: {  	[sflag:s17] =	ssyncadd.s32 @!p0 $0xFFFEC800  }
0x36: {  	_ =	swait.ge @!p0 [sflag:s17], $0x800  }
0x37: {  	s16 =	sadd.s32 $0x1, s16;
	[sflag:s17] =	ssyncset.done @!p0 $0x0  }
0x38: {  	p1 =	sne.s32 s16, s10;
	[sflag:s17] =	ssyncadd.s32 @!p0 $0xFFFFF800  }
.Ltmp1:
0x39: {  	[bflag:$0x0] =	sbarrier.arrive $0xFFFF;
	(pc) =	sbr.rel @p1 .LBB2_1-.Ltmp1, $4  }
0x3a: {  	[hbm:s9], [sflag:s15] =	dma.local [spmem:s11], $0x4E2  }
0x3b: {  	_ =	swait.ge [sflag:s12], $0x4E2  }
0x3c: {  	[sflag:s12] =	ssyncset.done $0x0  }
0x3d: {  	[sflag:s12] =	ssyncadd.s32 $0xFFFFFB1E  }
0x3e: {  	_ =	sfence.sel $0x180000  }
0x3f: {  	[bflag:$0x0] =	sbarrier.arrive $0xFFFF  }
0x40: {  	_ =	strace $0x9000004A  }
0x41: {  	s0 =	sadd.s32 @!p0 $0x100000, s0;
	[bflag:$0x2] =	sbarrier.arrive $0xFFFF  }
0x42: {  	[sflag:s0] =	ssyncadd.tile.s32 @!p0 $0x1;
	_ =	shalt  }
.Lfunc_end2:
_tile_overlayer_lowered:
.L_overlay_start_2:
0x43: {  	(tag) =	ssettag $0x2  }
0x44: {  	s0 =	rddreg [dreg:$0x0];
	s2 =	stileid.u32  }
0x45: {  	s1 =	rddreg [dreg:$0x1];
	p0 =	sne.s32 s2, $0x0  }
0x46: {  	s3 =	rddreg [dreg:$0x2];
	[bflag:$0x3] =	sbarrier.arrive $0xFFFF;
	s2 =	simm.s32 @!p0 $0x1C03  }
0x47: {  	[timem:s3], [sflag:s2] =	dma.local @!p0 [hbm:s0], s1  }
0x48: {  	s0 =	simm.s32 @!p0 $0x3  }
0x49: {  	_ =	swait.ge @!p0 [sflag:s0], s1  }
0x4a: {  	s1 =	ssub.s32 @!p0 $0x0, s1;
	[sflag:s0] =	ssyncset.done @!p0 $0x0  }
0x4b: {  	[sflag:s0] =	ssyncadd.s32 @!p0 s1  }
0x4c: {  	[bflag:$0x3] =	sbarrier.arrive $0xFFFF  }
0x4d: {  	_ =	shalt  }

// kernel: kernel.31.cloned.1.call-start
scs
__scs_entry_jumppad:
0x0: {  	(pc) =	sbr.rel $0x88, $3  }
0x1: {  	(tag) =	ssettag $0x0;
	lr =	simm.s32 $0x1  }
0x2: {  	[smem:$0x3F8D] =	sst lr;
	_ =	strace $0xD0000000  }
0x3: {  	_ = 	snop  }
0x4: {  	_ = 	snop  }
0x5: {  	_ = 	snop  }
0x6: {  	_ = 	snop  }
0x7: {  	_ = 	snop  }
__scs_overlays_trampoline_lowered:
0x8: {  	[smem:$0x3F9C] =	sst s0  }
0x9: {  	[smem:$0x3F9D] =	sst s1  }
0xa: {  	[smem:$0x3F9E] =	sst s2  }
0xb: {  	[smem:$0x3F9F] =	sst s3  }
0xc: {  	[smem:$0x3FA0] =	sst s4  }
0xd: {  	[smem:$0x3FA1] =	sst s5  }
0xe: {  	[smem:$0x3FA2] =	sst s6  }
0xf: {  	[smem:$0x3FA3] =	sst s7  }
0x10: {  	[smem:$0x3FA4] =	sst s8  }
0x11: {  	[smem:$0x3FA5] =	sst s9;
	s0 =	simm.s32 @!p0 $0x0  }
0x12: {  	s1 =	sld [smem:$0x3F8B];
	s0 =	simm.s32 @p0 $0x1  }
0x13: {  	[smem:$0x3FA6] =	sst s0;
	s0 =	simm.s32 @!p1 $0x0  }
0x14: {  	s2 =	sld [smem:$0x3F8A];
	s0 =	simm.s32 @p1 $0x1  }
0x15: {  	[smem:$0x3FA7] =	sst s0;
	s0 =	simm.s32 @!p2 $0x0  }
0x16: {  	s3 =	sld [smem:$0x3FDB];
	s0 =	simm.s32 @p2 $0x1  }
0x17: {  	s4 =	simm.s32 $0x1BF5;
	[smem:$0x3FA9] =	sst s0  }
0x18: {  	s0 =	sld [smem:$0x3F8C];
	_ =	swait.ge [sflag:s4], $0x0  }
0x19: {  	s7 =	sld [smem:$0x3F8D]  }
0x1a: {  	s8 =	sadd.s32 $0xFFFFE003, lr  }
0x1b: {  	s9 =	sadd.s32 $0xFFFFFEF7, lr;
	s5 =	simm.s32 $0xFFFFFFFF;
	p2 =	slt.u32 s8, $0xFFFFF086  }
0x1c: {  	p1 =	slt.u32 s9, $0xF7A;
	s5 =	simm.s32 @!p2 $0x0  }
0x1d: {  	s5 =	simm.s32 @p1 $0x1;
	p0 =	seq.s32 s7, s2  }
0x1e: {  	s7 =	smul.u32 @!p0 $0xF7A, s2;
	p2 =	seq.s32 @!p0 s5, $0x0  }
0x1f: {  	s9 =	smul.u32 $0xF7A, s1;
	s8 =	simm.s32 @!p0 $0x1BF5;
	p2 =	por !p2, p0  }
0x20: {  	[sflag:s8] =	ssyncset.s32 @!p0 $0xFFFFF086;
	s6 =	sadd.s32 @!p0 s3, s7;
	s7 =	simm.s32 @!p0 $0x108  }
0x21: {  	s3 =	sadd.s32 s3, s9;
	s6 =	sadd.s32 @!p0 $0x88, s6;
	s7 =	simm.s32 @p2 $0x1082  }
0x22: {  	[simem:s7], [sflag:s8] =	dma.local @!p0 [hbm:s6], $0xF7A  }
0x23: {  	s9 =	sor.u32 $0xD0000000, s2;
	s6 =	simm.s32 $0x108;
	_ =	swait.ge @!p0 [sflag:s8], $0x0  }
0x24: {  	s3 =	sadd.s32 $0x88, s3;
	s6 =	simm.s32 @!p1 $0x1082;
	[sflag:s4] =	ssyncset.s32 $0xFFFFF086  }
0x25: {  	[simem:s6], [sflag:s4] =	dma.local [hbm:s3], $0xF7A  }
0x26: {  	[smem:$0x3F8D] =	sst s1;
	(tag) =	ssettag s2;
	_ =	strace s9  }
0x27: {  	s1 =	sld [smem:$0x3F9D]  }
0x28: {  	s2 =	sld [smem:$0x3F9E]  }
0x29: {  	s4 =	sld [smem:$0x3FA0]  }
0x2a: {  	p0 =	seq.s32 s5, $0x0;
	s5 =	sld [smem:$0x3FA1]  }
0x2b: {  	s6 =	sld [smem:$0x3FA2]  }
0x2c: {  	s7 =	sld [smem:$0x3FA3]  }
0x2d: {  	s3 =	simm.s32 $0x108;
	s8 =	sld [smem:$0x3FA4]  }
0x2e: {  	s3 =	simm.s32 @!p0 $0x1082;
	s9 =	sld [smem:$0x3FA5]  }
0x2f: {  	lr =	sadd.s32 s0, s3;
	s0 =	sld [smem:$0x3F9C]  }
0x30: {  	s3 =	sld [smem:$0x3F9F]  }
0x31: {  	[smem:$0x3FA8] =	sst s10  }
0x32: {  	s10 =	sld [smem:$0x3FA6];
	_ =	sdelay $0x3  }
0x33: {  	p0 =	seq.s32 s10, $0x1;
	s10 =	sld [smem:$0x3FA8];
	_ =	sdelay $0x3  }
0x34: {  	[smem:$0x3FA8] =	sst s10  }
0x35: {  	s10 =	sld [smem:$0x3FA7];
	_ =	sdelay $0x3  }
0x36: {  	p1 =	seq.s32 s10, $0x1;
	s10 =	sld [smem:$0x3FA8];
	_ =	sdelay $0x3  }
0x37: {  	[smem:$0x3FA8] =	sst s10  }
0x38: {  	s10 =	sld [smem:$0x3FA9]  }
0x39: {  	_ = 	snop;
	(pc) =	sbr.ind lr, $3  }
0x3a: {  	_ = 	snop  }
0x3b: {  	_ = 	snop  }
0x3c: {  	p2 =	seq.s32 s10, $0x1;
	s10 =	sld [smem:$0x3FA8]  }
0x3d: {  	_ =	shalt  }
0x3e: {  	_ =	shalt  }
0x3f: {  	_ =	shalt  }
0x40: {  	_ =	shalt  }
0x41: {  	_ =	shalt  }
0x42: {  	_ =	shalt  }
0x43: {  	_ =	shalt  }
0x44: {  	_ =	shalt  }
0x45: {  	_ =	shalt  }
0x46: {  	_ =	shalt  }
0x47: {  	_ =	shalt  }
0x48: {  	_ =	shalt  }
0x49: {  	_ =	shalt  }
0x4a: {  	_ =	shalt  }
0x4b: {  	_ =	shalt  }
0x4c: {  	_ =	shalt  }
0x4d: {  	_ =	shalt  }
0x4e: {  	_ =	shalt  }
0x4f: {  	_ =	shalt  }
0x50: {  	_ =	shalt  }
0x51: {  	_ =	shalt  }
0x52: {  	_ =	shalt  }
0x53: {  	_ =	shalt  }
0x54: {  	_ =	shalt  }
0x55: {  	_ =	shalt  }
0x56: {  	_ =	shalt  }
0x57: {  	_ =	shalt  }
0x58: {  	_ =	shalt  }
0x59: {  	_ =	shalt  }
0x5a: {  	_ =	shalt  }
0x5b: {  	_ =	shalt  }
0x5c: {  	_ =	shalt  }
0x5d: {  	_ =	shalt  }
0x5e: {  	_ =	shalt  }
0x5f: {  	_ =	shalt  }
0x60: {  	_ =	shalt  }
0x61: {  	_ =	shalt  }
0x62: {  	_ =	shalt  }
0x63: {  	_ =	shalt  }
0x64: {  	_ =	shalt  }
0x65: {  	_ =	shalt  }
0x66: {  	_ =	shalt  }
0x67: {  	_ =	shalt  }
0x68: {  	_ =	shalt  }
0x69: {  	_ =	shalt  }
0x6a: {  	_ =	shalt  }
0x6b: {  	_ =	shalt  }
0x6c: {  	_ =	shalt  }
0x6d: {  	_ =	shalt  }
0x6e: {  	_ =	shalt  }
0x6f: {  	_ =	shalt  }
0x70: {  	_ =	shalt  }
0x71: {  	_ =	shalt  }
0x72: {  	_ =	shalt  }
0x73: {  	_ =	shalt  }
0x74: {  	_ =	shalt  }
0x75: {  	_ =	shalt  }
0x76: {  	_ =	shalt  }
0x77: {  	_ =	shalt  }
0x78: {  	_ =	shalt  }
0x79: {  	_ =	shalt  }
0x7a: {  	_ =	shalt  }
0x7b: {  	_ =	shalt  }
0x7c: {  	_ =	shalt  }
0x7d: {  	_ =	shalt  }
0x7e: {  	_ =	shalt  }
0x7f: {  	_ =	shalt  }
0x80: {  	_ =	shalt  }
0x81: {  	_ =	shalt  }
0x82: {  	_ =	shalt  }
0x83: {  	_ =	shalt  }
0x84: {  	_ =	shalt  }
0x85: {  	_ =	shalt  }
0x86: {  	_ =	shalt  }
0x87: {  	_ =	shalt  }
.Lfunc_end0:
.L_simem_size_0:
called_computation.2_lowered:
.L_overlay_start_0:
0x88: {  	s2 =	sld [smem:$0x3FD9]  }
0x89: {  	s3 =	sld [smem:$0x3FFE];
	_ =	sdelay $0x1  }
0x8a: {  	s1 =	srdreg.scid  }
0x8b: {  	s0 =	sand.u32 $0x1, s1  }
0x8c: {  	s16 =	sshll.u32 s0, $0xA;
	s2 =	sadd.s32 s3, s2  }
0x8d: {  	s2 =	sadd.s32 s2, s16  }
0x8e: {  	[smem:$0x3FB4] =	sst s2  }
0x8f: {  	_ = 	snop  }
0x90: {  	(tm) =	ssettm $0x1  }
0x91: {  	s17 =	sld [smem:$0x3FFB];
	_ =	sdelay $0x3  }
0x92: {  	_ =	strace s17  }
0x93: {  	s2 =	sld [smem:$0x3FFC];
	_ =	sdelay $0x3  }
0x94: {  	_ =	strace s2  }
0x95: {  	s2 =	sld [smem:$0x3FFD];
	_ =	sdelay $0x3  }
0x96: {  	_ =	strace s2  }
0x97: {  	_ =	strace $0x8FFFFFFF  }
0x98: {  	s18 =	sld [smem:$0x3FDB];
	_ =	sdelay $0x1  }
0x99: {  	s19 =	simm.s32 $_scs_section_size  }
0x9a: {  	s4 =	simm.s32 $_size__tile_overlayer_lowered;
	s5 =	simm.s32 $_tile_overlayer_lowered  }
0x9b: {  	s22 =	simm.s32 $0x1BFF;
	s21 =	sshll.u32 s5, $0x1;
	s2 =	sadd.s32 s19, s18  }
0x9c: {  	s6 =	simm.s32 $0x0;
	s20 =	sshll.u32 s4, $0x1;
	s4 =	sadd.s32 s21, s2  }
0x9d: {  	[timem:s6], [sflag:s22] =	dma.local [hbm:s4], s20  }
0x9e: {  	_ =	swait.ge [sflag:s22], s20  }
0x9f: {  	s3 =	ssub.s32 $0x0, s20;
	[sflag:s22] =	ssyncset.done $0x0  }
0xa0: {  	[sflag:s22] =	ssyncadd.s32 s3;
	_ =	sdelay $0x1  }
0xa1: {  	s23 =	simm.s32 $0x1B8B  }
0xa2: {  	_ =	swait.ge [sflag:s23], $0x1  }
0xa3: {  	[sflag:s23] =	ssyncset.done $0x0  }
0xa4: {  	s25 =	simm.s32 $0x1B8E;
	s24 =	sld [smem:$0x3FFE];
	[sflag:s23] =	ssyncadd.s32 $0xFFFFFFFF  }
0xa5: {  	s26 =	simm.s32 $execute0_lowered;
	[smem:$0x3FD2] =	sst s25  }
0xa6: {  	s4 =	sshll.u32 s26, $0x1;
	_ =	strace $0x8000004C;
	[dreg:$0x1] =	wrdreg $0xFFFFFFFF  }
0xa7: {  	s28 =	simm.s32 $_size_execute0_lowered;
	s2 =	sadd.s32 s2, s4;
	[dreg:$0x0] =	wrdreg $0x0  }
0xa8: {  	s4 =	sshll.u32 s28, $0x1;
	[dreg:$0x2] =	wrdreg s2  }
0xa9: {  	[dreg:$0x3] =	wrdreg s4  }
0xaa: {  	[dreg:$0x4] =	wrdreg $0xC0  }
0xab: {  	_ =	task [dreg:s6], $0x5FFFF  }
0xac: {  	[dreg:$0x1] =	wrdreg $0xFFFFFFFF  }
0xad: {  	[dreg:$0x0] =	wrdreg $0x60  }
0xae: {  	[dreg:$0x2] =	wrdreg s24  }
0xaf: {  	[dreg:$0x3] =	wrdreg $0x9  }
0xb0: {  	_ =	task.clear_ibuf [dreg:s6], $0x4FFFF;
	_ =	strace $0x9000004C  }
0xb1: {  	s29 =	simm.s32 $0x9;
	_ =	strace $0x8000004E  }
0xb2: {  	_ =	swait.ge [sflag:s29], $0x1  }
0xb3: {  	[sflag:s29] =	ssyncadd.s32 $0xFFFFFFFF  }
0xb4: {  	_ =	strace $0x9000004E  }
0xb5: {  	_ =	sfence  }
0xb6: {  	s30 =	sld [smem:$0x0];
	_ =	sdelay $0x2  }
0xb7: {  	s31 =	sshll.u32 s1, $0xD;
	s1 =	sshrl.u32 s1, $0x2  }
0xb8: {  	s3 =	sand.u32 $0x4000, s31;
	s1 =	sadd.s32 s1, s30  }
0xb9: {  	s0 =	sor.u32 s3, s0;
	s1 =	sshll.u32 s1, $0x11  }
0xba: {  	s0 =	sor.u32 s1, s0  }
0xbb: {  	s0 =	sadd.s32 $0x8F2B, s0  }
0xbc: {  	[sflag:s0] =	ssyncadd.remote.s32 $0x1  }
0xbd: {  	_ =	sfence.sel $0xFFFF  }
0xbe: {  	[dreg:$0x0] =	wrdreg $0xFFFFFFFF;
	(pc) =	sbr.abs _section_cstart, $3  }
0xbf: {  	[dreg:$0x1] =	wrdreg $0xFFFFFFFF  }
0xc0: {  	_ =	task.clear_ibuf [dreg:s6], $0x2FFFF;
	_ =	strace $0x9FFFFFFF  }
0xc1: {  	(tm) =	ssettm $0x7FFFFFFF  }
tec
execute0_lowered:
.L_overlay_start_1:
0x0: {  	(tag) =	ssettag $0x1  }
0x1: {  	s3 =	rddreg [dreg:$0x0]  }
0x2: {  	s0 =	rddreg [dreg:$0x1];
	s1 =	simm.s32 $0x0;
	s4 =	srdreg.scid  }
0x3: {  	s10 =	stileid.u32;
	[smem:$0x7FF] =	sst s1;
	s2 =	sadd.s32 $0x11800, s3  }
0x4: {  	s4 =	sand.u32 $0x1, s4;
	s5 =	sshll.u32 s10, $0x1;
	s6 =	sadd.s32 $0x7800, s3  }
0x5: {  	s8 =	sadd.s32 $0x16800, s3;
	p0 =	sne.s32 s10, $0x0;
	s10 =	simm.s32 $0x0  }
0x6: {  	_ =	strace $0x8000004D;
	s7 =	ssub.s32 $0x2, s4;
	s5 =	sor.u32 s4, s5  }
0x7: {  	s11 =	sshll.u32 s4, $0x4;
	s30 =	sshll.u32 s4, $0x8;
	s9 =	smul.u32 $0x270, s5  }
0x8: {  	s29 =	sshrl.u32 s7, $0x1;
	s5 =	smul.u32 $0x2700, s5;
	s31 =	sadd.s32 s30, s8  }
0x9: {  	s7 =	ssub.s32 s7, s29;
	s3 =	sadd.s32 s6, s9;
	s6 =	sadd.s32 s11, s6  }
0xa: {  	s5 =	sadd.s32 s8, s5;
	s7 =	smax.u32 s7, $0x1;
	s8 =	simm.s32 $0x3  }
0xb: {  	s9 =	simm.s32 $0x80;
	s4 =	sadd.s32 $0x4E00, s6;
	s6 =	sadd.s32 $0x4E000, s31  }
.LBB2_1:
0xc: {  	[tilespmem:s1], [sflag:$0x3] =	stream.linear.gather [hbm4b:s3+s1], $0x1380, $0x38;
	[tilespmem:$0x15400] =	vst v63  }
0xd: {  	_ =	swait.ge [sflag:s8], $0x1380  }
0xe: {  	s11 =	simm.s32 $0x1380;
	s12 =	simm.s32 $0x200;
	[sflag:s8] =	ssyncset.done $0x0  }
0xf: {  	s14 =	simm.s32 $0x0;
	s13 =	simm.s32 $0x1B80;
	[sflag:s8] =	ssyncadd.s32 $0xFFFFEC80  }
.LBB2_2:
0x10: {  	[tilespmem:s11], [sflag:$0x1] =	stream.indirect.gather [hbm4b:s2+s9], $0x10, s14, s9, $0xb8;
	[tilespmem:$0x15400] =	vst v63  }
0x11: {  	s14 =	smov.u32 s12;
	s11 =	smov.u32 s13;
	p1 =	sne.s32 s12, $0x4C00  }
.Ltmp0:
0x12: {  	s12 =	sadd.s32 $0x200, s12;
	(pc) =	sbr.rel @p1 .LBB2_2-.Ltmp0, $2  }
0x13: {  	_ =	sdelay $0x2  }
0x14: {  	s13 =	sadd.s32 $0x800, s13;
	s14 =	sshra.s32 s14, $0x2  }
0x15: {  	[tilespmem:s11], [sflag:$0x1] =	stream.indirect.gather [hbm4b:s2+s9], $0x10, s14, s9, $0xb8;
	[tilespmem:$0x15400] =	vst v63  }
0x16: {  	s11 =	simm.s32 @p0 $0x1  }
0x17: {  	_ =	swait.ge @p0 [sflag:s11], $0x13800  }
0x18: {  	[sflag:s11] =	ssyncset.done @p0 $0x0  }
0x19: {  	s12 =	simm.s32 @p0 $0x1380;
	[sflag:s11] =	ssyncadd.s32 @p0 $0xFFFEC800;
	s11 =	simm.s32 @p0 $0x0  }
0x1a: {  	[hbm4b:s5+s11] =	stream.linear.scatter @p0 [tilespmem:s12], [sflag:$0x3], $0x13800, $0x38;
	[tilespmem:$0x15400] =	vst v63  }
0x1b: {  	s11 =	simm.s32 @p0 $0x3  }
0x1c: {  	_ =	swait.ge @p0 [sflag:s11], $0x13800  }
0x1d: {  	s13 =	simm.s32 @!p0 $0x3;
	[sflag:s11] =	ssyncset.done @p0 $0x0  }
0x1e: {  	s12 =	simm.s32 @!p0 $0x14B80;
	[sflag:s11] =	ssyncadd.s32 @p0 $0xFFFEC800;
	s11 =	simm.s32 @!p0 $0x0  }
0x1f: {  	[tilespmem:s12], [sflag:$0x3] =	stream.linear.gather @!p0 [hbm4b:s4+s11], $0x80, $0x38;
	[tilespmem:$0x15400] =	vst v63  }
0x20: {  	_ =	swait.ge @!p0 [sflag:s13], $0x80  }
0x21: {  	[sflag:s13] =	ssyncset.done @!p0 $0x0  }
0x22: {  	s14 =	simm.s32 @!p0 $0x80;
	s15 =	simm.s32 @!p0 $0x14C00;
	[sflag:s13] =	ssyncadd.s32 @!p0 $0xFFFFFF80  }
0x23: {  	[tilespmem:s15], [sflag:$0x2] =	stream.indirect.gather @!p0 [hbm4b:s2+s14], $0x10, s12, s14, $0xb8;
	[tilespmem:$0x15400] =	vst v63  }
0x24: {  	s12 =	simm.s32 @!p0 $0x1  }
0x25: {  	_ =	swait.ge @!p0 [sflag:s12], $0x13800  }
0x26: {  	[sflag:s12] =	ssyncset.done @!p0 $0x0  }
0x27: {  	[sflag:s12] =	ssyncadd.s32 @!p0 $0xFFFEC800;
	s12 =	simm.s32 @!p0 $0x1380  }
0x28: {  	[hbm4b:s5+s11] =	stream.linear.scatter @!p0 [tilespmem:s12], [sflag:$0x3], $0x13800, $0x38;
	[tilespmem:$0x15400] =	vst v63  }
0x29: {  	_ =	swait.ge @!p0 [sflag:s13], $0x13800  }
0x2a: {  	[sflag:s13] =	ssyncset.done @!p0 $0x0  }
0x2b: {  	s12 =	simm.s32 @!p0 $0x2;
	[sflag:s13] =	ssyncadd.s32 @!p0 $0xFFFEC800  }
0x2c: {  	s10 =	sadd.s32 $0x1, s10;
	_ =	swait.ge @!p0 [sflag:s12], $0x800  }
0x2d: {  	p1 =	sne.s32 s10, s7;
	[sflag:s12] =	ssyncset.done @!p0 $0x0  }
.Ltmp1:
0x2e: {  	[sflag:s12] =	ssyncadd.s32 @!p0 $0xFFFFF800;
	(pc) =	sbr.rel @p1 .LBB2_1-.Ltmp1, $4  }
0x2f: {  	[hbm4b:s6+s11] =	stream.linear.scatter @!p0 [tilespmem:s15], [sflag:$0x3], $0x800, $0x38;
	[tilespmem:$0x15400] =	vst v63  }
0x30: {  	_ =	swait.ge @!p0 [sflag:s13], $0x800  }
0x31: {  	[sflag:s13] =	ssyncset.done @!p0 $0x0  }
0x32: {  	[sflag:s13] =	ssyncadd.s32 @!p0 $0xFFFFF800  }
0x33: {  	_ =	sfence.sel $0x180000  }
0x34: {  	[bflag:$0x0] =	sbarrier.arrive $0xFFFF  }
0x35: {  	_ =	strace $0x9000004D  }
0x36: {  	s0 =	sadd.s32 @!p0 $0x100000, s0;
	[bflag:$0x2] =	sbarrier.arrive $0xFFFF  }
0x37: {  	[sflag:s0] =	ssyncadd.tile.s32 @!p0 $0x1;
	_ =	shalt  }
.Lfunc_end2:
_tile_overlayer_lowered:
.L_overlay_start_2:
0x38: {  	(tag) =	ssettag $0x2  }
0x39: {  	s0 =	rddreg [dreg:$0x0];
	s2 =	stileid.u32  }
0x3a: {  	s1 =	rddreg [dreg:$0x1];
	p0 =	sne.s32 s2, $0x0  }
0x3b: {  	s3 =	rddreg [dreg:$0x2];
	[bflag:$0x3] =	sbarrier.arrive $0xFFFF;
	s2 =	simm.s32 @!p0 $0x1C03  }
0x3c: {  	[timem:s3], [sflag:s2] =	dma.local @!p0 [hbm:s0], s1  }
0x3d: {  	s0 =	simm.s32 @!p0 $0x3  }
0x3e: {  	_ =	swait.ge @!p0 [sflag:s0], s1  }
0x3f: {  	s1 =	ssub.s32 @!p0 $0x0, s1;
	[sflag:s0] =	ssyncset.done @!p0 $0x0  }
0x40: {  	[sflag:s0] =	ssyncadd.s32 @!p0 s1  }
0x41: {  	[bflag:$0x3] =	sbarrier.arrive $0xFFFF  }
0x42: {  	_ =	shalt  }

// kernel: kernel.34.cloned.1.call-start
scs
__scs_entry_jumppad:
0x0: {  	(pc) =	sbr.rel $0x88, $3  }
0x1: {  	(tag) =	ssettag $0x0;
	lr =	simm.s32 $0x1  }
0x2: {  	[smem:$0x3F8D] =	sst lr;
	_ =	strace $0xD0000000  }
0x3: {  	_ = 	snop  }
0x4: {  	_ = 	snop  }
0x5: {  	_ = 	snop  }
0x6: {  	_ = 	snop  }
0x7: {  	_ = 	snop  }
__scs_overlays_trampoline_lowered:
0x8: {  	[smem:$0x3F9C] =	sst s0  }
0x9: {  	[smem:$0x3F9D] =	sst s1  }
0xa: {  	[smem:$0x3F9E] =	sst s2  }
0xb: {  	[smem:$0x3F9F] =	sst s3  }
0xc: {  	[smem:$0x3FA0] =	sst s4  }
0xd: {  	[smem:$0x3FA1] =	sst s5  }
0xe: {  	[smem:$0x3FA2] =	sst s6  }
0xf: {  	[smem:$0x3FA3] =	sst s7  }
0x10: {  	[smem:$0x3FA4] =	sst s8  }
0x11: {  	[smem:$0x3FA5] =	sst s9;
	s0 =	simm.s32 @!p0 $0x0  }
0x12: {  	s1 =	sld [smem:$0x3F8B];
	s0 =	simm.s32 @p0 $0x1  }
0x13: {  	[smem:$0x3FA6] =	sst s0;
	s0 =	simm.s32 @!p1 $0x0  }
0x14: {  	s2 =	sld [smem:$0x3F8A];
	s0 =	simm.s32 @p1 $0x1  }
0x15: {  	[smem:$0x3FA7] =	sst s0;
	s0 =	simm.s32 @!p2 $0x0  }
0x16: {  	s3 =	sld [smem:$0x3FDB];
	s0 =	simm.s32 @p2 $0x1  }
0x17: {  	s4 =	simm.s32 $0x1BF5;
	[smem:$0x3FA9] =	sst s0  }
0x18: {  	s0 =	sld [smem:$0x3F8C];
	_ =	swait.ge [sflag:s4], $0x0  }
0x19: {  	s7 =	sld [smem:$0x3F8D]  }
0x1a: {  	s8 =	sadd.s32 $0xFFFFE003, lr  }
0x1b: {  	s9 =	sadd.s32 $0xFFFFFEF7, lr;
	s5 =	simm.s32 $0xFFFFFFFF;
	p2 =	slt.u32 s8, $0xFFFFF086  }
0x1c: {  	p1 =	slt.u32 s9, $0xF7A;
	s5 =	simm.s32 @!p2 $0x0  }
0x1d: {  	s5 =	simm.s32 @p1 $0x1;
	p0 =	seq.s32 s7, s2  }
0x1e: {  	s7 =	smul.u32 @!p0 $0xF7A, s2;
	p2 =	seq.s32 @!p0 s5, $0x0  }
0x1f: {  	s9 =	smul.u32 $0xF7A, s1;
	s8 =	simm.s32 @!p0 $0x1BF5;
	p2 =	por !p2, p0  }
0x20: {  	[sflag:s8] =	ssyncset.s32 @!p0 $0xFFFFF086;
	s6 =	sadd.s32 @!p0 s3, s7;
	s7 =	simm.s32 @!p0 $0x108  }
0x21: {  	s3 =	sadd.s32 s3, s9;
	s6 =	sadd.s32 @!p0 $0x88, s6;
	s7 =	simm.s32 @p2 $0x1082  }
0x22: {  	[simem:s7], [sflag:s8] =	dma.local @!p0 [hbm:s6], $0xF7A  }
0x23: {  	s9 =	sor.u32 $0xD0000000, s2;
	s6 =	simm.s32 $0x108;
	_ =	swait.ge @!p0 [sflag:s8], $0x0  }
0x24: {  	s3 =	sadd.s32 $0x88, s3;
	s6 =	simm.s32 @!p1 $0x1082;
	[sflag:s4] =	ssyncset.s32 $0xFFFFF086  }
0x25: {  	[simem:s6], [sflag:s4] =	dma.local [hbm:s3], $0xF7A  }
0x26: {  	[smem:$0x3F8D] =	sst s1;
	(tag) =	ssettag s2;
	_ =	strace s9  }
0x27: {  	s1 =	sld [smem:$0x3F9D]  }
0x28: {  	s2 =	sld [smem:$0x3F9E]  }
0x29: {  	s4 =	sld [smem:$0x3FA0]  }
0x2a: {  	p0 =	seq.s32 s5, $0x0;
	s5 =	sld [smem:$0x3FA1]  }
0x2b: {  	s6 =	sld [smem:$0x3FA2]  }
0x2c: {  	s7 =	sld [smem:$0x3FA3]  }
0x2d: {  	s3 =	simm.s32 $0x108;
	s8 =	sld [smem:$0x3FA4]  }
0x2e: {  	s3 =	simm.s32 @!p0 $0x1082;
	s9 =	sld [smem:$0x3FA5]  }
0x2f: {  	lr =	sadd.s32 s0, s3;
	s0 =	sld [smem:$0x3F9C]  }
0x30: {  	s3 =	sld [smem:$0x3F9F]  }
0x31: {  	[smem:$0x3FA8] =	sst s10  }
0x32: {  	s10 =	sld [smem:$0x3FA6];
	_ =	sdelay $0x3  }
0x33: {  	p0 =	seq.s32 s10, $0x1;
	s10 =	sld [smem:$0x3FA8];
	_ =	sdelay $0x3  }
0x34: {  	[smem:$0x3FA8] =	sst s10  }
0x35: {  	s10 =	sld [smem:$0x3FA7];
	_ =	sdelay $0x3  }
0x36: {  	p1 =	seq.s32 s10, $0x1;
	s10 =	sld [smem:$0x3FA8];
	_ =	sdelay $0x3  }
0x37: {  	[smem:$0x3FA8] =	sst s10  }
0x38: {  	s10 =	sld [smem:$0x3FA9]  }
0x39: {  	_ = 	snop;
	(pc) =	sbr.ind lr, $3  }
0x3a: {  	_ = 	snop  }
0x3b: {  	_ = 	snop  }
0x3c: {  	p2 =	seq.s32 s10, $0x1;
	s10 =	sld [smem:$0x3FA8]  }
0x3d: {  	_ =	shalt  }
0x3e: {  	_ =	shalt  }
0x3f: {  	_ =	shalt  }
0x40: {  	_ =	shalt  }
0x41: {  	_ =	shalt  }
0x42: {  	_ =	shalt  }
0x43: {  	_ =	shalt  }
0x44: {  	_ =	shalt  }
0x45: {  	_ =	shalt  }
0x46: {  	_ =	shalt  }
0x47: {  	_ =	shalt  }
0x48: {  	_ =	shalt  }
0x49: {  	_ =	shalt  }
0x4a: {  	_ =	shalt  }
0x4b: {  	_ =	shalt  }
0x4c: {  	_ =	shalt  }
0x4d: {  	_ =	shalt  }
0x4e: {  	_ =	shalt  }
0x4f: {  	_ =	shalt  }
0x50: {  	_ =	shalt  }
0x51: {  	_ =	shalt  }
0x52: {  	_ =	shalt  }
0x53: {  	_ =	shalt  }
0x54: {  	_ =	shalt  }
0x55: {  	_ =	shalt  }
0x56: {  	_ =	shalt  }
0x57: {  	_ =	shalt  }
0x58: {  	_ =	shalt  }
0x59: {  	_ =	shalt  }
0x5a: {  	_ =	shalt  }
0x5b: {  	_ =	shalt  }
0x5c: {  	_ =	shalt  }
0x5d: {  	_ =	shalt  }
0x5e: {  	_ =	shalt  }
0x5f: {  	_ =	shalt  }
0x60: {  	_ =	shalt  }
0x61: {  	_ =	shalt  }
0x62: {  	_ =	shalt  }
0x63: {  	_ =	shalt  }
0x64: {  	_ =	shalt  }
0x65: {  	_ =	shalt  }
0x66: {  	_ =	shalt  }
0x67: {  	_ =	shalt  }
0x68: {  	_ =	shalt  }
0x69: {  	_ =	shalt  }
0x6a: {  	_ =	shalt  }
0x6b: {  	_ =	shalt  }
0x6c: {  	_ =	shalt  }
0x6d: {  	_ =	shalt  }
0x6e: {  	_ =	shalt  }
0x6f: {  	_ =	shalt  }
0x70: {  	_ =	shalt  }
0x71: {  	_ =	shalt  }
0x72: {  	_ =	shalt  }
0x73: {  	_ =	shalt  }
0x74: {  	_ =	shalt  }
0x75: {  	_ =	shalt  }
0x76: {  	_ =	shalt  }
0x77: {  	_ =	shalt  }
0x78: {  	_ =	shalt  }
0x79: {  	_ =	shalt  }
0x7a: {  	_ =	shalt  }
0x7b: {  	_ =	shalt  }
0x7c: {  	_ =	shalt  }
0x7d: {  	_ =	shalt  }
0x7e: {  	_ =	shalt  }
0x7f: {  	_ =	shalt  }
0x80: {  	_ =	shalt  }
0x81: {  	_ =	shalt  }
0x82: {  	_ =	shalt  }
0x83: {  	_ =	shalt  }
0x84: {  	_ =	shalt  }
0x85: {  	_ =	shalt  }
0x86: {  	_ =	shalt  }
0x87: {  	_ =	shalt  }
.Lfunc_end0:
.L_simem_size_0:
called_computation.3_lowered:
.L_overlay_start_0:
0x88: {  	s2 =	sld [smem:$0x3FD9]  }
0x89: {  	s3 =	sld [smem:$0x3FFE];
	_ =	sdelay $0x1  }
0x8a: {  	s1 =	srdreg.scid  }
0x8b: {  	s0 =	sand.u32 $0x1, s1  }
0x8c: {  	s16 =	sshll.u32 s0, $0xA;
	s2 =	sadd.s32 s3, s2  }
0x8d: {  	s2 =	sadd.s32 s2, s16  }
0x8e: {  	[smem:$0x3FB4] =	sst s2  }
0x8f: {  	_ = 	snop  }
0x90: {  	(tm) =	ssettm $0x1  }
0x91: {  	s17 =	sld [smem:$0x3FFB];
	_ =	sdelay $0x3  }
0x92: {  	_ =	strace s17  }
0x93: {  	s2 =	sld [smem:$0x3FFC];
	_ =	sdelay $0x3  }
0x94: {  	_ =	strace s2  }
0x95: {  	s2 =	sld [smem:$0x3FFD];
	_ =	sdelay $0x3  }
0x96: {  	_ =	strace s2  }
0x97: {  	_ =	strace $0x8FFFFFFF  }
0x98: {  	s18 =	sld [smem:$0x3FDB];
	_ =	sdelay $0x1  }
0x99: {  	s19 =	simm.s32 $_scs_section_size  }
0x9a: {  	s4 =	simm.s32 $_size__tile_overlayer_lowered;
	s5 =	simm.s32 $_tile_overlayer_lowered  }
0x9b: {  	s22 =	simm.s32 $0x1BFF;
	s21 =	sshll.u32 s5, $0x1;
	s2 =	sadd.s32 s19, s18  }
0x9c: {  	s6 =	simm.s32 $0x0;
	s20 =	sshll.u32 s4, $0x1;
	s4 =	sadd.s32 s21, s2  }
0x9d: {  	[timem:s6], [sflag:s22] =	dma.local [hbm:s4], s20  }
0x9e: {  	_ =	swait.ge [sflag:s22], s20  }
0x9f: {  	s3 =	ssub.s32 $0x0, s20;
	[sflag:s22] =	ssyncset.done $0x0  }
0xa0: {  	[sflag:s22] =	ssyncadd.s32 s3;
	_ =	sdelay $0x1  }
0xa1: {  	s23 =	simm.s32 $0x1B8B  }
0xa2: {  	_ =	swait.ge [sflag:s23], $0x1  }
0xa3: {  	[sflag:s23] =	ssyncset.done $0x0  }
0xa4: {  	s25 =	simm.s32 $0x1B8E;
	s24 =	sld [smem:$0x3FFE];
	[sflag:s23] =	ssyncadd.s32 $0xFFFFFFFF  }
0xa5: {  	s26 =	simm.s32 $execute0_lowered;
	[smem:$0x3FD2] =	sst s25  }
0xa6: {  	s4 =	sshll.u32 s26, $0x1;
	_ =	strace $0x8000004F;
	[dreg:$0x1] =	wrdreg $0xFFFFFFFF  }
0xa7: {  	s28 =	simm.s32 $_size_execute0_lowered;
	s2 =	sadd.s32 s2, s4;
	[dreg:$0x0] =	wrdreg $0x0  }
0xa8: {  	s4 =	sshll.u32 s28, $0x1;
	[dreg:$0x2] =	wrdreg s2  }
0xa9: {  	[dreg:$0x3] =	wrdreg s4  }
0xaa: {  	[dreg:$0x4] =	wrdreg $0xC0  }
0xab: {  	_ =	task [dreg:s6], $0x5FFFF  }
0xac: {  	[dreg:$0x1] =	wrdreg $0xFFFFFFFF  }
0xad: {  	[dreg:$0x0] =	wrdreg $0x60  }
0xae: {  	[dreg:$0x2] =	wrdreg s24  }
0xaf: {  	[dreg:$0x3] =	wrdreg $0x154000  }
0xb0: {  	[dreg:$0x4] =	wrdreg $0x9  }
0xb1: {  	_ =	task.clear_ibuf [dreg:s6], $0x5FFFF;
	_ =	strace $0x9000004F  }
0xb2: {  	s29 =	simm.s32 $0x9;
	_ =	strace $0x80000051  }
0xb3: {  	_ =	swait.ge [sflag:s29], $0x1  }
0xb4: {  	[sflag:s29] =	ssyncadd.s32 $0xFFFFFFFF  }
0xb5: {  	_ =	strace $0x90000051  }
0xb6: {  	_ =	sfence  }
0xb7: {  	s30 =	sld [smem:$0x0];
	_ =	sdelay $0x2  }
0xb8: {  	s31 =	sshll.u32 s1, $0xD;
	s1 =	sshrl.u32 s1, $0x2  }
0xb9: {  	s3 =	sand.u32 $0x4000, s31;
	s1 =	sadd.s32 s1, s30  }
0xba: {  	s0 =	sor.u32 s3, s0;
	s1 =	sshll.u32 s1, $0x11  }
0xbb: {  	s0 =	sor.u32 s1, s0  }
0xbc: {  	s0 =	sadd.s32 $0x8F2B, s0  }
0xbd: {  	[sflag:s0] =	ssyncadd.remote.s32 $0x1  }
0xbe: {  	_ =	sfence.sel $0xFFFF  }
0xbf: {  	[dreg:$0x0] =	wrdreg $0xFFFFFFFF;
	(pc) =	sbr.abs _section_cstart, $3  }
0xc0: {  	[dreg:$0x1] =	wrdreg $0xFFFFFFFF  }
0xc1: {  	_ =	task.clear_ibuf [dreg:s6], $0x2FFFF;
	_ =	strace $0x9FFFFFFF  }
0xc2: {  	(tm) =	ssettm $0x7FFFFFFF  }
0xc3: {  	_ =	shalt  }
tec
execute0_lowered:
.L_overlay_start_1:
0x0: {  	(tag) =	ssettag $0x1  }
0x1: {  	s3 =	rddreg [dreg:$0x0]  }
0x2: {  	s1 =	rddreg [dreg:$0x1]  }
0x3: {  	s0 =	rddreg [dreg:$0x2];
	s15 =	stileid.u32  }
0x4: {  	s2 =	simm.s32 $0x0;
	s5 =	srdreg.scid;
	s14 =	simm.s32 $0x80  }
0x5: {  	s4 =	smul.u32 $0x2710, s15;
	[smem:$0x7FF] =	sst s2;
	s5 =	sand.u32 $0x1, s5  }
0x6: {  	s6 =	smul.u32 $0x4E2, s15;
	s8 =	sadd.s32 $0x16800, s3;
	s9 =	sadd.s32 $0xC800, s3  }
0x7: {  	s26 =	sshll.u32 s15, $0x1;
	s16 =	sshll.u32 s15, $0x6;
	p0 =	sne.s32 s15, $0x0  }
0x8: {  	_ =	strace $0x80000050;
	s7 =	smul.u32 $0x4E20, s5;
	s11 =	ssub.s32 $0x2, s5  }
0x9: {  	s28 =	sor.u32 s5, s26;
	s5 =	sshll.u32 s5, $0x7;
	s15 =	sor.u32 $0x1C03, s16  }
0xa: {  	s10 =	sshrl.u32 s4, $0x3;
	s25 =	sshrl.u32 s11, $0x1;
	s13 =	sadd.s32 s4, s1  }
0xb: {  	s29 =	smul.u32 $0x270, s28;
	s4 =	sor.u32 $0x1C02, s16;
	s30 =	sor.u32 $0x27000, s5  }
0xc: {  	s16 =	simm.s32 $0x0;
	s10 =	sadd.s32 s10, s3;
	s6 =	sadd.s32 s6, s7  }
0xd: {  	s11 =	ssub.s32 s11, s25;
	s31 =	sshrl.u32 s30, $0x3;
	s12 =	sadd.s32 s6, s3  }
0xe: {  	s3 =	sadd.s32 $0x64A00, s10;
	s6 =	smul.u32 $0x2700, s28;
	s5 =	sadd.s32 s9, s29  }
0xf: {  	s10 =	sshll.u32 s30, $0x1;
	s7 =	sadd.s32 s9, s31;
	s9 =	sadd.s32 $0x69A00, s12  }
0x10: {  	s12 =	simm.s32 $0x3;
	s6 =	sadd.s32 s8, s6;
	s8 =	sadd.s32 s8, s10  }
0x11: {  	s10 =	smax.u32 s11, $0x1;
	s11 =	sshrl.u32 s13, $0x3;
	s13 =	simm.s32 $0x2  }
.LBB2_1:
0x12: {  	[spmem:s11], [sflag:s4] =	dma.local [hbm:s3], $0x4E2  }
0x13: {  	[tilespmem:s2], [sflag:$0x3] =	stream.linear.gather [hbm4b:s5+s2], $0x1380, $0x38;
	[tilespmem:$0x17B10] =	vst v63  }
0x14: {  	_ =	swait.ge [sflag:s12], $0x1380  }
0x15: {  	[sflag:s12] =	ssyncset.done $0x0  }
0x16: {  	s17 =	simm.s32 $0x1380;
	[sflag:s12] =	ssyncadd.s32 $0xFFFFEC80  }
0x17: {  	[tilespmem:s17], [sflag:$0x3] =	stream.linear.gather [hbm4b:s6+s2], $0x13800, $0x38;
	[tilespmem:$0x17B10] =	vst v63  }
0x18: {  	_ =	swait.ge [sflag:s12], $0x13800  }
0x19: {  	[sflag:s12] =	ssyncset.done $0x0  }
0x1a: {  	[sflag:s12] =	ssyncadd.s32 $0xFFFEC800  }
0x1b: {  	_ =	swait.ge [sflag:s13], $0x4E2  }
0x1c: {  	[sflag:s13] =	ssyncset.done $0x0  }
0x1d: {  	s18 =	simm.s32 $0x200;
	[sflag:s13] =	ssyncadd.s32 $0xFFFFFB1E  }
0x1e: {  	s20 =	simm.s32 $0x0;
	s19 =	simm.s32 $0x1B80;
	[bflag:$0x0] =	sbarrier.arrive $0xFFFF  }
.LBB2_2:
0x1f: {  	[spmem:s1] =	stream.indirect.scatter.add.f32 [tilespmem:s17], [sflag:$0x1], $0x10, s20, s14, $0xb8;
	[tilespmem:$0x17B10] =	vst v63  }
0x20: {  	s20 =	smov.u32 s18;
	s17 =	smov.u32 s19;
	p1 =	sne.s32 s18, $0x4C00  }
.Ltmp0:
0x21: {  	s18 =	sadd.s32 $0x200, s18;
	(pc) =	sbr.rel @p1 .LBB2_2-.Ltmp0, $2  }
0x22: {  	_ =	sdelay $0x2  }
0x23: {  	s19 =	sadd.s32 $0x800, s19;
	s20 =	sshra.s32 s20, $0x2  }
0x24: {  	[spmem:s1] =	stream.indirect.scatter.add.f32 [tilespmem:s17], [sflag:$0x1], $0x10, s20, s14, $0xb8;
	[tilespmem:$0x17B10] =	vst v63  }
0x25: {  	s17 =	simm.s32 @p0 $0x1  }
0x26: {  	_ =	swait.ge @p0 [sflag:s17], $0x13800  }
0x27: {  	s18 =	simm.s32 @!p0 $0x14B80;
	[sflag:s17] =	ssyncset.done @p0 $0x0  }
0x28: {  	s19 =	simm.s32 @!p0 $0x3;
	[sflag:s17] =	ssyncadd.s32 @p0 $0xFFFEC800;
	s17 =	simm.s32 @!p0 $0x0  }
0x29: {  	[tilespmem:s18], [sflag:$0x3] =	stream.linear.gather @!p0 [hbm4b:s7+s17], $0x80, $0x38;
	[tilespmem:$0x17B10] =	vst v63  }
0x2a: {  	_ =	swait.ge @!p0 [sflag:s19], $0x80  }
0x2b: {  	[sflag:s19] =	ssyncset.done @!p0 $0x0  }
0x2c: {  	s20 =	simm.s32 @!p0 $0x14C00;
	[sflag:s19] =	ssyncadd.s32 @!p0 $0xFFFFFF80  }
0x2d: {  	[tilespmem:s20], [sflag:$0x3] =	stream.linear.gather @!p0 [hbm4b:s8+s17], $0x800, $0x38;
	[tilespmem:$0x17B10] =	vst v63  }
0x2e: {  	_ =	swait.ge @!p0 [sflag:s19], $0x800  }
0x2f: {  	[sflag:s19] =	ssyncset.done @!p0 $0x0  }
0x30: {  	s17 =	simm.s32 @!p0 $0x80;
	[sflag:s19] =	ssyncadd.s32 @!p0 $0xFFFFF800  }
0x31: {  	[spmem:s1] =	stream.indirect.scatter.add.f32 @!p0 [tilespmem:s20], [sflag:$0x1], $0x10, s18, s17, $0xb8;
	[tilespmem:$0x17B10] =	vst v63  }
0x32: {  	s17 =	simm.s32 @!p0 $0x1  }
0x33: {  	_ =	swait.ge @!p0 [sflag:s17], $0x13800  }
0x34: {  	[sflag:s17] =	ssyncset.done @!p0 $0x0  }
0x35: {  	[sflag:s17] =	ssyncadd.s32 @!p0 $0xFFFEC800  }
0x36: {  	_ =	swait.ge @!p0 [sflag:s17], $0x800  }
0x37: {  	s16 =	sadd.s32 $0x1, s16;
	[sflag:s17] =	ssyncset.done @!p0 $0x0  }
0x38: {  	p1 =	sne.s32 s16, s10;
	[sflag:s17] =	ssyncadd.s32 @!p0 $0xFFFFF800  }
.Ltmp1:
0x39: {  	[bflag:$0x0] =	sbarrier.arrive $0xFFFF;
	(pc) =	sbr.rel @p1 .LBB2_1-.Ltmp1, $4  }
0x3a: {  	[hbm:s9], [sflag:s15] =	dma.local [spmem:s11], $0x4E2  }
0x3b: {  	_ =	swait.ge [sflag:s12], $0x4E2  }
0x3c: {  	[sflag:s12] =	ssyncset.done $0x0  }
0x3d: {  	[sflag:s12] =	ssyncadd.s32 $0xFFFFFB1E  }
0x3e: {  	_ =	sfence.sel $0x180000  }
0x3f: {  	[bflag:$0x0] =	sbarrier.arrive $0xFFFF  }
0x40: {  	_ =	strace $0x90000050  }
0x41: {  	s0 =	sadd.s32 @!p0 $0x100000, s0;
	[bflag:$0x2] =	sbarrier.arrive $0xFFFF  }
0x42: {  	[sflag:s0] =	ssyncadd.tile.s32 @!p0 $0x1;
	_ =	shalt  }
.Lfunc_end2:
_tile_overlayer_lowered:
.L_overlay_start_2:
0x43: {  	(tag) =	ssettag $0x2  }
0x44: {  	s0 =	rddreg [dreg:$0x0];
	s2 =	stileid.u32  }
0x45: {  	s1 =	rddreg [dreg:$0x1];
	p0 =	sne.s32 s2, $0x0  }
0x46: {  	s3 =	rddreg [dreg:$0x2];
	[bflag:$0x3] =	sbarrier.arrive $0xFFFF;
	s2 =	simm.s32 @!p0 $0x1C03  }
0x47: {  	[timem:s3], [sflag:s2] =	dma.local @!p0 [hbm:s0], s1  }
0x48: {  	s0 =	simm.s32 @!p0 $0x3  }
0x49: {  	_ =	swait.ge @!p0 [sflag:s0], s1  }
0x4a: {  	s1 =	ssub.s32 @!p0 $0x0, s1;
	[sflag:s0] =	ssyncset.done @!p0 $0x0  }
0x4b: {  	[sflag:s0] =	ssyncadd.s32 @!p0 s1  }
0x4c: {  	[bflag:$0x3] =	sbarrier.arrive $0xFFFF  }
0x4d: {  	_ =	shalt  }

// kernel: kernel.37.cloned.1.call-start
scs
__scs_entry_jumppad:
0x0: {  	(pc) =	sbr.rel $0x88, $3  }
0x1: {  	(tag) =	ssettag $0x0;
	lr =	simm.s32 $0x1  }
0x2: {  	[smem:$0x3F8D] =	sst lr;
	_ =	strace $0xD0000000  }
0x3: {  	_ = 	snop  }
0x4: {  	_ = 	snop  }
0x5: {  	_ = 	snop  }
0x6: {  	_ = 	snop  }
0x7: {  	_ = 	snop  }
__scs_overlays_trampoline_lowered:
0x8: {  	[smem:$0x3F9C] =	sst s0  }
0x9: {  	[smem:$0x3F9D] =	sst s1  }
0xa: {  	[smem:$0x3F9E] =	sst s2  }
0xb: {  	[smem:$0x3F9F] =	sst s3  }
0xc: {  	[smem:$0x3FA0] =	sst s4  }
0xd: {  	[smem:$0x3FA1] =	sst s5  }
0xe: {  	[smem:$0x3FA2] =	sst s6  }
0xf: {  	[smem:$0x3FA3] =	sst s7  }
0x10: {  	[smem:$0x3FA4] =	sst s8  }
0x11: {  	[smem:$0x3FA5] =	sst s9;
	s0 =	simm.s32 @!p0 $0x0  }
0x12: {  	s1 =	sld [smem:$0x3F8B];
	s0 =	simm.s32 @p0 $0x1  }
0x13: {  	[smem:$0x3FA6] =	sst s0;
	s0 =	simm.s32 @!p1 $0x0  }
0x14: {  	s2 =	sld [smem:$0x3F8A];
	s0 =	simm.s32 @p1 $0x1  }
0x15: {  	[smem:$0x3FA7] =	sst s0;
	s0 =	simm.s32 @!p2 $0x0  }
0x16: {  	s3 =	sld [smem:$0x3FDB];
	s0 =	simm.s32 @p2 $0x1  }
0x17: {  	s4 =	simm.s32 $0x1BF5;
	[smem:$0x3FA9] =	sst s0  }
0x18: {  	s0 =	sld [smem:$0x3F8C];
	_ =	swait.ge [sflag:s4], $0x0  }
0x19: {  	s7 =	sld [smem:$0x3F8D]  }
0x1a: {  	s8 =	sadd.s32 $0xFFFFE003, lr  }
0x1b: {  	s9 =	sadd.s32 $0xFFFFFEF7, lr;
	s5 =	simm.s32 $0xFFFFFFFF;
	p2 =	slt.u32 s8, $0xFFFFF086  }
0x1c: {  	p1 =	slt.u32 s9, $0xF7A;
	s5 =	simm.s32 @!p2 $0x0  }
0x1d: {  	s5 =	simm.s32 @p1 $0x1;
	p0 =	seq.s32 s7, s2  }
0x1e: {  	s7 =	smul.u32 @!p0 $0xF7A, s2;
	p2 =	seq.s32 @!p0 s5, $0x0  }
0x1f: {  	s9 =	smul.u32 $0xF7A, s1;
	s8 =	simm.s32 @!p0 $0x1BF5;
	p2 =	por !p2, p0  }
0x20: {  	[sflag:s8] =	ssyncset.s32 @!p0 $0xFFFFF086;
	s6 =	sadd.s32 @!p0 s3, s7;
	s7 =	simm.s32 @!p0 $0x108  }
0x21: {  	s3 =	sadd.s32 s3, s9;
	s6 =	sadd.s32 @!p0 $0x88, s6;
	s7 =	simm.s32 @p2 $0x1082  }
0x22: {  	[simem:s7], [sflag:s8] =	dma.local @!p0 [hbm:s6], $0xF7A  }
0x23: {  	s9 =	sor.u32 $0xD0000000, s2;
	s6 =	simm.s32 $0x108;
	_ =	swait.ge @!p0 [sflag:s8], $0x0  }
0x24: {  	s3 =	sadd.s32 $0x88, s3;
	s6 =	simm.s32 @!p1 $0x1082;
	[sflag:s4] =	ssyncset.s32 $0xFFFFF086  }
0x25: {  	[simem:s6], [sflag:s4] =	dma.local [hbm:s3], $0xF7A  }
0x26: {  	[smem:$0x3F8D] =	sst s1;
	(tag) =	ssettag s2;
	_ =	strace s9  }
0x27: {  	s1 =	sld [smem:$0x3F9D]  }
0x28: {  	s2 =	sld [smem:$0x3F9E]  }
0x29: {  	s4 =	sld [smem:$0x3FA0]  }
0x2a: {  	p0 =	seq.s32 s5, $0x0;
	s5 =	sld [smem:$0x3FA1]  }
0x2b: {  	s6 =	sld [smem:$0x3FA2]  }
0x2c: {  	s7 =	sld [smem:$0x3FA3]  }
0x2d: {  	s3 =	simm.s32 $0x108;
	s8 =	sld [smem:$0x3FA4]  }
0x2e: {  	s3 =	simm.s32 @!p0 $0x1082;
	s9 =	sld [smem:$0x3FA5]  }
0x2f: {  	lr =	sadd.s32 s0, s3;
	s0 =	sld [smem:$0x3F9C]  }
0x30: {  	s3 =	sld [smem:$0x3F9F]  }
0x31: {  	[smem:$0x3FA8] =	sst s10  }
0x32: {  	s10 =	sld [smem:$0x3FA6];
	_ =	sdelay $0x3  }
0x33: {  	p0 =	seq.s32 s10, $0x1;
	s10 =	sld [smem:$0x3FA8];
	_ =	sdelay $0x3  }
0x34: {  	[smem:$0x3FA8] =	sst s10  }
0x35: {  	s10 =	sld [smem:$0x3FA7];
	_ =	sdelay $0x3  }
0x36: {  	p1 =	seq.s32 s10, $0x1;
	s10 =	sld [smem:$0x3FA8];
	_ =	sdelay $0x3  }
0x37: {  	[smem:$0x3FA8] =	sst s10  }
0x38: {  	s10 =	sld [smem:$0x3FA9]  }
0x39: {  	_ = 	snop;
	(pc) =	sbr.ind lr, $3  }
0x3a: {  	_ = 	snop  }
0x3b: {  	_ = 	snop  }
0x3c: {  	p2 =	seq.s32 s10, $0x1;
	s10 =	sld [smem:$0x3FA8]  }
0x3d: {  	_ =	shalt  }
0x3e: {  	_ =	shalt  }
0x3f: {  	_ =	shalt  }
0x40: {  	_ =	shalt  }
0x41: {  	_ =	shalt  }
0x42: {  	_ =	shalt  }
0x43: {  	_ =	shalt  }
0x44: {  	_ =	shalt  }
0x45: {  	_ =	shalt  }
0x46: {  	_ =	shalt  }
0x47: {  	_ =	shalt  }
0x48: {  	_ =	shalt  }
0x49: {  	_ =	shalt  }
0x4a: {  	_ =	shalt  }
0x4b: {  	_ =	shalt  }
0x4c: {  	_ =	shalt  }
0x4d: {  	_ =	shalt  }
0x4e: {  	_ =	shalt  }
0x4f: {  	_ =	shalt  }
0x50: {  	_ =	shalt  }
0x51: {  	_ =	shalt  }
0x52: {  	_ =	shalt  }
0x53: {  	_ =	shalt  }
0x54: {  	_ =	shalt  }
0x55: {  	_ =	shalt  }
0x56: {  	_ =	shalt  }
0x57: {  	_ =	shalt  }
0x58: {  	_ =	shalt  }
0x59: {  	_ =	shalt  }
0x5a: {  	_ =	shalt  }
0x5b: {  	_ =	shalt  }
0x5c: {  	_ =	shalt  }
0x5d: {  	_ =	shalt  }
0x5e: {  	_ =	shalt  }
0x5f: {  	_ =	shalt  }
0x60: {  	_ =	shalt  }
0x61: {  	_ =	shalt  }
0x62: {  	_ =	shalt  }
0x63: {  	_ =	shalt  }
0x64: {  	_ =	shalt  }
0x65: {  	_ =	shalt  }
0x66: {  	_ =	shalt  }
0x67: {  	_ =	shalt  }
0x68: {  	_ =	shalt  }
0x69: {  	_ =	shalt  }
0x6a: {  	_ =	shalt  }
0x6b: {  	_ =	shalt  }
0x6c: {  	_ =	shalt  }
0x6d: {  	_ =	shalt  }
0x6e: {  	_ =	shalt  }
0x6f: {  	_ =	shalt  }
0x70: {  	_ =	shalt  }
0x71: {  	_ =	shalt  }
0x72: {  	_ =	shalt  }
0x73: {  	_ =	shalt  }
0x74: {  	_ =	shalt  }
0x75: {  	_ =	shalt  }
0x76: {  	_ =	shalt  }
0x77: {  	_ =	shalt  }
0x78: {  	_ =	shalt  }
0x79: {  	_ =	shalt  }
0x7a: {  	_ =	shalt  }
0x7b: {  	_ =	shalt  }
0x7c: {  	_ =	shalt  }
0x7d: {  	_ =	shalt  }
0x7e: {  	_ =	shalt  }
0x7f: {  	_ =	shalt  }
0x80: {  	_ =	shalt  }
0x81: {  	_ =	shalt  }
0x82: {  	_ =	shalt  }
0x83: {  	_ =	shalt  }
0x84: {  	_ =	shalt  }
0x85: {  	_ =	shalt  }
0x86: {  	_ =	shalt  }
0x87: {  	_ =	shalt  }
.Lfunc_end0:
.L_simem_size_0:
called_computation.4_lowered:
.L_overlay_start_0:
0x88: {  	s2 =	sld [smem:$0x3FD9]  }
0x89: {  	s3 =	sld [smem:$0x3FFE];
	_ =	sdelay $0x1  }
0x8a: {  	s1 =	srdreg.scid  }
0x8b: {  	s0 =	sand.u32 $0x1, s1  }
0x8c: {  	s16 =	sshll.u32 s0, $0xA;
	s2 =	sadd.s32 s3, s2  }
0x8d: {  	s2 =	sadd.s32 s2, s16  }
0x8e: {  	[smem:$0x3FB4] =	sst s2  }
0x8f: {  	_ = 	snop  }
0x90: {  	(tm) =	ssettm $0x1  }
0x91: {  	s17 =	sld [smem:$0x3FFB];
	_ =	sdelay $0x3  }
0x92: {  	_ =	strace s17  }
0x93: {  	s2 =	sld [smem:$0x3FFC];
	_ =	sdelay $0x3  }
0x94: {  	_ =	strace s2  }
0x95: {  	s2 =	sld [smem:$0x3FFD];
	_ =	sdelay $0x3  }
0x96: {  	_ =	strace s2  }
0x97: {  	_ =	strace $0x8FFFFFFF  }
0x98: {  	s18 =	sld [smem:$0x3FDB];
	_ =	sdelay $0x1  }
0x99: {  	s19 =	simm.s32 $_scs_section_size  }
0x9a: {  	s4 =	simm.s32 $_size__tile_overlayer_lowered;
	s5 =	simm.s32 $_tile_overlayer_lowered  }
0x9b: {  	s22 =	simm.s32 $0x1BFF;
	s21 =	sshll.u32 s5, $0x1;
	s2 =	sadd.s32 s19, s18  }
0x9c: {  	s6 =	simm.s32 $0x0;
	s20 =	sshll.u32 s4, $0x1;
	s4 =	sadd.s32 s21, s2  }
0x9d: {  	[timem:s6], [sflag:s22] =	dma.local [hbm:s4], s20  }
0x9e: {  	_ =	swait.ge [sflag:s22], s20  }
0x9f: {  	s3 =	ssub.s32 $0x0, s20;
	[sflag:s22] =	ssyncset.done $0x0  }
0xa0: {  	[sflag:s22] =	ssyncadd.s32 s3;
	_ =	sdelay $0x1  }
0xa1: {  	s23 =	simm.s32 $0x1B8B  }
0xa2: {  	_ =	swait.ge [sflag:s23], $0x1  }
0xa3: {  	[sflag:s23] =	ssyncset.done $0x0  }
0xa4: {  	s25 =	simm.s32 $0x1B8E;
	s24 =	sld [smem:$0x3FFE];
	[sflag:s23] =	ssyncadd.s32 $0xFFFFFFFF  }
0xa5: {  	s26 =	simm.s32 $execute0_lowered;
	[smem:$0x3FD2] =	sst s25  }
0xa6: {  	s4 =	sshll.u32 s26, $0x1;
	_ =	strace $0x80000052;
	[dreg:$0x1] =	wrdreg $0xFFFFFFFF  }
0xa7: {  	s28 =	simm.s32 $_size_execute0_lowered;
	s2 =	sadd.s32 s2, s4;
	[dreg:$0x0] =	wrdreg $0x0  }
0xa8: {  	s4 =	sshll.u32 s28, $0x1;
	[dreg:$0x2] =	wrdreg s2  }
0xa9: {  	[dreg:$0x3] =	wrdreg s4  }
0xaa: {  	[dreg:$0x4] =	wrdreg $0xC0  }
0xab: {  	_ =	task [dreg:s6], $0x5FFFF  }
0xac: {  	[dreg:$0x1] =	wrdreg $0xFFFFFFFF  }
0xad: {  	[dreg:$0x0] =	wrdreg $0x60  }
0xae: {  	[dreg:$0x2] =	wrdreg s24  }
0xaf: {  	[dreg:$0x3] =	wrdreg $0x9  }
0xb0: {  	_ =	task.clear_ibuf [dreg:s6], $0x4FFFF;
	_ =	strace $0x90000052  }
0xb1: {  	s29 =	simm.s32 $0x9;
	_ =	strace $0x80000054  }
0xb2: {  	_ =	swait.ge [sflag:s29], $0x1  }
0xb3: {  	[sflag:s29] =	ssyncadd.s32 $0xFFFFFFFF  }
0xb4: {  	_ =	strace $0x90000054  }
0xb5: {  	_ =	sfence  }
0xb6: {  	s30 =	sld [smem:$0x0];
	_ =	sdelay $0x2  }
0xb7: {  	s31 =	sshll.u32 s1, $0xD;
	s1 =	sshrl.u32 s1, $0x2  }
0xb8: {  	s3 =	sand.u32 $0x4000, s31;
	s1 =	sadd.s32 s1, s30  }
0xb9: {  	s0 =	sor.u32 s3, s0;
	s1 =	sshll.u32 s1, $0x11  }
0xba: {  	s0 =	sor.u32 s1, s0  }
0xbb: {  	s0 =	sadd.s32 $0x8F2B, s0  }
0xbc: {  	[sflag:s0] =	ssyncadd.remote.s32 $0x1  }
0xbd: {  	_ =	sfence.sel $0xFFFF  }
0xbe: {  	[dreg:$0x0] =	wrdreg $0xFFFFFFFF;
	(pc) =	sbr.abs _section_cstart, $3  }
0xbf: {  	[dreg:$0x1] =	wrdreg $0xFFFFFFFF  }
0xc0: {  	_ =	task.clear_ibuf [dreg:s6], $0x2FFFF;
	_ =	strace $0x9FFFFFFF  }
0xc1: {  	(tm) =	ssettm $0x7FFFFFFF  }
tec
execute0_lowered:
.L_overlay_start_1:
0x0: {  	(tag) =	ssettag $0x1  }
0x1: {  	s3 =	rddreg [dreg:$0x0]  }
0x2: {  	s0 =	rddreg [dreg:$0x1];
	s1 =	simm.s32 $0x0;
	s4 =	srdreg.scid  }
0x3: {  	s10 =	stileid.u32;
	[smem:$0x7FF] =	sst s1;
	s2 =	sadd.s32 $0x11800, s3  }
0x4: {  	s4 =	sand.u32 $0x1, s4;
	s5 =	sshll.u32 s10, $0x1;
	s6 =	sadd.s32 $0x7800, s3  }
0x5: {  	s8 =	sadd.s32 $0x16800, s3;
	p0 =	sne.s32 s10, $0x0;
	s10 =	simm.s32 $0x0  }
0x6: {  	_ =	strace $0x80000053;
	s7 =	ssub.s32 $0x2, s4;
	s5 =	sor.u32 s4, s5  }
0x7: {  	s11 =	sshll.u32 s4, $0x4;
	s30 =	sshll.u32 s4, $0x8;
	s9 =	smul.u32 $0x270, s5  }
0x8: {  	s29 =	sshrl.u32 s7, $0x1;
	s5 =	smul.u32 $0x2700, s5;
	s31 =	sadd.s32 s30, s8  }
0x9: {  	s7 =	ssub.s32 s7, s29;
	s3 =	sadd.s32 s6, s9;
	s6 =	sadd.s32 s11, s6  }
0xa: {  	s5 =	sadd.s32 s8, s5;
	s7 =	smax.u32 s7, $0x1;
	s8 =	simm.s32 $0x3  }
0xb: {  	s9 =	simm.s32 $0x80;
	s4 =	sadd.s32 $0x4E00, s6;
	s6 =	sadd.s32 $0x4E000, s31  }
.LBB2_1:
0xc: {  	[tilespmem:s1], [sflag:$0x3] =	stream.linear.gather [hbm4b:s3+s1], $0x1380, $0x38;
	[tilespmem:$0x15400] =	vst v63  }
0xd: {  	_ =	swait.ge [sflag:s8], $0x1380  }
0xe: {  	s11 =	simm.s32 $0x1380;
	s12 =	simm.s32 $0x200;
	[sflag:s8] =	ssyncset.done $0x0  }
0xf: {  	s14 =	simm.s32 $0x0;
	s13 =	simm.s32 $0x1B80;
	[sflag:s8] =	ssyncadd.s32 $0xFFFFEC80  }
.LBB2_2:
0x10: {  	[tilespmem:s11], [sflag:$0x1] =	stream.indirect.gather [hbm4b:s2+s9], $0x10, s14, s9, $0xb8;
	[tilespmem:$0x15400] =	vst v63  }
0x11: {  	s14 =	smov.u32 s12;
	s11 =	smov.u32 s13;
	p1 =	sne.s32 s12, $0x4C00  }
.Ltmp0:
0x12: {  	s12 =	sadd.s32 $0x200, s12;
	(pc) =	sbr.rel @p1 .LBB2_2-.Ltmp0, $2  }
0x13: {  	_ =	sdelay $0x2  }
0x14: {  	s13 =	sadd.s32 $0x800, s13;
	s14 =	sshra.s32 s14, $0x2  }
0x15: {  	[tilespmem:s11], [sflag:$0x1] =	stream.indirect.gather [hbm4b:s2+s9], $0x10, s14, s9, $0xb8;
	[tilespmem:$0x15400] =	vst v63  }
0x16: {  	s11 =	simm.s32 @p0 $0x1  }
0x17: {  	_ =	swait.ge @p0 [sflag:s11], $0x13800  }
0x18: {  	[sflag:s11] =	ssyncset.done @p0 $0x0  }
0x19: {  	s12 =	simm.s32 @p0 $0x1380;
	[sflag:s11] =	ssyncadd.s32 @p0 $0xFFFEC800;
	s11 =	simm.s32 @p0 $0x0  }
0x1a: {  	[hbm4b:s5+s11] =	stream.linear.scatter @p0 [tilespmem:s12], [sflag:$0x3], $0x13800, $0x38;
	[tilespmem:$0x15400] =	vst v63  }
0x1b: {  	s11 =	simm.s32 @p0 $0x3  }
0x1c: {  	_ =	swait.ge @p0 [sflag:s11], $0x13800  }
0x1d: {  	s13 =	simm.s32 @!p0 $0x3;
	[sflag:s11] =	ssyncset.done @p0 $0x0  }
0x1e: {  	s12 =	simm.s32 @!p0 $0x14B80;
	[sflag:s11] =	ssyncadd.s32 @p0 $0xFFFEC800;
	s11 =	simm.s32 @!p0 $0x0  }
0x1f: {  	[tilespmem:s12], [sflag:$0x3] =	stream.linear.gather @!p0 [hbm4b:s4+s11], $0x80, $0x38;
	[tilespmem:$0x15400] =	vst v63  }
0x20: {  	_ =	swait.ge @!p0 [sflag:s13], $0x80  }
0x21: {  	[sflag:s13] =	ssyncset.done @!p0 $0x0  }
0x22: {  	s14 =	simm.s32 @!p0 $0x80;
	s15 =	simm.s32 @!p0 $0x14C00;
	[sflag:s13] =	ssyncadd.s32 @!p0 $0xFFFFFF80  }
0x23: {  	[tilespmem:s15], [sflag:$0x2] =	stream.indirect.gather @!p0 [hbm4b:s2+s14], $0x10, s12, s14, $0xb8;
	[tilespmem:$0x15400] =	vst v63  }
0x24: {  	s12 =	simm.s32 @!p0 $0x1  }
0x25: {  	_ =	swait.ge @!p0 [sflag:s12], $0x13800  }
0x26: {  	[sflag:s12] =	ssyncset.done @!p0 $0x0  }
0x27: {  	[sflag:s12] =	ssyncadd.s32 @!p0 $0xFFFEC800;
	s12 =	simm.s32 @!p0 $0x1380  }
0x28: {  	[hbm4b:s5+s11] =	stream.linear.scatter @!p0 [tilespmem:s12], [sflag:$0x3], $0x13800, $0x38;
	[tilespmem:$0x15400] =	vst v63  }
0x29: {  	_ =	swait.ge @!p0 [sflag:s13], $0x13800  }
0x2a: {  	[sflag:s13] =	ssyncset.done @!p0 $0x0  }
0x2b: {  	s12 =	simm.s32 @!p0 $0x2;
	[sflag:s13] =	ssyncadd.s32 @!p0 $0xFFFEC800  }
0x2c: {  	s10 =	sadd.s32 $0x1, s10;
	_ =	swait.ge @!p0 [sflag:s12], $0x800  }
0x2d: {  	p1 =	sne.s32 s10, s7;
	[sflag:s12] =	ssyncset.done @!p0 $0x0  }
.Ltmp1:
0x2e: {  	[sflag:s12] =	ssyncadd.s32 @!p0 $0xFFFFF800;
	(pc) =	sbr.rel @p1 .LBB2_1-.Ltmp1, $4  }
0x2f: {  	[hbm4b:s6+s11] =	stream.linear.scatter @!p0 [tilespmem:s15], [sflag:$0x3], $0x800, $0x38;
	[tilespmem:$0x15400] =	vst v63  }
0x30: {  	_ =	swait.ge @!p0 [sflag:s13], $0x800  }
0x31: {  	[sflag:s13] =	ssyncset.done @!p0 $0x0  }
0x32: {  	[sflag:s13] =	ssyncadd.s32 @!p0 $0xFFFFF800  }
0x33: {  	_ =	sfence.sel $0x180000  }
0x34: {  	[bflag:$0x0] =	sbarrier.arrive $0xFFFF  }
0x35: {  	_ =	strace $0x90000053  }
0x36: {  	s0 =	sadd.s32 @!p0 $0x100000, s0;
	[bflag:$0x2] =	sbarrier.arrive $0xFFFF  }
0x37: {  	[sflag:s0] =	ssyncadd.tile.s32 @!p0 $0x1;
	_ =	shalt  }
.Lfunc_end2:
_tile_overlayer_lowered:
.L_overlay_start_2:
0x38: {  	(tag) =	ssettag $0x2  }
0x39: {  	s0 =	rddreg [dreg:$0x0];
	s2 =	stileid.u32  }
0x3a: {  	s1 =	rddreg [dreg:$0x1];
	p0 =	sne.s32 s2, $0x0  }
0x3b: {  	s3 =	rddreg [dreg:$0x2];
	[bflag:$0x3] =	sbarrier.arrive $0xFFFF;
	s2 =	simm.s32 @!p0 $0x1C03  }
0x3c: {  	[timem:s3], [sflag:s2] =	dma.local @!p0 [hbm:s0], s1  }
0x3d: {  	s0 =	simm.s32 @!p0 $0x3  }
0x3e: {  	_ =	swait.ge @!p0 [sflag:s0], s1  }
0x3f: {  	s1 =	ssub.s32 @!p0 $0x0, s1;
	[sflag:s0] =	ssyncset.done @!p0 $0x0  }
0x40: {  	[sflag:s0] =	ssyncadd.s32 @!p0 s1  }
0x41: {  	[bflag:$0x3] =	sbarrier.arrive $0xFFFF  }
0x42: {  	_ =	shalt  }

// kernel: kernel.40.cloned.1.call-start
scs
__scs_entry_jumppad:
0x0: {  	(pc) =	sbr.rel $0x88, $3  }
0x1: {  	(tag) =	ssettag $0x0;
	lr =	simm.s32 $0x1  }
0x2: {  	[smem:$0x3F8D] =	sst lr;
	_ =	strace $0xD0000000  }
0x3: {  	_ = 	snop  }
0x4: {  	_ = 	snop  }
0x5: {  	_ = 	snop  }
0x6: {  	_ = 	snop  }
0x7: {  	_ = 	snop  }
__scs_overlays_trampoline_lowered:
0x8: {  	[smem:$0x3F9C] =	sst s0  }
0x9: {  	[smem:$0x3F9D] =	sst s1  }
0xa: {  	[smem:$0x3F9E] =	sst s2  }
0xb: {  	[smem:$0x3F9F] =	sst s3  }
0xc: {  	[smem:$0x3FA0] =	sst s4  }
0xd: {  	[smem:$0x3FA1] =	sst s5  }
0xe: {  	[smem:$0x3FA2] =	sst s6  }
0xf: {  	[smem:$0x3FA3] =	sst s7  }
0x10: {  	[smem:$0x3FA4] =	sst s8  }
0x11: {  	[smem:$0x3FA5] =	sst s9;
	s0 =	simm.s32 @!p0 $0x0  }
0x12: {  	s1 =	sld [smem:$0x3F8B];
	s0 =	simm.s32 @p0 $0x1  }
0x13: {  	[smem:$0x3FA6] =	sst s0;
	s0 =	simm.s32 @!p1 $0x0  }
0x14: {  	s2 =	sld [smem:$0x3F8A];
	s0 =	simm.s32 @p1 $0x1  }
0x15: {  	[smem:$0x3FA7] =	sst s0;
	s0 =	simm.s32 @!p2 $0x0  }
0x16: {  	s3 =	sld [smem:$0x3FDB];
	s0 =	simm.s32 @p2 $0x1  }
0x17: {  	s4 =	simm.s32 $0x1BF5;
	[smem:$0x3FA9] =	sst s0  }
0x18: {  	s0 =	sld [smem:$0x3F8C];
	_ =	swait.ge [sflag:s4], $0x0  }
0x19: {  	s7 =	sld [smem:$0x3F8D]  }
0x1a: {  	s8 =	sadd.s32 $0xFFFFE003, lr  }
0x1b: {  	s9 =	sadd.s32 $0xFFFFFEF7, lr;
	s5 =	simm.s32 $0xFFFFFFFF;
	p2 =	slt.u32 s8, $0xFFFFF086  }
0x1c: {  	p1 =	slt.u32 s9, $0xF7A;
	s5 =	simm.s32 @!p2 $0x0  }
0x1d: {  	s5 =	simm.s32 @p1 $0x1;
	p0 =	seq.s32 s7, s2  }
0x1e: {  	s7 =	smul.u32 @!p0 $0xF7A, s2;
	p2 =	seq.s32 @!p0 s5, $0x0  }
0x1f: {  	s9 =	smul.u32 $0xF7A, s1;
	s8 =	simm.s32 @!p0 $0x1BF5;
	p2 =	por !p2, p0  }
0x20: {  	[sflag:s8] =	ssyncset.s32 @!p0 $0xFFFFF086;
	s6 =	sadd.s32 @!p0 s3, s7;
	s7 =	simm.s32 @!p0 $0x108  }
0x21: {  	s3 =	sadd.s32 s3, s9;
	s6 =	sadd.s32 @!p0 $0x88, s6;
	s7 =	simm.s32 @p2 $0x1082  }
0x22: {  	[simem:s7], [sflag:s8] =	dma.local @!p0 [hbm:s6], $0xF7A  }
0x23: {  	s9 =	sor.u32 $0xD0000000, s2;
	s6 =	simm.s32 $0x108;
	_ =	swait.ge @!p0 [sflag:s8], $0x0  }
0x24: {  	s3 =	sadd.s32 $0x88, s3;
	s6 =	simm.s32 @!p1 $0x1082;
	[sflag:s4] =	ssyncset.s32 $0xFFFFF086  }
0x25: {  	[simem:s6], [sflag:s4] =	dma.local [hbm:s3], $0xF7A  }
0x26: {  	[smem:$0x3F8D] =	sst s1;
	(tag) =	ssettag s2;
	_ =	strace s9  }
0x27: {  	s1 =	sld [smem:$0x3F9D]  }
0x28: {  	s2 =	sld [smem:$0x3F9E]  }
0x29: {  	s4 =	sld [smem:$0x3FA0]  }
0x2a: {  	p0 =	seq.s32 s5, $0x0;
	s5 =	sld [smem:$0x3FA1]  }
0x2b: {  	s6 =	sld [smem:$0x3FA2]  }
0x2c: {  	s7 =	sld [smem:$0x3FA3]  }
0x2d: {  	s3 =	simm.s32 $0x108;
	s8 =	sld [smem:$0x3FA4]  }
0x2e: {  	s3 =	simm.s32 @!p0 $0x1082;
	s9 =	sld [smem:$0x3FA5]  }
0x2f: {  	lr =	sadd.s32 s0, s3;
	s0 =	sld [smem:$0x3F9C]  }
0x30: {  	s3 =	sld [smem:$0x3F9F]  }
0x31: {  	[smem:$0x3FA8] =	sst s10  }
0x32: {  	s10 =	sld [smem:$0x3FA6];
	_ =	sdelay $0x3  }
0x33: {  	p0 =	seq.s32 s10, $0x1;
	s10 =	sld [smem:$0x3FA8];
	_ =	sdelay $0x3  }
0x34: {  	[smem:$0x3FA8] =	sst s10  }
0x35: {  	s10 =	sld [smem:$0x3FA7];
	_ =	sdelay $0x3  }
0x36: {  	p1 =	seq.s32 s10, $0x1;
	s10 =	sld [smem:$0x3FA8];
	_ =	sdelay $0x3  }
0x37: {  	[smem:$0x3FA8] =	sst s10  }
0x38: {  	s10 =	sld [smem:$0x3FA9]  }
0x39: {  	_ = 	snop;
	(pc) =	sbr.ind lr, $3  }
0x3a: {  	_ = 	snop  }
0x3b: {  	_ = 	snop  }
0x3c: {  	p2 =	seq.s32 s10, $0x1;
	s10 =	sld [smem:$0x3FA8]  }
0x3d: {  	_ =	shalt  }
0x3e: {  	_ =	shalt  }
0x3f: {  	_ =	shalt  }
0x40: {  	_ =	shalt  }
0x41: {  	_ =	shalt  }
0x42: {  	_ =	shalt  }
0x43: {  	_ =	shalt  }
0x44: {  	_ =	shalt  }
0x45: {  	_ =	shalt  }
0x46: {  	_ =	shalt  }
0x47: {  	_ =	shalt  }
0x48: {  	_ =	shalt  }
0x49: {  	_ =	shalt  }
0x4a: {  	_ =	shalt  }
0x4b: {  	_ =	shalt  }
0x4c: {  	_ =	shalt  }
0x4d: {  	_ =	shalt  }
0x4e: {  	_ =	shalt  }
0x4f: {  	_ =	shalt  }
0x50: {  	_ =	shalt  }
0x51: {  	_ =	shalt  }
0x52: {  	_ =	shalt  }
0x53: {  	_ =	shalt  }
0x54: {  	_ =	shalt  }
0x55: {  	_ =	shalt  }
0x56: {  	_ =	shalt  }
0x57: {  	_ =	shalt  }
0x58: {  	_ =	shalt  }
0x59: {  	_ =	shalt  }
0x5a: {  	_ =	shalt  }
0x5b: {  	_ =	shalt  }
0x5c: {  	_ =	shalt  }
0x5d: {  	_ =	shalt  }
0x5e: {  	_ =	shalt  }
0x5f: {  	_ =	shalt  }
0x60: {  	_ =	shalt  }
0x61: {  	_ =	shalt  }
0x62: {  	_ =	shalt  }
0x63: {  	_ =	shalt  }
0x64: {  	_ =	shalt  }
0x65: {  	_ =	shalt  }
0x66: {  	_ =	shalt  }
0x67: {  	_ =	shalt  }
0x68: {  	_ =	shalt  }
0x69: {  	_ =	shalt  }
0x6a: {  	_ =	shalt  }
0x6b: {  	_ =	shalt  }
0x6c: {  	_ =	shalt  }
0x6d: {  	_ =	shalt  }
0x6e: {  	_ =	shalt  }
0x6f: {  	_ =	shalt  }
0x70: {  	_ =	shalt  }
0x71: {  	_ =	shalt  }
0x72: {  	_ =	shalt  }
0x73: {  	_ =	shalt  }
0x74: {  	_ =	shalt  }
0x75: {  	_ =	shalt  }
0x76: {  	_ =	shalt  }
0x77: {  	_ =	shalt  }
0x78: {  	_ =	shalt  }
0x79: {  	_ =	shalt  }
0x7a: {  	_ =	shalt  }
0x7b: {  	_ =	shalt  }
0x7c: {  	_ =	shalt  }
0x7d: {  	_ =	shalt  }
0x7e: {  	_ =	shalt  }
0x7f: {  	_ =	shalt  }
0x80: {  	_ =	shalt  }
0x81: {  	_ =	shalt  }
0x82: {  	_ =	shalt  }
0x83: {  	_ =	shalt  }
0x84: {  	_ =	shalt  }
0x85: {  	_ =	shalt  }
0x86: {  	_ =	shalt  }
0x87: {  	_ =	shalt  }
.Lfunc_end0:
.L_simem_size_0:
called_computation.5_lowered:
.L_overlay_start_0:
0x88: {  	s2 =	sld [smem:$0x3FD9]  }
0x89: {  	s3 =	sld [smem:$0x3FFE];
	_ =	sdelay $0x1  }
0x8a: {  	s1 =	srdreg.scid  }
0x8b: {  	s0 =	sand.u32 $0x1, s1  }
0x8c: {  	s16 =	sshll.u32 s0, $0xA;
	s2 =	sadd.s32 s3, s2  }
0x8d: {  	s2 =	sadd.s32 s2, s16  }
0x8e: {  	[smem:$0x3FB4] =	sst s2  }
0x8f: {  	_ = 	snop  }
0x90: {  	(tm) =	ssettm $0x1  }
0x91: {  	s17 =	sld [smem:$0x3FFB];
	_ =	sdelay $0x3  }
0x92: {  	_ =	strace s17  }
0x93: {  	s2 =	sld [smem:$0x3FFC];
	_ =	sdelay $0x3  }
0x94: {  	_ =	strace s2  }
0x95: {  	s2 =	sld [smem:$0x3FFD];
	_ =	sdelay $0x3  }
0x96: {  	_ =	strace s2  }
0x97: {  	_ =	strace $0x8FFFFFFF  }
0x98: {  	s18 =	sld [smem:$0x3FDB];
	_ =	sdelay $0x1  }
0x99: {  	s19 =	simm.s32 $_scs_section_size  }
0x9a: {  	s4 =	simm.s32 $_size__tile_overlayer_lowered;
	s5 =	simm.s32 $_tile_overlayer_lowered  }
0x9b: {  	s22 =	simm.s32 $0x1BFF;
	s21 =	sshll.u32 s5, $0x1;
	s2 =	sadd.s32 s19, s18  }
0x9c: {  	s6 =	simm.s32 $0x0;
	s20 =	sshll.u32 s4, $0x1;
	s4 =	sadd.s32 s21, s2  }
0x9d: {  	[timem:s6], [sflag:s22] =	dma.local [hbm:s4], s20  }
0x9e: {  	_ =	swait.ge [sflag:s22], s20  }
0x9f: {  	s3 =	ssub.s32 $0x0, s20;
	[sflag:s22] =	ssyncset.done $0x0  }
0xa0: {  	[sflag:s22] =	ssyncadd.s32 s3;
	_ =	sdelay $0x1  }
0xa1: {  	s23 =	simm.s32 $0x1B8B  }
0xa2: {  	_ =	swait.ge [sflag:s23], $0x1  }
0xa3: {  	[sflag:s23] =	ssyncset.done $0x0  }
0xa4: {  	s25 =	simm.s32 $0x1B8E;
	s24 =	sld [smem:$0x3FFE];
	[sflag:s23] =	ssyncadd.s32 $0xFFFFFFFF  }
0xa5: {  	s26 =	simm.s32 $execute0_lowered;
	[smem:$0x3FD2] =	sst s25  }
0xa6: {  	s4 =	sshll.u32 s26, $0x1;
	_ =	strace $0x80000055;
	[dreg:$0x1] =	wrdreg $0xFFFFFFFF  }
0xa7: {  	s28 =	simm.s32 $_size_execute0_lowered;
	s2 =	sadd.s32 s2, s4;
	[dreg:$0x0] =	wrdreg $0x0  }
0xa8: {  	s4 =	sshll.u32 s28, $0x1;
	[dreg:$0x2] =	wrdreg s2  }
0xa9: {  	[dreg:$0x3] =	wrdreg s4  }
0xaa: {  	[dreg:$0x4] =	wrdreg $0xC0  }
0xab: {  	_ =	task [dreg:s6], $0x5FFFF  }
0xac: {  	[dreg:$0x1] =	wrdreg $0xFFFFFFFF  }
0xad: {  	[dreg:$0x0] =	wrdreg $0x60  }
0xae: {  	[dreg:$0x2] =	wrdreg s24  }
0xaf: {  	[dreg:$0x3] =	wrdreg $0x154000  }
0xb0: {  	[dreg:$0x4] =	wrdreg $0x9  }
0xb1: {  	_ =	task.clear_ibuf [dreg:s6], $0x5FFFF;
	_ =	strace $0x90000055  }
0xb2: {  	s29 =	simm.s32 $0x9;
	_ =	strace $0x80000057  }
0xb3: {  	_ =	swait.ge [sflag:s29], $0x1  }
0xb4: {  	[sflag:s29] =	ssyncadd.s32 $0xFFFFFFFF  }
0xb5: {  	_ =	strace $0x90000057  }
0xb6: {  	_ =	sfence  }
0xb7: {  	s30 =	sld [smem:$0x0];
	_ =	sdelay $0x2  }
0xb8: {  	s31 =	sshll.u32 s1, $0xD;
	s1 =	sshrl.u32 s1, $0x2  }
0xb9: {  	s3 =	sand.u32 $0x4000, s31;
	s1 =	sadd.s32 s1, s30  }
0xba: {  	s0 =	sor.u32 s3, s0;
	s1 =	sshll.u32 s1, $0x11  }
0xbb: {  	s0 =	sor.u32 s1, s0  }
0xbc: {  	s0 =	sadd.s32 $0x8F2B, s0  }
0xbd: {  	[sflag:s0] =	ssyncadd.remote.s32 $0x1  }
0xbe: {  	_ =	sfence.sel $0xFFFF  }
0xbf: {  	[dreg:$0x0] =	wrdreg $0xFFFFFFFF;
	(pc) =	sbr.abs _section_cstart, $3  }
0xc0: {  	[dreg:$0x1] =	wrdreg $0xFFFFFFFF  }
0xc1: {  	_ =	task.clear_ibuf [dreg:s6], $0x2FFFF;
	_ =	strace $0x9FFFFFFF  }
0xc2: {  	(tm) =	ssettm $0x7FFFFFFF  }
0xc3: {  	_ =	shalt  }
tec
execute0_lowered:
.L_overlay_start_1:
0x0: {  	(tag) =	ssettag $0x1  }
0x1: {  	s3 =	rddreg [dreg:$0x0]  }
0x2: {  	s1 =	rddreg [dreg:$0x1]  }
0x3: {  	s0 =	rddreg [dreg:$0x2];
	s15 =	stileid.u32  }
0x4: {  	s2 =	simm.s32 $0x0;
	s5 =	srdreg.scid;
	s14 =	simm.s32 $0x80  }
0x5: {  	s4 =	smul.u32 $0x2710, s15;
	[smem:$0x7FF] =	sst s2;
	s5 =	sand.u32 $0x1, s5  }
0x6: {  	s6 =	smul.u32 $0x4E2, s15;
	s8 =	sadd.s32 $0x16800, s3;
	s9 =	sadd.s32 $0xC800, s3  }
0x7: {  	s26 =	sshll.u32 s15, $0x1;
	s16 =	sshll.u32 s15, $0x6;
	p0 =	sne.s32 s15, $0x0  }
0x8: {  	_ =	strace $0x80000056;
	s7 =	smul.u32 $0x4E20, s5;
	s11 =	ssub.s32 $0x2, s5  }
0x9: {  	s28 =	sor.u32 s5, s26;
	s5 =	sshll.u32 s5, $0x7;
	s15 =	sor.u32 $0x1C03, s16  }
0xa: {  	s10 =	sshrl.u32 s4, $0x3;
	s25 =	sshrl.u32 s11, $0x1;
	s13 =	sadd.s32 s4, s1  }
0xb: {  	s29 =	smul.u32 $0x270, s28;
	s4 =	sor.u32 $0x1C02, s16;
	s30 =	sor.u32 $0x27000, s5  }
0xc: {  	s16 =	simm.s32 $0x0;
	s10 =	sadd.s32 s10, s3;
	s6 =	sadd.s32 s6, s7  }
0xd: {  	s11 =	ssub.s32 s11, s25;
	s31 =	sshrl.u32 s30, $0x3;
	s12 =	sadd.s32 s6, s3  }
0xe: {  	s3 =	sadd.s32 $0x64A00, s10;
	s6 =	smul.u32 $0x2700, s28;
	s5 =	sadd.s32 s9, s29  }
0xf: {  	s10 =	sshll.u32 s30, $0x1;
	s7 =	sadd.s32 s9, s31;
	s9 =	sadd.s32 $0x69A00, s12  }
0x10: {  	s12 =	simm.s32 $0x3;
	s6 =	sadd.s32 s8, s6;
	s8 =	sadd.s32 s8, s10  }
0x11: {  	s10 =	smax.u32 s11, $0x1;
	s11 =	sshrl.u32 s13, $0x3;
	s13 =	simm.s32 $0x2  }
.LBB2_1:
0x12: {  	[spmem:s11], [sflag:s4] =	dma.local [hbm:s3], $0x4E2  }
0x13: {  	[tilespmem:s2], [sflag:$0x3] =	stream.linear.gather [hbm4b:s5+s2], $0x1380, $0x38;
	[tilespmem:$0x17B10] =	vst v63  }
0x14: {  	_ =	swait.ge [sflag:s12], $0x1380  }
0x15: {  	[sflag:s12] =	ssyncset.done $0x0  }
0x16: {  	s17 =	simm.s32 $0x1380;
	[sflag:s12] =	ssyncadd.s32 $0xFFFFEC80  }
0x17: {  	[tilespmem:s17], [sflag:$0x3] =	stream.linear.gather [hbm4b:s6+s2], $0x13800, $0x38;
	[tilespmem:$0x17B10] =	vst v63  }
0x18: {  	_ =	swait.ge [sflag:s12], $0x13800  }
0x19: {  	[sflag:s12] =	ssyncset.done $0x0  }
0x1a: {  	[sflag:s12] =	ssyncadd.s32 $0xFFFEC800  }
0x1b: {  	_ =	swait.ge [sflag:s13], $0x4E2  }
0x1c: {  	[sflag:s13] =	ssyncset.done $0x0  }
0x1d: {  	s18 =	simm.s32 $0x200;
	[sflag:s13] =	ssyncadd.s32 $0xFFFFFB1E  }
0x1e: {  	s20 =	simm.s32 $0x0;
	s19 =	simm.s32 $0x1B80;
	[bflag:$0x0] =	sbarrier.arrive $0xFFFF  }
.LBB2_2:
0x1f: {  	[spmem:s1] =	stream.indirect.scatter.add.f32 [tilespmem:s17], [sflag:$0x1], $0x10, s20, s14, $0xb8;
	[tilespmem:$0x17B10] =	vst v63  }
0x20: {  	s20 =	smov.u32 s18;
	s17 =	smov.u32 s19;
	p1 =	sne.s32 s18, $0x4C00  }
.Ltmp0:
0x21: {  	s18 =	sadd.s32 $0x200, s18;
	(pc) =	sbr.rel @p1 .LBB2_2-.Ltmp0, $2  }
0x22: {  	_ =	sdelay $0x2  }
0x23: {  	s19 =	sadd.s32 $0x800, s19;
	s20 =	sshra.s32 s20, $0x2  }
0x24: {  	[spmem:s1] =	stream.indirect.scatter.add.f32 [tilespmem:s17], [sflag:$0x1], $0x10, s20, s14, $0xb8;
	[tilespmem:$0x17B10] =	vst v63  }
0x25: {  	s17 =	simm.s32 @p0 $0x1  }
0x26: {  	_ =	swait.ge @p0 [sflag:s17], $0x13800  }
0x27: {  	s18 =	simm.s32 @!p0 $0x14B80;
	[sflag:s17] =	ssyncset.done @p0 $0x0  }
0x28: {  	s19 =	simm.s32 @!p0 $0x3;
	[sflag:s17] =	ssyncadd.s32 @p0 $0xFFFEC800;
	s17 =	simm.s32 @!p0 $0x0  }
0x29: {  	[tilespmem:s18], [sflag:$0x3] =	stream.linear.gather @!p0 [hbm4b:s7+s17], $0x80, $0x38;
	[tilespmem:$0x17B10] =	vst v63  }
0x2a: {  	_ =	swait.ge @!p0 [sflag:s19], $0x80  }
0x2b: {  	[sflag:s19] =	ssyncset.done @!p0 $0x0  }
0x2c: {  	s20 =	simm.s32 @!p0 $0x14C00;
	[sflag:s19] =	ssyncadd.s32 @!p0 $0xFFFFFF80  }
0x2d: {  	[tilespmem:s20], [sflag:$0x3] =	stream.linear.gather @!p0 [hbm4b:s8+s17], $0x800, $0x38;
	[tilespmem:$0x17B10] =	vst v63  }
0x2e: {  	_ =	swait.ge @!p0 [sflag:s19], $0x800  }
0x2f: {  	[sflag:s19] =	ssyncset.done @!p0 $0x0  }
0x30: {  	s17 =	simm.s32 @!p0 $0x80;
	[sflag:s19] =	ssyncadd.s32 @!p0 $0xFFFFF800  }
0x31: {  	[spmem:s1] =	stream.indirect.scatter.add.f32 @!p0 [tilespmem:s20], [sflag:$0x1], $0x10, s18, s17, $0xb8;
	[tilespmem:$0x17B10] =	vst v63  }
0x32: {  	s17 =	simm.s32 @!p0 $0x1  }
0x33: {  	_ =	swait.ge @!p0 [sflag:s17], $0x13800  }
0x34: {  	[sflag:s17] =	ssyncset.done @!p0 $0x0  }
0x35: {  	[sflag:s17] =	ssyncadd.s32 @!p0 $0xFFFEC800  }
0x36: {  	_ =	swait.ge @!p0 [sflag:s17], $0x800  }
0x37: {  	s16 =	sadd.s32 $0x1, s16;
	[sflag:s17] =	ssyncset.done @!p0 $0x0  }
0x38: {  	p1 =	sne.s32 s16, s10;
	[sflag:s17] =	ssyncadd.s32 @!p0 $0xFFFFF800  }
.Ltmp1:
0x39: {  	[bflag:$0x0] =	sbarrier.arrive $0xFFFF;
	(pc) =	sbr.rel @p1 .LBB2_1-.Ltmp1, $4  }
0x3a: {  	[hbm:s9], [sflag:s15] =	dma.local [spmem:s11], $0x4E2  }
0x3b: {  	_ =	swait.ge [sflag:s12], $0x4E2  }
0x3c: {  	[sflag:s12] =	ssyncset.done $0x0  }
0x3d: {  	[sflag:s12] =	ssyncadd.s32 $0xFFFFFB1E  }
0x3e: {  	_ =	sfence.sel $0x180000  }
0x3f: {  	[bflag:$0x0] =	sbarrier.arrive $0xFFFF  }
0x40: {  	_ =	strace $0x90000056  }
0x41: {  	s0 =	sadd.s32 @!p0 $0x100000, s0;
	[bflag:$0x2] =	sbarrier.arrive $0xFFFF  }
0x42: {  	[sflag:s0] =	ssyncadd.tile.s32 @!p0 $0x1;
	_ =	shalt  }
.Lfunc_end2:
_tile_overlayer_lowered:
.L_overlay_start_2:
0x43: {  	(tag) =	ssettag $0x2  }
0x44: {  	s0 =	rddreg [dreg:$0x0];
	s2 =	stileid.u32  }
0x45: {  	s1 =	rddreg [dreg:$0x1];
	p0 =	sne.s32 s2, $0x0  }
0x46: {  	s3 =	rddreg [dreg:$0x2];
	[bflag:$0x3] =	sbarrier.arrive $0xFFFF;
	s2 =	simm.s32 @!p0 $0x1C03  }
0x47: {  	[timem:s3], [sflag:s2] =	dma.local @!p0 [hbm:s0], s1  }
0x48: {  	s0 =	simm.s32 @!p0 $0x3  }
0x49: {  	_ =	swait.ge @!p0 [sflag:s0], s1  }
0x4a: {  	s1 =	ssub.s32 @!p0 $0x0, s1;
	[sflag:s0] =	ssyncset.done @!p0 $0x0  }
0x4b: {  	[sflag:s0] =	ssyncadd.s32 @!p0 s1  }
0x4c: {  	[bflag:$0x3] =	sbarrier.arrive $0xFFFF  }
0x4d: {  	_ =	shalt  }

// kernel: kernel.43.cloned.1.call-start
scs
__scs_entry_jumppad:
0x0: {  	(pc) =	sbr.rel $0x88, $3  }
0x1: {  	(tag) =	ssettag $0x0;
	lr =	simm.s32 $0x1  }
0x2: {  	[smem:$0x3F8D] =	sst lr;
	_ =	strace $0xD0000000  }
0x3: {  	_ = 	snop  }
0x4: {  	_ = 	snop  }
0x5: {  	_ = 	snop  }
0x6: {  	_ = 	snop  }
0x7: {  	_ = 	snop  }
__scs_overlays_trampoline_lowered:
0x8: {  	[smem:$0x3F9C] =	sst s0  }
0x9: {  	[smem:$0x3F9D] =	sst s1  }
0xa: {  	[smem:$0x3F9E] =	sst s2  }
0xb: {  	[smem:$0x3F9F] =	sst s3  }
0xc: {  	[smem:$0x3FA0] =	sst s4  }
0xd: {  	[smem:$0x3FA1] =	sst s5  }
0xe: {  	[smem:$0x3FA2] =	sst s6  }
0xf: {  	[smem:$0x3FA3] =	sst s7  }
0x10: {  	[smem:$0x3FA4] =	sst s8  }
0x11: {  	[smem:$0x3FA5] =	sst s9;
	s0 =	simm.s32 @!p0 $0x0  }
0x12: {  	s1 =	sld [smem:$0x3F8B];
	s0 =	simm.s32 @p0 $0x1  }
0x13: {  	[smem:$0x3FA6] =	sst s0;
	s0 =	simm.s32 @!p1 $0x0  }
0x14: {  	s2 =	sld [smem:$0x3F8A];
	s0 =	simm.s32 @p1 $0x1  }
0x15: {  	[smem:$0x3FA7] =	sst s0;
	s0 =	simm.s32 @!p2 $0x0  }
0x16: {  	s3 =	sld [smem:$0x3FDB];
	s0 =	simm.s32 @p2 $0x1  }
0x17: {  	s4 =	simm.s32 $0x1BF5;
	[smem:$0x3FA9] =	sst s0  }
0x18: {  	s0 =	sld [smem:$0x3F8C];
	_ =	swait.ge [sflag:s4], $0x0  }
0x19: {  	s7 =	sld [smem:$0x3F8D]  }
0x1a: {  	s8 =	sadd.s32 $0xFFFFE003, lr  }
0x1b: {  	s9 =	sadd.s32 $0xFFFFFEF7, lr;
	s5 =	simm.s32 $0xFFFFFFFF;
	p2 =	slt.u32 s8, $0xFFFFF086  }
0x1c: {  	p1 =	slt.u32 s9, $0xF7A;
	s5 =	simm.s32 @!p2 $0x0  }
0x1d: {  	s5 =	simm.s32 @p1 $0x1;
	p0 =	seq.s32 s7, s2  }
0x1e: {  	s7 =	smul.u32 @!p0 $0xF7A, s2;
	p2 =	seq.s32 @!p0 s5, $0x0  }
0x1f: {  	s9 =	smul.u32 $0xF7A, s1;
	s8 =	simm.s32 @!p0 $0x1BF5;
	p2 =	por !p2, p0  }
0x20: {  	[sflag:s8] =	ssyncset.s32 @!p0 $0xFFFFF086;
	s6 =	sadd.s32 @!p0 s3, s7;
	s7 =	simm.s32 @!p0 $0x108  }
0x21: {  	s3 =	sadd.s32 s3, s9;
	s6 =	sadd.s32 @!p0 $0x88, s6;
	s7 =	simm.s32 @p2 $0x1082  }
0x22: {  	[simem:s7], [sflag:s8] =	dma.local @!p0 [hbm:s6], $0xF7A  }
0x23: {  	s9 =	sor.u32 $0xD0000000, s2;
	s6 =	simm.s32 $0x108;
	_ =	swait.ge @!p0 [sflag:s8], $0x0  }
0x24: {  	s3 =	sadd.s32 $0x88, s3;
	s6 =	simm.s32 @!p1 $0x1082;
	[sflag:s4] =	ssyncset.s32 $0xFFFFF086  }
0x25: {  	[simem:s6], [sflag:s4] =	dma.local [hbm:s3], $0xF7A  }
0x26: {  	[smem:$0x3F8D] =	sst s1;
	(tag) =	ssettag s2;
	_ =	strace s9  }
0x27: {  	s1 =	sld [smem:$0x3F9D]  }
0x28: {  	s2 =	sld [smem:$0x3F9E]  }
0x29: {  	s4 =	sld [smem:$0x3FA0]  }
0x2a: {  	p0 =	seq.s32 s5, $0x0;
	s5 =	sld [smem:$0x3FA1]  }
0x2b: {  	s6 =	sld [smem:$0x3FA2]  }
0x2c: {  	s7 =	sld [smem:$0x3FA3]  }
0x2d: {  	s3 =	simm.s32 $0x108;
	s8 =	sld [smem:$0x3FA4]  }
0x2e: {  	s3 =	simm.s32 @!p0 $0x1082;
	s9 =	sld [smem:$0x3FA5]  }
0x2f: {  	lr =	sadd.s32 s0, s3;
	s0 =	sld [smem:$0x3F9C]  }
0x30: {  	s3 =	sld [smem:$0x3F9F]  }
0x31: {  	[smem:$0x3FA8] =	sst s10  }
0x32: {  	s10 =	sld [smem:$0x3FA6];
	_ =	sdelay $0x3  }
0x33: {  	p0 =	seq.s32 s10, $0x1;
	s10 =	sld [smem:$0x3FA8];
	_ =	sdelay $0x3  }
0x34: {  	[smem:$0x3FA8] =	sst s10  }
0x35: {  	s10 =	sld [smem:$0x3FA7];
	_ =	sdelay $0x3  }
0x36: {  	p1 =	seq.s32 s10, $0x1;
	s10 =	sld [smem:$0x3FA8];
	_ =	sdelay $0x3  }
0x37: {  	[smem:$0x3FA8] =	sst s10  }
0x38: {  	s10 =	sld [smem:$0x3FA9]  }
0x39: {  	_ = 	snop;
	(pc) =	sbr.ind lr, $3  }
0x3a: {  	_ = 	snop  }
0x3b: {  	_ = 	snop  }
0x3c: {  	p2 =	seq.s32 s10, $0x1;
	s10 =	sld [smem:$0x3FA8]  }
0x3d: {  	_ =	shalt  }
0x3e: {  	_ =	shalt  }
0x3f: {  	_ =	shalt  }
0x40: {  	_ =	shalt  }
0x41: {  	_ =	shalt  }
0x42: {  	_ =	shalt  }
0x43: {  	_ =	shalt  }
0x44: {  	_ =	shalt  }
0x45: {  	_ =	shalt  }
0x46: {  	_ =	shalt  }
0x47: {  	_ =	shalt  }
0x48: {  	_ =	shalt  }
0x49: {  	_ =	shalt  }
0x4a: {  	_ =	shalt  }
0x4b: {  	_ =	shalt  }
0x4c: {  	_ =	shalt  }
0x4d: {  	_ =	shalt  }
0x4e: {  	_ =	shalt  }
0x4f: {  	_ =	shalt  }
0x50: {  	_ =	shalt  }
0x51: {  	_ =	shalt  }
0x52: {  	_ =	shalt  }
0x53: {  	_ =	shalt  }
0x54: {  	_ =	shalt  }
0x55: {  	_ =	shalt  }
0x56: {  	_ =	shalt  }
0x57: {  	_ =	shalt  }
0x58: {  	_ =	shalt  }
0x59: {  	_ =	shalt  }
0x5a: {  	_ =	shalt  }
0x5b: {  	_ =	shalt  }
0x5c: {  	_ =	shalt  }
0x5d: {  	_ =	shalt  }
0x5e: {  	_ =	shalt  }
0x5f: {  	_ =	shalt  }
0x60: {  	_ =	shalt  }
0x61: {  	_ =	shalt  }
0x62: {  	_ =	shalt  }
0x63: {  	_ =	shalt  }
0x64: {  	_ =	shalt  }
0x65: {  	_ =	shalt  }
0x66: {  	_ =	shalt  }
0x67: {  	_ =	shalt  }
0x68: {  	_ =	shalt  }
0x69: {  	_ =	shalt  }
0x6a: {  	_ =	shalt  }
0x6b: {  	_ =	shalt  }
0x6c: {  	_ =	shalt  }
0x6d: {  	_ =	shalt  }
0x6e: {  	_ =	shalt  }
0x6f: {  	_ =	shalt  }
0x70: {  	_ =	shalt  }
0x71: {  	_ =	shalt  }
0x72: {  	_ =	shalt  }
0x73: {  	_ =	shalt  }
0x74: {  	_ =	shalt  }
0x75: {  	_ =	shalt  }
0x76: {  	_ =	shalt  }
0x77: {  	_ =	shalt  }
0x78: {  	_ =	shalt  }
0x79: {  	_ =	shalt  }
0x7a: {  	_ =	shalt  }
0x7b: {  	_ =	shalt  }
0x7c: {  	_ =	shalt  }
0x7d: {  	_ =	shalt  }
0x7e: {  	_ =	shalt  }
0x7f: {  	_ =	shalt  }
0x80: {  	_ =	shalt  }
0x81: {  	_ =	shalt  }
0x82: {  	_ =	shalt  }
0x83: {  	_ =	shalt  }
0x84: {  	_ =	shalt  }
0x85: {  	_ =	shalt  }
0x86: {  	_ =	shalt  }
0x87: {  	_ =	shalt  }
.Lfunc_end0:
.L_simem_size_0:
called_computation.6_lowered:
.L_overlay_start_0:
0x88: {  	s2 =	sld [smem:$0x3FD9]  }
0x89: {  	s3 =	sld [smem:$0x3FFE];
	_ =	sdelay $0x1  }
0x8a: {  	s1 =	srdreg.scid  }
0x8b: {  	s0 =	sand.u32 $0x1, s1  }
0x8c: {  	s16 =	sshll.u32 s0, $0xA;
	s2 =	sadd.s32 s3, s2  }
0x8d: {  	s2 =	sadd.s32 s2, s16  }
0x8e: {  	[smem:$0x3FB4] =	sst s2  }
0x8f: {  	_ = 	snop  }
0x90: {  	(tm) =	ssettm $0x1  }
0x91: {  	s17 =	sld [smem:$0x3FFB];
	_ =	sdelay $0x3  }
0x92: {  	_ =	strace s17  }
0x93: {  	s2 =	sld [smem:$0x3FFC];
	_ =	sdelay $0x3  }
0x94: {  	_ =	strace s2  }
0x95: {  	s2 =	sld [smem:$0x3FFD];
	_ =	sdelay $0x3  }
0x96: {  	_ =	strace s2  }
0x97: {  	_ =	strace $0x8FFFFFFF  }
0x98: {  	s18 =	sld [smem:$0x3FDB];
	_ =	sdelay $0x1  }
0x99: {  	s19 =	simm.s32 $_scs_section_size  }
0x9a: {  	s4 =	simm.s32 $_size__tile_overlayer_lowered;
	s5 =	simm.s32 $_tile_overlayer_lowered  }
0x9b: {  	s22 =	simm.s32 $0x1BFF;
	s21 =	sshll.u32 s5, $0x1;
	s2 =	sadd.s32 s19, s18  }
0x9c: {  	s6 =	simm.s32 $0x0;
	s20 =	sshll.u32 s4, $0x1;
	s4 =	sadd.s32 s21, s2  }
0x9d: {  	[timem:s6], [sflag:s22] =	dma.local [hbm:s4], s20  }
0x9e: {  	_ =	swait.ge [sflag:s22], s20  }
0x9f: {  	s3 =	ssub.s32 $0x0, s20;
	[sflag:s22] =	ssyncset.done $0x0  }
0xa0: {  	[sflag:s22] =	ssyncadd.s32 s3;
	_ =	sdelay $0x1  }
0xa1: {  	s23 =	simm.s32 $0x1B8B  }
0xa2: {  	_ =	swait.ge [sflag:s23], $0x1  }
0xa3: {  	[sflag:s23] =	ssyncset.done $0x0  }
0xa4: {  	s25 =	simm.s32 $0x1B8E;
	s24 =	sld [smem:$0x3FFE];
	[sflag:s23] =	ssyncadd.s32 $0xFFFFFFFF  }
0xa5: {  	s26 =	simm.s32 $execute0_lowered;
	[smem:$0x3FD2] =	sst s25  }
0xa6: {  	s4 =	sshll.u32 s26, $0x1;
	_ =	strace $0x80000058;
	[dreg:$0x1] =	wrdreg $0xFFFFFFFF  }
0xa7: {  	s28 =	simm.s32 $_size_execute0_lowered;
	s2 =	sadd.s32 s2, s4;
	[dreg:$0x0] =	wrdreg $0x0  }
0xa8: {  	s4 =	sshll.u32 s28, $0x1;
	[dreg:$0x2] =	wrdreg s2  }
0xa9: {  	[dreg:$0x3] =	wrdreg s4  }
0xaa: {  	[dreg:$0x4] =	wrdreg $0xC0  }
0xab: {  	_ =	task [dreg:s6], $0x5FFFF  }
0xac: {  	[dreg:$0x1] =	wrdreg $0xFFFFFFFF  }
0xad: {  	[dreg:$0x0] =	wrdreg $0x60  }
0xae: {  	[dreg:$0x2] =	wrdreg s24  }
0xaf: {  	[dreg:$0x3] =	wrdreg $0x9  }
0xb0: {  	_ =	task.clear_ibuf [dreg:s6], $0x4FFFF;
	_ =	strace $0x90000058  }
0xb1: {  	s29 =	simm.s32 $0x9;
	_ =	strace $0x8000005A  }
0xb2: {  	_ =	swait.ge [sflag:s29], $0x1  }
0xb3: {  	[sflag:s29] =	ssyncadd.s32 $0xFFFFFFFF  }
0xb4: {  	_ =	strace $0x9000005A  }
0xb5: {  	_ =	sfence  }
0xb6: {  	s30 =	sld [smem:$0x0];
	_ =	sdelay $0x2  }
0xb7: {  	s31 =	sshll.u32 s1, $0xD;
	s1 =	sshrl.u32 s1, $0x2  }
0xb8: {  	s3 =	sand.u32 $0x4000, s31;
	s1 =	sadd.s32 s1, s30  }
0xb9: {  	s0 =	sor.u32 s3, s0;
	s1 =	sshll.u32 s1, $0x11  }
0xba: {  	s0 =	sor.u32 s1, s0  }
0xbb: {  	s0 =	sadd.s32 $0x8F2B, s0  }
0xbc: {  	[sflag:s0] =	ssyncadd.remote.s32 $0x1  }
0xbd: {  	_ =	sfence.sel $0xFFFF  }
0xbe: {  	[dreg:$0x0] =	wrdreg $0xFFFFFFFF;
	(pc) =	sbr.abs _section_cstart, $3  }
0xbf: {  	[dreg:$0x1] =	wrdreg $0xFFFFFFFF  }
0xc0: {  	_ =	task.clear_ibuf [dreg:s6], $0x2FFFF;
	_ =	strace $0x9FFFFFFF  }
0xc1: {  	(tm) =	ssettm $0x7FFFFFFF  }
tec
execute0_lowered:
.L_overlay_start_1:
0x0: {  	(tag) =	ssettag $0x1  }
0x1: {  	s3 =	rddreg [dreg:$0x0]  }
0x2: {  	s0 =	rddreg [dreg:$0x1];
	s1 =	simm.s32 $0x0;
	s4 =	srdreg.scid  }
0x3: {  	s10 =	stileid.u32;
	[smem:$0x7FF] =	sst s1;
	s2 =	sadd.s32 $0x11800, s3  }
0x4: {  	s4 =	sand.u32 $0x1, s4;
	s5 =	sshll.u32 s10, $0x1;
	s6 =	sadd.s32 $0x7800, s3  }
0x5: {  	s8 =	sadd.s32 $0x16800, s3;
	p0 =	sne.s32 s10, $0x0;
	s10 =	simm.s32 $0x0  }
0x6: {  	_ =	strace $0x80000059;
	s7 =	ssub.s32 $0x2, s4;
	s5 =	sor.u32 s4, s5  }
0x7: {  	s11 =	sshll.u32 s4, $0x4;
	s30 =	sshll.u32 s4, $0x8;
	s9 =	smul.u32 $0x270, s5  }
0x8: {  	s29 =	sshrl.u32 s7, $0x1;
	s5 =	smul.u32 $0x2700, s5;
	s31 =	sadd.s32 s30, s8  }
0x9: {  	s7 =	ssub.s32 s7, s29;
	s3 =	sadd.s32 s6, s9;
	s6 =	sadd.s32 s11, s6  }
0xa: {  	s5 =	sadd.s32 s8, s5;
	s7 =	smax.u32 s7, $0x1;
	s8 =	simm.s32 $0x3  }
0xb: {  	s9 =	simm.s32 $0x80;
	s4 =	sadd.s32 $0x4E00, s6;
	s6 =	sadd.s32 $0x4E000, s31  }
.LBB2_1:
0xc: {  	[tilespmem:s1], [sflag:$0x3] =	stream.linear.gather [hbm4b:s3+s1], $0x1380, $0x38;
	[tilespmem:$0x15400] =	vst v63  }
0xd: {  	_ =	swait.ge [sflag:s8], $0x1380  }
0xe: {  	s11 =	simm.s32 $0x1380;
	s12 =	simm.s32 $0x200;
	[sflag:s8] =	ssyncset.done $0x0  }
0xf: {  	s14 =	simm.s32 $0x0;
	s13 =	simm.s32 $0x1B80;
	[sflag:s8] =	ssyncadd.s32 $0xFFFFEC80  }
.LBB2_2:
0x10: {  	[tilespmem:s11], [sflag:$0x1] =	stream.indirect.gather [hbm4b:s2+s9], $0x10, s14, s9, $0xb8;
	[tilespmem:$0x15400] =	vst v63  }
0x11: {  	s14 =	smov.u32 s12;
	s11 =	smov.u32 s13;
	p1 =	sne.s32 s12, $0x4C00  }
.Ltmp0:
0x12: {  	s12 =	sadd.s32 $0x200, s12;
	(pc) =	sbr.rel @p1 .LBB2_2-.Ltmp0, $2  }
0x13: {  	_ =	sdelay $0x2  }
0x14: {  	s13 =	sadd.s32 $0x800, s13;
	s14 =	sshra.s32 s14, $0x2  }
0x15: {  	[tilespmem:s11], [sflag:$0x1] =	stream.indirect.gather [hbm4b:s2+s9], $0x10, s14, s9, $0xb8;
	[tilespmem:$0x15400] =	vst v63  }
0x16: {  	s11 =	simm.s32 @p0 $0x1  }
0x17: {  	_ =	swait.ge @p0 [sflag:s11], $0x13800  }
0x18: {  	[sflag:s11] =	ssyncset.done @p0 $0x0  }
0x19: {  	s12 =	simm.s32 @p0 $0x1380;
	[sflag:s11] =	ssyncadd.s32 @p0 $0xFFFEC800;
	s11 =	simm.s32 @p0 $0x0  }
0x1a: {  	[hbm4b:s5+s11] =	stream.linear.scatter @p0 [tilespmem:s12], [sflag:$0x3], $0x13800, $0x38;
	[tilespmem:$0x15400] =	vst v63  }
0x1b: {  	s11 =	simm.s32 @p0 $0x3  }
0x1c: {  	_ =	swait.ge @p0 [sflag:s11], $0x13800  }
0x1d: {  	s13 =	simm.s32 @!p0 $0x3;
	[sflag:s11] =	ssyncset.done @p0 $0x0  }
0x1e: {  	s12 =	simm.s32 @!p0 $0x14B80;
	[sflag:s11] =	ssyncadd.s32 @p0 $0xFFFEC800;
	s11 =	simm.s32 @!p0 $0x0  }
0x1f: {  	[tilespmem:s12], [sflag:$0x3] =	stream.linear.gather @!p0 [hbm4b:s4+s11], $0x80, $0x38;
	[tilespmem:$0x15400] =	vst v63  }
0x20: {  	_ =	swait.ge @!p0 [sflag:s13], $0x80  }
0x21: {  	[sflag:s13] =	ssyncset.done @!p0 $0x0  }
0x22: {  	s14 =	simm.s32 @!p0 $0x80;
	s15 =	simm.s32 @!p0 $0x14C00;
	[sflag:s13] =	ssyncadd.s32 @!p0 $0xFFFFFF80  }
0x23: {  	[tilespmem:s15], [sflag:$0x2] =	stream.indirect.gather @!p0 [hbm4b:s2+s14], $0x10, s12, s14, $0xb8;
	[tilespmem:$0x15400] =	vst v63  }
0x24: {  	s12 =	simm.s32 @!p0 $0x1  }
0x25: {  	_ =	swait.ge @!p0 [sflag:s12], $0x13800  }
0x26: {  	[sflag:s12] =	ssyncset.done @!p0 $0x0  }
0x27: {  	[sflag:s12] =	ssyncadd.s32 @!p0 $0xFFFEC800;
	s12 =	simm.s32 @!p0 $0x1380  }
0x28: {  	[hbm4b:s5+s11] =	stream.linear.scatter @!p0 [tilespmem:s12], [sflag:$0x3], $0x13800, $0x38;
	[tilespmem:$0x15400] =	vst v63  }
0x29: {  	_ =	swait.ge @!p0 [sflag:s13], $0x13800  }
0x2a: {  	[sflag:s13] =	ssyncset.done @!p0 $0x0  }
0x2b: {  	s12 =	simm.s32 @!p0 $0x2;
	[sflag:s13] =	ssyncadd.s32 @!p0 $0xFFFEC800  }
0x2c: {  	s10 =	sadd.s32 $0x1, s10;
	_ =	swait.ge @!p0 [sflag:s12], $0x800  }
0x2d: {  	p1 =	sne.s32 s10, s7;
	[sflag:s12] =	ssyncset.done @!p0 $0x0  }
.Ltmp1:
0x2e: {  	[sflag:s12] =	ssyncadd.s32 @!p0 $0xFFFFF800;
	(pc) =	sbr.rel @p1 .LBB2_1-.Ltmp1, $4  }
0x2f: {  	[hbm4b:s6+s11] =	stream.linear.scatter @!p0 [tilespmem:s15], [sflag:$0x3], $0x800, $0x38;
	[tilespmem:$0x15400] =	vst v63  }
0x30: {  	_ =	swait.ge @!p0 [sflag:s13], $0x800  }
0x31: {  	[sflag:s13] =	ssyncset.done @!p0 $0x0  }
0x32: {  	[sflag:s13] =	ssyncadd.s32 @!p0 $0xFFFFF800  }
0x33: {  	_ =	sfence.sel $0x180000  }
0x34: {  	[bflag:$0x0] =	sbarrier.arrive $0xFFFF  }
0x35: {  	_ =	strace $0x90000059  }
0x36: {  	s0 =	sadd.s32 @!p0 $0x100000, s0;
	[bflag:$0x2] =	sbarrier.arrive $0xFFFF  }
0x37: {  	[sflag:s0] =	ssyncadd.tile.s32 @!p0 $0x1;
	_ =	shalt  }
.Lfunc_end2:
_tile_overlayer_lowered:
.L_overlay_start_2:
0x38: {  	(tag) =	ssettag $0x2  }
0x39: {  	s0 =	rddreg [dreg:$0x0];
	s2 =	stileid.u32  }
0x3a: {  	s1 =	rddreg [dreg:$0x1];
	p0 =	sne.s32 s2, $0x0  }
0x3b: {  	s3 =	rddreg [dreg:$0x2];
	[bflag:$0x3] =	sbarrier.arrive $0xFFFF;
	s2 =	simm.s32 @!p0 $0x1C03  }
0x3c: {  	[timem:s3], [sflag:s2] =	dma.local @!p0 [hbm:s0], s1  }
0x3d: {  	s0 =	simm.s32 @!p0 $0x3  }
0x3e: {  	_ =	swait.ge @!p0 [sflag:s0], s1  }
0x3f: {  	s1 =	ssub.s32 @!p0 $0x0, s1;
	[sflag:s0] =	ssyncset.done @!p0 $0x0  }
0x40: {  	[sflag:s0] =	ssyncadd.s32 @!p0 s1  }
0x41: {  	[bflag:$0x3] =	sbarrier.arrive $0xFFFF  }
0x42: {  	_ =	shalt  }

// kernel: kernel.46.cloned.1.call-start
scs
__scs_entry_jumppad:
0x0: {  	(pc) =	sbr.rel $0x88, $3  }
0x1: {  	(tag) =	ssettag $0x0;
	lr =	simm.s32 $0x1  }
0x2: {  	[smem:$0x3F8D] =	sst lr;
	_ =	strace $0xD0000000  }
0x3: {  	_ = 	snop  }
0x4: {  	_ = 	snop  }
0x5: {  	_ = 	snop  }
0x6: {  	_ = 	snop  }
0x7: {  	_ = 	snop  }
__scs_overlays_trampoline_lowered:
0x8: {  	[smem:$0x3F9C] =	sst s0  }
0x9: {  	[smem:$0x3F9D] =	sst s1  }
0xa: {  	[smem:$0x3F9E] =	sst s2  }
0xb: {  	[smem:$0x3F9F] =	sst s3  }
0xc: {  	[smem:$0x3FA0] =	sst s4  }
0xd: {  	[smem:$0x3FA1] =	sst s5  }
0xe: {  	[smem:$0x3FA2] =	sst s6  }
0xf: {  	[smem:$0x3FA3] =	sst s7  }
0x10: {  	[smem:$0x3FA4] =	sst s8  }
0x11: {  	[smem:$0x3FA5] =	sst s9;
	s0 =	simm.s32 @!p0 $0x0  }
0x12: {  	s1 =	sld [smem:$0x3F8B];
	s0 =	simm.s32 @p0 $0x1  }
0x13: {  	[smem:$0x3FA6] =	sst s0;
	s0 =	simm.s32 @!p1 $0x0  }
0x14: {  	s2 =	sld [smem:$0x3F8A];
	s0 =	simm.s32 @p1 $0x1  }
0x15: {  	[smem:$0x3FA7] =	sst s0;
	s0 =	simm.s32 @!p2 $0x0  }
0x16: {  	s3 =	sld [smem:$0x3FDB];
	s0 =	simm.s32 @p2 $0x1  }
0x17: {  	s4 =	simm.s32 $0x1BF5;
	[smem:$0x3FA9] =	sst s0  }
0x18: {  	s0 =	sld [smem:$0x3F8C];
	_ =	swait.ge [sflag:s4], $0x0  }
0x19: {  	s7 =	sld [smem:$0x3F8D]  }
0x1a: {  	s8 =	sadd.s32 $0xFFFFE003, lr  }
0x1b: {  	s9 =	sadd.s32 $0xFFFFFEF7, lr;
	s5 =	simm.s32 $0xFFFFFFFF;
	p2 =	slt.u32 s8, $0xFFFFF086  }
0x1c: {  	p1 =	slt.u32 s9, $0xF7A;
	s5 =	simm.s32 @!p2 $0x0  }
0x1d: {  	s5 =	simm.s32 @p1 $0x1;
	p0 =	seq.s32 s7, s2  }
0x1e: {  	s7 =	smul.u32 @!p0 $0xF7A, s2;
	p2 =	seq.s32 @!p0 s5, $0x0  }
0x1f: {  	s9 =	smul.u32 $0xF7A, s1;
	s8 =	simm.s32 @!p0 $0x1BF5;
	p2 =	por !p2, p0  }
0x20: {  	[sflag:s8] =	ssyncset.s32 @!p0 $0xFFFFF086;
	s6 =	sadd.s32 @!p0 s3, s7;
	s7 =	simm.s32 @!p0 $0x108  }
0x21: {  	s3 =	sadd.s32 s3, s9;
	s6 =	sadd.s32 @!p0 $0x88, s6;
	s7 =	simm.s32 @p2 $0x1082  }
0x22: {  	[simem:s7], [sflag:s8] =	dma.local @!p0 [hbm:s6], $0xF7A  }
0x23: {  	s9 =	sor.u32 $0xD0000000, s2;
	s6 =	simm.s32 $0x108;
	_ =	swait.ge @!p0 [sflag:s8], $0x0  }
0x24: {  	s3 =	sadd.s32 $0x88, s3;
	s6 =	simm.s32 @!p1 $0x1082;
	[sflag:s4] =	ssyncset.s32 $0xFFFFF086  }
0x25: {  	[simem:s6], [sflag:s4] =	dma.local [hbm:s3], $0xF7A  }
0x26: {  	[smem:$0x3F8D] =	sst s1;
	(tag) =	ssettag s2;
	_ =	strace s9  }
0x27: {  	s1 =	sld [smem:$0x3F9D]  }
0x28: {  	s2 =	sld [smem:$0x3F9E]  }
0x29: {  	s4 =	sld [smem:$0x3FA0]  }
0x2a: {  	p0 =	seq.s32 s5, $0x0;
	s5 =	sld [smem:$0x3FA1]  }
0x2b: {  	s6 =	sld [smem:$0x3FA2]  }
0x2c: {  	s7 =	sld [smem:$0x3FA3]  }
0x2d: {  	s3 =	simm.s32 $0x108;
	s8 =	sld [smem:$0x3FA4]  }
0x2e: {  	s3 =	simm.s32 @!p0 $0x1082;
	s9 =	sld [smem:$0x3FA5]  }
0x2f: {  	lr =	sadd.s32 s0, s3;
	s0 =	sld [smem:$0x3F9C]  }
0x30: {  	s3 =	sld [smem:$0x3F9F]  }
0x31: {  	[smem:$0x3FA8] =	sst s10  }
0x32: {  	s10 =	sld [smem:$0x3FA6];
	_ =	sdelay $0x3  }
0x33: {  	p0 =	seq.s32 s10, $0x1;
	s10 =	sld [smem:$0x3FA8];
	_ =	sdelay $0x3  }
0x34: {  	[smem:$0x3FA8] =	sst s10  }
0x35: {  	s10 =	sld [smem:$0x3FA7];
	_ =	sdelay $0x3  }
0x36: {  	p1 =	seq.s32 s10, $0x1;
	s10 =	sld [smem:$0x3FA8];
	_ =	sdelay $0x3  }
0x37: {  	[smem:$0x3FA8] =	sst s10  }
0x38: {  	s10 =	sld [smem:$0x3FA9]  }
0x39: {  	_ = 	snop;
	(pc) =	sbr.ind lr, $3  }
0x3a: {  	_ = 	snop  }
0x3b: {  	_ = 	snop  }
0x3c: {  	p2 =	seq.s32 s10, $0x1;
	s10 =	sld [smem:$0x3FA8]  }
0x3d: {  	_ =	shalt  }
0x3e: {  	_ =	shalt  }
0x3f: {  	_ =	shalt  }
0x40: {  	_ =	shalt  }
0x41: {  	_ =	shalt  }
0x42: {  	_ =	shalt  }
0x43: {  	_ =	shalt  }
0x44: {  	_ =	shalt  }
0x45: {  	_ =	shalt  }
0x46: {  	_ =	shalt  }
0x47: {  	_ =	shalt  }
0x48: {  	_ =	shalt  }
0x49: {  	_ =	shalt  }
0x4a: {  	_ =	shalt  }
0x4b: {  	_ =	shalt  }
0x4c: {  	_ =	shalt  }
0x4d: {  	_ =	shalt  }
0x4e: {  	_ =	shalt  }
0x4f: {  	_ =	shalt  }
0x50: {  	_ =	shalt  }
0x51: {  	_ =	shalt  }
0x52: {  	_ =	shalt  }
0x53: {  	_ =	shalt  }
0x54: {  	_ =	shalt  }
0x55: {  	_ =	shalt  }
0x56: {  	_ =	shalt  }
0x57: {  	_ =	shalt  }
0x58: {  	_ =	shalt  }
0x59: {  	_ =	shalt  }
0x5a: {  	_ =	shalt  }
0x5b: {  	_ =	shalt  }
0x5c: {  	_ =	shalt  }
0x5d: {  	_ =	shalt  }
0x5e: {  	_ =	shalt  }
0x5f: {  	_ =	shalt  }
0x60: {  	_ =	shalt  }
0x61: {  	_ =	shalt  }
0x62: {  	_ =	shalt  }
0x63: {  	_ =	shalt  }
0x64: {  	_ =	shalt  }
0x65: {  	_ =	shalt  }
0x66: {  	_ =	shalt  }
0x67: {  	_ =	shalt  }
0x68: {  	_ =	shalt  }
0x69: {  	_ =	shalt  }
0x6a: {  	_ =	shalt  }
0x6b: {  	_ =	shalt  }
0x6c: {  	_ =	shalt  }
0x6d: {  	_ =	shalt  }
0x6e: {  	_ =	shalt  }
0x6f: {  	_ =	shalt  }
0x70: {  	_ =	shalt  }
0x71: {  	_ =	shalt  }
0x72: {  	_ =	shalt  }
0x73: {  	_ =	shalt  }
0x74: {  	_ =	shalt  }
0x75: {  	_ =	shalt  }
0x76: {  	_ =	shalt  }
0x77: {  	_ =	shalt  }
0x78: {  	_ =	shalt  }
0x79: {  	_ =	shalt  }
0x7a: {  	_ =	shalt  }
0x7b: {  	_ =	shalt  }
0x7c: {  	_ =	shalt  }
0x7d: {  	_ =	shalt  }
0x7e: {  	_ =	shalt  }
0x7f: {  	_ =	shalt  }
0x80: {  	_ =	shalt  }
0x81: {  	_ =	shalt  }
0x82: {  	_ =	shalt  }
0x83: {  	_ =	shalt  }
0x84: {  	_ =	shalt  }
0x85: {  	_ =	shalt  }
0x86: {  	_ =	shalt  }
0x87: {  	_ =	shalt  }
.Lfunc_end0:
.L_simem_size_0:
called_computation.7_lowered:
.L_overlay_start_0:
0x88: {  	s2 =	sld [smem:$0x3FD9]  }
0x89: {  	s3 =	sld [smem:$0x3FFE];
	_ =	sdelay $0x1  }
0x8a: {  	s1 =	srdreg.scid  }
0x8b: {  	s0 =	sand.u32 $0x1, s1  }
0x8c: {  	s16 =	sshll.u32 s0, $0xA;
	s2 =	sadd.s32 s3, s2  }
0x8d: {  	s2 =	sadd.s32 s2, s16  }
0x8e: {  	[smem:$0x3FB4] =	sst s2  }
0x8f: {  	_ = 	snop  }
0x90: {  	(tm) =	ssettm $0x1  }
0x91: {  	s17 =	sld [smem:$0x3FFB];
	_ =	sdelay $0x3  }
0x92: {  	_ =	strace s17  }
0x93: {  	s2 =	sld [smem:$0x3FFC];
	_ =	sdelay $0x3  }
0x94: {  	_ =	strace s2  }
0x95: {  	s2 =	sld [smem:$0x3FFD];
	_ =	sdelay $0x3  }
0x96: {  	_ =	strace s2  }
0x97: {  	_ =	strace $0x8FFFFFFF  }
0x98: {  	s18 =	sld [smem:$0x3FDB];
	_ =	sdelay $0x1  }
0x99: {  	s19 =	simm.s32 $_scs_section_size  }
0x9a: {  	s4 =	simm.s32 $_size__tile_overlayer_lowered;
	s5 =	simm.s32 $_tile_overlayer_lowered  }
0x9b: {  	s22 =	simm.s32 $0x1BFF;
	s21 =	sshll.u32 s5, $0x1;
	s2 =	sadd.s32 s19, s18  }
0x9c: {  	s6 =	simm.s32 $0x0;
	s20 =	sshll.u32 s4, $0x1;
	s4 =	sadd.s32 s21, s2  }
0x9d: {  	[timem:s6], [sflag:s22] =	dma.local [hbm:s4], s20  }
0x9e: {  	_ =	swait.ge [sflag:s22], s20  }
0x9f: {  	s3 =	ssub.s32 $0x0, s20;
	[sflag:s22] =	ssyncset.done $0x0  }
0xa0: {  	[sflag:s22] =	ssyncadd.s32 s3;
	_ =	sdelay $0x1  }
0xa1: {  	s23 =	simm.s32 $0x1B8B  }
0xa2: {  	_ =	swait.ge [sflag:s23], $0x1  }
0xa3: {  	[sflag:s23] =	ssyncset.done $0x0  }
0xa4: {  	s25 =	simm.s32 $0x1B8E;
	s24 =	sld [smem:$0x3FFE];
	[sflag:s23] =	ssyncadd.s32 $0xFFFFFFFF  }
0xa5: {  	s26 =	simm.s32 $execute0_lowered;
	[smem:$0x3FD2] =	sst s25  }
0xa6: {  	s4 =	sshll.u32 s26, $0x1;
	_ =	strace $0x8000005B;
	[dreg:$0x1] =	wrdreg $0xFFFFFFFF  }
0xa7: {  	s28 =	simm.s32 $_size_execute0_lowered;
	s2 =	sadd.s32 s2, s4;
	[dreg:$0x0] =	wrdreg $0x0  }
0xa8: {  	s4 =	sshll.u32 s28, $0x1;
	[dreg:$0x2] =	wrdreg s2  }
0xa9: {  	[dreg:$0x3] =	wrdreg s4  }
0xaa: {  	[dreg:$0x4] =	wrdreg $0xC0  }
0xab: {  	_ =	task [dreg:s6], $0x5FFFF  }
0xac: {  	[dreg:$0x1] =	wrdreg $0xFFFFFFFF  }
0xad: {  	[dreg:$0x0] =	wrdreg $0x60  }
0xae: {  	[dreg:$0x2] =	wrdreg s24  }
0xaf: {  	[dreg:$0x3] =	wrdreg $0x154000  }
0xb0: {  	[dreg:$0x4] =	wrdreg $0x9  }
0xb1: {  	_ =	task.clear_ibuf [dreg:s6], $0x5FFFF;
	_ =	strace $0x9000005B  }
0xb2: {  	s29 =	simm.s32 $0x9;
	_ =	strace $0x8000005D  }
0xb3: {  	_ =	swait.ge [sflag:s29], $0x1  }
0xb4: {  	[sflag:s29] =	ssyncadd.s32 $0xFFFFFFFF  }
0xb5: {  	_ =	strace $0x9000005D  }
0xb6: {  	_ =	sfence  }
0xb7: {  	s30 =	sld [smem:$0x0];
	_ =	sdelay $0x2  }
0xb8: {  	s31 =	sshll.u32 s1, $0xD;
	s1 =	sshrl.u32 s1, $0x2  }
0xb9: {  	s3 =	sand.u32 $0x4000, s31;
	s1 =	sadd.s32 s1, s30  }
0xba: {  	s0 =	sor.u32 s3, s0;
	s1 =	sshll.u32 s1, $0x11  }
0xbb: {  	s0 =	sor.u32 s1, s0  }
0xbc: {  	s0 =	sadd.s32 $0x8F2B, s0  }
0xbd: {  	[sflag:s0] =	ssyncadd.remote.s32 $0x1  }
0xbe: {  	_ =	sfence.sel $0xFFFF  }
0xbf: {  	[dreg:$0x0] =	wrdreg $0xFFFFFFFF;
	(pc) =	sbr.abs _section_cstart, $3  }
0xc0: {  	[dreg:$0x1] =	wrdreg $0xFFFFFFFF  }
0xc1: {  	_ =	task.clear_ibuf [dreg:s6], $0x2FFFF;
	_ =	strace $0x9FFFFFFF  }
0xc2: {  	(tm) =	ssettm $0x7FFFFFFF  }
0xc3: {  	_ =	shalt  }
tec
execute0_lowered:
.L_overlay_start_1:
0x0: {  	(tag) =	ssettag $0x1  }
0x1: {  	s3 =	rddreg [dreg:$0x0]  }
0x2: {  	s1 =	rddreg [dreg:$0x1]  }
0x3: {  	s0 =	rddreg [dreg:$0x2];
	s15 =	stileid.u32  }
0x4: {  	s2 =	simm.s32 $0x0;
	s5 =	srdreg.scid;
	s14 =	simm.s32 $0x80  }
0x5: {  	s4 =	smul.u32 $0x2710, s15;
	[smem:$0x7FF] =	sst s2;
	s5 =	sand.u32 $0x1, s5  }
0x6: {  	s6 =	smul.u32 $0x4E2, s15;
	s8 =	sadd.s32 $0x16800, s3;
	s9 =	sadd.s32 $0xC800, s3  }
0x7: {  	s26 =	sshll.u32 s15, $0x1;
	s16 =	sshll.u32 s15, $0x6;
	p0 =	sne.s32 s15, $0x0  }
0x8: {  	_ =	strace $0x8000005C;
	s7 =	smul.u32 $0x4E20, s5;
	s11 =	ssub.s32 $0x2, s5  }
0x9: {  	s28 =	sor.u32 s5, s26;
	s5 =	sshll.u32 s5, $0x7;
	s15 =	sor.u32 $0x1C03, s16  }
0xa: {  	s10 =	sshrl.u32 s4, $0x3;
	s25 =	sshrl.u32 s11, $0x1;
	s13 =	sadd.s32 s4, s1  }
0xb: {  	s29 =	smul.u32 $0x270, s28;
	s4 =	sor.u32 $0x1C02, s16;
	s30 =	sor.u32 $0x27000, s5  }
0xc: {  	s16 =	simm.s32 $0x0;
	s10 =	sadd.s32 s10, s3;
	s6 =	sadd.s32 s6, s7  }
0xd: {  	s11 =	ssub.s32 s11, s25;
	s31 =	sshrl.u32 s30, $0x3;
	s12 =	sadd.s32 s6, s3  }
0xe: {  	s3 =	sadd.s32 $0x64A00, s10;
	s6 =	smul.u32 $0x2700, s28;
	s5 =	sadd.s32 s9, s29  }
0xf: {  	s10 =	sshll.u32 s30, $0x1;
	s7 =	sadd.s32 s9, s31;
	s9 =	sadd.s32 $0x69A00, s12  }
0x10: {  	s12 =	simm.s32 $0x3;
	s6 =	sadd.s32 s8, s6;
	s8 =	sadd.s32 s8, s10  }
0x11: {  	s10 =	smax.u32 s11, $0x1;
	s11 =	sshrl.u32 s13, $0x3;
	s13 =	simm.s32 $0x2  }
.LBB2_1:
0x12: {  	[spmem:s11], [sflag:s4] =	dma.local [hbm:s3], $0x4E2  }
0x13: {  	[tilespmem:s2], [sflag:$0x3] =	stream.linear.gather [hbm4b:s5+s2], $0x1380, $0x38;
	[tilespmem:$0x17B10] =	vst v63  }
0x14: {  	_ =	swait.ge [sflag:s12], $0x1380  }
0x15: {  	[sflag:s12] =	ssyncset.done $0x0  }
0x16: {  	s17 =	simm.s32 $0x1380;
	[sflag:s12] =	ssyncadd.s32 $0xFFFFEC80  }
0x17: {  	[tilespmem:s17], [sflag:$0x3] =	stream.linear.gather [hbm4b:s6+s2], $0x13800, $0x38;
	[tilespmem:$0x17B10] =	vst v63  }
0x18: {  	_ =	swait.ge [sflag:s12], $0x13800  }
0x19: {  	[sflag:s12] =	ssyncset.done $0x0  }
0x1a: {  	[sflag:s12] =	ssyncadd.s32 $0xFFFEC800  }
0x1b: {  	_ =	swait.ge [sflag:s13], $0x4E2  }
0x1c: {  	[sflag:s13] =	ssyncset.done $0x0  }
0x1d: {  	s18 =	simm.s32 $0x200;
	[sflag:s13] =	ssyncadd.s32 $0xFFFFFB1E  }
0x1e: {  	s20 =	simm.s32 $0x0;
	s19 =	simm.s32 $0x1B80;
	[bflag:$0x0] =	sbarrier.arrive $0xFFFF  }
.LBB2_2:
0x1f: {  	[spmem:s1] =	stream.indirect.scatter.add.f32 [tilespmem:s17], [sflag:$0x1], $0x10, s20, s14, $0xb8;
	[tilespmem:$0x17B10] =	vst v63  }
0x20: {  	s20 =	smov.u32 s18;
	s17 =	smov.u32 s19;
	p1 =	sne.s32 s18, $0x4C00  }
.Ltmp0:
0x21: {  	s18 =	sadd.s32 $0x200, s18;
	(pc) =	sbr.rel @p1 .LBB2_2-.Ltmp0, $2  }
0x22: {  	_ =	sdelay $0x2  }
0x23: {  	s19 =	sadd.s32 $0x800, s19;
	s20 =	sshra.s32 s20, $0x2  }
0x24: {  	[spmem:s1] =	stream.indirect.scatter.add.f32 [tilespmem:s17], [sflag:$0x1], $0x10, s20, s14, $0xb8;
	[tilespmem:$0x17B10] =	vst v63  }
0x25: {  	s17 =	simm.s32 @p0 $0x1  }
0x26: {  	_ =	swait.ge @p0 [sflag:s17], $0x13800  }
0x27: {  	s18 =	simm.s32 @!p0 $0x14B80;
	[sflag:s17] =	ssyncset.done @p0 $0x0  }
0x28: {  	s19 =	simm.s32 @!p0 $0x3;
	[sflag:s17] =	ssyncadd.s32 @p0 $0xFFFEC800;
	s17 =	simm.s32 @!p0 $0x0  }
0x29: {  	[tilespmem:s18], [sflag:$0x3] =	stream.linear.gather @!p0 [hbm4b:s7+s17], $0x80, $0x38;
	[tilespmem:$0x17B10] =	vst v63  }
0x2a: {  	_ =	swait.ge @!p0 [sflag:s19], $0x80  }
0x2b: {  	[sflag:s19] =	ssyncset.done @!p0 $0x0  }
0x2c: {  	s20 =	simm.s32 @!p0 $0x14C00;
	[sflag:s19] =	ssyncadd.s32 @!p0 $0xFFFFFF80  }
0x2d: {  	[tilespmem:s20], [sflag:$0x3] =	stream.linear.gather @!p0 [hbm4b:s8+s17], $0x800, $0x38;
	[tilespmem:$0x17B10] =	vst v63  }
0x2e: {  	_ =	swait.ge @!p0 [sflag:s19], $0x800  }
0x2f: {  	[sflag:s19] =	ssyncset.done @!p0 $0x0  }
0x30: {  	s17 =	simm.s32 @!p0 $0x80;
	[sflag:s19] =	ssyncadd.s32 @!p0 $0xFFFFF800  }
0x31: {  	[spmem:s1] =	stream.indirect.scatter.add.f32 @!p0 [tilespmem:s20], [sflag:$0x1], $0x10, s18, s17, $0xb8;
	[tilespmem:$0x17B10] =	vst v63  }
0x32: {  	s17 =	simm.s32 @!p0 $0x1  }
0x33: {  	_ =	swait.ge @!p0 [sflag:s17], $0x13800  }
0x34: {  	[sflag:s17] =	ssyncset.done @!p0 $0x0  }
0x35: {  	[sflag:s17] =	ssyncadd.s32 @!p0 $0xFFFEC800  }
0x36: {  	_ =	swait.ge @!p0 [sflag:s17], $0x800  }
0x37: {  	s16 =	sadd.s32 $0x1, s16;
	[sflag:s17] =	ssyncset.done @!p0 $0x0  }
0x38: {  	p1 =	sne.s32 s16, s10;
	[sflag:s17] =	ssyncadd.s32 @!p0 $0xFFFFF800  }
.Ltmp1:
0x39: {  	[bflag:$0x0] =	sbarrier.arrive $0xFFFF;
	(pc) =	sbr.rel @p1 .LBB2_1-.Ltmp1, $4  }
0x3a: {  	[hbm:s9], [sflag:s15] =	dma.local [spmem:s11], $0x4E2  }
0x3b: {  	_ =	swait.ge [sflag:s12], $0x4E2  }
0x3c: {  	[sflag:s12] =	ssyncset.done $0x0  }
0x3d: {  	[sflag:s12] =	ssyncadd.s32 $0xFFFFFB1E  }
0x3e: {  	_ =	sfence.sel $0x180000  }
0x3f: {  	[bflag:$0x0] =	sbarrier.arrive $0xFFFF  }
0x40: {  	_ =	strace $0x9000005C  }
0x41: {  	s0 =	sadd.s32 @!p0 $0x100000, s0;
	[bflag:$0x2] =	sbarrier.arrive $0xFFFF  }
0x42: {  	[sflag:s0] =	ssyncadd.tile.s32 @!p0 $0x1;
	_ =	shalt  }
.Lfunc_end2:
_tile_overlayer_lowered:
.L_overlay_start_2:
0x43: {  	(tag) =	ssettag $0x2  }
0x44: {  	s0 =	rddreg [dreg:$0x0];
	s2 =	stileid.u32  }
0x45: {  	s1 =	rddreg [dreg:$0x1];
	p0 =	sne.s32 s2, $0x0  }
0x46: {  	s3 =	rddreg [dreg:$0x2];
	[bflag:$0x3] =	sbarrier.arrive $0xFFFF;
	s2 =	simm.s32 @!p0 $0x1C03  }
0x47: {  	[timem:s3], [sflag:s2] =	dma.local @!p0 [hbm:s0], s1  }
0x48: {  	s0 =	simm.s32 @!p0 $0x3  }
0x49: {  	_ =	swait.ge @!p0 [sflag:s0], s1  }
0x4a: {  	s1 =	ssub.s32 @!p0 $0x0, s1;
	[sflag:s0] =	ssyncset.done @!p0 $0x0  }
0x4b: {  	[sflag:s0] =	ssyncadd.s32 @!p0 s1  }
0x4c: {  	[bflag:$0x3] =	sbarrier.arrive $0xFFFF  }
0x4d: {  	_ =	shalt  }

// kernel: kernel.49.cloned.1.call-start
scs
__scs_entry_jumppad:
0x0: {  	(pc) =	sbr.rel $0x88, $3  }
0x1: {  	(tag) =	ssettag $0x0;
	lr =	simm.s32 $0x1  }
0x2: {  	[smem:$0x3F8D] =	sst lr;
	_ =	strace $0xD0000000  }
0x3: {  	_ = 	snop  }
0x4: {  	_ = 	snop  }
0x5: {  	_ = 	snop  }
0x6: {  	_ = 	snop  }
0x7: {  	_ = 	snop  }
__scs_overlays_trampoline_lowered:
0x8: {  	[smem:$0x3F9C] =	sst s0  }
0x9: {  	[smem:$0x3F9D] =	sst s1  }
0xa: {  	[smem:$0x3F9E] =	sst s2  }
0xb: {  	[smem:$0x3F9F] =	sst s3  }
0xc: {  	[smem:$0x3FA0] =	sst s4  }
0xd: {  	[smem:$0x3FA1] =	sst s5  }
0xe: {  	[smem:$0x3FA2] =	sst s6  }
0xf: {  	[smem:$0x3FA3] =	sst s7  }
0x10: {  	[smem:$0x3FA4] =	sst s8  }
0x11: {  	[smem:$0x3FA5] =	sst s9;
	s0 =	simm.s32 @!p0 $0x0  }
0x12: {  	s1 =	sld [smem:$0x3F8B];
	s0 =	simm.s32 @p0 $0x1  }
0x13: {  	[smem:$0x3FA6] =	sst s0;
	s0 =	simm.s32 @!p1 $0x0  }
0x14: {  	s2 =	sld [smem:$0x3F8A];
	s0 =	simm.s32 @p1 $0x1  }
0x15: {  	[smem:$0x3FA7] =	sst s0;
	s0 =	simm.s32 @!p2 $0x0  }
0x16: {  	s3 =	sld [smem:$0x3FDB];
	s0 =	simm.s32 @p2 $0x1  }
0x17: {  	s4 =	simm.s32 $0x1BF5;
	[smem:$0x3FA9] =	sst s0  }
0x18: {  	s0 =	sld [smem:$0x3F8C];
	_ =	swait.ge [sflag:s4], $0x0  }
0x19: {  	s7 =	sld [smem:$0x3F8D]  }
0x1a: {  	s8 =	sadd.s32 $0xFFFFE003, lr  }
0x1b: {  	s9 =	sadd.s32 $0xFFFFFEF7, lr;
	s5 =	simm.s32 $0xFFFFFFFF;
	p2 =	slt.u32 s8, $0xFFFFF086  }
0x1c: {  	p1 =	slt.u32 s9, $0xF7A;
	s5 =	simm.s32 @!p2 $0x0  }
0x1d: {  	s5 =	simm.s32 @p1 $0x1;
	p0 =	seq.s32 s7, s2  }
0x1e: {  	s7 =	smul.u32 @!p0 $0xF7A, s2;
	p2 =	seq.s32 @!p0 s5, $0x0  }
0x1f: {  	s9 =	smul.u32 $0xF7A, s1;
	s8 =	simm.s32 @!p0 $0x1BF5;
	p2 =	por !p2, p0  }
0x20: {  	[sflag:s8] =	ssyncset.s32 @!p0 $0xFFFFF086;
	s6 =	sadd.s32 @!p0 s3, s7;
	s7 =	simm.s32 @!p0 $0x108  }
0x21: {  	s3 =	sadd.s32 s3, s9;
	s6 =	sadd.s32 @!p0 $0x88, s6;
	s7 =	simm.s32 @p2 $0x1082  }
0x22: {  	[simem:s7], [sflag:s8] =	dma.local @!p0 [hbm:s6], $0xF7A  }
0x23: {  	s9 =	sor.u32 $0xD0000000, s2;
	s6 =	simm.s32 $0x108;
	_ =	swait.ge @!p0 [sflag:s8], $0x0  }
0x24: {  	s3 =	sadd.s32 $0x88, s3;
	s6 =	simm.s32 @!p1 $0x1082;
	[sflag:s4] =	ssyncset.s32 $0xFFFFF086  }
0x25: {  	[simem:s6], [sflag:s4] =	dma.local [hbm:s3], $0xF7A  }
0x26: {  	[smem:$0x3F8D] =	sst s1;
	(tag) =	ssettag s2;
	_ =	strace s9  }
0x27: {  	s1 =	sld [smem:$0x3F9D]  }
0x28: {  	s2 =	sld [smem:$0x3F9E]  }
0x29: {  	s4 =	sld [smem:$0x3FA0]  }
0x2a: {  	p0 =	seq.s32 s5, $0x0;
	s5 =	sld [smem:$0x3FA1]  }
0x2b: {  	s6 =	sld [smem:$0x3FA2]  }
0x2c: {  	s7 =	sld [smem:$0x3FA3]  }
0x2d: {  	s3 =	simm.s32 $0x108;
	s8 =	sld [smem:$0x3FA4]  }
0x2e: {  	s3 =	simm.s32 @!p0 $0x1082;
	s9 =	sld [smem:$0x3FA5]  }
0x2f: {  	lr =	sadd.s32 s0, s3;
	s0 =	sld [smem:$0x3F9C]  }
0x30: {  	s3 =	sld [smem:$0x3F9F]  }
0x31: {  	[smem:$0x3FA8] =	sst s10  }
0x32: {  	s10 =	sld [smem:$0x3FA6];
	_ =	sdelay $0x3  }
0x33: {  	p0 =	seq.s32 s10, $0x1;
	s10 =	sld [smem:$0x3FA8];
	_ =	sdelay $0x3  }
0x34: {  	[smem:$0x3FA8] =	sst s10  }
0x35: {  	s10 =	sld [smem:$0x3FA7];
	_ =	sdelay $0x3  }
0x36: {  	p1 =	seq.s32 s10, $0x1;
	s10 =	sld [smem:$0x3FA8];
	_ =	sdelay $0x3  }
0x37: {  	[smem:$0x3FA8] =	sst s10  }
0x38: {  	s10 =	sld [smem:$0x3FA9]  }
0x39: {  	_ = 	snop;
	(pc) =	sbr.ind lr, $3  }
0x3a: {  	_ = 	snop  }
0x3b: {  	_ = 	snop  }
0x3c: {  	p2 =	seq.s32 s10, $0x1;
	s10 =	sld [smem:$0x3FA8]  }
0x3d: {  	_ =	shalt  }
0x3e: {  	_ =	shalt  }
0x3f: {  	_ =	shalt  }
0x40: {  	_ =	shalt  }
0x41: {  	_ =	shalt  }
0x42: {  	_ =	shalt  }
0x43: {  	_ =	shalt  }
0x44: {  	_ =	shalt  }
0x45: {  	_ =	shalt  }
0x46: {  	_ =	shalt  }
0x47: {  	_ =	shalt  }
0x48: {  	_ =	shalt  }
0x49: {  	_ =	shalt  }
0x4a: {  	_ =	shalt  }
0x4b: {  	_ =	shalt  }
0x4c: {  	_ =	shalt  }
0x4d: {  	_ =	shalt  }
0x4e: {  	_ =	shalt  }
0x4f: {  	_ =	shalt  }
0x50: {  	_ =	shalt  }
0x51: {  	_ =	shalt  }
0x52: {  	_ =	shalt  }
0x53: {  	_ =	shalt  }
0x54: {  	_ =	shalt  }
0x55: {  	_ =	shalt  }
0x56: {  	_ =	shalt  }
0x57: {  	_ =	shalt  }
0x58: {  	_ =	shalt  }
0x59: {  	_ =	shalt  }
0x5a: {  	_ =	shalt  }
0x5b: {  	_ =	shalt  }
0x5c: {  	_ =	shalt  }
0x5d: {  	_ =	shalt  }
0x5e: {  	_ =	shalt  }
0x5f: {  	_ =	shalt  }
0x60: {  	_ =	shalt  }
0x61: {  	_ =	shalt  }
0x62: {  	_ =	shalt  }
0x63: {  	_ =	shalt  }
0x64: {  	_ =	shalt  }
0x65: {  	_ =	shalt  }
0x66: {  	_ =	shalt  }
0x67: {  	_ =	shalt  }
0x68: {  	_ =	shalt  }
0x69: {  	_ =	shalt  }
0x6a: {  	_ =	shalt  }
0x6b: {  	_ =	shalt  }
0x6c: {  	_ =	shalt  }
0x6d: {  	_ =	shalt  }
0x6e: {  	_ =	shalt  }
0x6f: {  	_ =	shalt  }
0x70: {  	_ =	shalt  }
0x71: {  	_ =	shalt  }
0x72: {  	_ =	shalt  }
0x73: {  	_ =	shalt  }
0x74: {  	_ =	shalt  }
0x75: {  	_ =	shalt  }
0x76: {  	_ =	shalt  }
0x77: {  	_ =	shalt  }
0x78: {  	_ =	shalt  }
0x79: {  	_ =	shalt  }
0x7a: {  	_ =	shalt  }
0x7b: {  	_ =	shalt  }
0x7c: {  	_ =	shalt  }
0x7d: {  	_ =	shalt  }
0x7e: {  	_ =	shalt  }
0x7f: {  	_ =	shalt  }
0x80: {  	_ =	shalt  }
0x81: {  	_ =	shalt  }
0x82: {  	_ =	shalt  }
0x83: {  	_ =	shalt  }
0x84: {  	_ =	shalt  }
0x85: {  	_ =	shalt  }
0x86: {  	_ =	shalt  }
0x87: {  	_ =	shalt  }
.Lfunc_end0:
.L_simem_size_0:
called_computation.8_lowered:
.L_overlay_start_0:
0x88: {  	s2 =	sld [smem:$0x3FD9]  }
0x89: {  	s3 =	sld [smem:$0x3FFE];
	_ =	sdelay $0x1  }
0x8a: {  	s1 =	srdreg.scid  }
0x8b: {  	s0 =	sand.u32 $0x1, s1  }
0x8c: {  	s16 =	sshll.u32 s0, $0xA;
	s2 =	sadd.s32 s3, s2  }
0x8d: {  	s2 =	sadd.s32 s2, s16  }
0x8e: {  	[smem:$0x3FB4] =	sst s2  }
0x8f: {  	_ = 	snop  }
0x90: {  	(tm) =	ssettm $0x1  }
0x91: {  	s17 =	sld [smem:$0x3FFB];
	_ =	sdelay $0x3  }
0x92: {  	_ =	strace s17  }
0x93: {  	s2 =	sld [smem:$0x3FFC];
	_ =	sdelay $0x3  }
0x94: {  	_ =	strace s2  }
0x95: {  	s2 =	sld [smem:$0x3FFD];
	_ =	sdelay $0x3  }
0x96: {  	_ =	strace s2  }
0x97: {  	_ =	strace $0x8FFFFFFF  }
0x98: {  	s18 =	sld [smem:$0x3FDB];
	_ =	sdelay $0x1  }
0x99: {  	s19 =	simm.s32 $_scs_section_size  }
0x9a: {  	s4 =	simm.s32 $_size__tile_overlayer_lowered;
	s5 =	simm.s32 $_tile_overlayer_lowered  }
0x9b: {  	s22 =	simm.s32 $0x1BFF;
	s21 =	sshll.u32 s5, $0x1;
	s2 =	sadd.s32 s19, s18  }
0x9c: {  	s6 =	simm.s32 $0x0;
	s20 =	sshll.u32 s4, $0x1;
	s4 =	sadd.s32 s21, s2  }
0x9d: {  	[timem:s6], [sflag:s22] =	dma.local [hbm:s4], s20  }
0x9e: {  	_ =	swait.ge [sflag:s22], s20  }
0x9f: {  	s3 =	ssub.s32 $0x0, s20;
	[sflag:s22] =	ssyncset.done $0x0  }
0xa0: {  	[sflag:s22] =	ssyncadd.s32 s3;
	_ =	sdelay $0x1  }
0xa1: {  	s23 =	simm.s32 $0x1B8B  }
0xa2: {  	_ =	swait.ge [sflag:s23], $0x1  }
0xa3: {  	[sflag:s23] =	ssyncset.done $0x0  }
0xa4: {  	s25 =	simm.s32 $0x1B8E;
	s24 =	sld [smem:$0x3FFE];
	[sflag:s23] =	ssyncadd.s32 $0xFFFFFFFF  }
0xa5: {  	s26 =	simm.s32 $execute0_lowered;
	[smem:$0x3FD2] =	sst s25  }
0xa6: {  	s4 =	sshll.u32 s26, $0x1;
	_ =	strace $0x8000005E;
	[dreg:$0x1] =	wrdreg $0xFFFFFFFF  }
0xa7: {  	s28 =	simm.s32 $_size_execute0_lowered;
	s2 =	sadd.s32 s2, s4;
	[dreg:$0x0] =	wrdreg $0x0  }
0xa8: {  	s4 =	sshll.u32 s28, $0x1;
	[dreg:$0x2] =	wrdreg s2  }
0xa9: {  	[dreg:$0x3] =	wrdreg s4  }
0xaa: {  	[dreg:$0x4] =	wrdreg $0xC0  }
0xab: {  	_ =	task [dreg:s6], $0x5FFFF  }
0xac: {  	[dreg:$0x1] =	wrdreg $0xFFFFFFFF  }
0xad: {  	[dreg:$0x0] =	wrdreg $0x60  }
0xae: {  	[dreg:$0x2] =	wrdreg s24  }
0xaf: {  	[dreg:$0x3] =	wrdreg $0x9  }
0xb0: {  	_ =	task.clear_ibuf [dreg:s6], $0x4FFFF;
	_ =	strace $0x9000005E  }
0xb1: {  	s29 =	simm.s32 $0x9;
	_ =	strace $0x80000060  }
0xb2: {  	_ =	swait.ge [sflag:s29], $0x1  }
0xb3: {  	[sflag:s29] =	ssyncadd.s32 $0xFFFFFFFF  }
0xb4: {  	_ =	strace $0x90000060  }
0xb5: {  	_ =	sfence  }
0xb6: {  	s30 =	sld [smem:$0x0];
	_ =	sdelay $0x2  }
0xb7: {  	s31 =	sshll.u32 s1, $0xD;
	s1 =	sshrl.u32 s1, $0x2  }
0xb8: {  	s3 =	sand.u32 $0x4000, s31;
	s1 =	sadd.s32 s1, s30  }
0xb9: {  	s0 =	sor.u32 s3, s0;
	s1 =	sshll.u32 s1, $0x11  }
0xba: {  	s0 =	sor.u32 s1, s0  }
0xbb: {  	s0 =	sadd.s32 $0x8F2B, s0  }
0xbc: {  	[sflag:s0] =	ssyncadd.remote.s32 $0x1  }
0xbd: {  	_ =	sfence.sel $0xFFFF  }
0xbe: {  	[dreg:$0x0] =	wrdreg $0xFFFFFFFF;
	(pc) =	sbr.abs _section_cstart, $3  }
0xbf: {  	[dreg:$0x1] =	wrdreg $0xFFFFFFFF  }
0xc0: {  	_ =	task.clear_ibuf [dreg:s6], $0x2FFFF;
	_ =	strace $0x9FFFFFFF  }
0xc1: {  	(tm) =	ssettm $0x7FFFFFFF  }
tec
execute0_lowered:
.L_overlay_start_1:
0x0: {  	(tag) =	ssettag $0x1  }
0x1: {  	s3 =	rddreg [dreg:$0x0]  }
0x2: {  	s0 =	rddreg [dreg:$0x1];
	s1 =	simm.s32 $0x0;
	s4 =	srdreg.scid  }
0x3: {  	s10 =	stileid.u32;
	[smem:$0x7FF] =	sst s1;
	s2 =	sadd.s32 $0x11800, s3  }
0x4: {  	s4 =	sand.u32 $0x1, s4;
	s5 =	sshll.u32 s10, $0x1;
	s6 =	sadd.s32 $0x7800, s3  }
0x5: {  	s8 =	sadd.s32 $0x16800, s3;
	p0 =	sne.s32 s10, $0x0;
	s10 =	simm.s32 $0x0  }
0x6: {  	_ =	strace $0x8000005F;
	s7 =	ssub.s32 $0x2, s4;
	s5 =	sor.u32 s4, s5  }
0x7: {  	s11 =	sshll.u32 s4, $0x4;
	s30 =	sshll.u32 s4, $0x8;
	s9 =	smul.u32 $0x270, s5  }
0x8: {  	s29 =	sshrl.u32 s7, $0x1;
	s5 =	smul.u32 $0x2700, s5;
	s31 =	sadd.s32 s30, s8  }
0x9: {  	s7 =	ssub.s32 s7, s29;
	s3 =	sadd.s32 s6, s9;
	s6 =	sadd.s32 s11, s6  }
0xa: {  	s5 =	sadd.s32 s8, s5;
	s7 =	smax.u32 s7, $0x1;
	s8 =	simm.s32 $0x3  }
0xb: {  	s9 =	simm.s32 $0x80;
	s4 =	sadd.s32 $0x4E00, s6;
	s6 =	sadd.s32 $0x4E000, s31  }
.LBB2_1:
0xc: {  	[tilespmem:s1], [sflag:$0x3] =	stream.linear.gather [hbm4b:s3+s1], $0x1380, $0x38;
	[tilespmem:$0x15400] =	vst v63  }
0xd: {  	_ =	swait.ge [sflag:s8], $0x1380  }
0xe: {  	s11 =	simm.s32 $0x1380;
	s12 =	simm.s32 $0x200;
	[sflag:s8] =	ssyncset.done $0x0  }
0xf: {  	s14 =	simm.s32 $0x0;
	s13 =	simm.s32 $0x1B80;
	[sflag:s8] =	ssyncadd.s32 $0xFFFFEC80  }
.LBB2_2:
0x10: {  	[tilespmem:s11], [sflag:$0x1] =	stream.indirect.gather [hbm4b:s2+s9], $0x10, s14, s9, $0xb8;
	[tilespmem:$0x15400] =	vst v63  }
0x11: {  	s14 =	smov.u32 s12;
	s11 =	smov.u32 s13;
	p1 =	sne.s32 s12, $0x4C00  }
.Ltmp0:
0x12: {  	s12 =	sadd.s32 $0x200, s12;
	(pc) =	sbr.rel @p1 .LBB2_2-.Ltmp0, $2  }
0x13: {  	_ =	sdelay $0x2  }
0x14: {  	s13 =	sadd.s32 $0x800, s13;
	s14 =	sshra.s32 s14, $0x2  }
0x15: {  	[tilespmem:s11], [sflag:$0x1] =	stream.indirect.gather [hbm4b:s2+s9], $0x10, s14, s9, $0xb8;
	[tilespmem:$0x15400] =	vst v63  }
0x16: {  	s11 =	simm.s32 @p0 $0x1  }
0x17: {  	_ =	swait.ge @p0 [sflag:s11], $0x13800  }
0x18: {  	[sflag:s11] =	ssyncset.done @p0 $0x0  }
0x19: {  	s12 =	simm.s32 @p0 $0x1380;
	[sflag:s11] =	ssyncadd.s32 @p0 $0xFFFEC800;
	s11 =	simm.s32 @p0 $0x0  }
0x1a: {  	[hbm4b:s5+s11] =	stream.linear.scatter @p0 [tilespmem:s12], [sflag:$0x3], $0x13800, $0x38;
	[tilespmem:$0x15400] =	vst v63  }
0x1b: {  	s11 =	simm.s32 @p0 $0x3  }
0x1c: {  	_ =	swait.ge @p0 [sflag:s11], $0x13800  }
0x1d: {  	s13 =	simm.s32 @!p0 $0x3;
	[sflag:s11] =	ssyncset.done @p0 $0x0  }
0x1e: {  	s12 =	simm.s32 @!p0 $0x14B80;
	[sflag:s11] =	ssyncadd.s32 @p0 $0xFFFEC800;
	s11 =	simm.s32 @!p0 $0x0  }
0x1f: {  	[tilespmem:s12], [sflag:$0x3] =	stream.linear.gather @!p0 [hbm4b:s4+s11], $0x80, $0x38;
	[tilespmem:$0x15400] =	vst v63  }
0x20: {  	_ =	swait.ge @!p0 [sflag:s13], $0x80  }
0x21: {  	[sflag:s13] =	ssyncset.done @!p0 $0x0  }
0x22: {  	s14 =	simm.s32 @!p0 $0x80;
	s15 =	simm.s32 @!p0 $0x14C00;
	[sflag:s13] =	ssyncadd.s32 @!p0 $0xFFFFFF80  }
0x23: {  	[tilespmem:s15], [sflag:$0x2] =	stream.indirect.gather @!p0 [hbm4b:s2+s14], $0x10, s12, s14, $0xb8;
	[tilespmem:$0x15400] =	vst v63  }
0x24: {  	s12 =	simm.s32 @!p0 $0x1  }
0x25: {  	_ =	swait.ge @!p0 [sflag:s12], $0x13800  }
0x26: {  	[sflag:s12] =	ssyncset.done @!p0 $0x0  }
0x27: {  	[sflag:s12] =	ssyncadd.s32 @!p0 $0xFFFEC800;
	s12 =	simm.s32 @!p0 $0x1380  }
0x28: {  	[hbm4b:s5+s11] =	stream.linear.scatter @!p0 [tilespmem:s12], [sflag:$0x3], $0x13800, $0x38;
	[tilespmem:$0x15400] =	vst v63  }
0x29: {  	_ =	swait.ge @!p0 [sflag:s13], $0x13800  }
0x2a: {  	[sflag:s13] =	ssyncset.done @!p0 $0x0  }
0x2b: {  	s12 =	simm.s32 @!p0 $0x2;
	[sflag:s13] =	ssyncadd.s32 @!p0 $0xFFFEC800  }
0x2c: {  	s10 =	sadd.s32 $0x1, s10;
	_ =	swait.ge @!p0 [sflag:s12], $0x800  }
0x2d: {  	p1 =	sne.s32 s10, s7;
	[sflag:s12] =	ssyncset.done @!p0 $0x0  }
.Ltmp1:
0x2e: {  	[sflag:s12] =	ssyncadd.s32 @!p0 $0xFFFFF800;
	(pc) =	sbr.rel @p1 .LBB2_1-.Ltmp1, $4  }
0x2f: {  	[hbm4b:s6+s11] =	stream.linear.scatter @!p0 [tilespmem:s15], [sflag:$0x3], $0x800, $0x38;
	[tilespmem:$0x15400] =	vst v63  }
0x30: {  	_ =	swait.ge @!p0 [sflag:s13], $0x800  }
0x31: {  	[sflag:s13] =	ssyncset.done @!p0 $0x0  }
0x32: {  	[sflag:s13] =	ssyncadd.s32 @!p0 $0xFFFFF800  }
0x33: {  	_ =	sfence.sel $0x180000  }
0x34: {  	[bflag:$0x0] =	sbarrier.arrive $0xFFFF  }
0x35: {  	_ =	strace $0x9000005F  }
0x36: {  	s0 =	sadd.s32 @!p0 $0x100000, s0;
	[bflag:$0x2] =	sbarrier.arrive $0xFFFF  }
0x37: {  	[sflag:s0] =	ssyncadd.tile.s32 @!p0 $0x1;
	_ =	shalt  }
.Lfunc_end2:
_tile_overlayer_lowered:
.L_overlay_start_2:
0x38: {  	(tag) =	ssettag $0x2  }
0x39: {  	s0 =	rddreg [dreg:$0x0];
	s2 =	stileid.u32  }
0x3a: {  	s1 =	rddreg [dreg:$0x1];
	p0 =	sne.s32 s2, $0x0  }
0x3b: {  	s3 =	rddreg [dreg:$0x2];
	[bflag:$0x3] =	sbarrier.arrive $0xFFFF;
	s2 =	simm.s32 @!p0 $0x1C03  }
0x3c: {  	[timem:s3], [sflag:s2] =	dma.local @!p0 [hbm:s0], s1  }
0x3d: {  	s0 =	simm.s32 @!p0 $0x3  }
0x3e: {  	_ =	swait.ge @!p0 [sflag:s0], s1  }
0x3f: {  	s1 =	ssub.s32 @!p0 $0x0, s1;
	[sflag:s0] =	ssyncset.done @!p0 $0x0  }
0x40: {  	[sflag:s0] =	ssyncadd.s32 @!p0 s1  }
0x41: {  	[bflag:$0x3] =	sbarrier.arrive $0xFFFF  }
0x42: {  	_ =	shalt  }

// kernel: kernel.52.cloned.1.call-start
scs
__scs_entry_jumppad:
0x0: {  	(pc) =	sbr.rel $0x88, $3  }
0x1: {  	(tag) =	ssettag $0x0;
	lr =	simm.s32 $0x1  }
0x2: {  	[smem:$0x3F8D] =	sst lr;
	_ =	strace $0xD0000000  }
0x3: {  	_ = 	snop  }
0x4: {  	_ = 	snop  }
0x5: {  	_ = 	snop  }
0x6: {  	_ = 	snop  }
0x7: {  	_ = 	snop  }
__scs_overlays_trampoline_lowered:
0x8: {  	[smem:$0x3F9C] =	sst s0  }
0x9: {  	[smem:$0x3F9D] =	sst s1  }
0xa: {  	[smem:$0x3F9E] =	sst s2  }
0xb: {  	[smem:$0x3F9F] =	sst s3  }
0xc: {  	[smem:$0x3FA0] =	sst s4  }
0xd: {  	[smem:$0x3FA1] =	sst s5  }
0xe: {  	[smem:$0x3FA2] =	sst s6  }
0xf: {  	[smem:$0x3FA3] =	sst s7  }
0x10: {  	[smem:$0x3FA4] =	sst s8  }
0x11: {  	[smem:$0x3FA5] =	sst s9;
	s0 =	simm.s32 @!p0 $0x0  }
0x12: {  	s1 =	sld [smem:$0x3F8B];
	s0 =	simm.s32 @p0 $0x1  }
0x13: {  	[smem:$0x3FA6] =	sst s0;
	s0 =	simm.s32 @!p1 $0x0  }
0x14: {  	s2 =	sld [smem:$0x3F8A];
	s0 =	simm.s32 @p1 $0x1  }
0x15: {  	[smem:$0x3FA7] =	sst s0;
	s0 =	simm.s32 @!p2 $0x0  }
0x16: {  	s3 =	sld [smem:$0x3FDB];
	s0 =	simm.s32 @p2 $0x1  }
0x17: {  	s4 =	simm.s32 $0x1BF5;
	[smem:$0x3FA9] =	sst s0  }
0x18: {  	s0 =	sld [smem:$0x3F8C];
	_ =	swait.ge [sflag:s4], $0x0  }
0x19: {  	s7 =	sld [smem:$0x3F8D]  }
0x1a: {  	s8 =	sadd.s32 $0xFFFFE003, lr  }
0x1b: {  	s9 =	sadd.s32 $0xFFFFFEF7, lr;
	s5 =	simm.s32 $0xFFFFFFFF;
	p2 =	slt.u32 s8, $0xFFFFF086  }
0x1c: {  	p1 =	slt.u32 s9, $0xF7A;
	s5 =	simm.s32 @!p2 $0x0  }
0x1d: {  	s5 =	simm.s32 @p1 $0x1;
	p0 =	seq.s32 s7, s2  }
0x1e: {  	s7 =	smul.u32 @!p0 $0xF7A, s2;
	p2 =	seq.s32 @!p0 s5, $0x0  }
0x1f: {  	s9 =	smul.u32 $0xF7A, s1;
	s8 =	simm.s32 @!p0 $0x1BF5;
	p2 =	por !p2, p0  }
0x20: {  	[sflag:s8] =	ssyncset.s32 @!p0 $0xFFFFF086;
	s6 =	sadd.s32 @!p0 s3, s7;
	s7 =	simm.s32 @!p0 $0x108  }
0x21: {  	s3 =	sadd.s32 s3, s9;
	s6 =	sadd.s32 @!p0 $0x88, s6;
	s7 =	simm.s32 @p2 $0x1082  }
0x22: {  	[simem:s7], [sflag:s8] =	dma.local @!p0 [hbm:s6], $0xF7A  }
0x23: {  	s9 =	sor.u32 $0xD0000000, s2;
	s6 =	simm.s32 $0x108;
	_ =	swait.ge @!p0 [sflag:s8], $0x0  }
0x24: {  	s3 =	sadd.s32 $0x88, s3;
	s6 =	simm.s32 @!p1 $0x1082;
	[sflag:s4] =	ssyncset.s32 $0xFFFFF086  }
0x25: {  	[simem:s6], [sflag:s4] =	dma.local [hbm:s3], $0xF7A  }
0x26: {  	[smem:$0x3F8D] =	sst s1;
	(tag) =	ssettag s2;
	_ =	strace s9  }
0x27: {  	s1 =	sld [smem:$0x3F9D]  }
0x28: {  	s2 =	sld [smem:$0x3F9E]  }
0x29: {  	s4 =	sld [smem:$0x3FA0]  }
0x2a: {  	p0 =	seq.s32 s5, $0x0;
	s5 =	sld [smem:$0x3FA1]  }
0x2b: {  	s6 =	sld [smem:$0x3FA2]  }
0x2c: {  	s7 =	sld [smem:$0x3FA3]  }
0x2d: {  	s3 =	simm.s32 $0x108;
	s8 =	sld [smem:$0x3FA4]  }
0x2e: {  	s3 =	simm.s32 @!p0 $0x1082;
	s9 =	sld [smem:$0x3FA5]  }
0x2f: {  	lr =	sadd.s32 s0, s3;
	s0 =	sld [smem:$0x3F9C]  }
0x30: {  	s3 =	sld [smem:$0x3F9F]  }
0x31: {  	[smem:$0x3FA8] =	sst s10  }
0x32: {  	s10 =	sld [smem:$0x3FA6];
	_ =	sdelay $0x3  }
0x33: {  	p0 =	seq.s32 s10, $0x1;
	s10 =	sld [smem:$0x3FA8];
	_ =	sdelay $0x3  }
0x34: {  	[smem:$0x3FA8] =	sst s10  }
0x35: {  	s10 =	sld [smem:$0x3FA7];
	_ =	sdelay $0x3  }
0x36: {  	p1 =	seq.s32 s10, $0x1;
	s10 =	sld [smem:$0x3FA8];
	_ =	sdelay $0x3  }
0x37: {  	[smem:$0x3FA8] =	sst s10  }
0x38: {  	s10 =	sld [smem:$0x3FA9]  }
0x39: {  	_ = 	snop;
	(pc) =	sbr.ind lr, $3  }
0x3a: {  	_ = 	snop  }
0x3b: {  	_ = 	snop  }
0x3c: {  	p2 =	seq.s32 s10, $0x1;
	s10 =	sld [smem:$0x3FA8]  }
0x3d: {  	_ =	shalt  }
0x3e: {  	_ =	shalt  }
0x3f: {  	_ =	shalt  }
0x40: {  	_ =	shalt  }
0x41: {  	_ =	shalt  }
0x42: {  	_ =	shalt  }
0x43: {  	_ =	shalt  }
0x44: {  	_ =	shalt  }
0x45: {  	_ =	shalt  }
0x46: {  	_ =	shalt  }
0x47: {  	_ =	shalt  }
0x48: {  	_ =	shalt  }
0x49: {  	_ =	shalt  }
0x4a: {  	_ =	shalt  }
0x4b: {  	_ =	shalt  }
0x4c: {  	_ =	shalt  }
0x4d: {  	_ =	shalt  }
0x4e: {  	_ =	shalt  }
0x4f: {  	_ =	shalt  }
0x50: {  	_ =	shalt  }
0x51: {  	_ =	shalt  }
0x52: {  	_ =	shalt  }
0x53: {  	_ =	shalt  }
0x54: {  	_ =	shalt  }
0x55: {  	_ =	shalt  }
0x56: {  	_ =	shalt  }
0x57: {  	_ =	shalt  }
0x58: {  	_ =	shalt  }
0x59: {  	_ =	shalt  }
0x5a: {  	_ =	shalt  }
0x5b: {  	_ =	shalt  }
0x5c: {  	_ =	shalt  }
0x5d: {  	_ =	shalt  }
0x5e: {  	_ =	shalt  }
0x5f: {  	_ =	shalt  }
0x60: {  	_ =	shalt  }
0x61: {  	_ =	shalt  }
0x62: {  	_ =	shalt  }
0x63: {  	_ =	shalt  }
0x64: {  	_ =	shalt  }
0x65: {  	_ =	shalt  }
0x66: {  	_ =	shalt  }
0x67: {  	_ =	shalt  }
0x68: {  	_ =	shalt  }
0x69: {  	_ =	shalt  }
0x6a: {  	_ =	shalt  }
0x6b: {  	_ =	shalt  }
0x6c: {  	_ =	shalt  }
0x6d: {  	_ =	shalt  }
0x6e: {  	_ =	shalt  }
0x6f: {  	_ =	shalt  }
0x70: {  	_ =	shalt  }
0x71: {  	_ =	shalt  }
0x72: {  	_ =	shalt  }
0x73: {  	_ =	shalt  }
0x74: {  	_ =	shalt  }
0x75: {  	_ =	shalt  }
0x76: {  	_ =	shalt  }
0x77: {  	_ =	shalt  }
0x78: {  	_ =	shalt  }
0x79: {  	_ =	shalt  }
0x7a: {  	_ =	shalt  }
0x7b: {  	_ =	shalt  }
0x7c: {  	_ =	shalt  }
0x7d: {  	_ =	shalt  }
0x7e: {  	_ =	shalt  }
0x7f: {  	_ =	shalt  }
0x80: {  	_ =	shalt  }
0x81: {  	_ =	shalt  }
0x82: {  	_ =	shalt  }
0x83: {  	_ =	shalt  }
0x84: {  	_ =	shalt  }
0x85: {  	_ =	shalt  }
0x86: {  	_ =	shalt  }
0x87: {  	_ =	shalt  }
.Lfunc_end0:
.L_simem_size_0:
called_computation.9_lowered:
.L_overlay_start_0:
0x88: {  	s2 =	sld [smem:$0x3FD9]  }
0x89: {  	s3 =	sld [smem:$0x3FFE];
	_ =	sdelay $0x1  }
0x8a: {  	s1 =	srdreg.scid  }
0x8b: {  	s0 =	sand.u32 $0x1, s1  }
0x8c: {  	s16 =	sshll.u32 s0, $0xA;
	s2 =	sadd.s32 s3, s2  }
0x8d: {  	s2 =	sadd.s32 s2, s16  }
0x8e: {  	[smem:$0x3FB4] =	sst s2  }
0x8f: {  	_ = 	snop  }
0x90: {  	(tm) =	ssettm $0x1  }
0x91: {  	s17 =	sld [smem:$0x3FFB];
	_ =	sdelay $0x3  }
0x92: {  	_ =	strace s17  }
0x93: {  	s2 =	sld [smem:$0x3FFC];
	_ =	sdelay $0x3  }
0x94: {  	_ =	strace s2  }
0x95: {  	s2 =	sld [smem:$0x3FFD];
	_ =	sdelay $0x3  }
0x96: {  	_ =	strace s2  }
0x97: {  	_ =	strace $0x8FFFFFFF  }
0x98: {  	s18 =	sld [smem:$0x3FDB];
	_ =	sdelay $0x1  }
0x99: {  	s19 =	simm.s32 $_scs_section_size  }
0x9a: {  	s4 =	simm.s32 $_size__tile_overlayer_lowered;
	s5 =	simm.s32 $_tile_overlayer_lowered  }
0x9b: {  	s22 =	simm.s32 $0x1BFF;
	s21 =	sshll.u32 s5, $0x1;
	s2 =	sadd.s32 s19, s18  }
0x9c: {  	s6 =	simm.s32 $0x0;
	s20 =	sshll.u32 s4, $0x1;
	s4 =	sadd.s32 s21, s2  }
0x9d: {  	[timem:s6], [sflag:s22] =	dma.local [hbm:s4], s20  }
0x9e: {  	_ =	swait.ge [sflag:s22], s20  }
0x9f: {  	s3 =	ssub.s32 $0x0, s20;
	[sflag:s22] =	ssyncset.done $0x0  }
0xa0: {  	[sflag:s22] =	ssyncadd.s32 s3;
	_ =	sdelay $0x1  }
0xa1: {  	s23 =	simm.s32 $0x1B8B  }
0xa2: {  	_ =	swait.ge [sflag:s23], $0x1  }
0xa3: {  	[sflag:s23] =	ssyncset.done $0x0  }
0xa4: {  	s25 =	simm.s32 $0x1B8E;
	s24 =	sld [smem:$0x3FFE];
	[sflag:s23] =	ssyncadd.s32 $0xFFFFFFFF  }
0xa5: {  	s26 =	simm.s32 $execute0_lowered;
	[smem:$0x3FD2] =	sst s25  }
0xa6: {  	s4 =	sshll.u32 s26, $0x1;
	_ =	strace $0x80000061;
	[dreg:$0x1] =	wrdreg $0xFFFFFFFF  }
0xa7: {  	s28 =	simm.s32 $_size_execute0_lowered;
	s2 =	sadd.s32 s2, s4;
	[dreg:$0x0] =	wrdreg $0x0  }
0xa8: {  	s4 =	sshll.u32 s28, $0x1;
	[dreg:$0x2] =	wrdreg s2  }
0xa9: {  	[dreg:$0x3] =	wrdreg s4  }
0xaa: {  	[dreg:$0x4] =	wrdreg $0xC0  }
0xab: {  	_ =	task [dreg:s6], $0x5FFFF  }
0xac: {  	[dreg:$0x1] =	wrdreg $0xFFFFFFFF  }
0xad: {  	[dreg:$0x0] =	wrdreg $0x60  }
0xae: {  	[dreg:$0x2] =	wrdreg s24  }
0xaf: {  	[dreg:$0x3] =	wrdreg $0x154000  }
0xb0: {  	[dreg:$0x4] =	wrdreg $0x9  }
0xb1: {  	_ =	task.clear_ibuf [dreg:s6], $0x5FFFF;
	_ =	strace $0x90000061  }
0xb2: {  	s29 =	simm.s32 $0x9;
	_ =	strace $0x80000063  }
0xb3: {  	_ =	swait.ge [sflag:s29], $0x1  }
0xb4: {  	[sflag:s29] =	ssyncadd.s32 $0xFFFFFFFF  }
0xb5: {  	_ =	strace $0x90000063  }
0xb6: {  	_ =	sfence  }
0xb7: {  	s30 =	sld [smem:$0x0];
	_ =	sdelay $0x2  }
0xb8: {  	s31 =	sshll.u32 s1, $0xD;
	s1 =	sshrl.u32 s1, $0x2  }
0xb9: {  	s3 =	sand.u32 $0x4000, s31;
	s1 =	sadd.s32 s1, s30  }
0xba: {  	s0 =	sor.u32 s3, s0;
	s1 =	sshll.u32 s1, $0x11  }
0xbb: {  	s0 =	sor.u32 s1, s0  }
0xbc: {  	s0 =	sadd.s32 $0x8F2B, s0  }
0xbd: {  	[sflag:s0] =	ssyncadd.remote.s32 $0x1  }
0xbe: {  	_ =	sfence.sel $0xFFFF  }
0xbf: {  	[dreg:$0x0] =	wrdreg $0xFFFFFFFF;
	(pc) =	sbr.abs _section_cstart, $3  }
0xc0: {  	[dreg:$0x1] =	wrdreg $0xFFFFFFFF  }
0xc1: {  	_ =	task.clear_ibuf [dreg:s6], $0x2FFFF;
	_ =	strace $0x9FFFFFFF  }
0xc2: {  	(tm) =	ssettm $0x7FFFFFFF  }
0xc3: {  	_ =	shalt  }
tec
execute0_lowered:
.L_overlay_start_1:
0x0: {  	(tag) =	ssettag $0x1  }
0x1: {  	s3 =	rddreg [dreg:$0x0]  }
0x2: {  	s1 =	rddreg [dreg:$0x1]  }
0x3: {  	s0 =	rddreg [dreg:$0x2];
	s15 =	stileid.u32  }
0x4: {  	s2 =	simm.s32 $0x0;
	s5 =	srdreg.scid;
	s14 =	simm.s32 $0x80  }
0x5: {  	s4 =	smul.u32 $0x2710, s15;
	[smem:$0x7FF] =	sst s2;
	s5 =	sand.u32 $0x1, s5  }
0x6: {  	s6 =	smul.u32 $0x4E2, s15;
	s8 =	sadd.s32 $0x16800, s3;
	s9 =	sadd.s32 $0xC800, s3  }
0x7: {  	s26 =	sshll.u32 s15, $0x1;
	s16 =	sshll.u32 s15, $0x6;
	p0 =	sne.s32 s15, $0x0  }
0x8: {  	_ =	strace $0x80000062;
	s7 =	smul.u32 $0x4E20, s5;
	s11 =	ssub.s32 $0x2, s5  }
0x9: {  	s28 =	sor.u32 s5, s26;
	s5 =	sshll.u32 s5, $0x7;
	s15 =	sor.u32 $0x1C03, s16  }
0xa: {  	s10 =	sshrl.u32 s4, $0x3;
	s25 =	sshrl.u32 s11, $0x1;
	s13 =	sadd.s32 s4, s1  }
0xb: {  	s29 =	smul.u32 $0x270, s28;
	s4 =	sor.u32 $0x1C02, s16;
	s30 =	sor.u32 $0x27000, s5  }
0xc: {  	s16 =	simm.s32 $0x0;
	s10 =	sadd.s32 s10, s3;
	s6 =	sadd.s32 s6, s7  }
0xd: {  	s11 =	ssub.s32 s11, s25;
	s31 =	sshrl.u32 s30, $0x3;
	s12 =	sadd.s32 s6, s3  }
0xe: {  	s3 =	sadd.s32 $0x64A00, s10;
	s6 =	smul.u32 $0x2700, s28;
	s5 =	sadd.s32 s9, s29  }
0xf: {  	s10 =	sshll.u32 s30, $0x1;
	s7 =	sadd.s32 s9, s31;
	s9 =	sadd.s32 $0x69A00, s12  }
0x10: {  	s12 =	simm.s32 $0x3;
	s6 =	sadd.s32 s8, s6;
	s8 =	sadd.s32 s8, s10  }
0x11: {  	s10 =	smax.u32 s11, $0x1;
	s11 =	sshrl.u32 s13, $0x3;
	s13 =	simm.s32 $0x2  }
.LBB2_1:
0x12: {  	[spmem:s11], [sflag:s4] =	dma.local [hbm:s3], $0x4E2  }
0x13: {  	[tilespmem:s2], [sflag:$0x3] =	stream.linear.gather [hbm4b:s5+s2], $0x1380, $0x38;
	[tilespmem:$0x17B10] =	vst v63  }
0x14: {  	_ =	swait.ge [sflag:s12], $0x1380  }
0x15: {  	[sflag:s12] =	ssyncset.done $0x0  }
0x16: {  	s17 =	simm.s32 $0x1380;
	[sflag:s12] =	ssyncadd.s32 $0xFFFFEC80  }
0x17: {  	[tilespmem:s17], [sflag:$0x3] =	stream.linear.gather [hbm4b:s6+s2], $0x13800, $0x38;
	[tilespmem:$0x17B10] =	vst v63  }
0x18: {  	_ =	swait.ge [sflag:s12], $0x13800  }
0x19: {  	[sflag:s12] =	ssyncset.done $0x0  }
0x1a: {  	[sflag:s12] =	ssyncadd.s32 $0xFFFEC800  }
0x1b: {  	_ =	swait.ge [sflag:s13], $0x4E2  }
0x1c: {  	[sflag:s13] =	ssyncset.done $0x0  }
0x1d: {  	s18 =	simm.s32 $0x200;
	[sflag:s13] =	ssyncadd.s32 $0xFFFFFB1E  }
0x1e: {  	s20 =	simm.s32 $0x0;
	s19 =	simm.s32 $0x1B80;
	[bflag:$0x0] =	sbarrier.arrive $0xFFFF  }
.LBB2_2:
0x1f: {  	[spmem:s1] =	stream.indirect.scatter.add.f32 [tilespmem:s17], [sflag:$0x1], $0x10, s20, s14, $0xb8;
	[tilespmem:$0x17B10] =	vst v63  }
0x20: {  	s20 =	smov.u32 s18;
	s17 =	smov.u32 s19;
	p1 =	sne.s32 s18, $0x4C00  }
.Ltmp0:
0x21: {  	s18 =	sadd.s32 $0x200, s18;
	(pc) =	sbr.rel @p1 .LBB2_2-.Ltmp0, $2  }
0x22: {  	_ =	sdelay $0x2  }
0x23: {  	s19 =	sadd.s32 $0x800, s19;
	s20 =	sshra.s32 s20, $0x2  }
0x24: {  	[spmem:s1] =	stream.indirect.scatter.add.f32 [tilespmem:s17], [sflag:$0x1], $0x10, s20, s14, $0xb8;
	[tilespmem:$0x17B10] =	vst v63  }
0x25: {  	s17 =	simm.s32 @p0 $0x1  }
0x26: {  	_ =	swait.ge @p0 [sflag:s17], $0x13800  }
0x27: {  	s18 =	simm.s32 @!p0 $0x14B80;
	[sflag:s17] =	ssyncset.done @p0 $0x0  }
0x28: {  	s19 =	simm.s32 @!p0 $0x3;
	[sflag:s17] =	ssyncadd.s32 @p0 $0xFFFEC800;
	s17 =	simm.s32 @!p0 $0x0  }
0x29: {  	[tilespmem:s18], [sflag:$0x3] =	stream.linear.gather @!p0 [hbm4b:s7+s17], $0x80, $0x38;
	[tilespmem:$0x17B10] =	vst v63  }
0x2a: {  	_ =	swait.ge @!p0 [sflag:s19], $0x80  }
0x2b: {  	[sflag:s19] =	ssyncset.done @!p0 $0x0  }
0x2c: {  	s20 =	simm.s32 @!p0 $0x14C00;
	[sflag:s19] =	ssyncadd.s32 @!p0 $0xFFFFFF80  }
0x2d: {  	[tilespmem:s20], [sflag:$0x3] =	stream.linear.gather @!p0 [hbm4b:s8+s17], $0x800, $0x38;
	[tilespmem:$0x17B10] =	vst v63  }
0x2e: {  	_ =	swait.ge @!p0 [sflag:s19], $0x800  }
0x2f: {  	[sflag:s19] =	ssyncset.done @!p0 $0x0  }
0x30: {  	s17 =	simm.s32 @!p0 $0x80;
	[sflag:s19] =	ssyncadd.s32 @!p0 $0xFFFFF800  }
0x31: {  	[spmem:s1] =	stream.indirect.scatter.add.f32 @!p0 [tilespmem:s20], [sflag:$0x1], $0x10, s18, s17, $0xb8;
	[tilespmem:$0x17B10] =	vst v63  }
0x32: {  	s17 =	simm.s32 @!p0 $0x1  }
0x33: {  	_ =	swait.ge @!p0 [sflag:s17], $0x13800  }
0x34: {  	[sflag:s17] =	ssyncset.done @!p0 $0x0  }
0x35: {  	[sflag:s17] =	ssyncadd.s32 @!p0 $0xFFFEC800  }
0x36: {  	_ =	swait.ge @!p0 [sflag:s17], $0x800  }
0x37: {  	s16 =	sadd.s32 $0x1, s16;
	[sflag:s17] =	ssyncset.done @!p0 $0x0  }
0x38: {  	p1 =	sne.s32 s16, s10;
	[sflag:s17] =	ssyncadd.s32 @!p0 $0xFFFFF800  }
.Ltmp1:
0x39: {  	[bflag:$0x0] =	sbarrier.arrive $0xFFFF;
	(pc) =	sbr.rel @p1 .LBB2_1-.Ltmp1, $4  }
0x3a: {  	[hbm:s9], [sflag:s15] =	dma.local [spmem:s11], $0x4E2  }
0x3b: {  	_ =	swait.ge [sflag:s12], $0x4E2  }
0x3c: {  	[sflag:s12] =	ssyncset.done $0x0  }
0x3d: {  	[sflag:s12] =	ssyncadd.s32 $0xFFFFFB1E  }
0x3e: {  	_ =	sfence.sel $0x180000  }
0x3f: {  	[bflag:$0x0] =	sbarrier.arrive $0xFFFF  }
0x40: {  	_ =	strace $0x90000062  }
0x41: {  	s0 =	sadd.s32 @!p0 $0x100000, s0;
	[bflag:$0x2] =	sbarrier.arrive $0xFFFF  }
0x42: {  	[sflag:s0] =	ssyncadd.tile.s32 @!p0 $0x1;
	_ =	shalt  }
.Lfunc_end2:
_tile_overlayer_lowered:
.L_overlay_start_2:
0x43: {  	(tag) =	ssettag $0x2  }
0x44: {  	s0 =	rddreg [dreg:$0x0];
	s2 =	stileid.u32  }
0x45: {  	s1 =	rddreg [dreg:$0x1];
	p0 =	sne.s32 s2, $0x0  }
0x46: {  	s3 =	rddreg [dreg:$0x2];
	[bflag:$0x3] =	sbarrier.arrive $0xFFFF;
	s2 =	simm.s32 @!p0 $0x1C03  }
0x47: {  	[timem:s3], [sflag:s2] =	dma.local @!p0 [hbm:s0], s1  }
0x48: {  	s0 =	simm.s32 @!p0 $0x3  }
0x49: {  	_ =	swait.ge @!p0 [sflag:s0], s1  }
0x4a: {  	s1 =	ssub.s32 @!p0 $0x0, s1;
	[sflag:s0] =	ssyncset.done @!p0 $0x0  }
0x4b: {  	[sflag:s0] =	ssyncadd.s32 @!p0 s1  }
0x4c: {  	[bflag:$0x3] =	sbarrier.arrive $0xFFFF  }
0x4d: {  	_ =	shalt  }

</sc_bundles>
